<compile_context>
chip_gen: v7x
topology: tpu7x:2x2x1
jax: 0.10.2.dev20260603
libtpu: 0.0.44.dev20260713+nightly
codegen_flags: <defaults>
</compile_context>

<pallas_src>
import functools

import jax
import jax.numpy as jnp
from jax import lax
from jax.experimental import pallas as pl
from jax.experimental.pallas import tpu as pltpu
from jax.experimental.pallas import tpu_sc as plsc



def _red6(x):
    c = [x[:, i * 128:(i + 1) * 128] for i in range(6)]
    r01 = jnp.sum(c[0] + c[1], axis=1, keepdims=True)
    r23 = jnp.sum(c[2] + c[3], axis=1, keepdims=True)
    r45 = jnp.sum(c[4] + c[5], axis=1, keepdims=True)
    return (r01 + r23) + r45


def _sim_body(feat_ref, hup_ref, hdn_ref, out_ref):
    t = pl.program_id(1)
    ft = feat_ref[0]
    hup = hup_ref[0]
    hdn = hdn_ref[0]
    i = lax.broadcasted_iota(jnp.int32, (1024, 1), 0)
    x = jnp.bitwise_and(i, 63)
    y = t * 16 + jnp.right_shift(i, 6)
    eps = jnp.float32(1e-4)

    down = jnp.concatenate([hup[-1:], ft[:-1]], axis=0)
    up = jnp.concatenate([ft[1:], hdn[:1]], axis=0)
    down64 = jnp.concatenate([hup, ft[:-64]], axis=0)
    up64 = jnp.concatenate([ft[64:], hdn], axis=0)

    n_t = _red6(ft * ft)
    n_hup = _red6(hup * hup)
    n_hdn = _red6(hdn * hdn)
    n_full = jnp.concatenate([n_hup, n_t, n_hdn], axis=0)
    sq_full = jnp.sqrt(n_full)
    sq_dn = sq_full[63:1087]
    sq_up = sq_full[65:1089]
    sq_dn64 = sq_full[0:1024]
    sq_up64 = sq_full[128:1152]

    num_h = _red6(down * up)
    num_v = _red6(down64 * up64)
    h = num_h / (sq_dn * sq_up)
    v = num_v / (sq_dn64 * sq_up64)

    f3 = ft.reshape(16, 64, 768)
    r0 = f3[:, 0, :]
    r1 = f3[:, 1, :]
    r62 = f3[:, 62, :]
    r63 = f3[:, 63, :]
    num_x0 = _red6((r0 * r1) * eps)
    e0 = eps * r0
    d1_x0 = _red6(e0 * e0)
    num_x63 = _red6((r62 * r63) * eps)
    e63 = eps * r63
    d2_x63 = _red6(e63 * e63)
    sqn3 = sq_full[64:1088].reshape(16, 64, 1)
    h_x0 = num_x0 / (jnp.sqrt(d1_x0) * sqn3[:, 1, :])
    h_x63 = num_x63 / (sqn3[:, 62, :] * jnp.sqrt(d2_x63))
    h3 = h.reshape(16, 64, 1)
    h3 = jnp.where(lax.broadcasted_iota(jnp.int32, (16, 64, 1), 1) == 0,
                   h_x0[:, None, :], h3)
    h3 = jnp.where(lax.broadcasted_iota(jnp.int32, (16, 64, 1), 1) == 63,
                   h_x63[:, None, :], h3)
    h = h3.reshape(1024, 1)

    s0 = ft[:64]
    s0n = up64[:64]
    num_y0 = _red6((s0n * s0) * eps)
    ey0 = eps * s0
    d2_y0 = _red6(ey0 * ey0)
    v_y0 = num_y0 / (sq_up64[:64] * jnp.sqrt(d2_y0))
    s63 = ft[960:]
    s63p = down64[960:]
    num_y63 = _red6((s63p * s63) * eps)
    ey63 = eps * s63
    d1_y63 = _red6(ey63 * ey63)
    v_y63 = num_y63 / (jnp.sqrt(d1_y63) * sq_dn64[960:])
    zfill = jnp.zeros((960, 1), jnp.float32)
    v = jnp.where(y == 0, jnp.concatenate([v_y0, zfill], axis=0), v)
    v = jnp.where(y == 63, jnp.concatenate([zfill, v_y63], axis=0), v)

    out_ref[0] = (h + v) * jnp.float32(0.5)


def _sim_map(featT):
    B, HW, C = featT.shape
    out = pl.pallas_call(
        _sim_body,
        grid=(B, 4),
        in_specs=[
            pl.BlockSpec((1, 1024, C), lambda b, t: (b, t, 0)),
            pl.BlockSpec((1, 64, C), lambda b, t: (b, jnp.maximum(16 * t - 1, 0), 0)),
            pl.BlockSpec((1, 64, C), lambda b, t: (b, jnp.minimum(16 * t + 16, 63), 0)),
        ],
        out_specs=pl.BlockSpec((1, 1024, 1), lambda b, t: (b, t, 0)),
        out_shape=jax.ShapeDtypeStruct((B, HW, 1), jnp.float32),
    )(featT, featT, featT)
    return out[..., 0]



def _topk_body(sim_ref, koff_ref, vals_ref, px_ref, py_ref, ginds_ref):
    sim = sim_ref[...]
    B, N = sim.shape
    lane = lax.broadcasted_iota(jnp.int32, (B, N), 1)
    xcol = jnp.bitwise_and(lane, 63)
    inf = jnp.float32(jnp.inf)
    one = jnp.float32(1.0)

    sl = jnp.concatenate([sim[:, 1:], sim[:, :1]], axis=1)
    sr = jnp.concatenate([sim[:, -1:], sim[:, :-1]], axis=1)
    nb_r = jnp.where(xcol == 63, inf, sl)
    nb_l = jnp.where(xcol == 0, inf, sr)
    min_h = jnp.minimum(jnp.minimum(nb_l, sim), nb_r)
    su = jnp.concatenate([sim[:, 64:], sim[:, :64]], axis=1)
    sd = jnp.concatenate([sim[:, -64:], sim[:, :-64]], axis=1)
    nb_d = jnp.where(lane >= N - 64, inf, su)
    nb_u = jnp.where(lane < 64, inf, sd)
    min_v = jnp.minimum(jnp.minimum(nb_u, sim), nb_d)

    minima = (sim == min_h) | (sim == min_v)
    sel = jnp.where(minima, one - sim, jnp.float32(0.0))
    score = one - (one - sel)

    val = score
    idx = lane
    for kk in [2 ** e for e in range(1, 13)]:
        j = kk // 2
        while j >= 1:
            rl = jnp.concatenate([val[:, j:], val[:, :j]], axis=1)
            rr = jnp.concatenate([val[:, -j:], val[:, :-j]], axis=1)
            il = jnp.concatenate([idx[:, j:], idx[:, :j]], axis=1)
            ir = jnp.concatenate([idx[:, -j:], idx[:, :-j]], axis=1)
            is_low = (lane & j) == 0
            ov = jnp.where(is_low, rl, rr)
            oi = jnp.where(is_low, il, ir)
            desc = (lane & kk) == 0
            self_greater = (val > ov) | ((val == ov) & (idx < oi))
            keep = self_greater == (desc == is_low)
            val = jnp.where(keep, val, ov)
            idx = jnp.where(keep, idx, oi)
            j //= 2

    koff = koff_ref[0, 0]
    vals_ref[...] = val[:, :1024]
    inds = idx[:, :1024] + koff
    py_ref[...] = jnp.floor_divide(inds, 64)
    px_ref[...] = jnp.remainder(inds, 64)
    gi = jnp.where(inds < 0, inds + 4096, inds)
    gi = jnp.clip(gi, 0, 4095)
    boff = lax.broadcasted_iota(jnp.int32, gi.shape, 0) * 4096
    ginds_ref[...] = gi + boff


def _nms_topk(sim, koff):
    B, N = sim.shape
    return pl.pallas_call(
        _topk_body,
        in_specs=[
            pl.BlockSpec((B, N), lambda: (0, 0)),
            pl.BlockSpec(memory_space=pltpu.SMEM),
        ],
        out_shape=(
            jax.ShapeDtypeStruct((B, 1024), jnp.float32),
            jax.ShapeDtypeStruct((B, 1024), jnp.int32),
            jax.ShapeDtypeStruct((B, 1024), jnp.int32),
            jax.ShapeDtypeStruct((B, 1024), jnp.int32),
        ),
    )(sim, koff)



def _gather_body(featT_hbm, ginds_hbm, out_hbm, idx_v, rows_v,
                 sg0, sg1, so0, so1):
    nc = 2
    wid = lax.axis_index("s") * nc + lax.axis_index("c")
    sg = [sg0, sg1]
    so = [so0, so1]
    gathers = [None, None]
    outs = [None, None]
    for ci in range(8):
        bi = ci & 1
        g0 = wid * 512 + ci * 64
        if outs[bi] is not None:
            outs[bi].wait()
            outs[bi] = None
        pltpu.sync_copy(ginds_hbm.at[pl.ds(g0, 64)], idx_v.at[bi])
        gathers[bi] = (pltpu.async_copy(
            featT_hbm.at[idx_v.at[bi]], rows_v.at[bi], sg[bi]), g0)
        pbi = 1 - bi
        if gathers[pbi] is not None:
            cp, pg0 = gathers[pbi]
            cp.wait()
            gathers[pbi] = None
            outs[pbi] = pltpu.async_copy(
                rows_v.at[pbi], out_hbm.at[pl.ds(pg0, 64)], so[pbi])
    for bi in range(2):
        if gathers[bi] is not None:
            cp, pg0 = gathers[bi]
            cp.wait()
            outs[bi] = pltpu.async_copy(
                rows_v.at[bi], out_hbm.at[pl.ds(pg0, 64)], so[bi])
    for bi in range(2):
        if outs[bi] is not None:
            outs[bi].wait()


def _sc_gather(featT, ginds):
    B, HW, C = featT.shape
    mesh = plsc.VectorSubcoreMesh(core_axis_name="c", subcore_axis_name="s")
    kern = functools.partial(
        pl.kernel,
        out_type=jax.ShapeDtypeStruct((B * 1024, C), jnp.float32),
        scratch_types=[
            pltpu.VMEM((2, 64), jnp.int32),
            pltpu.VMEM((2, 64, C), jnp.float32),
            pltpu.SemaphoreType.DMA,
            pltpu.SemaphoreType.DMA,
            pltpu.SemaphoreType.DMA,
            pltpu.SemaphoreType.DMA,
        ],
        mesh=mesh,
    )(_gather_body)
    out = kern(featT.reshape(B * HW, C), ginds.reshape(B * 1024))
    return out.reshape(B, 1024, C)



def kernel(features, k):
    B, C, H, W = features.shape
    featT = jnp.transpose(features.reshape(B, C, H * W), (0, 2, 1))
    sim = _sim_map(featT)
    koff = (jnp.asarray(k, jnp.int32) - 1024).reshape(1, 1)
    vals, px, py, ginds = _nms_topk(sim, koff)
    pos = jnp.stack([px, py], axis=-1)
    point_feats = _sc_gather(featT, ginds)
    return point_feats, pos, vals

# --- scband reference (transcript-rebuilt; emitter-appended) ---
"""Pipeline reference for scband-topk-point-extractor-87849261072524 (READ-ONLY COPY).

The authoritative reference and input builder live on the scoring server;
editing this copy changes nothing except your own understanding.
"""

import jax, jax.numpy as jnp
import numpy as np


def shift_feat(where, features, dilation=1):
    B, C, H, W = features.shape
    mask = jnp.ones_like(features)
    eps = 0.0001
    if where == 'left':
        padd = jnp.broadcast_to(features[:, :, :, -1:], (B, C, H, dilation))
        padd_mask = jnp.full((B, C, H, dilation), eps, dtype=features.dtype)
        fs = jnp.concatenate((features[:, :, :, dilation:], padd), axis=-1)
        ms = jnp.concatenate((mask[:, :, :, dilation:], padd_mask), axis=-1)
    elif where == 'right':
        padd = jnp.broadcast_to(features[:, :, :, :1], (B, C, H, dilation))
        padd_mask = jnp.full((B, C, H, dilation), eps, dtype=features.dtype)
        fs = jnp.concatenate((padd, features[:, :, :, :-dilation]), axis=-1)
        ms = jnp.concatenate((padd_mask, mask[:, :, :, :-dilation]), axis=-1)
    elif where == 'bot':
        padd = jnp.broadcast_to(features[:, :, :1, :], (B, C, dilation, W))
        padd_mask = jnp.full((B, C, dilation, W), eps, dtype=features.dtype)
        fs = jnp.concatenate((padd, features[:, :, :-dilation, :]), axis=-2)
        ms = jnp.concatenate((padd_mask, mask[:, :, :-dilation, :]), axis=-2)
    elif where == 'top':
        padd = jnp.broadcast_to(features[:, :, -1:, :], (B, C, dilation, W))
        padd_mask = jnp.full((B, C, dilation, W), eps, dtype=features.dtype)
        fs = jnp.concatenate((features[:, :, dilation:, :], padd), axis=-2)
        ms = jnp.concatenate((mask[:, :, dilation:, :], padd_mask), axis=-2)
    elif where == 'none':
        fs = features
        ms = mask
    else:
        raise ValueError('Unknown position')
    ms = ms.mean(axis=1, keepdims=True)
    return fs, ms


def cos_sim(direction, features, dilation=1):
    if direction == 'horizontal':
        f1, m1 = shift_feat('right', features, dilation)
        f2, m2 = shift_feat('left', features, dilation)
    elif direction == 'vertical':
        f1, m1 = shift_feat('top', features, dilation)
        f2, m2 = shift_feat('bot', features, dilation)
    else:
        raise ValueError('Unknown direction')
    sim = (f1 * f2 * m1 * m2).sum(axis=1, keepdims=True)
    sim = sim / (jnp.sqrt(jnp.square(m1 * f1).sum(axis=1, keepdims=True)) * jnp.sqrt(jnp.square(m2 * f2).sum(axis=1, keepdims=True)))
    return sim


def compute_total_sim(features, dilation):
    h = cos_sim('horizontal', features, dilation)
    v = cos_sim('vertical', features, dilation)
    return (h + v) / 2.0


def min_pool(x, wh, ww):
    return -jax.lax.reduce_window(-x, -jnp.inf, jax.lax.max, (1, 1, wh, ww), (1, 1, 1, 1), 'SAME')


def compute_nms(sim):
    min_h = min_pool(sim, 1, 3)
    min_v = min_pool(sim, 3, 1)
    minima = ((sim == min_h) | (sim == min_v)).astype(sim.dtype)
    return 1.0 - (1.0 - sim) * minima


def setup_inputs(seed: int = 0):
    key = jax.random.key(seed)
    features = jax.random.normal(key, (16, 768, 64, 64), dtype=jnp.float32)
    return {"features": features, "k": 1024}


def reference(features, k):
    dilation = 1
    sim = compute_total_sim(features, dilation)
    sim = compute_nms(sim)
    B, C, H, W = features.shape
    flat = sim.reshape(B, H * W)
    k_static = 1024
    vals, inds = jax.lax.top_k(1.0 - flat, k_static)
    inds = inds + (jnp.asarray(k, dtype=inds.dtype) - k_static)
    feat_flat = features.reshape(B, C, H * W)
    point_feats = jnp.take_along_axis(feat_flat, inds[:, None, :], axis=2)
    point_feats = jnp.transpose(point_feats, (0, 2, 1))
    y = inds // W
    x = inds % W
    pos = jnp.stack((x, y), axis=-1)
    return point_feats, pos, vals

if __name__ == "__main__":
    import jax
    _d = setup_inputs()
    print(jax.jit(kernel)(*tuple(_d.values())))

</pallas_src>

<mosaic_0001>
#map = affine_map<(d0, d1) -> (0, 0)>
#map1 = affine_map<(d0, d1) -> (0)>
module attributes {stable_mosaic.version = 14 : i64} {
  func.func @_gather_body(%arg0: i32, %arg1: i32, %arg2: memref<65536x768xf32, #tpu.memory_space<hbm>>, %arg3: memref<16384xi32, #tpu.memory_space<hbm>>, %arg4: memref<16384x768xf32, #tpu.memory_space<hbm>>, %arg5: memref<2x64xi32, #tpu.memory_space<vmem>>, %arg6: memref<2x64x768xf32, #tpu.memory_space<vmem>>, %arg7: memref<!tpu.dma_semaphore, #tpu.memory_space<semaphore_mem>>, %arg8: memref<!tpu.dma_semaphore, #tpu.memory_space<semaphore_mem>>, %arg9: memref<!tpu.dma_semaphore, #tpu.memory_space<semaphore_mem>>, %arg10: memref<!tpu.dma_semaphore, #tpu.memory_space<semaphore_mem>>) attributes {dimension_semantics = [#tpu.dimension_semantics<core_parallel>, #tpu.dimension_semantics<subcore_parallel>], iteration_bounds = array<i64: 2, 16>, scalar_prefetch = 0 : i64, scratch_operands = 6 : i64, tpu.core_type = #tpu.core_type<sc_vector_subcore>, window_params = [{transform_indices = #map}, {transform_indices = #map1}, {transform_indices = #map}]} {
    %mul3A = arith.constant 2 : i32
    %mul3A_0 = arith.muli %arg1, %mul3A : i32
    %add3A = arith.addi %mul3A_0, %arg0 : i32
    %mul3A_1 = arith.constant 512 : i32
    %mul3A_2 = arith.muli %add3A, %mul3A_1 : i32
    %add3A_3 = arith.constant 0 : i32
    %add3A_4 = arith.addi %mul3A_2, %add3A_3 : i32
    %run_scoped3A = arith.constant 0 : i32
    "tpu.region"() ({
      %run_scoped3A_438 = tpu.sem_alloc : memref<!tpu.dma_semaphore, #tpu.memory_space<semaphore_mem>>
      %dma_start3A_439 = arith.constant 0 : i32
      %dma_start3A_440 = tpu.memref_slice %arg5[%run_scoped3A, %dma_start3A_439] : memref<2x64xi32, #tpu.memory_space<vmem>> -> memref<1x64xi32, #tpu.memory_space<vmem>>
      %dma_start3A_441 = tpu.memref_squeeze %dma_start3A_440 : memref<1x64xi32, #tpu.memory_space<vmem>> -> memref<64xi32, #tpu.memory_space<vmem>>
      %dma_start3A_442 = tpu.memref_slice %arg3[%add3A_4] : memref<16384xi32, #tpu.memory_space<hbm>> -> memref<64xi32, #tpu.memory_space<hbm>>
      %dma_start3A_443 = arith.constant 0 : i32
      %dma_start3A_444 = tpu.memref_slice %arg5[%run_scoped3A, %dma_start3A_443] : memref<2x64xi32, #tpu.memory_space<vmem>> -> memref<1x64xi32, #tpu.memory_space<vmem>>
      %dma_start3A_445 = tpu.memref_squeeze %dma_start3A_444 : memref<1x64xi32, #tpu.memory_space<vmem>> -> memref<64xi32, #tpu.memory_space<vmem>>
      %dma_start3A_446 = tpu.memref_slice %arg3[%add3A_4] : memref<16384xi32, #tpu.memory_space<hbm>> -> memref<64xi32, #tpu.memory_space<hbm>>
      tpu.enqueue_dma source(%dma_start3A_446 : memref<64xi32, #tpu.memory_space<hbm>>) target(%dma_start3A_445 : memref<64xi32, #tpu.memory_space<vmem>>) target_semaphore(%run_scoped3A_438 : memref<!tpu.dma_semaphore, #tpu.memory_space<semaphore_mem>>)
      %dma_wait3A_447 = arith.constant 0 : i32
      %dma_wait3A_448 = tpu.memref_slice %arg5[%run_scoped3A, %dma_wait3A_447] : memref<2x64xi32, #tpu.memory_space<vmem>> -> memref<1x64xi32, #tpu.memory_space<vmem>>
      %dma_wait3A_449 = tpu.memref_squeeze %dma_wait3A_448 : memref<1x64xi32, #tpu.memory_space<vmem>> -> memref<64xi32, #tpu.memory_space<vmem>>
      %dma_wait3A_450 = tpu.memref_slice %arg3[%add3A_4] : memref<16384xi32, #tpu.memory_space<hbm>> -> memref<64xi32, #tpu.memory_space<hbm>>
      %dma_wait3A_451 = arith.constant 0 : i32
      %dma_wait3A_452 = tpu.memref_slice %arg5[%run_scoped3A, %dma_wait3A_451] : memref<2x64xi32, #tpu.memory_space<vmem>> -> memref<1x64xi32, #tpu.memory_space<vmem>>
      %dma_wait3A_453 = tpu.memref_squeeze %dma_wait3A_452 : memref<1x64xi32, #tpu.memory_space<vmem>> -> memref<64xi32, #tpu.memory_space<vmem>>
      %dma_wait3A_454 = tpu.memref_slice %arg3[%add3A_4] : memref<16384xi32, #tpu.memory_space<hbm>> -> memref<64xi32, #tpu.memory_space<hbm>>
      tpu.wait_dma2 semaphore(%run_scoped3A_438 : memref<!tpu.dma_semaphore, #tpu.memory_space<semaphore_mem>>) src(%dma_wait3A_454 : memref<64xi32, #tpu.memory_space<hbm>>) dst(%dma_wait3A_453 : memref<64xi32, #tpu.memory_space<vmem>>)
      tpu.yield
    }) : () -> ()
    %dma_start3A = arith.constant 0 : i32
    %dma_start3A_5 = arith.constant 0 : i32
    %dma_start3A_6 = arith.constant 0 : i32
    %dma_start3A_7 = arith.constant 0 : i32
    %dma_start3A_8 = tpu.memref_slice %arg6[%dma_start3A_5, %dma_start3A_6, %dma_start3A_7] : memref<2x64x768xf32, #tpu.memory_space<vmem>> -> memref<1x64x768xf32, #tpu.memory_space<vmem>>
    %dma_start3A_9 = tpu.memref_squeeze %dma_start3A_8 : memref<1x64x768xf32, #tpu.memory_space<vmem>> -> memref<64x768xf32, #tpu.memory_space<vmem>>
    %dma_start3A_10 = arith.constant 0 : i32
    %dma_start3A_11 = tpu.memref_slice %arg5[%dma_start3A, %dma_start3A_10] : memref<2x64xi32, #tpu.memory_space<vmem>> -> memref<1x64xi32, #tpu.memory_space<vmem>>
    %dma_start3A_12 = tpu.memref_squeeze %dma_start3A_11 : memref<1x64xi32, #tpu.memory_space<vmem>> -> memref<64xi32, #tpu.memory_space<vmem>>
    %dma_start3A_13 = arith.constant 0 : i32
    %dma_start3A_14 = arith.constant 0 : i32
    %dma_start3A_15 = tpu.memref_slice %arg2[%dma_start3A_13, %dma_start3A_14] : memref<65536x768xf32, #tpu.memory_space<hbm>> -> memref<65536x768xf32, #tpu.memory_space<hbm>>
    tpu.enqueue_indirect_dma source(%dma_start3A_15 : memref<65536x768xf32, #tpu.memory_space<hbm>>) target(%dma_start3A_9 : memref<64x768xf32, #tpu.memory_space<vmem>>) offsets(%dma_start3A_12 : memref<64xi32, #tpu.memory_space<vmem>>) semaphore(%arg7 : memref<!tpu.dma_semaphore, #tpu.memory_space<semaphore_mem>>)
    %mul3A_16 = arith.constant 512 : i32
    %mul3A_17 = arith.muli %add3A, %mul3A_16 : i32
    %add3A_18 = arith.constant 64 : i32
    %add3A_19 = arith.addi %mul3A_17, %add3A_18 : i32
    %run_scoped3A_20 = arith.constant 1 : i32
    "tpu.region"() ({
      %run_scoped3A_438 = tpu.sem_alloc : memref<!tpu.dma_semaphore, #tpu.memory_space<semaphore_mem>>
      %dma_start3A_439 = arith.constant 0 : i32
      %dma_start3A_440 = tpu.memref_slice %arg5[%run_scoped3A_20, %dma_start3A_439] : memref<2x64xi32, #tpu.memory_space<vmem>> -> memref<1x64xi32, #tpu.memory_space<vmem>>
      %dma_start3A_441 = tpu.memref_squeeze %dma_start3A_440 : memref<1x64xi32, #tpu.memory_space<vmem>> -> memref<64xi32, #tpu.memory_space<vmem>>
      %dma_start3A_442 = tpu.memref_slice %arg3[%add3A_19] : memref<16384xi32, #tpu.memory_space<hbm>> -> memref<64xi32, #tpu.memory_space<hbm>>
      %dma_start3A_443 = arith.constant 0 : i32
      %dma_start3A_444 = tpu.memref_slice %arg5[%run_scoped3A_20, %dma_start3A_443] : memref<2x64xi32, #tpu.memory_space<vmem>> -> memref<1x64xi32, #tpu.memory_space<vmem>>
      %dma_start3A_445 = tpu.memref_squeeze %dma_start3A_444 : memref<1x64xi32, #tpu.memory_space<vmem>> -> memref<64xi32, #tpu.memory_space<vmem>>
      %dma_start3A_446 = tpu.memref_slice %arg3[%add3A_19] : memref<16384xi32, #tpu.memory_space<hbm>> -> memref<64xi32, #tpu.memory_space<hbm>>
      tpu.enqueue_dma source(%dma_start3A_446 : memref<64xi32, #tpu.memory_space<hbm>>) target(%dma_start3A_445 : memref<64xi32, #tpu.memory_space<vmem>>) target_semaphore(%run_scoped3A_438 : memref<!tpu.dma_semaphore, #tpu.memory_space<semaphore_mem>>)
      %dma_wait3A_447 = arith.constant 0 : i32
      %dma_wait3A_448 = tpu.memref_slice %arg5[%run_scoped3A_20, %dma_wait3A_447] : memref<2x64xi32, #tpu.memory_space<vmem>> -> memref<1x64xi32, #tpu.memory_space<vmem>>
      %dma_wait3A_449 = tpu.memref_squeeze %dma_wait3A_448 : memref<1x64xi32, #tpu.memory_space<vmem>> -> memref<64xi32, #tpu.memory_space<vmem>>
      %dma_wait3A_450 = tpu.memref_slice %arg3[%add3A_19] : memref<16384xi32, #tpu.memory_space<hbm>> -> memref<64xi32, #tpu.memory_space<hbm>>
      %dma_wait3A_451 = arith.constant 0 : i32
      %dma_wait3A_452 = tpu.memref_slice %arg5[%run_scoped3A_20, %dma_wait3A_451] : memref<2x64xi32, #tpu.memory_space<vmem>> -> memref<1x64xi32, #tpu.memory_space<vmem>>
      %dma_wait3A_453 = tpu.memref_squeeze %dma_wait3A_452 : memref<1x64xi32, #tpu.memory_space<vmem>> -> memref<64xi32, #tpu.memory_space<vmem>>
      %dma_wait3A_454 = tpu.memref_slice %arg3[%add3A_19] : memref<16384xi32, #tpu.memory_space<hbm>> -> memref<64xi32, #tpu.memory_space<hbm>>
      tpu.wait_dma2 semaphore(%run_scoped3A_438 : memref<!tpu.dma_semaphore, #tpu.memory_space<semaphore_mem>>) src(%dma_wait3A_454 : memref<64xi32, #tpu.memory_space<hbm>>) dst(%dma_wait3A_453 : memref<64xi32, #tpu.memory_space<vmem>>)
      tpu.yield
    }) : () -> ()
    %dma_start3A_21 = arith.constant 1 : i32
    %dma_start3A_22 = arith.constant 1 : i32
    %dma_start3A_23 = arith.constant 0 : i32
    %dma_start3A_24 = arith.constant 0 : i32
    %dma_start3A_25 = tpu.memref_slice %arg6[%dma_start3A_22, %dma_start3A_23, %dma_start3A_24] : memref<2x64x768xf32, #tpu.memory_space<vmem>> -> memref<1x64x768xf32, #tpu.memory_space<vmem>>
    %dma_start3A_26 = tpu.memref_squeeze %dma_start3A_25 : memref<1x64x768xf32, #tpu.memory_space<vmem>> -> memref<64x768xf32, #tpu.memory_space<vmem>>
    %dma_start3A_27 = arith.constant 0 : i32
    %dma_start3A_28 = tpu.memref_slice %arg5[%dma_start3A_21, %dma_start3A_27] : memref<2x64xi32, #tpu.memory_space<vmem>> -> memref<1x64xi32, #tpu.memory_space<vmem>>
    %dma_start3A_29 = tpu.memref_squeeze %dma_start3A_28 : memref<1x64xi32, #tpu.memory_space<vmem>> -> memref<64xi32, #tpu.memory_space<vmem>>
    %dma_start3A_30 = arith.constant 0 : i32
    %dma_start3A_31 = arith.constant 0 : i32
    %dma_start3A_32 = tpu.memref_slice %arg2[%dma_start3A_30, %dma_start3A_31] : memref<65536x768xf32, #tpu.memory_space<hbm>> -> memref<65536x768xf32, #tpu.memory_space<hbm>>
    tpu.enqueue_indirect_dma source(%dma_start3A_32 : memref<65536x768xf32, #tpu.memory_space<hbm>>) target(%dma_start3A_26 : memref<64x768xf32, #tpu.memory_space<vmem>>) offsets(%dma_start3A_29 : memref<64xi32, #tpu.memory_space<vmem>>) semaphore(%arg8 : memref<!tpu.dma_semaphore, #tpu.memory_space<semaphore_mem>>)
    %dma_wait3A = arith.constant 0 : i32
    %dma_wait3A_33 = arith.constant 0 : i32
    %dma_wait3A_34 = arith.constant 0 : i32
    %dma_wait3A_35 = arith.constant 0 : i32
    %dma_wait3A_36 = tpu.memref_slice %arg6[%dma_wait3A_33, %dma_wait3A_34, %dma_wait3A_35] : memref<2x64x768xf32, #tpu.memory_space<vmem>> -> memref<1x64x768xf32, #tpu.memory_space<vmem>>
    %dma_wait3A_37 = tpu.memref_squeeze %dma_wait3A_36 : memref<1x64x768xf32, #tpu.memory_space<vmem>> -> memref<64x768xf32, #tpu.memory_space<vmem>>
    %dma_wait3A_38 = arith.constant 0 : i32
    %dma_wait3A_39 = tpu.memref_slice %arg5[%dma_wait3A, %dma_wait3A_38] : memref<2x64xi32, #tpu.memory_space<vmem>> -> memref<1x64xi32, #tpu.memory_space<vmem>>
    %dma_wait3A_40 = tpu.memref_squeeze %dma_wait3A_39 : memref<1x64xi32, #tpu.memory_space<vmem>> -> memref<64xi32, #tpu.memory_space<vmem>>
    %dma_wait3A_41 = arith.constant 0 : i32
    %dma_wait3A_42 = arith.constant 0 : i32
    %dma_wait3A_43 = tpu.memref_slice %arg2[%dma_wait3A_41, %dma_wait3A_42] : memref<65536x768xf32, #tpu.memory_space<hbm>> -> memref<65536x768xf32, #tpu.memory_space<hbm>>
    tpu.wait_indirect_dma semaphore(%arg7 : memref<!tpu.dma_semaphore, #tpu.memory_space<semaphore_mem>>) src(%dma_wait3A_43 : memref<65536x768xf32, #tpu.memory_space<hbm>>) dst(%dma_wait3A_37 : memref<64x768xf32, #tpu.memory_space<vmem>>)
    %dma_start3A_44 = arith.constant 0 : i32
    %dma_start3A_45 = arith.constant 0 : i32
    %dma_start3A_46 = arith.constant 0 : i32
    %dma_start3A_47 = tpu.memref_slice %arg6[%dma_start3A_44, %dma_start3A_45, %dma_start3A_46] : memref<2x64x768xf32, #tpu.memory_space<vmem>> -> memref<1x64x768xf32, #tpu.memory_space<vmem>>
    %dma_start3A_48 = tpu.memref_squeeze %dma_start3A_47 : memref<1x64x768xf32, #tpu.memory_space<vmem>> -> memref<64x768xf32, #tpu.memory_space<vmem>>
    %dma_start3A_49 = arith.constant 0 : i32
    %dma_start3A_50 = tpu.memref_slice %arg4[%add3A_4, %dma_start3A_49] : memref<16384x768xf32, #tpu.memory_space<hbm>> -> memref<64x768xf32, #tpu.memory_space<hbm>>
    %dma_start3A_51 = arith.constant 0 : i32
    %dma_start3A_52 = tpu.memref_slice %arg4[%add3A_4, %dma_start3A_51] : memref<16384x768xf32, #tpu.memory_space<hbm>> -> memref<64x768xf32, #tpu.memory_space<hbm>>
    %dma_start3A_53 = arith.constant 0 : i32
    %dma_start3A_54 = arith.constant 0 : i32
    %dma_start3A_55 = tpu.memref_slice %arg6[%dma_start3A_44, %dma_start3A_53, %dma_start3A_54] : memref<2x64x768xf32, #tpu.memory_space<vmem>> -> memref<1x64x768xf32, #tpu.memory_space<vmem>>
    %dma_start3A_56 = tpu.memref_squeeze %dma_start3A_55 : memref<1x64x768xf32, #tpu.memory_space<vmem>> -> memref<64x768xf32, #tpu.memory_space<vmem>>
    tpu.enqueue_dma source(%dma_start3A_56 : memref<64x768xf32, #tpu.memory_space<vmem>>) target(%dma_start3A_52 : memref<64x768xf32, #tpu.memory_space<hbm>>) target_semaphore(%arg9 : memref<!tpu.dma_semaphore, #tpu.memory_space<semaphore_mem>>)
    %mul3A_57 = arith.constant 512 : i32
    %mul3A_58 = arith.muli %add3A, %mul3A_57 : i32
    %add3A_59 = arith.constant 128 : i32
    %add3A_60 = arith.addi %mul3A_58, %add3A_59 : i32
    %dma_wait3A_61 = arith.constant 0 : i32
    %dma_wait3A_62 = arith.constant 0 : i32
    %dma_wait3A_63 = arith.constant 0 : i32
    %dma_wait3A_64 = tpu.memref_slice %arg6[%dma_wait3A_61, %dma_wait3A_62, %dma_wait3A_63] : memref<2x64x768xf32, #tpu.memory_space<vmem>> -> memref<1x64x768xf32, #tpu.memory_space<vmem>>
    %dma_wait3A_65 = tpu.memref_squeeze %dma_wait3A_64 : memref<1x64x768xf32, #tpu.memory_space<vmem>> -> memref<64x768xf32, #tpu.memory_space<vmem>>
    %dma_wait3A_66 = arith.constant 0 : i32
    %dma_wait3A_67 = tpu.memref_slice %arg4[%add3A_4, %dma_wait3A_66] : memref<16384x768xf32, #tpu.memory_space<hbm>> -> memref<64x768xf32, #tpu.memory_space<hbm>>
    %dma_wait3A_68 = arith.constant 0 : i32
    %dma_wait3A_69 = tpu.memref_slice %arg4[%add3A_4, %dma_wait3A_68] : memref<16384x768xf32, #tpu.memory_space<hbm>> -> memref<64x768xf32, #tpu.memory_space<hbm>>
    %dma_wait3A_70 = arith.constant 0 : i32
    %dma_wait3A_71 = arith.constant 0 : i32
    %dma_wait3A_72 = tpu.memref_slice %arg6[%dma_wait3A_61, %dma_wait3A_70, %dma_wait3A_71] : memref<2x64x768xf32, #tpu.memory_space<vmem>> -> memref<1x64x768xf32, #tpu.memory_space<vmem>>
    %dma_wait3A_73 = tpu.memref_squeeze %dma_wait3A_72 : memref<1x64x768xf32, #tpu.memory_space<vmem>> -> memref<64x768xf32, #tpu.memory_space<vmem>>
    tpu.wait_dma2 semaphore(%arg9 : memref<!tpu.dma_semaphore, #tpu.memory_space<semaphore_mem>>) src(%dma_wait3A_73 : memref<64x768xf32, #tpu.memory_space<vmem>>) dst(%dma_wait3A_69 : memref<64x768xf32, #tpu.memory_space<hbm>>)
    %run_scoped3A_74 = arith.constant 0 : i32
    "tpu.region"() ({
      %run_scoped3A_438 = tpu.sem_alloc : memref<!tpu.dma_semaphore, #tpu.memory_space<semaphore_mem>>
      %dma_start3A_439 = arith.constant 0 : i32
      %dma_start3A_440 = tpu.memref_slice %arg5[%run_scoped3A_74, %dma_start3A_439] : memref<2x64xi32, #tpu.memory_space<vmem>> -> memref<1x64xi32, #tpu.memory_space<vmem>>
      %dma_start3A_441 = tpu.memref_squeeze %dma_start3A_440 : memref<1x64xi32, #tpu.memory_space<vmem>> -> memref<64xi32, #tpu.memory_space<vmem>>
      %dma_start3A_442 = tpu.memref_slice %arg3[%add3A_60] : memref<16384xi32, #tpu.memory_space<hbm>> -> memref<64xi32, #tpu.memory_space<hbm>>
      %dma_start3A_443 = arith.constant 0 : i32
      %dma_start3A_444 = tpu.memref_slice %arg5[%run_scoped3A_74, %dma_start3A_443] : memref<2x64xi32, #tpu.memory_space<vmem>> -> memref<1x64xi32, #tpu.memory_space<vmem>>
      %dma_start3A_445 = tpu.memref_squeeze %dma_start3A_444 : memref<1x64xi32, #tpu.memory_space<vmem>> -> memref<64xi32, #tpu.memory_space<vmem>>
      %dma_start3A_446 = tpu.memref_slice %arg3[%add3A_60] : memref<16384xi32, #tpu.memory_space<hbm>> -> memref<64xi32, #tpu.memory_space<hbm>>
      tpu.enqueue_dma source(%dma_start3A_446 : memref<64xi32, #tpu.memory_space<hbm>>) target(%dma_start3A_445 : memref<64xi32, #tpu.memory_space<vmem>>) target_semaphore(%run_scoped3A_438 : memref<!tpu.dma_semaphore, #tpu.memory_space<semaphore_mem>>)
      %dma_wait3A_447 = arith.constant 0 : i32
      %dma_wait3A_448 = tpu.memref_slice %arg5[%run_scoped3A_74, %dma_wait3A_447] : memref<2x64xi32, #tpu.memory_space<vmem>> -> memref<1x64xi32, #tpu.memory_space<vmem>>
      %dma_wait3A_449 = tpu.memref_squeeze %dma_wait3A_448 : memref<1x64xi32, #tpu.memory_space<vmem>> -> memref<64xi32, #tpu.memory_space<vmem>>
      %dma_wait3A_450 = tpu.memref_slice %arg3[%add3A_60] : memref<16384xi32, #tpu.memory_space<hbm>> -> memref<64xi32, #tpu.memory_space<hbm>>
      %dma_wait3A_451 = arith.constant 0 : i32
      %dma_wait3A_452 = tpu.memref_slice %arg5[%run_scoped3A_74, %dma_wait3A_451] : memref<2x64xi32, #tpu.memory_space<vmem>> -> memref<1x64xi32, #tpu.memory_space<vmem>>
      %dma_wait3A_453 = tpu.memref_squeeze %dma_wait3A_452 : memref<1x64xi32, #tpu.memory_space<vmem>> -> memref<64xi32, #tpu.memory_space<vmem>>
      %dma_wait3A_454 = tpu.memref_slice %arg3[%add3A_60] : memref<16384xi32, #tpu.memory_space<hbm>> -> memref<64xi32, #tpu.memory_space<hbm>>
      tpu.wait_dma2 semaphore(%run_scoped3A_438 : memref<!tpu.dma_semaphore, #tpu.memory_space<semaphore_mem>>) src(%dma_wait3A_454 : memref<64xi32, #tpu.memory_space<hbm>>) dst(%dma_wait3A_453 : memref<64xi32, #tpu.memory_space<vmem>>)
      tpu.yield
    }) : () -> ()
    %dma_start3A_75 = arith.constant 0 : i32
    %dma_start3A_76 = arith.constant 0 : i32
    %dma_start3A_77 = arith.constant 0 : i32
    %dma_start3A_78 = arith.constant 0 : i32
    %dma_start3A_79 = tpu.memref_slice %arg6[%dma_start3A_76, %dma_start3A_77, %dma_start3A_78] : memref<2x64x768xf32, #tpu.memory_space<vmem>> -> memref<1x64x768xf32, #tpu.memory_space<vmem>>
    %dma_start3A_80 = tpu.memref_squeeze %dma_start3A_79 : memref<1x64x768xf32, #tpu.memory_space<vmem>> -> memref<64x768xf32, #tpu.memory_space<vmem>>
    %dma_start3A_81 = arith.constant 0 : i32
    %dma_start3A_82 = tpu.memref_slice %arg5[%dma_start3A_75, %dma_start3A_81] : memref<2x64xi32, #tpu.memory_space<vmem>> -> memref<1x64xi32, #tpu.memory_space<vmem>>
    %dma_start3A_83 = tpu.memref_squeeze %dma_start3A_82 : memref<1x64xi32, #tpu.memory_space<vmem>> -> memref<64xi32, #tpu.memory_space<vmem>>
    %dma_start3A_84 = arith.constant 0 : i32
    %dma_start3A_85 = arith.constant 0 : i32
    %dma_start3A_86 = tpu.memref_slice %arg2[%dma_start3A_84, %dma_start3A_85] : memref<65536x768xf32, #tpu.memory_space<hbm>> -> memref<65536x768xf32, #tpu.memory_space<hbm>>
    tpu.enqueue_indirect_dma source(%dma_start3A_86 : memref<65536x768xf32, #tpu.memory_space<hbm>>) target(%dma_start3A_80 : memref<64x768xf32, #tpu.memory_space<vmem>>) offsets(%dma_start3A_83 : memref<64xi32, #tpu.memory_space<vmem>>) semaphore(%arg7 : memref<!tpu.dma_semaphore, #tpu.memory_space<semaphore_mem>>)
    %dma_wait3A_87 = arith.constant 1 : i32
    %dma_wait3A_88 = arith.constant 1 : i32
    %dma_wait3A_89 = arith.constant 0 : i32
    %dma_wait3A_90 = arith.constant 0 : i32
    %dma_wait3A_91 = tpu.memref_slice %arg6[%dma_wait3A_88, %dma_wait3A_89, %dma_wait3A_90] : memref<2x64x768xf32, #tpu.memory_space<vmem>> -> memref<1x64x768xf32, #tpu.memory_space<vmem>>
    %dma_wait3A_92 = tpu.memref_squeeze %dma_wait3A_91 : memref<1x64x768xf32, #tpu.memory_space<vmem>> -> memref<64x768xf32, #tpu.memory_space<vmem>>
    %dma_wait3A_93 = arith.constant 0 : i32
    %dma_wait3A_94 = tpu.memref_slice %arg5[%dma_wait3A_87, %dma_wait3A_93] : memref<2x64xi32, #tpu.memory_space<vmem>> -> memref<1x64xi32, #tpu.memory_space<vmem>>
    %dma_wait3A_95 = tpu.memref_squeeze %dma_wait3A_94 : memref<1x64xi32, #tpu.memory_space<vmem>> -> memref<64xi32, #tpu.memory_space<vmem>>
    %dma_wait3A_96 = arith.constant 0 : i32
    %dma_wait3A_97 = arith.constant 0 : i32
    %dma_wait3A_98 = tpu.memref_slice %arg2[%dma_wait3A_96, %dma_wait3A_97] : memref<65536x768xf32, #tpu.memory_space<hbm>> -> memref<65536x768xf32, #tpu.memory_space<hbm>>
    tpu.wait_indirect_dma semaphore(%arg8 : memref<!tpu.dma_semaphore, #tpu.memory_space<semaphore_mem>>) src(%dma_wait3A_98 : memref<65536x768xf32, #tpu.memory_space<hbm>>) dst(%dma_wait3A_92 : memref<64x768xf32, #tpu.memory_space<vmem>>)
    %dma_start3A_99 = arith.constant 1 : i32
    %dma_start3A_100 = arith.constant 0 : i32
    %dma_start3A_101 = arith.constant 0 : i32
    %dma_start3A_102 = tpu.memref_slice %arg6[%dma_start3A_99, %dma_start3A_100, %dma_start3A_101] : memref<2x64x768xf32, #tpu.memory_space<vmem>> -> memref<1x64x768xf32, #tpu.memory_space<vmem>>
    %dma_start3A_103 = tpu.memref_squeeze %dma_start3A_102 : memref<1x64x768xf32, #tpu.memory_space<vmem>> -> memref<64x768xf32, #tpu.memory_space<vmem>>
    %dma_start3A_104 = arith.constant 0 : i32
    %dma_start3A_105 = tpu.memref_slice %arg4[%add3A_19, %dma_start3A_104] : memref<16384x768xf32, #tpu.memory_space<hbm>> -> memref<64x768xf32, #tpu.memory_space<hbm>>
    %dma_start3A_106 = arith.constant 0 : i32
    %dma_start3A_107 = tpu.memref_slice %arg4[%add3A_19, %dma_start3A_106] : memref<16384x768xf32, #tpu.memory_space<hbm>> -> memref<64x768xf32, #tpu.memory_space<hbm>>
    %dma_start3A_108 = arith.constant 0 : i32
    %dma_start3A_109 = arith.constant 0 : i32
    %dma_start3A_110 = tpu.memref_slice %arg6[%dma_start3A_99, %dma_start3A_108, %dma_start3A_109] : memref<2x64x768xf32, #tpu.memory_space<vmem>> -> memref<1x64x768xf32, #tpu.memory_space<vmem>>
    %dma_start3A_111 = tpu.memref_squeeze %dma_start3A_110 : memref<1x64x768xf32, #tpu.memory_space<vmem>> -> memref<64x768xf32, #tpu.memory_space<vmem>>
    tpu.enqueue_dma source(%dma_start3A_111 : memref<64x768xf32, #tpu.memory_space<vmem>>) target(%dma_start3A_107 : memref<64x768xf32, #tpu.memory_space<hbm>>) target_semaphore(%arg10 : memref<!tpu.dma_semaphore, #tpu.memory_space<semaphore_mem>>)
    %mul3A_112 = arith.constant 512 : i32
    %mul3A_113 = arith.muli %add3A, %mul3A_112 : i32
    %add3A_114 = arith.constant 192 : i32
    %add3A_115 = arith.addi %mul3A_113, %add3A_114 : i32
    %dma_wait3A_116 = arith.constant 1 : i32
    %dma_wait3A_117 = arith.constant 0 : i32
    %dma_wait3A_118 = arith.constant 0 : i32
    %dma_wait3A_119 = tpu.memref_slice %arg6[%dma_wait3A_116, %dma_wait3A_117, %dma_wait3A_118] : memref<2x64x768xf32, #tpu.memory_space<vmem>> -> memref<1x64x768xf32, #tpu.memory_space<vmem>>
    %dma_wait3A_120 = tpu.memref_squeeze %dma_wait3A_119 : memref<1x64x768xf32, #tpu.memory_space<vmem>> -> memref<64x768xf32, #tpu.memory_space<vmem>>
    %dma_wait3A_121 = arith.constant 0 : i32
    %dma_wait3A_122 = tpu.memref_slice %arg4[%add3A_19, %dma_wait3A_121] : memref<16384x768xf32, #tpu.memory_space<hbm>> -> memref<64x768xf32, #tpu.memory_space<hbm>>
    %dma_wait3A_123 = arith.constant 0 : i32
    %dma_wait3A_124 = tpu.memref_slice %arg4[%add3A_19, %dma_wait3A_123] : memref<16384x768xf32, #tpu.memory_space<hbm>> -> memref<64x768xf32, #tpu.memory_space<hbm>>
    %dma_wait3A_125 = arith.constant 0 : i32
    %dma_wait3A_126 = arith.constant 0 : i32
    %dma_wait3A_127 = tpu.memref_slice %arg6[%dma_wait3A_116, %dma_wait3A_125, %dma_wait3A_126] : memref<2x64x768xf32, #tpu.memory_space<vmem>> -> memref<1x64x768xf32, #tpu.memory_space<vmem>>
    %dma_wait3A_128 = tpu.memref_squeeze %dma_wait3A_127 : memref<1x64x768xf32, #tpu.memory_space<vmem>> -> memref<64x768xf32, #tpu.memory_space<vmem>>
    tpu.wait_dma2 semaphore(%arg10 : memref<!tpu.dma_semaphore, #tpu.memory_space<semaphore_mem>>) src(%dma_wait3A_128 : memref<64x768xf32, #tpu.memory_space<vmem>>) dst(%dma_wait3A_124 : memref<64x768xf32, #tpu.memory_space<hbm>>)
    %run_scoped3A_129 = arith.constant 1 : i32
    "tpu.region"() ({
      %run_scoped3A_438 = tpu.sem_alloc : memref<!tpu.dma_semaphore, #tpu.memory_space<semaphore_mem>>
      %dma_start3A_439 = arith.constant 0 : i32
      %dma_start3A_440 = tpu.memref_slice %arg5[%run_scoped3A_129, %dma_start3A_439] : memref<2x64xi32, #tpu.memory_space<vmem>> -> memref<1x64xi32, #tpu.memory_space<vmem>>
      %dma_start3A_441 = tpu.memref_squeeze %dma_start3A_440 : memref<1x64xi32, #tpu.memory_space<vmem>> -> memref<64xi32, #tpu.memory_space<vmem>>
      %dma_start3A_442 = tpu.memref_slice %arg3[%add3A_115] : memref<16384xi32, #tpu.memory_space<hbm>> -> memref<64xi32, #tpu.memory_space<hbm>>
      %dma_start3A_443 = arith.constant 0 : i32
      %dma_start3A_444 = tpu.memref_slice %arg5[%run_scoped3A_129, %dma_start3A_443] : memref<2x64xi32, #tpu.memory_space<vmem>> -> memref<1x64xi32, #tpu.memory_space<vmem>>
      %dma_start3A_445 = tpu.memref_squeeze %dma_start3A_444 : memref<1x64xi32, #tpu.memory_space<vmem>> -> memref<64xi32, #tpu.memory_space<vmem>>
      %dma_start3A_446 = tpu.memref_slice %arg3[%add3A_115] : memref<16384xi32, #tpu.memory_space<hbm>> -> memref<64xi32, #tpu.memory_space<hbm>>
      tpu.enqueue_dma source(%dma_start3A_446 : memref<64xi32, #tpu.memory_space<hbm>>) target(%dma_start3A_445 : memref<64xi32, #tpu.memory_space<vmem>>) target_semaphore(%run_scoped3A_438 : memref<!tpu.dma_semaphore, #tpu.memory_space<semaphore_mem>>)
      %dma_wait3A_447 = arith.constant 0 : i32
      %dma_wait3A_448 = tpu.memref_slice %arg5[%run_scoped3A_129, %dma_wait3A_447] : memref<2x64xi32, #tpu.memory_space<vmem>> -> memref<1x64xi32, #tpu.memory_space<vmem>>
      %dma_wait3A_449 = tpu.memref_squeeze %dma_wait3A_448 : memref<1x64xi32, #tpu.memory_space<vmem>> -> memref<64xi32, #tpu.memory_space<vmem>>
      %dma_wait3A_450 = tpu.memref_slice %arg3[%add3A_115] : memref<16384xi32, #tpu.memory_space<hbm>> -> memref<64xi32, #tpu.memory_space<hbm>>
      %dma_wait3A_451 = arith.constant 0 : i32
      %dma_wait3A_452 = tpu.memref_slice %arg5[%run_scoped3A_129, %dma_wait3A_451] : memref<2x64xi32, #tpu.memory_space<vmem>> -> memref<1x64xi32, #tpu.memory_space<vmem>>
      %dma_wait3A_453 = tpu.memref_squeeze %dma_wait3A_452 : memref<1x64xi32, #tpu.memory_space<vmem>> -> memref<64xi32, #tpu.memory_space<vmem>>
      %dma_wait3A_454 = tpu.memref_slice %arg3[%add3A_115] : memref<16384xi32, #tpu.memory_space<hbm>> -> memref<64xi32, #tpu.memory_space<hbm>>
      tpu.wait_dma2 semaphore(%run_scoped3A_438 : memref<!tpu.dma_semaphore, #tpu.memory_space<semaphore_mem>>) src(%dma_wait3A_454 : memref<64xi32, #tpu.memory_space<hbm>>) dst(%dma_wait3A_453 : memref<64xi32, #tpu.memory_space<vmem>>)
      tpu.yield
    }) : () -> ()
    %dma_start3A_130 = arith.constant 1 : i32
    %dma_start3A_131 = arith.constant 1 : i32
    %dma_start3A_132 = arith.constant 0 : i32
    %dma_start3A_133 = arith.constant 0 : i32
    %dma_start3A_134 = tpu.memref_slice %arg6[%dma_start3A_131, %dma_start3A_132, %dma_start3A_133] : memref<2x64x768xf32, #tpu.memory_space<vmem>> -> memref<1x64x768xf32, #tpu.memory_space<vmem>>
    %dma_start3A_135 = tpu.memref_squeeze %dma_start3A_134 : memref<1x64x768xf32, #tpu.memory_space<vmem>> -> memref<64x768xf32, #tpu.memory_space<vmem>>
    %dma_start3A_136 = arith.constant 0 : i32
    %dma_start3A_137 = tpu.memref_slice %arg5[%dma_start3A_130, %dma_start3A_136] : memref<2x64xi32, #tpu.memory_space<vmem>> -> memref<1x64xi32, #tpu.memory_space<vmem>>
    %dma_start3A_138 = tpu.memref_squeeze %dma_start3A_137 : memref<1x64xi32, #tpu.memory_space<vmem>> -> memref<64xi32, #tpu.memory_space<vmem>>
    %dma_start3A_139 = arith.constant 0 : i32
    %dma_start3A_140 = arith.constant 0 : i32
    %dma_start3A_141 = tpu.memref_slice %arg2[%dma_start3A_139, %dma_start3A_140] : memref<65536x768xf32, #tpu.memory_space<hbm>> -> memref<65536x768xf32, #tpu.memory_space<hbm>>
    tpu.enqueue_indirect_dma source(%dma_start3A_141 : memref<65536x768xf32, #tpu.memory_space<hbm>>) target(%dma_start3A_135 : memref<64x768xf32, #tpu.memory_space<vmem>>) offsets(%dma_start3A_138 : memref<64xi32, #tpu.memory_space<vmem>>) semaphore(%arg8 : memref<!tpu.dma_semaphore, #tpu.memory_space<semaphore_mem>>)
    %dma_wait3A_142 = arith.constant 0 : i32
    %dma_wait3A_143 = arith.constant 0 : i32
    %dma_wait3A_144 = arith.constant 0 : i32
    %dma_wait3A_145 = arith.constant 0 : i32
    %dma_wait3A_146 = tpu.memref_slice %arg6[%dma_wait3A_143, %dma_wait3A_144, %dma_wait3A_145] : memref<2x64x768xf32, #tpu.memory_space<vmem>> -> memref<1x64x768xf32, #tpu.memory_space<vmem>>
    %dma_wait3A_147 = tpu.memref_squeeze %dma_wait3A_146 : memref<1x64x768xf32, #tpu.memory_space<vmem>> -> memref<64x768xf32, #tpu.memory_space<vmem>>
    %dma_wait3A_148 = arith.constant 0 : i32
    %dma_wait3A_149 = tpu.memref_slice %arg5[%dma_wait3A_142, %dma_wait3A_148] : memref<2x64xi32, #tpu.memory_space<vmem>> -> memref<1x64xi32, #tpu.memory_space<vmem>>
    %dma_wait3A_150 = tpu.memref_squeeze %dma_wait3A_149 : memref<1x64xi32, #tpu.memory_space<vmem>> -> memref<64xi32, #tpu.memory_space<vmem>>
    %dma_wait3A_151 = arith.constant 0 : i32
    %dma_wait3A_152 = arith.constant 0 : i32
    %dma_wait3A_153 = tpu.memref_slice %arg2[%dma_wait3A_151, %dma_wait3A_152] : memref<65536x768xf32, #tpu.memory_space<hbm>> -> memref<65536x768xf32, #tpu.memory_space<hbm>>
    tpu.wait_indirect_dma semaphore(%arg7 : memref<!tpu.dma_semaphore, #tpu.memory_space<semaphore_mem>>) src(%dma_wait3A_153 : memref<65536x768xf32, #tpu.memory_space<hbm>>) dst(%dma_wait3A_147 : memref<64x768xf32, #tpu.memory_space<vmem>>)
    %dma_start3A_154 = arith.constant 0 : i32
    %dma_start3A_155 = arith.constant 0 : i32
    %dma_start3A_156 = arith.constant 0 : i32
    %dma_start3A_157 = tpu.memref_slice %arg6[%dma_start3A_154, %dma_start3A_155, %dma_start3A_156] : memref<2x64x768xf32, #tpu.memory_space<vmem>> -> memref<1x64x768xf32, #tpu.memory_space<vmem>>
    %dma_start3A_158 = tpu.memref_squeeze %dma_start3A_157 : memref<1x64x768xf32, #tpu.memory_space<vmem>> -> memref<64x768xf32, #tpu.memory_space<vmem>>
    %dma_start3A_159 = arith.constant 0 : i32
    %dma_start3A_160 = tpu.memref_slice %arg4[%add3A_60, %dma_start3A_159] : memref<16384x768xf32, #tpu.memory_space<hbm>> -> memref<64x768xf32, #tpu.memory_space<hbm>>
    %dma_start3A_161 = arith.constant 0 : i32
    %dma_start3A_162 = tpu.memref_slice %arg4[%add3A_60, %dma_start3A_161] : memref<16384x768xf32, #tpu.memory_space<hbm>> -> memref<64x768xf32, #tpu.memory_space<hbm>>
    %dma_start3A_163 = arith.constant 0 : i32
    %dma_start3A_164 = arith.constant 0 : i32
    %dma_start3A_165 = tpu.memref_slice %arg6[%dma_start3A_154, %dma_start3A_163, %dma_start3A_164] : memref<2x64x768xf32, #tpu.memory_space<vmem>> -> memref<1x64x768xf32, #tpu.memory_space<vmem>>
    %dma_start3A_166 = tpu.memref_squeeze %dma_start3A_165 : memref<1x64x768xf32, #tpu.memory_space<vmem>> -> memref<64x768xf32, #tpu.memory_space<vmem>>
    tpu.enqueue_dma source(%dma_start3A_166 : memref<64x768xf32, #tpu.memory_space<vmem>>) target(%dma_start3A_162 : memref<64x768xf32, #tpu.memory_space<hbm>>) target_semaphore(%arg9 : memref<!tpu.dma_semaphore, #tpu.memory_space<semaphore_mem>>)
    %mul3A_167 = arith.constant 512 : i32
    %mul3A_168 = arith.muli %add3A, %mul3A_167 : i32
    %add3A_169 = arith.constant 256 : i32
    %add3A_170 = arith.addi %mul3A_168, %add3A_169 : i32
    %dma_wait3A_171 = arith.constant 0 : i32
    %dma_wait3A_172 = arith.constant 0 : i32
    %dma_wait3A_173 = arith.constant 0 : i32
    %dma_wait3A_174 = tpu.memref_slice %arg6[%dma_wait3A_171, %dma_wait3A_172, %dma_wait3A_173] : memref<2x64x768xf32, #tpu.memory_space<vmem>> -> memref<1x64x768xf32, #tpu.memory_space<vmem>>
    %dma_wait3A_175 = tpu.memref_squeeze %dma_wait3A_174 : memref<1x64x768xf32, #tpu.memory_space<vmem>> -> memref<64x768xf32, #tpu.memory_space<vmem>>
    %dma_wait3A_176 = arith.constant 0 : i32
    %dma_wait3A_177 = tpu.memref_slice %arg4[%add3A_60, %dma_wait3A_176] : memref<16384x768xf32, #tpu.memory_space<hbm>> -> memref<64x768xf32, #tpu.memory_space<hbm>>
    %dma_wait3A_178 = arith.constant 0 : i32
    %dma_wait3A_179 = tpu.memref_slice %arg4[%add3A_60, %dma_wait3A_178] : memref<16384x768xf32, #tpu.memory_space<hbm>> -> memref<64x768xf32, #tpu.memory_space<hbm>>
    %dma_wait3A_180 = arith.constant 0 : i32
    %dma_wait3A_181 = arith.constant 0 : i32
    %dma_wait3A_182 = tpu.memref_slice %arg6[%dma_wait3A_171, %dma_wait3A_180, %dma_wait3A_181] : memref<2x64x768xf32, #tpu.memory_space<vmem>> -> memref<1x64x768xf32, #tpu.memory_space<vmem>>
    %dma_wait3A_183 = tpu.memref_squeeze %dma_wait3A_182 : memref<1x64x768xf32, #tpu.memory_space<vmem>> -> memref<64x768xf32, #tpu.memory_space<vmem>>
    tpu.wait_dma2 semaphore(%arg9 : memref<!tpu.dma_semaphore, #tpu.memory_space<semaphore_mem>>) src(%dma_wait3A_183 : memref<64x768xf32, #tpu.memory_space<vmem>>) dst(%dma_wait3A_179 : memref<64x768xf32, #tpu.memory_space<hbm>>)
    %run_scoped3A_184 = arith.constant 0 : i32
    "tpu.region"() ({
      %run_scoped3A_438 = tpu.sem_alloc : memref<!tpu.dma_semaphore, #tpu.memory_space<semaphore_mem>>
      %dma_start3A_439 = arith.constant 0 : i32
      %dma_start3A_440 = tpu.memref_slice %arg5[%run_scoped3A_184, %dma_start3A_439] : memref<2x64xi32, #tpu.memory_space<vmem>> -> memref<1x64xi32, #tpu.memory_space<vmem>>
      %dma_start3A_441 = tpu.memref_squeeze %dma_start3A_440 : memref<1x64xi32, #tpu.memory_space<vmem>> -> memref<64xi32, #tpu.memory_space<vmem>>
      %dma_start3A_442 = tpu.memref_slice %arg3[%add3A_170] : memref<16384xi32, #tpu.memory_space<hbm>> -> memref<64xi32, #tpu.memory_space<hbm>>
      %dma_start3A_443 = arith.constant 0 : i32
      %dma_start3A_444 = tpu.memref_slice %arg5[%run_scoped3A_184, %dma_start3A_443] : memref<2x64xi32, #tpu.memory_space<vmem>> -> memref<1x64xi32, #tpu.memory_space<vmem>>
      %dma_start3A_445 = tpu.memref_squeeze %dma_start3A_444 : memref<1x64xi32, #tpu.memory_space<vmem>> -> memref<64xi32, #tpu.memory_space<vmem>>
      %dma_start3A_446 = tpu.memref_slice %arg3[%add3A_170] : memref<16384xi32, #tpu.memory_space<hbm>> -> memref<64xi32, #tpu.memory_space<hbm>>
      tpu.enqueue_dma source(%dma_start3A_446 : memref<64xi32, #tpu.memory_space<hbm>>) target(%dma_start3A_445 : memref<64xi32, #tpu.memory_space<vmem>>) target_semaphore(%run_scoped3A_438 : memref<!tpu.dma_semaphore, #tpu.memory_space<semaphore_mem>>)
      %dma_wait3A_447 = arith.constant 0 : i32
      %dma_wait3A_448 = tpu.memref_slice %arg5[%run_scoped3A_184, %dma_wait3A_447] : memref<2x64xi32, #tpu.memory_space<vmem>> -> memref<1x64xi32, #tpu.memory_space<vmem>>
      %dma_wait3A_449 = tpu.memref_squeeze %dma_wait3A_448 : memref<1x64xi32, #tpu.memory_space<vmem>> -> memref<64xi32, #tpu.memory_space<vmem>>
      %dma_wait3A_450 = tpu.memref_slice %arg3[%add3A_170] : memref<16384xi32, #tpu.memory_space<hbm>> -> memref<64xi32, #tpu.memory_space<hbm>>
      %dma_wait3A_451 = arith.constant 0 : i32
      %dma_wait3A_452 = tpu.memref_slice %arg5[%run_scoped3A_184, %dma_wait3A_451] : memref<2x64xi32, #tpu.memory_space<vmem>> -> memref<1x64xi32, #tpu.memory_space<vmem>>
      %dma_wait3A_453 = tpu.memref_squeeze %dma_wait3A_452 : memref<1x64xi32, #tpu.memory_space<vmem>> -> memref<64xi32, #tpu.memory_space<vmem>>
      %dma_wait3A_454 = tpu.memref_slice %arg3[%add3A_170] : memref<16384xi32, #tpu.memory_space<hbm>> -> memref<64xi32, #tpu.memory_space<hbm>>
      tpu.wait_dma2 semaphore(%run_scoped3A_438 : memref<!tpu.dma_semaphore, #tpu.memory_space<semaphore_mem>>) src(%dma_wait3A_454 : memref<64xi32, #tpu.memory_space<hbm>>) dst(%dma_wait3A_453 : memref<64xi32, #tpu.memory_space<vmem>>)
      tpu.yield
    }) : () -> ()
    %dma_start3A_185 = arith.constant 0 : i32
    %dma_start3A_186 = arith.constant 0 : i32
    %dma_start3A_187 = arith.constant 0 : i32
    %dma_start3A_188 = arith.constant 0 : i32
    %dma_start3A_189 = tpu.memref_slice %arg6[%dma_start3A_186, %dma_start3A_187, %dma_start3A_188] : memref<2x64x768xf32, #tpu.memory_space<vmem>> -> memref<1x64x768xf32, #tpu.memory_space<vmem>>
    %dma_start3A_190 = tpu.memref_squeeze %dma_start3A_189 : memref<1x64x768xf32, #tpu.memory_space<vmem>> -> memref<64x768xf32, #tpu.memory_space<vmem>>
    %dma_start3A_191 = arith.constant 0 : i32
    %dma_start3A_192 = tpu.memref_slice %arg5[%dma_start3A_185, %dma_start3A_191] : memref<2x64xi32, #tpu.memory_space<vmem>> -> memref<1x64xi32, #tpu.memory_space<vmem>>
    %dma_start3A_193 = tpu.memref_squeeze %dma_start3A_192 : memref<1x64xi32, #tpu.memory_space<vmem>> -> memref<64xi32, #tpu.memory_space<vmem>>
    %dma_start3A_194 = arith.constant 0 : i32
    %dma_start3A_195 = arith.constant 0 : i32
    %dma_start3A_196 = tpu.memref_slice %arg2[%dma_start3A_194, %dma_start3A_195] : memref<65536x768xf32, #tpu.memory_space<hbm>> -> memref<65536x768xf32, #tpu.memory_space<hbm>>
    tpu.enqueue_indirect_dma source(%dma_start3A_196 : memref<65536x768xf32, #tpu.memory_space<hbm>>) target(%dma_start3A_190 : memref<64x768xf32, #tpu.memory_space<vmem>>) offsets(%dma_start3A_193 : memref<64xi32, #tpu.memory_space<vmem>>) semaphore(%arg7 : memref<!tpu.dma_semaphore, #tpu.memory_space<semaphore_mem>>)
    %dma_wait3A_197 = arith.constant 1 : i32
    %dma_wait3A_198 = arith.constant 1 : i32
    %dma_wait3A_199 = arith.constant 0 : i32
    %dma_wait3A_200 = arith.constant 0 : i32
    %dma_wait3A_201 = tpu.memref_slice %arg6[%dma_wait3A_198, %dma_wait3A_199, %dma_wait3A_200] : memref<2x64x768xf32, #tpu.memory_space<vmem>> -> memref<1x64x768xf32, #tpu.memory_space<vmem>>
    %dma_wait3A_202 = tpu.memref_squeeze %dma_wait3A_201 : memref<1x64x768xf32, #tpu.memory_space<vmem>> -> memref<64x768xf32, #tpu.memory_space<vmem>>
    %dma_wait3A_203 = arith.constant 0 : i32
    %dma_wait3A_204 = tpu.memref_slice %arg5[%dma_wait3A_197, %dma_wait3A_203] : memref<2x64xi32, #tpu.memory_space<vmem>> -> memref<1x64xi32, #tpu.memory_space<vmem>>
    %dma_wait3A_205 = tpu.memref_squeeze %dma_wait3A_204 : memref<1x64xi32, #tpu.memory_space<vmem>> -> memref<64xi32, #tpu.memory_space<vmem>>
    %dma_wait3A_206 = arith.constant 0 : i32
    %dma_wait3A_207 = arith.constant 0 : i32
    %dma_wait3A_208 = tpu.memref_slice %arg2[%dma_wait3A_206, %dma_wait3A_207] : memref<65536x768xf32, #tpu.memory_space<hbm>> -> memref<65536x768xf32, #tpu.memory_space<hbm>>
    tpu.wait_indirect_dma semaphore(%arg8 : memref<!tpu.dma_semaphore, #tpu.memory_space<semaphore_mem>>) src(%dma_wait3A_208 : memref<65536x768xf32, #tpu.memory_space<hbm>>) dst(%dma_wait3A_202 : memref<64x768xf32, #tpu.memory_space<vmem>>)
    %dma_start3A_209 = arith.constant 1 : i32
    %dma_start3A_210 = arith.constant 0 : i32
    %dma_start3A_211 = arith.constant 0 : i32
    %dma_start3A_212 = tpu.memref_slice %arg6[%dma_start3A_209, %dma_start3A_210, %dma_start3A_211] : memref<2x64x768xf32, #tpu.memory_space<vmem>> -> memref<1x64x768xf32, #tpu.memory_space<vmem>>
    %dma_start3A_213 = tpu.memref_squeeze %dma_start3A_212 : memref<1x64x768xf32, #tpu.memory_space<vmem>> -> memref<64x768xf32, #tpu.memory_space<vmem>>
    %dma_start3A_214 = arith.constant 0 : i32
    %dma_start3A_215 = tpu.memref_slice %arg4[%add3A_115, %dma_start3A_214] : memref<16384x768xf32, #tpu.memory_space<hbm>> -> memref<64x768xf32, #tpu.memory_space<hbm>>
    %dma_start3A_216 = arith.constant 0 : i32
    %dma_start3A_217 = tpu.memref_slice %arg4[%add3A_115, %dma_start3A_216] : memref<16384x768xf32, #tpu.memory_space<hbm>> -> memref<64x768xf32, #tpu.memory_space<hbm>>
    %dma_start3A_218 = arith.constant 0 : i32
    %dma_start3A_219 = arith.constant 0 : i32
    %dma_start3A_220 = tpu.memref_slice %arg6[%dma_start3A_209, %dma_start3A_218, %dma_start3A_219] : memref<2x64x768xf32, #tpu.memory_space<vmem>> -> memref<1x64x768xf32, #tpu.memory_space<vmem>>
    %dma_start3A_221 = tpu.memref_squeeze %dma_start3A_220 : memref<1x64x768xf32, #tpu.memory_space<vmem>> -> memref<64x768xf32, #tpu.memory_space<vmem>>
    tpu.enqueue_dma source(%dma_start3A_221 : memref<64x768xf32, #tpu.memory_space<vmem>>) target(%dma_start3A_217 : memref<64x768xf32, #tpu.memory_space<hbm>>) target_semaphore(%arg10 : memref<!tpu.dma_semaphore, #tpu.memory_space<semaphore_mem>>)
    %mul3A_222 = arith.constant 512 : i32
    %mul3A_223 = arith.muli %add3A, %mul3A_222 : i32
    %add3A_224 = arith.constant 320 : i32
    %add3A_225 = arith.addi %mul3A_223, %add3A_224 : i32
    %dma_wait3A_226 = arith.constant 1 : i32
    %dma_wait3A_227 = arith.constant 0 : i32
    %dma_wait3A_228 = arith.constant 0 : i32
    %dma_wait3A_229 = tpu.memref_slice %arg6[%dma_wait3A_226, %dma_wait3A_227, %dma_wait3A_228] : memref<2x64x768xf32, #tpu.memory_space<vmem>> -> memref<1x64x768xf32, #tpu.memory_space<vmem>>
    %dma_wait3A_230 = tpu.memref_squeeze %dma_wait3A_229 : memref<1x64x768xf32, #tpu.memory_space<vmem>> -> memref<64x768xf32, #tpu.memory_space<vmem>>
    %dma_wait3A_231 = arith.constant 0 : i32
    %dma_wait3A_232 = tpu.memref_slice %arg4[%add3A_115, %dma_wait3A_231] : memref<16384x768xf32, #tpu.memory_space<hbm>> -> memref<64x768xf32, #tpu.memory_space<hbm>>
    %dma_wait3A_233 = arith.constant 0 : i32
    %dma_wait3A_234 = tpu.memref_slice %arg4[%add3A_115, %dma_wait3A_233] : memref<16384x768xf32, #tpu.memory_space<hbm>> -> memref<64x768xf32, #tpu.memory_space<hbm>>
    %dma_wait3A_235 = arith.constant 0 : i32
    %dma_wait3A_236 = arith.constant 0 : i32
    %dma_wait3A_237 = tpu.memref_slice %arg6[%dma_wait3A_226, %dma_wait3A_235, %dma_wait3A_236] : memref<2x64x768xf32, #tpu.memory_space<vmem>> -> memref<1x64x768xf32, #tpu.memory_space<vmem>>
    %dma_wait3A_238 = tpu.memref_squeeze %dma_wait3A_237 : memref<1x64x768xf32, #tpu.memory_space<vmem>> -> memref<64x768xf32, #tpu.memory_space<vmem>>
    tpu.wait_dma2 semaphore(%arg10 : memref<!tpu.dma_semaphore, #tpu.memory_space<semaphore_mem>>) src(%dma_wait3A_238 : memref<64x768xf32, #tpu.memory_space<vmem>>) dst(%dma_wait3A_234 : memref<64x768xf32, #tpu.memory_space<hbm>>)
    %run_scoped3A_239 = arith.constant 1 : i32
    "tpu.region"() ({
      %run_scoped3A_438 = tpu.sem_alloc : memref<!tpu.dma_semaphore, #tpu.memory_space<semaphore_mem>>
      %dma_start3A_439 = arith.constant 0 : i32
      %dma_start3A_440 = tpu.memref_slice %arg5[%run_scoped3A_239, %dma_start3A_439] : memref<2x64xi32, #tpu.memory_space<vmem>> -> memref<1x64xi32, #tpu.memory_space<vmem>>
      %dma_start3A_441 = tpu.memref_squeeze %dma_start3A_440 : memref<1x64xi32, #tpu.memory_space<vmem>> -> memref<64xi32, #tpu.memory_space<vmem>>
      %dma_start3A_442 = tpu.memref_slice %arg3[%add3A_225] : memref<16384xi32, #tpu.memory_space<hbm>> -> memref<64xi32, #tpu.memory_space<hbm>>
      %dma_start3A_443 = arith.constant 0 : i32
      %dma_start3A_444 = tpu.memref_slice %arg5[%run_scoped3A_239, %dma_start3A_443] : memref<2x64xi32, #tpu.memory_space<vmem>> -> memref<1x64xi32, #tpu.memory_space<vmem>>
      %dma_start3A_445 = tpu.memref_squeeze %dma_start3A_444 : memref<1x64xi32, #tpu.memory_space<vmem>> -> memref<64xi32, #tpu.memory_space<vmem>>
      %dma_start3A_446 = tpu.memref_slice %arg3[%add3A_225] : memref<16384xi32, #tpu.memory_space<hbm>> -> memref<64xi32, #tpu.memory_space<hbm>>
      tpu.enqueue_dma source(%dma_start3A_446 : memref<64xi32, #tpu.memory_space<hbm>>) target(%dma_start3A_445 : memref<64xi32, #tpu.memory_space<vmem>>) target_semaphore(%run_scoped3A_438 : memref<!tpu.dma_semaphore, #tpu.memory_space<semaphore_mem>>)
      %dma_wait3A_447 = arith.constant 0 : i32
      %dma_wait3A_448 = tpu.memref_slice %arg5[%run_scoped3A_239, %dma_wait3A_447] : memref<2x64xi32, #tpu.memory_space<vmem>> -> memref<1x64xi32, #tpu.memory_space<vmem>>
      %dma_wait3A_449 = tpu.memref_squeeze %dma_wait3A_448 : memref<1x64xi32, #tpu.memory_space<vmem>> -> memref<64xi32, #tpu.memory_space<vmem>>
      %dma_wait3A_450 = tpu.memref_slice %arg3[%add3A_225] : memref<16384xi32, #tpu.memory_space<hbm>> -> memref<64xi32, #tpu.memory_space<hbm>>
      %dma_wait3A_451 = arith.constant 0 : i32
      %dma_wait3A_452 = tpu.memref_slice %arg5[%run_scoped3A_239, %dma_wait3A_451] : memref<2x64xi32, #tpu.memory_space<vmem>> -> memref<1x64xi32, #tpu.memory_space<vmem>>
      %dma_wait3A_453 = tpu.memref_squeeze %dma_wait3A_452 : memref<1x64xi32, #tpu.memory_space<vmem>> -> memref<64xi32, #tpu.memory_space<vmem>>
      %dma_wait3A_454 = tpu.memref_slice %arg3[%add3A_225] : memref<16384xi32, #tpu.memory_space<hbm>> -> memref<64xi32, #tpu.memory_space<hbm>>
      tpu.wait_dma2 semaphore(%run_scoped3A_438 : memref<!tpu.dma_semaphore, #tpu.memory_space<semaphore_mem>>) src(%dma_wait3A_454 : memref<64xi32, #tpu.memory_space<hbm>>) dst(%dma_wait3A_453 : memref<64xi32, #tpu.memory_space<vmem>>)
      tpu.yield
    }) : () -> ()
    %dma_start3A_240 = arith.constant 1 : i32
    %dma_start3A_241 = arith.constant 1 : i32
    %dma_start3A_242 = arith.constant 0 : i32
    %dma_start3A_243 = arith.constant 0 : i32
    %dma_start3A_244 = tpu.memref_slice %arg6[%dma_start3A_241, %dma_start3A_242, %dma_start3A_243] : memref<2x64x768xf32, #tpu.memory_space<vmem>> -> memref<1x64x768xf32, #tpu.memory_space<vmem>>
    %dma_start3A_245 = tpu.memref_squeeze %dma_start3A_244 : memref<1x64x768xf32, #tpu.memory_space<vmem>> -> memref<64x768xf32, #tpu.memory_space<vmem>>
    %dma_start3A_246 = arith.constant 0 : i32
    %dma_start3A_247 = tpu.memref_slice %arg5[%dma_start3A_240, %dma_start3A_246] : memref<2x64xi32, #tpu.memory_space<vmem>> -> memref<1x64xi32, #tpu.memory_space<vmem>>
    %dma_start3A_248 = tpu.memref_squeeze %dma_start3A_247 : memref<1x64xi32, #tpu.memory_space<vmem>> -> memref<64xi32, #tpu.memory_space<vmem>>
    %dma_start3A_249 = arith.constant 0 : i32
    %dma_start3A_250 = arith.constant 0 : i32
    %dma_start3A_251 = tpu.memref_slice %arg2[%dma_start3A_249, %dma_start3A_250] : memref<65536x768xf32, #tpu.memory_space<hbm>> -> memref<65536x768xf32, #tpu.memory_space<hbm>>
    tpu.enqueue_indirect_dma source(%dma_start3A_251 : memref<65536x768xf32, #tpu.memory_space<hbm>>) target(%dma_start3A_245 : memref<64x768xf32, #tpu.memory_space<vmem>>) offsets(%dma_start3A_248 : memref<64xi32, #tpu.memory_space<vmem>>) semaphore(%arg8 : memref<!tpu.dma_semaphore, #tpu.memory_space<semaphore_mem>>)
    %dma_wait3A_252 = arith.constant 0 : i32
    %dma_wait3A_253 = arith.constant 0 : i32
    %dma_wait3A_254 = arith.constant 0 : i32
    %dma_wait3A_255 = arith.constant 0 : i32
    %dma_wait3A_256 = tpu.memref_slice %arg6[%dma_wait3A_253, %dma_wait3A_254, %dma_wait3A_255] : memref<2x64x768xf32, #tpu.memory_space<vmem>> -> memref<1x64x768xf32, #tpu.memory_space<vmem>>
    %dma_wait3A_257 = tpu.memref_squeeze %dma_wait3A_256 : memref<1x64x768xf32, #tpu.memory_space<vmem>> -> memref<64x768xf32, #tpu.memory_space<vmem>>
    %dma_wait3A_258 = arith.constant 0 : i32
    %dma_wait3A_259 = tpu.memref_slice %arg5[%dma_wait3A_252, %dma_wait3A_258] : memref<2x64xi32, #tpu.memory_space<vmem>> -> memref<1x64xi32, #tpu.memory_space<vmem>>
    %dma_wait3A_260 = tpu.memref_squeeze %dma_wait3A_259 : memref<1x64xi32, #tpu.memory_space<vmem>> -> memref<64xi32, #tpu.memory_space<vmem>>
    %dma_wait3A_261 = arith.constant 0 : i32
    %dma_wait3A_262 = arith.constant 0 : i32
    %dma_wait3A_263 = tpu.memref_slice %arg2[%dma_wait3A_261, %dma_wait3A_262] : memref<65536x768xf32, #tpu.memory_space<hbm>> -> memref<65536x768xf32, #tpu.memory_space<hbm>>
    tpu.wait_indirect_dma semaphore(%arg7 : memref<!tpu.dma_semaphore, #tpu.memory_space<semaphore_mem>>) src(%dma_wait3A_263 : memref<65536x768xf32, #tpu.memory_space<hbm>>) dst(%dma_wait3A_257 : memref<64x768xf32, #tpu.memory_space<vmem>>)
    %dma_start3A_264 = arith.constant 0 : i32
    %dma_start3A_265 = arith.constant 0 : i32
    %dma_start3A_266 = arith.constant 0 : i32
    %dma_start3A_267 = tpu.memref_slice %arg6[%dma_start3A_264, %dma_start3A_265, %dma_start3A_266] : memref<2x64x768xf32, #tpu.memory_space<vmem>> -> memref<1x64x768xf32, #tpu.memory_space<vmem>>
    %dma_start3A_268 = tpu.memref_squeeze %dma_start3A_267 : memref<1x64x768xf32, #tpu.memory_space<vmem>> -> memref<64x768xf32, #tpu.memory_space<vmem>>
    %dma_start3A_269 = arith.constant 0 : i32
    %dma_start3A_270 = tpu.memref_slice %arg4[%add3A_170, %dma_start3A_269] : memref<16384x768xf32, #tpu.memory_space<hbm>> -> memref<64x768xf32, #tpu.memory_space<hbm>>
    %dma_start3A_271 = arith.constant 0 : i32
    %dma_start3A_272 = tpu.memref_slice %arg4[%add3A_170, %dma_start3A_271] : memref<16384x768xf32, #tpu.memory_space<hbm>> -> memref<64x768xf32, #tpu.memory_space<hbm>>
    %dma_start3A_273 = arith.constant 0 : i32
    %dma_start3A_274 = arith.constant 0 : i32
    %dma_start3A_275 = tpu.memref_slice %arg6[%dma_start3A_264, %dma_start3A_273, %dma_start3A_274] : memref<2x64x768xf32, #tpu.memory_space<vmem>> -> memref<1x64x768xf32, #tpu.memory_space<vmem>>
    %dma_start3A_276 = tpu.memref_squeeze %dma_start3A_275 : memref<1x64x768xf32, #tpu.memory_space<vmem>> -> memref<64x768xf32, #tpu.memory_space<vmem>>
    tpu.enqueue_dma source(%dma_start3A_276 : memref<64x768xf32, #tpu.memory_space<vmem>>) target(%dma_start3A_272 : memref<64x768xf32, #tpu.memory_space<hbm>>) target_semaphore(%arg9 : memref<!tpu.dma_semaphore, #tpu.memory_space<semaphore_mem>>)
    %mul3A_277 = arith.constant 512 : i32
    %mul3A_278 = arith.muli %add3A, %mul3A_277 : i32
    %add3A_279 = arith.constant 384 : i32
    %add3A_280 = arith.addi %mul3A_278, %add3A_279 : i32
    %dma_wait3A_281 = arith.constant 0 : i32
    %dma_wait3A_282 = arith.constant 0 : i32
    %dma_wait3A_283 = arith.constant 0 : i32
    %dma_wait3A_284 = tpu.memref_slice %arg6[%dma_wait3A_281, %dma_wait3A_282, %dma_wait3A_283] : memref<2x64x768xf32, #tpu.memory_space<vmem>> -> memref<1x64x768xf32, #tpu.memory_space<vmem>>
    %dma_wait3A_285 = tpu.memref_squeeze %dma_wait3A_284 : memref<1x64x768xf32, #tpu.memory_space<vmem>> -> memref<64x768xf32, #tpu.memory_space<vmem>>
    %dma_wait3A_286 = arith.constant 0 : i32
    %dma_wait3A_287 = tpu.memref_slice %arg4[%add3A_170, %dma_wait3A_286] : memref<16384x768xf32, #tpu.memory_space<hbm>> -> memref<64x768xf32, #tpu.memory_space<hbm>>
    %dma_wait3A_288 = arith.constant 0 : i32
    %dma_wait3A_289 = tpu.memref_slice %arg4[%add3A_170, %dma_wait3A_288] : memref<16384x768xf32, #tpu.memory_space<hbm>> -> memref<64x768xf32, #tpu.memory_space<hbm>>
    %dma_wait3A_290 = arith.constant 0 : i32
    %dma_wait3A_291 = arith.constant 0 : i32
    %dma_wait3A_292 = tpu.memref_slice %arg6[%dma_wait3A_281, %dma_wait3A_290, %dma_wait3A_291] : memref<2x64x768xf32, #tpu.memory_space<vmem>> -> memref<1x64x768xf32, #tpu.memory_space<vmem>>
    %dma_wait3A_293 = tpu.memref_squeeze %dma_wait3A_292 : memref<1x64x768xf32, #tpu.memory_space<vmem>> -> memref<64x768xf32, #tpu.memory_space<vmem>>
    tpu.wait_dma2 semaphore(%arg9 : memref<!tpu.dma_semaphore, #tpu.memory_space<semaphore_mem>>) src(%dma_wait3A_293 : memref<64x768xf32, #tpu.memory_space<vmem>>) dst(%dma_wait3A_289 : memref<64x768xf32, #tpu.memory_space<hbm>>)
    %run_scoped3A_294 = arith.constant 0 : i32
    "tpu.region"() ({
      %run_scoped3A_438 = tpu.sem_alloc : memref<!tpu.dma_semaphore, #tpu.memory_space<semaphore_mem>>
      %dma_start3A_439 = arith.constant 0 : i32
      %dma_start3A_440 = tpu.memref_slice %arg5[%run_scoped3A_294, %dma_start3A_439] : memref<2x64xi32, #tpu.memory_space<vmem>> -> memref<1x64xi32, #tpu.memory_space<vmem>>
      %dma_start3A_441 = tpu.memref_squeeze %dma_start3A_440 : memref<1x64xi32, #tpu.memory_space<vmem>> -> memref<64xi32, #tpu.memory_space<vmem>>
      %dma_start3A_442 = tpu.memref_slice %arg3[%add3A_280] : memref<16384xi32, #tpu.memory_space<hbm>> -> memref<64xi32, #tpu.memory_space<hbm>>
      %dma_start3A_443 = arith.constant 0 : i32
      %dma_start3A_444 = tpu.memref_slice %arg5[%run_scoped3A_294, %dma_start3A_443] : memref<2x64xi32, #tpu.memory_space<vmem>> -> memref<1x64xi32, #tpu.memory_space<vmem>>
      %dma_start3A_445 = tpu.memref_squeeze %dma_start3A_444 : memref<1x64xi32, #tpu.memory_space<vmem>> -> memref<64xi32, #tpu.memory_space<vmem>>
      %dma_start3A_446 = tpu.memref_slice %arg3[%add3A_280] : memref<16384xi32, #tpu.memory_space<hbm>> -> memref<64xi32, #tpu.memory_space<hbm>>
      tpu.enqueue_dma source(%dma_start3A_446 : memref<64xi32, #tpu.memory_space<hbm>>) target(%dma_start3A_445 : memref<64xi32, #tpu.memory_space<vmem>>) target_semaphore(%run_scoped3A_438 : memref<!tpu.dma_semaphore, #tpu.memory_space<semaphore_mem>>)
      %dma_wait3A_447 = arith.constant 0 : i32
      %dma_wait3A_448 = tpu.memref_slice %arg5[%run_scoped3A_294, %dma_wait3A_447] : memref<2x64xi32, #tpu.memory_space<vmem>> -> memref<1x64xi32, #tpu.memory_space<vmem>>
      %dma_wait3A_449 = tpu.memref_squeeze %dma_wait3A_448 : memref<1x64xi32, #tpu.memory_space<vmem>> -> memref<64xi32, #tpu.memory_space<vmem>>
      %dma_wait3A_450 = tpu.memref_slice %arg3[%add3A_280] : memref<16384xi32, #tpu.memory_space<hbm>> -> memref<64xi32, #tpu.memory_space<hbm>>
      %dma_wait3A_451 = arith.constant 0 : i32
      %dma_wait3A_452 = tpu.memref_slice %arg5[%run_scoped3A_294, %dma_wait3A_451] : memref<2x64xi32, #tpu.memory_space<vmem>> -> memref<1x64xi32, #tpu.memory_space<vmem>>
      %dma_wait3A_453 = tpu.memref_squeeze %dma_wait3A_452 : memref<1x64xi32, #tpu.memory_space<vmem>> -> memref<64xi32, #tpu.memory_space<vmem>>
      %dma_wait3A_454 = tpu.memref_slice %arg3[%add3A_280] : memref<16384xi32, #tpu.memory_space<hbm>> -> memref<64xi32, #tpu.memory_space<hbm>>
      tpu.wait_dma2 semaphore(%run_scoped3A_438 : memref<!tpu.dma_semaphore, #tpu.memory_space<semaphore_mem>>) src(%dma_wait3A_454 : memref<64xi32, #tpu.memory_space<hbm>>) dst(%dma_wait3A_453 : memref<64xi32, #tpu.memory_space<vmem>>)
      tpu.yield
    }) : () -> ()
    %dma_start3A_295 = arith.constant 0 : i32
    %dma_start3A_296 = arith.constant 0 : i32
    %dma_start3A_297 = arith.constant 0 : i32
    %dma_start3A_298 = arith.constant 0 : i32
    %dma_start3A_299 = tpu.memref_slice %arg6[%dma_start3A_296, %dma_start3A_297, %dma_start3A_298] : memref<2x64x768xf32, #tpu.memory_space<vmem>> -> memref<1x64x768xf32, #tpu.memory_space<vmem>>
    %dma_start3A_300 = tpu.memref_squeeze %dma_start3A_299 : memref<1x64x768xf32, #tpu.memory_space<vmem>> -> memref<64x768xf32, #tpu.memory_space<vmem>>
    %dma_start3A_301 = arith.constant 0 : i32
    %dma_start3A_302 = tpu.memref_slice %arg5[%dma_start3A_295, %dma_start3A_301] : memref<2x64xi32, #tpu.memory_space<vmem>> -> memref<1x64xi32, #tpu.memory_space<vmem>>
    %dma_start3A_303 = tpu.memref_squeeze %dma_start3A_302 : memref<1x64xi32, #tpu.memory_space<vmem>> -> memref<64xi32, #tpu.memory_space<vmem>>
    %dma_start3A_304 = arith.constant 0 : i32
    %dma_start3A_305 = arith.constant 0 : i32
    %dma_start3A_306 = tpu.memref_slice %arg2[%dma_start3A_304, %dma_start3A_305] : memref<65536x768xf32, #tpu.memory_space<hbm>> -> memref<65536x768xf32, #tpu.memory_space<hbm>>
    tpu.enqueue_indirect_dma source(%dma_start3A_306 : memref<65536x768xf32, #tpu.memory_space<hbm>>) target(%dma_start3A_300 : memref<64x768xf32, #tpu.memory_space<vmem>>) offsets(%dma_start3A_303 : memref<64xi32, #tpu.memory_space<vmem>>) semaphore(%arg7 : memref<!tpu.dma_semaphore, #tpu.memory_space<semaphore_mem>>)
    %dma_wait3A_307 = arith.constant 1 : i32
    %dma_wait3A_308 = arith.constant 1 : i32
    %dma_wait3A_309 = arith.constant 0 : i32
    %dma_wait3A_310 = arith.constant 0 : i32
    %dma_wait3A_311 = tpu.memref_slice %arg6[%dma_wait3A_308, %dma_wait3A_309, %dma_wait3A_310] : memref<2x64x768xf32, #tpu.memory_space<vmem>> -> memref<1x64x768xf32, #tpu.memory_space<vmem>>
    %dma_wait3A_312 = tpu.memref_squeeze %dma_wait3A_311 : memref<1x64x768xf32, #tpu.memory_space<vmem>> -> memref<64x768xf32, #tpu.memory_space<vmem>>
    %dma_wait3A_313 = arith.constant 0 : i32
    %dma_wait3A_314 = tpu.memref_slice %arg5[%dma_wait3A_307, %dma_wait3A_313] : memref<2x64xi32, #tpu.memory_space<vmem>> -> memref<1x64xi32, #tpu.memory_space<vmem>>
    %dma_wait3A_315 = tpu.memref_squeeze %dma_wait3A_314 : memref<1x64xi32, #tpu.memory_space<vmem>> -> memref<64xi32, #tpu.memory_space<vmem>>
    %dma_wait3A_316 = arith.constant 0 : i32
    %dma_wait3A_317 = arith.constant 0 : i32
    %dma_wait3A_318 = tpu.memref_slice %arg2[%dma_wait3A_316, %dma_wait3A_317] : memref<65536x768xf32, #tpu.memory_space<hbm>> -> memref<65536x768xf32, #tpu.memory_space<hbm>>
    tpu.wait_indirect_dma semaphore(%arg8 : memref<!tpu.dma_semaphore, #tpu.memory_space<semaphore_mem>>) src(%dma_wait3A_318 : memref<65536x768xf32, #tpu.memory_space<hbm>>) dst(%dma_wait3A_312 : memref<64x768xf32, #tpu.memory_space<vmem>>)
    %dma_start3A_319 = arith.constant 1 : i32
    %dma_start3A_320 = arith.constant 0 : i32
    %dma_start3A_321 = arith.constant 0 : i32
    %dma_start3A_322 = tpu.memref_slice %arg6[%dma_start3A_319, %dma_start3A_320, %dma_start3A_321] : memref<2x64x768xf32, #tpu.memory_space<vmem>> -> memref<1x64x768xf32, #tpu.memory_space<vmem>>
    %dma_start3A_323 = tpu.memref_squeeze %dma_start3A_322 : memref<1x64x768xf32, #tpu.memory_space<vmem>> -> memref<64x768xf32, #tpu.memory_space<vmem>>
    %dma_start3A_324 = arith.constant 0 : i32
    %dma_start3A_325 = tpu.memref_slice %arg4[%add3A_225, %dma_start3A_324] : memref<16384x768xf32, #tpu.memory_space<hbm>> -> memref<64x768xf32, #tpu.memory_space<hbm>>
    %dma_start3A_326 = arith.constant 0 : i32
    %dma_start3A_327 = tpu.memref_slice %arg4[%add3A_225, %dma_start3A_326] : memref<16384x768xf32, #tpu.memory_space<hbm>> -> memref<64x768xf32, #tpu.memory_space<hbm>>
    %dma_start3A_328 = arith.constant 0 : i32
    %dma_start3A_329 = arith.constant 0 : i32
    %dma_start3A_330 = tpu.memref_slice %arg6[%dma_start3A_319, %dma_start3A_328, %dma_start3A_329] : memref<2x64x768xf32, #tpu.memory_space<vmem>> -> memref<1x64x768xf32, #tpu.memory_space<vmem>>
    %dma_start3A_331 = tpu.memref_squeeze %dma_start3A_330 : memref<1x64x768xf32, #tpu.memory_space<vmem>> -> memref<64x768xf32, #tpu.memory_space<vmem>>
    tpu.enqueue_dma source(%dma_start3A_331 : memref<64x768xf32, #tpu.memory_space<vmem>>) target(%dma_start3A_327 : memref<64x768xf32, #tpu.memory_space<hbm>>) target_semaphore(%arg10 : memref<!tpu.dma_semaphore, #tpu.memory_space<semaphore_mem>>)
    %mul3A_332 = arith.constant 512 : i32
    %mul3A_333 = arith.muli %add3A, %mul3A_332 : i32
    %add3A_334 = arith.constant 448 : i32
    %add3A_335 = arith.addi %mul3A_333, %add3A_334 : i32
    %dma_wait3A_336 = arith.constant 1 : i32
    %dma_wait3A_337 = arith.constant 0 : i32
    %dma_wait3A_338 = arith.constant 0 : i32
    %dma_wait3A_339 = tpu.memref_slice %arg6[%dma_wait3A_336, %dma_wait3A_337, %dma_wait3A_338] : memref<2x64x768xf32, #tpu.memory_space<vmem>> -> memref<1x64x768xf32, #tpu.memory_space<vmem>>
    %dma_wait3A_340 = tpu.memref_squeeze %dma_wait3A_339 : memref<1x64x768xf32, #tpu.memory_space<vmem>> -> memref<64x768xf32, #tpu.memory_space<vmem>>
    %dma_wait3A_341 = arith.constant 0 : i32
    %dma_wait3A_342 = tpu.memref_slice %arg4[%add3A_225, %dma_wait3A_341] : memref<16384x768xf32, #tpu.memory_space<hbm>> -> memref<64x768xf32, #tpu.memory_space<hbm>>
    %dma_wait3A_343 = arith.constant 0 : i32
    %dma_wait3A_344 = tpu.memref_slice %arg4[%add3A_225, %dma_wait3A_343] : memref<16384x768xf32, #tpu.memory_space<hbm>> -> memref<64x768xf32, #tpu.memory_space<hbm>>
    %dma_wait3A_345 = arith.constant 0 : i32
    %dma_wait3A_346 = arith.constant 0 : i32
    %dma_wait3A_347 = tpu.memref_slice %arg6[%dma_wait3A_336, %dma_wait3A_345, %dma_wait3A_346] : memref<2x64x768xf32, #tpu.memory_space<vmem>> -> memref<1x64x768xf32, #tpu.memory_space<vmem>>
    %dma_wait3A_348 = tpu.memref_squeeze %dma_wait3A_347 : memref<1x64x768xf32, #tpu.memory_space<vmem>> -> memref<64x768xf32, #tpu.memory_space<vmem>>
    tpu.wait_dma2 semaphore(%arg10 : memref<!tpu.dma_semaphore, #tpu.memory_space<semaphore_mem>>) src(%dma_wait3A_348 : memref<64x768xf32, #tpu.memory_space<vmem>>) dst(%dma_wait3A_344 : memref<64x768xf32, #tpu.memory_space<hbm>>)
    %run_scoped3A_349 = arith.constant 1 : i32
    "tpu.region"() ({
      %run_scoped3A_438 = tpu.sem_alloc : memref<!tpu.dma_semaphore, #tpu.memory_space<semaphore_mem>>
      %dma_start3A_439 = arith.constant 0 : i32
      %dma_start3A_440 = tpu.memref_slice %arg5[%run_scoped3A_349, %dma_start3A_439] : memref<2x64xi32, #tpu.memory_space<vmem>> -> memref<1x64xi32, #tpu.memory_space<vmem>>
      %dma_start3A_441 = tpu.memref_squeeze %dma_start3A_440 : memref<1x64xi32, #tpu.memory_space<vmem>> -> memref<64xi32, #tpu.memory_space<vmem>>
      %dma_start3A_442 = tpu.memref_slice %arg3[%add3A_335] : memref<16384xi32, #tpu.memory_space<hbm>> -> memref<64xi32, #tpu.memory_space<hbm>>
      %dma_start3A_443 = arith.constant 0 : i32
      %dma_start3A_444 = tpu.memref_slice %arg5[%run_scoped3A_349, %dma_start3A_443] : memref<2x64xi32, #tpu.memory_space<vmem>> -> memref<1x64xi32, #tpu.memory_space<vmem>>
      %dma_start3A_445 = tpu.memref_squeeze %dma_start3A_444 : memref<1x64xi32, #tpu.memory_space<vmem>> -> memref<64xi32, #tpu.memory_space<vmem>>
      %dma_start3A_446 = tpu.memref_slice %arg3[%add3A_335] : memref<16384xi32, #tpu.memory_space<hbm>> -> memref<64xi32, #tpu.memory_space<hbm>>
      tpu.enqueue_dma source(%dma_start3A_446 : memref<64xi32, #tpu.memory_space<hbm>>) target(%dma_start3A_445 : memref<64xi32, #tpu.memory_space<vmem>>) target_semaphore(%run_scoped3A_438 : memref<!tpu.dma_semaphore, #tpu.memory_space<semaphore_mem>>)
      %dma_wait3A_447 = arith.constant 0 : i32
      %dma_wait3A_448 = tpu.memref_slice %arg5[%run_scoped3A_349, %dma_wait3A_447] : memref<2x64xi32, #tpu.memory_space<vmem>> -> memref<1x64xi32, #tpu.memory_space<vmem>>
      %dma_wait3A_449 = tpu.memref_squeeze %dma_wait3A_448 : memref<1x64xi32, #tpu.memory_space<vmem>> -> memref<64xi32, #tpu.memory_space<vmem>>
      %dma_wait3A_450 = tpu.memref_slice %arg3[%add3A_335] : memref<16384xi32, #tpu.memory_space<hbm>> -> memref<64xi32, #tpu.memory_space<hbm>>
      %dma_wait3A_451 = arith.constant 0 : i32
      %dma_wait3A_452 = tpu.memref_slice %arg5[%run_scoped3A_349, %dma_wait3A_451] : memref<2x64xi32, #tpu.memory_space<vmem>> -> memref<1x64xi32, #tpu.memory_space<vmem>>
      %dma_wait3A_453 = tpu.memref_squeeze %dma_wait3A_452 : memref<1x64xi32, #tpu.memory_space<vmem>> -> memref<64xi32, #tpu.memory_space<vmem>>
      %dma_wait3A_454 = tpu.memref_slice %arg3[%add3A_335] : memref<16384xi32, #tpu.memory_space<hbm>> -> memref<64xi32, #tpu.memory_space<hbm>>
      tpu.wait_dma2 semaphore(%run_scoped3A_438 : memref<!tpu.dma_semaphore, #tpu.memory_space<semaphore_mem>>) src(%dma_wait3A_454 : memref<64xi32, #tpu.memory_space<hbm>>) dst(%dma_wait3A_453 : memref<64xi32, #tpu.memory_space<vmem>>)
      tpu.yield
    }) : () -> ()
    %dma_start3A_350 = arith.constant 1 : i32
    %dma_start3A_351 = arith.constant 1 : i32
    %dma_start3A_352 = arith.constant 0 : i32
    %dma_start3A_353 = arith.constant 0 : i32
    %dma_start3A_354 = tpu.memref_slice %arg6[%dma_start3A_351, %dma_start3A_352, %dma_start3A_353] : memref<2x64x768xf32, #tpu.memory_space<vmem>> -> memref<1x64x768xf32, #tpu.memory_space<vmem>>
    %dma_start3A_355 = tpu.memref_squeeze %dma_start3A_354 : memref<1x64x768xf32, #tpu.memory_space<vmem>> -> memref<64x768xf32, #tpu.memory_space<vmem>>
    %dma_start3A_356 = arith.constant 0 : i32
    %dma_start3A_357 = tpu.memref_slice %arg5[%dma_start3A_350, %dma_start3A_356] : memref<2x64xi32, #tpu.memory_space<vmem>> -> memref<1x64xi32, #tpu.memory_space<vmem>>
    %dma_start3A_358 = tpu.memref_squeeze %dma_start3A_357 : memref<1x64xi32, #tpu.memory_space<vmem>> -> memref<64xi32, #tpu.memory_space<vmem>>
    %dma_start3A_359 = arith.constant 0 : i32
    %dma_start3A_360 = arith.constant 0 : i32
    %dma_start3A_361 = tpu.memref_slice %arg2[%dma_start3A_359, %dma_start3A_360] : memref<65536x768xf32, #tpu.memory_space<hbm>> -> memref<65536x768xf32, #tpu.memory_space<hbm>>
    tpu.enqueue_indirect_dma source(%dma_start3A_361 : memref<65536x768xf32, #tpu.memory_space<hbm>>) target(%dma_start3A_355 : memref<64x768xf32, #tpu.memory_space<vmem>>) offsets(%dma_start3A_358 : memref<64xi32, #tpu.memory_space<vmem>>) semaphore(%arg8 : memref<!tpu.dma_semaphore, #tpu.memory_space<semaphore_mem>>)
    %dma_wait3A_362 = arith.constant 0 : i32
    %dma_wait3A_363 = arith.constant 0 : i32
    %dma_wait3A_364 = arith.constant 0 : i32
    %dma_wait3A_365 = arith.constant 0 : i32
    %dma_wait3A_366 = tpu.memref_slice %arg6[%dma_wait3A_363, %dma_wait3A_364, %dma_wait3A_365] : memref<2x64x768xf32, #tpu.memory_space<vmem>> -> memref<1x64x768xf32, #tpu.memory_space<vmem>>
    %dma_wait3A_367 = tpu.memref_squeeze %dma_wait3A_366 : memref<1x64x768xf32, #tpu.memory_space<vmem>> -> memref<64x768xf32, #tpu.memory_space<vmem>>
    %dma_wait3A_368 = arith.constant 0 : i32
    %dma_wait3A_369 = tpu.memref_slice %arg5[%dma_wait3A_362, %dma_wait3A_368] : memref<2x64xi32, #tpu.memory_space<vmem>> -> memref<1x64xi32, #tpu.memory_space<vmem>>
    %dma_wait3A_370 = tpu.memref_squeeze %dma_wait3A_369 : memref<1x64xi32, #tpu.memory_space<vmem>> -> memref<64xi32, #tpu.memory_space<vmem>>
    %dma_wait3A_371 = arith.constant 0 : i32
    %dma_wait3A_372 = arith.constant 0 : i32
    %dma_wait3A_373 = tpu.memref_slice %arg2[%dma_wait3A_371, %dma_wait3A_372] : memref<65536x768xf32, #tpu.memory_space<hbm>> -> memref<65536x768xf32, #tpu.memory_space<hbm>>
    tpu.wait_indirect_dma semaphore(%arg7 : memref<!tpu.dma_semaphore, #tpu.memory_space<semaphore_mem>>) src(%dma_wait3A_373 : memref<65536x768xf32, #tpu.memory_space<hbm>>) dst(%dma_wait3A_367 : memref<64x768xf32, #tpu.memory_space<vmem>>)
    %dma_start3A_374 = arith.constant 0 : i32
    %dma_start3A_375 = arith.constant 0 : i32
    %dma_start3A_376 = arith.constant 0 : i32
    %dma_start3A_377 = tpu.memref_slice %arg6[%dma_start3A_374, %dma_start3A_375, %dma_start3A_376] : memref<2x64x768xf32, #tpu.memory_space<vmem>> -> memref<1x64x768xf32, #tpu.memory_space<vmem>>
    %dma_start3A_378 = tpu.memref_squeeze %dma_start3A_377 : memref<1x64x768xf32, #tpu.memory_space<vmem>> -> memref<64x768xf32, #tpu.memory_space<vmem>>
    %dma_start3A_379 = arith.constant 0 : i32
    %dma_start3A_380 = tpu.memref_slice %arg4[%add3A_280, %dma_start3A_379] : memref<16384x768xf32, #tpu.memory_space<hbm>> -> memref<64x768xf32, #tpu.memory_space<hbm>>
    %dma_start3A_381 = arith.constant 0 : i32
    %dma_start3A_382 = tpu.memref_slice %arg4[%add3A_280, %dma_start3A_381] : memref<16384x768xf32, #tpu.memory_space<hbm>> -> memref<64x768xf32, #tpu.memory_space<hbm>>
    %dma_start3A_383 = arith.constant 0 : i32
    %dma_start3A_384 = arith.constant 0 : i32
    %dma_start3A_385 = tpu.memref_slice %arg6[%dma_start3A_374, %dma_start3A_383, %dma_start3A_384] : memref<2x64x768xf32, #tpu.memory_space<vmem>> -> memref<1x64x768xf32, #tpu.memory_space<vmem>>
    %dma_start3A_386 = tpu.memref_squeeze %dma_start3A_385 : memref<1x64x768xf32, #tpu.memory_space<vmem>> -> memref<64x768xf32, #tpu.memory_space<vmem>>
    tpu.enqueue_dma source(%dma_start3A_386 : memref<64x768xf32, #tpu.memory_space<vmem>>) target(%dma_start3A_382 : memref<64x768xf32, #tpu.memory_space<hbm>>) target_semaphore(%arg9 : memref<!tpu.dma_semaphore, #tpu.memory_space<semaphore_mem>>)
    %dma_wait3A_387 = arith.constant 1 : i32
    %dma_wait3A_388 = arith.constant 1 : i32
    %dma_wait3A_389 = arith.constant 0 : i32
    %dma_wait3A_390 = arith.constant 0 : i32
    %dma_wait3A_391 = tpu.memref_slice %arg6[%dma_wait3A_388, %dma_wait3A_389, %dma_wait3A_390] : memref<2x64x768xf32, #tpu.memory_space<vmem>> -> memref<1x64x768xf32, #tpu.memory_space<vmem>>
    %dma_wait3A_392 = tpu.memref_squeeze %dma_wait3A_391 : memref<1x64x768xf32, #tpu.memory_space<vmem>> -> memref<64x768xf32, #tpu.memory_space<vmem>>
    %dma_wait3A_393 = arith.constant 0 : i32
    %dma_wait3A_394 = tpu.memref_slice %arg5[%dma_wait3A_387, %dma_wait3A_393] : memref<2x64xi32, #tpu.memory_space<vmem>> -> memref<1x64xi32, #tpu.memory_space<vmem>>
    %dma_wait3A_395 = tpu.memref_squeeze %dma_wait3A_394 : memref<1x64xi32, #tpu.memory_space<vmem>> -> memref<64xi32, #tpu.memory_space<vmem>>
    %dma_wait3A_396 = arith.constant 0 : i32
    %dma_wait3A_397 = arith.constant 0 : i32
    %dma_wait3A_398 = tpu.memref_slice %arg2[%dma_wait3A_396, %dma_wait3A_397] : memref<65536x768xf32, #tpu.memory_space<hbm>> -> memref<65536x768xf32, #tpu.memory_space<hbm>>
    tpu.wait_indirect_dma semaphore(%arg8 : memref<!tpu.dma_semaphore, #tpu.memory_space<semaphore_mem>>) src(%dma_wait3A_398 : memref<65536x768xf32, #tpu.memory_space<hbm>>) dst(%dma_wait3A_392 : memref<64x768xf32, #tpu.memory_space<vmem>>)
    %dma_start3A_399 = arith.constant 1 : i32
    %dma_start3A_400 = arith.constant 0 : i32
    %dma_start3A_401 = arith.constant 0 : i32
    %dma_start3A_402 = tpu.memref_slice %arg6[%dma_start3A_399, %dma_start3A_400, %dma_start3A_401] : memref<2x64x768xf32, #tpu.memory_space<vmem>> -> memref<1x64x768xf32, #tpu.memory_space<vmem>>
    %dma_start3A_403 = tpu.memref_squeeze %dma_start3A_402 : memref<1x64x768xf32, #tpu.memory_space<vmem>> -> memref<64x768xf32, #tpu.memory_space<vmem>>
    %dma_start3A_404 = arith.constant 0 : i32
    %dma_start3A_405 = tpu.memref_slice %arg4[%add3A_335, %dma_start3A_404] : memref<16384x768xf32, #tpu.memory_space<hbm>> -> memref<64x768xf32, #tpu.memory_space<hbm>>
    %dma_start3A_406 = arith.constant 0 : i32
    %dma_start3A_407 = tpu.memref_slice %arg4[%add3A_335, %dma_start3A_406] : memref<16384x768xf32, #tpu.memory_space<hbm>> -> memref<64x768xf32, #tpu.memory_space<hbm>>
    %dma_start3A_408 = arith.constant 0 : i32
    %dma_start3A_409 = arith.constant 0 : i32
    %dma_start3A_410 = tpu.memref_slice %arg6[%dma_start3A_399, %dma_start3A_408, %dma_start3A_409] : memref<2x64x768xf32, #tpu.memory_space<vmem>> -> memref<1x64x768xf32, #tpu.memory_space<vmem>>
    %dma_start3A_411 = tpu.memref_squeeze %dma_start3A_410 : memref<1x64x768xf32, #tpu.memory_space<vmem>> -> memref<64x768xf32, #tpu.memory_space<vmem>>
    tpu.enqueue_dma source(%dma_start3A_411 : memref<64x768xf32, #tpu.memory_space<vmem>>) target(%dma_start3A_407 : memref<64x768xf32, #tpu.memory_space<hbm>>) target_semaphore(%arg10 : memref<!tpu.dma_semaphore, #tpu.memory_space<semaphore_mem>>)
    %dma_wait3A_412 = arith.constant 0 : i32
    %dma_wait3A_413 = arith.constant 0 : i32
    %dma_wait3A_414 = arith.constant 0 : i32
    %dma_wait3A_415 = tpu.memref_slice %arg6[%dma_wait3A_412, %dma_wait3A_413, %dma_wait3A_414] : memref<2x64x768xf32, #tpu.memory_space<vmem>> -> memref<1x64x768xf32, #tpu.memory_space<vmem>>
    %dma_wait3A_416 = tpu.memref_squeeze %dma_wait3A_415 : memref<1x64x768xf32, #tpu.memory_space<vmem>> -> memref<64x768xf32, #tpu.memory_space<vmem>>
    %dma_wait3A_417 = arith.constant 0 : i32
    %dma_wait3A_418 = tpu.memref_slice %arg4[%add3A_280, %dma_wait3A_417] : memref<16384x768xf32, #tpu.memory_space<hbm>> -> memref<64x768xf32, #tpu.memory_space<hbm>>
    %dma_wait3A_419 = arith.constant 0 : i32
    %dma_wait3A_420 = tpu.memref_slice %arg4[%add3A_280, %dma_wait3A_419] : memref<16384x768xf32, #tpu.memory_space<hbm>> -> memref<64x768xf32, #tpu.memory_space<hbm>>
    %dma_wait3A_421 = arith.constant 0 : i32
    %dma_wait3A_422 = arith.constant 0 : i32
    %dma_wait3A_423 = tpu.memref_slice %arg6[%dma_wait3A_412, %dma_wait3A_421, %dma_wait3A_422] : memref<2x64x768xf32, #tpu.memory_space<vmem>> -> memref<1x64x768xf32, #tpu.memory_space<vmem>>
    %dma_wait3A_424 = tpu.memref_squeeze %dma_wait3A_423 : memref<1x64x768xf32, #tpu.memory_space<vmem>> -> memref<64x768xf32, #tpu.memory_space<vmem>>
    tpu.wait_dma2 semaphore(%arg9 : memref<!tpu.dma_semaphore, #tpu.memory_space<semaphore_mem>>) src(%dma_wait3A_424 : memref<64x768xf32, #tpu.memory_space<vmem>>) dst(%dma_wait3A_420 : memref<64x768xf32, #tpu.memory_space<hbm>>)
    %dma_wait3A_425 = arith.constant 1 : i32
    %dma_wait3A_426 = arith.constant 0 : i32
    %dma_wait3A_427 = arith.constant 0 : i32
    %dma_wait3A_428 = tpu.memref_slice %arg6[%dma_wait3A_425, %dma_wait3A_426, %dma_wait3A_427] : memref<2x64x768xf32, #tpu.memory_space<vmem>> -> memref<1x64x768xf32, #tpu.memory_space<vmem>>
    %dma_wait3A_429 = tpu.memref_squeeze %dma_wait3A_428 : memref<1x64x768xf32, #tpu.memory_space<vmem>> -> memref<64x768xf32, #tpu.memory_space<vmem>>
    %dma_wait3A_430 = arith.constant 0 : i32
    %dma_wait3A_431 = tpu.memref_slice %arg4[%add3A_335, %dma_wait3A_430] : memref<16384x768xf32, #tpu.memory_space<hbm>> -> memref<64x768xf32, #tpu.memory_space<hbm>>
    %dma_wait3A_432 = arith.constant 0 : i32
    %dma_wait3A_433 = tpu.memref_slice %arg4[%add3A_335, %dma_wait3A_432] : memref<16384x768xf32, #tpu.memory_space<hbm>> -> memref<64x768xf32, #tpu.memory_space<hbm>>
    %dma_wait3A_434 = arith.constant 0 : i32
    %dma_wait3A_435 = arith.constant 0 : i32
    %dma_wait3A_436 = tpu.memref_slice %arg6[%dma_wait3A_425, %dma_wait3A_434, %dma_wait3A_435] : memref<2x64x768xf32, #tpu.memory_space<vmem>> -> memref<1x64x768xf32, #tpu.memory_space<vmem>>
    %dma_wait3A_437 = tpu.memref_squeeze %dma_wait3A_436 : memref<1x64x768xf32, #tpu.memory_space<vmem>> -> memref<64x768xf32, #tpu.memory_space<vmem>>
    tpu.wait_dma2 semaphore(%arg10 : memref<!tpu.dma_semaphore, #tpu.memory_space<semaphore_mem>>) src(%dma_wait3A_437 : memref<64x768xf32, #tpu.memory_space<vmem>>) dst(%dma_wait3A_433 : memref<64x768xf32, #tpu.memory_space<hbm>>)
    return
  }
}

module attributes {stable_mosaic.version = 14 : i64} {
  func.func @_sim_body(%arg0: i32, %arg1: i32, %arg2: memref<1x1024x768xf32, #tpu.memory_space<vmem>>, %arg3: memref<1x64x768xf32, #tpu.memory_space<vmem>>, %arg4: memref<1x64x768xf32, #tpu.memory_space<vmem>>, %arg5: memref<1x1024x1xf32, #tpu.memory_space<vmem>>) attributes {dimension_semantics = [#tpu.dimension_semantics<arbitrary>, #tpu.dimension_semantics<arbitrary>], iteration_bounds = array<i64: 16, 4>, scalar_prefetch = 0 : i64, scratch_operands = 0 : i64, tpu.core_type = #tpu.core_type<tc>, window_params = [{transform_indices = @transform_0, window_bounds = array<i64: 1, 1024, 768>}, {transform_indices = @transform_1, window_bounds = array<i64: 1, 64, 768>}, {transform_indices = @transform_2, window_bounds = array<i64: 1, 64, 768>}, {transform_indices = @transform_3, window_bounds = array<i64: 1, 1024, 1>}]} {
    %get3A = arith.constant 0 : index
    %get3A_0 = arith.constant 0 : index
    %get3A_1 = arith.constant 0 : index
    %get3A_2 = vector.load %arg2[%get3A, %get3A_0, %get3A_1] : memref<1x1024x768xf32, #tpu.memory_space<vmem>>, vector<1x1024x768xf32>
    %get3A_3 = vector.shape_cast %get3A_2 : vector<1x1024x768xf32> to vector<1024x768xf32>
    %get3A_4 = arith.constant 0 : index
    %get3A_5 = arith.constant 0 : index
    %get3A_6 = arith.constant 0 : index
    %get3A_7 = vector.load %arg3[%get3A_4, %get3A_5, %get3A_6] : memref<1x64x768xf32, #tpu.memory_space<vmem>>, vector<1x64x768xf32>
    %get3A_8 = vector.shape_cast %get3A_7 : vector<1x64x768xf32> to vector<64x768xf32>
    %get3A_9 = arith.constant 0 : index
    %get3A_10 = arith.constant 0 : index
    %get3A_11 = arith.constant 0 : index
    %get3A_12 = vector.load %arg4[%get3A_9, %get3A_10, %get3A_11] : memref<1x64x768xf32, #tpu.memory_space<vmem>>, vector<1x64x768xf32>
    %get3A_13 = vector.shape_cast %get3A_12 : vector<1x64x768xf32> to vector<64x768xf32>
    %iota3A = tpu.iota {dimensions = array<i32: 0>} : vector<1024x1xi32>
    %mul3A = arith.constant 16 : i32
    %mul3A_14 = arith.muli %arg1, %mul3A : i32
    %shift_right_arithmetic3A = arith.constant 6 : i32
    %shift_right_arithmetic3A_15 = vector.broadcast %shift_right_arithmetic3A : i32 to vector<1024x1xi32>
    %shift_right_arithmetic3A_16 = arith.shrsi %iota3A, %shift_right_arithmetic3A_15 : vector<1024x1xi32>
    %add3A = vector.broadcast %mul3A_14 : i32 to vector<1024x1xi32>
    %add3A_17 = arith.addi %add3A, %shift_right_arithmetic3A_16 : vector<1024x1xi32>
    %slice3A = vector.extract_strided_slice %get3A_8 {offsets = [63, 0], sizes = [1, 768], strides = [1, 1]} : vector<64x768xf32> to vector<1x768xf32>
    %slice3A_18 = vector.extract_strided_slice %get3A_3 {offsets = [0, 0], sizes = [1023, 768], strides = [1, 1]} : vector<1024x768xf32> to vector<1023x768xf32>
    %concatenate3A = tpu.concatenate %slice3A, %slice3A_18 in 0 : vector<1x768xf32>, vector<1023x768xf32> -> vector<1024x768xf32>
    %slice3A_19 = vector.extract_strided_slice %get3A_3 {offsets = [1, 0], sizes = [1023, 768], strides = [1, 1]} : vector<1024x768xf32> to vector<1023x768xf32>
    %slice3A_20 = vector.extract_strided_slice %get3A_13 {offsets = [0, 0], sizes = [1, 768], strides = [1, 1]} : vector<64x768xf32> to vector<1x768xf32>
    %concatenate3A_21 = tpu.concatenate %slice3A_19, %slice3A_20 in 0 : vector<1023x768xf32>, vector<1x768xf32> -> vector<1024x768xf32>
    %slice3A_22 = vector.extract_strided_slice %get3A_3 {offsets = [0, 0], sizes = [960, 768], strides = [1, 1]} : vector<1024x768xf32> to vector<960x768xf32>
    %concatenate3A_23 = tpu.concatenate %get3A_8, %slice3A_22 in 0 : vector<64x768xf32>, vector<960x768xf32> -> vector<1024x768xf32>
    %slice3A_24 = vector.extract_strided_slice %get3A_3 {offsets = [64, 0], sizes = [960, 768], strides = [1, 1]} : vector<1024x768xf32> to vector<960x768xf32>
    %concatenate3A_25 = tpu.concatenate %slice3A_24, %get3A_13 in 0 : vector<960x768xf32>, vector<64x768xf32> -> vector<1024x768xf32>
    %mul3A_26 = arith.mulf %get3A_3, %get3A_3 : vector<1024x768xf32>
    %slice3A_27 = vector.extract_strided_slice %mul3A_26 {offsets = [0, 0], sizes = [1024, 128], strides = [1, 1]} : vector<1024x768xf32> to vector<1024x128xf32>
    %slice3A_28 = vector.extract_strided_slice %mul3A_26 {offsets = [0, 128], sizes = [1024, 128], strides = [1, 1]} : vector<1024x768xf32> to vector<1024x128xf32>
    %slice3A_29 = vector.extract_strided_slice %mul3A_26 {offsets = [0, 256], sizes = [1024, 128], strides = [1, 1]} : vector<1024x768xf32> to vector<1024x128xf32>
    %slice3A_30 = vector.extract_strided_slice %mul3A_26 {offsets = [0, 384], sizes = [1024, 128], strides = [1, 1]} : vector<1024x768xf32> to vector<1024x128xf32>
    %slice3A_31 = vector.extract_strided_slice %mul3A_26 {offsets = [0, 512], sizes = [1024, 128], strides = [1, 1]} : vector<1024x768xf32> to vector<1024x128xf32>
    %slice3A_32 = vector.extract_strided_slice %mul3A_26 {offsets = [0, 640], sizes = [1024, 128], strides = [1, 1]} : vector<1024x768xf32> to vector<1024x128xf32>
    %add3A_33 = arith.addf %slice3A_27, %slice3A_28 : vector<1024x128xf32>
    %reduce_sum3A = arith.constant dense<0.000000e+00> : vector<1024xf32>
    %reduce_sum3A_34 = vector.multi_reduction <add>, %add3A_33, %reduce_sum3A [1] : vector<1024x128xf32> to vector<1024xf32>
    %broadcast_in_dim3A = vector.shape_cast %reduce_sum3A_34 : vector<1024xf32> to vector<1024x1xf32>
    %add3A_35 = arith.addf %slice3A_29, %slice3A_30 : vector<1024x128xf32>
    %reduce_sum3A_36 = arith.constant dense<0.000000e+00> : vector<1024xf32>
    %reduce_sum3A_37 = vector.multi_reduction <add>, %add3A_35, %reduce_sum3A_36 [1] : vector<1024x128xf32> to vector<1024xf32>
    %broadcast_in_dim3A_38 = vector.shape_cast %reduce_sum3A_37 : vector<1024xf32> to vector<1024x1xf32>
    %add3A_39 = arith.addf %slice3A_31, %slice3A_32 : vector<1024x128xf32>
    %reduce_sum3A_40 = arith.constant dense<0.000000e+00> : vector<1024xf32>
    %reduce_sum3A_41 = vector.multi_reduction <add>, %add3A_39, %reduce_sum3A_40 [1] : vector<1024x128xf32> to vector<1024xf32>
    %broadcast_in_dim3A_42 = vector.shape_cast %reduce_sum3A_41 : vector<1024xf32> to vector<1024x1xf32>
    %add3A_43 = arith.addf %broadcast_in_dim3A, %broadcast_in_dim3A_38 : vector<1024x1xf32>
    %add3A_44 = arith.addf %add3A_43, %broadcast_in_dim3A_42 : vector<1024x1xf32>
    %mul3A_45 = arith.mulf %get3A_8, %get3A_8 : vector<64x768xf32>
    %slice3A_46 = vector.extract_strided_slice %mul3A_45 {offsets = [0, 0], sizes = [64, 128], strides = [1, 1]} : vector<64x768xf32> to vector<64x128xf32>
    %slice3A_47 = vector.extract_strided_slice %mul3A_45 {offsets = [0, 128], sizes = [64, 128], strides = [1, 1]} : vector<64x768xf32> to vector<64x128xf32>
    %slice3A_48 = vector.extract_strided_slice %mul3A_45 {offsets = [0, 256], sizes = [64, 128], strides = [1, 1]} : vector<64x768xf32> to vector<64x128xf32>
    %slice3A_49 = vector.extract_strided_slice %mul3A_45 {offsets = [0, 384], sizes = [64, 128], strides = [1, 1]} : vector<64x768xf32> to vector<64x128xf32>
    %slice3A_50 = vector.extract_strided_slice %mul3A_45 {offsets = [0, 512], sizes = [64, 128], strides = [1, 1]} : vector<64x768xf32> to vector<64x128xf32>
    %slice3A_51 = vector.extract_strided_slice %mul3A_45 {offsets = [0, 640], sizes = [64, 128], strides = [1, 1]} : vector<64x768xf32> to vector<64x128xf32>
    %add3A_52 = arith.addf %slice3A_46, %slice3A_47 : vector<64x128xf32>
    %reduce_sum3A_53 = arith.constant dense<0.000000e+00> : vector<64xf32>
    %reduce_sum3A_54 = vector.multi_reduction <add>, %add3A_52, %reduce_sum3A_53 [1] : vector<64x128xf32> to vector<64xf32>
    %broadcast_in_dim3A_55 = vector.shape_cast %reduce_sum3A_54 : vector<64xf32> to vector<64x1xf32>
    %add3A_56 = arith.addf %slice3A_48, %slice3A_49 : vector<64x128xf32>
    %reduce_sum3A_57 = arith.constant dense<0.000000e+00> : vector<64xf32>
    %reduce_sum3A_58 = vector.multi_reduction <add>, %add3A_56, %reduce_sum3A_57 [1] : vector<64x128xf32> to vector<64xf32>
    %broadcast_in_dim3A_59 = vector.shape_cast %reduce_sum3A_58 : vector<64xf32> to vector<64x1xf32>
    %add3A_60 = arith.addf %slice3A_50, %slice3A_51 : vector<64x128xf32>
    %reduce_sum3A_61 = arith.constant dense<0.000000e+00> : vector<64xf32>
    %reduce_sum3A_62 = vector.multi_reduction <add>, %add3A_60, %reduce_sum3A_61 [1] : vector<64x128xf32> to vector<64xf32>
    %broadcast_in_dim3A_63 = vector.shape_cast %reduce_sum3A_62 : vector<64xf32> to vector<64x1xf32>
    %add3A_64 = arith.addf %broadcast_in_dim3A_55, %broadcast_in_dim3A_59 : vector<64x1xf32>
    %add3A_65 = arith.addf %add3A_64, %broadcast_in_dim3A_63 : vector<64x1xf32>
    %mul3A_66 = arith.mulf %get3A_13, %get3A_13 : vector<64x768xf32>
    %slice3A_67 = vector.extract_strided_slice %mul3A_66 {offsets = [0, 0], sizes = [64, 128], strides = [1, 1]} : vector<64x768xf32> to vector<64x128xf32>
    %slice3A_68 = vector.extract_strided_slice %mul3A_66 {offsets = [0, 128], sizes = [64, 128], strides = [1, 1]} : vector<64x768xf32> to vector<64x128xf32>
    %slice3A_69 = vector.extract_strided_slice %mul3A_66 {offsets = [0, 256], sizes = [64, 128], strides = [1, 1]} : vector<64x768xf32> to vector<64x128xf32>
    %slice3A_70 = vector.extract_strided_slice %mul3A_66 {offsets = [0, 384], sizes = [64, 128], strides = [1, 1]} : vector<64x768xf32> to vector<64x128xf32>
    %slice3A_71 = vector.extract_strided_slice %mul3A_66 {offsets = [0, 512], sizes = [64, 128], strides = [1, 1]} : vector<64x768xf32> to vector<64x128xf32>
    %slice3A_72 = vector.extract_strided_slice %mul3A_66 {offsets = [0, 640], sizes = [64, 128], strides = [1, 1]} : vector<64x768xf32> to vector<64x128xf32>
    %add3A_73 = arith.addf %slice3A_67, %slice3A_68 : vector<64x128xf32>
    %reduce_sum3A_74 = arith.constant dense<0.000000e+00> : vector<64xf32>
    %reduce_sum3A_75 = vector.multi_reduction <add>, %add3A_73, %reduce_sum3A_74 [1] : vector<64x128xf32> to vector<64xf32>
    %broadcast_in_dim3A_76 = vector.shape_cast %reduce_sum3A_75 : vector<64xf32> to vector<64x1xf32>
    %add3A_77 = arith.addf %slice3A_69, %slice3A_70 : vector<64x128xf32>
    %reduce_sum3A_78 = arith.constant dense<0.000000e+00> : vector<64xf32>
    %reduce_sum3A_79 = vector.multi_reduction <add>, %add3A_77, %reduce_sum3A_78 [1] : vector<64x128xf32> to vector<64xf32>
    %broadcast_in_dim3A_80 = vector.shape_cast %reduce_sum3A_79 : vector<64xf32> to vector<64x1xf32>
    %add3A_81 = arith.addf %slice3A_71, %slice3A_72 : vector<64x128xf32>
    %reduce_sum3A_82 = arith.constant dense<0.000000e+00> : vector<64xf32>
    %reduce_sum3A_83 = vector.multi_reduction <add>, %add3A_81, %reduce_sum3A_82 [1] : vector<64x128xf32> to vector<64xf32>
    %broadcast_in_dim3A_84 = vector.shape_cast %reduce_sum3A_83 : vector<64xf32> to vector<64x1xf32>
    %add3A_85 = arith.addf %broadcast_in_dim3A_76, %broadcast_in_dim3A_80 : vector<64x1xf32>
    %add3A_86 = arith.addf %add3A_85, %broadcast_in_dim3A_84 : vector<64x1xf32>
    %concatenate3A_87 = tpu.concatenate %add3A_65, %add3A_44, %add3A_86 in 0 : vector<64x1xf32>, vector<1024x1xf32>, vector<64x1xf32> -> vector<1152x1xf32>
    %sqrt3A = math.sqrt %concatenate3A_87 : vector<1152x1xf32>
    %slice3A_88 = vector.extract_strided_slice %sqrt3A {offsets = [63, 0], sizes = [1024, 1], strides = [1, 1]} : vector<1152x1xf32> to vector<1024x1xf32>
    %slice3A_89 = vector.extract_strided_slice %sqrt3A {offsets = [65, 0], sizes = [1024, 1], strides = [1, 1]} : vector<1152x1xf32> to vector<1024x1xf32>
    %slice3A_90 = vector.extract_strided_slice %sqrt3A {offsets = [0, 0], sizes = [1024, 1], strides = [1, 1]} : vector<1152x1xf32> to vector<1024x1xf32>
    %slice3A_91 = vector.extract_strided_slice %sqrt3A {offsets = [128, 0], sizes = [1024, 1], strides = [1, 1]} : vector<1152x1xf32> to vector<1024x1xf32>
    %mul3A_92 = arith.mulf %concatenate3A, %concatenate3A_21 : vector<1024x768xf32>
    %slice3A_93 = vector.extract_strided_slice %mul3A_92 {offsets = [0, 0], sizes = [1024, 128], strides = [1, 1]} : vector<1024x768xf32> to vector<1024x128xf32>
    %slice3A_94 = vector.extract_strided_slice %mul3A_92 {offsets = [0, 128], sizes = [1024, 128], strides = [1, 1]} : vector<1024x768xf32> to vector<1024x128xf32>
    %slice3A_95 = vector.extract_strided_slice %mul3A_92 {offsets = [0, 256], sizes = [1024, 128], strides = [1, 1]} : vector<1024x768xf32> to vector<1024x128xf32>
    %slice3A_96 = vector.extract_strided_slice %mul3A_92 {offsets = [0, 384], sizes = [1024, 128], strides = [1, 1]} : vector<1024x768xf32> to vector<1024x128xf32>
    %slice3A_97 = vector.extract_strided_slice %mul3A_92 {offsets = [0, 512], sizes = [1024, 128], strides = [1, 1]} : vector<1024x768xf32> to vector<1024x128xf32>
    %slice3A_98 = vector.extract_strided_slice %mul3A_92 {offsets = [0, 640], sizes = [1024, 128], strides = [1, 1]} : vector<1024x768xf32> to vector<1024x128xf32>
    %add3A_99 = arith.addf %slice3A_93, %slice3A_94 : vector<1024x128xf32>
    %reduce_sum3A_100 = arith.constant dense<0.000000e+00> : vector<1024xf32>
    %reduce_sum3A_101 = vector.multi_reduction <add>, %add3A_99, %reduce_sum3A_100 [1] : vector<1024x128xf32> to vector<1024xf32>
    %broadcast_in_dim3A_102 = vector.shape_cast %reduce_sum3A_101 : vector<1024xf32> to vector<1024x1xf32>
    %add3A_103 = arith.addf %slice3A_95, %slice3A_96 : vector<1024x128xf32>
    %reduce_sum3A_104 = arith.constant dense<0.000000e+00> : vector<1024xf32>
    %reduce_sum3A_105 = vector.multi_reduction <add>, %add3A_103, %reduce_sum3A_104 [1] : vector<1024x128xf32> to vector<1024xf32>
    %broadcast_in_dim3A_106 = vector.shape_cast %reduce_sum3A_105 : vector<1024xf32> to vector<1024x1xf32>
    %add3A_107 = arith.addf %slice3A_97, %slice3A_98 : vector<1024x128xf32>
    %reduce_sum3A_108 = arith.constant dense<0.000000e+00> : vector<1024xf32>
    %reduce_sum3A_109 = vector.multi_reduction <add>, %add3A_107, %reduce_sum3A_108 [1] : vector<1024x128xf32> to vector<1024xf32>
    %broadcast_in_dim3A_110 = vector.shape_cast %reduce_sum3A_109 : vector<1024xf32> to vector<1024x1xf32>
    %add3A_111 = arith.addf %broadcast_in_dim3A_102, %broadcast_in_dim3A_106 : vector<1024x1xf32>
    %add3A_112 = arith.addf %add3A_111, %broadcast_in_dim3A_110 : vector<1024x1xf32>
    %mul3A_113 = arith.mulf %concatenate3A_23, %concatenate3A_25 : vector<1024x768xf32>
    %slice3A_114 = vector.extract_strided_slice %mul3A_113 {offsets = [0, 0], sizes = [1024, 128], strides = [1, 1]} : vector<1024x768xf32> to vector<1024x128xf32>
    %slice3A_115 = vector.extract_strided_slice %mul3A_113 {offsets = [0, 128], sizes = [1024, 128], strides = [1, 1]} : vector<1024x768xf32> to vector<1024x128xf32>
    %slice3A_116 = vector.extract_strided_slice %mul3A_113 {offsets = [0, 256], sizes = [1024, 128], strides = [1, 1]} : vector<1024x768xf32> to vector<1024x128xf32>
    %slice3A_117 = vector.extract_strided_slice %mul3A_113 {offsets = [0, 384], sizes = [1024, 128], strides = [1, 1]} : vector<1024x768xf32> to vector<1024x128xf32>
    %slice3A_118 = vector.extract_strided_slice %mul3A_113 {offsets = [0, 512], sizes = [1024, 128], strides = [1, 1]} : vector<1024x768xf32> to vector<1024x128xf32>
    %slice3A_119 = vector.extract_strided_slice %mul3A_113 {offsets = [0, 640], sizes = [1024, 128], strides = [1, 1]} : vector<1024x768xf32> to vector<1024x128xf32>
    %add3A_120 = arith.addf %slice3A_114, %slice3A_115 : vector<1024x128xf32>
    %reduce_sum3A_121 = arith.constant dense<0.000000e+00> : vector<1024xf32>
    %reduce_sum3A_122 = vector.multi_reduction <add>, %add3A_120, %reduce_sum3A_121 [1] : vector<1024x128xf32> to vector<1024xf32>
    %broadcast_in_dim3A_123 = vector.shape_cast %reduce_sum3A_122 : vector<1024xf32> to vector<1024x1xf32>
    %add3A_124 = arith.addf %slice3A_116, %slice3A_117 : vector<1024x128xf32>
    %reduce_sum3A_125 = arith.constant dense<0.000000e+00> : vector<1024xf32>
    %reduce_sum3A_126 = vector.multi_reduction <add>, %add3A_124, %reduce_sum3A_125 [1] : vector<1024x128xf32> to vector<1024xf32>
    %broadcast_in_dim3A_127 = vector.shape_cast %reduce_sum3A_126 : vector<1024xf32> to vector<1024x1xf32>
    %add3A_128 = arith.addf %slice3A_118, %slice3A_119 : vector<1024x128xf32>
    %reduce_sum3A_129 = arith.constant dense<0.000000e+00> : vector<1024xf32>
    %reduce_sum3A_130 = vector.multi_reduction <add>, %add3A_128, %reduce_sum3A_129 [1] : vector<1024x128xf32> to vector<1024xf32>
    %broadcast_in_dim3A_131 = vector.shape_cast %reduce_sum3A_130 : vector<1024xf32> to vector<1024x1xf32>
    %add3A_132 = arith.addf %broadcast_in_dim3A_123, %broadcast_in_dim3A_127 : vector<1024x1xf32>
    %add3A_133 = arith.addf %add3A_132, %broadcast_in_dim3A_131 : vector<1024x1xf32>
    %mul3A_134 = arith.mulf %slice3A_88, %slice3A_89 : vector<1024x1xf32>
    %div3A = arith.divf %add3A_112, %mul3A_134 : vector<1024x1xf32>
    %mul3A_135 = arith.mulf %slice3A_90, %slice3A_91 : vector<1024x1xf32>
    %div3A_136 = arith.divf %add3A_133, %mul3A_135 : vector<1024x1xf32>
    %reshape3A = vector.shape_cast %get3A_3 : vector<1024x768xf32> to vector<16x64x768xf32>
    %slice3A_137 = vector.extract_strided_slice %reshape3A {offsets = [0, 0, 0], sizes = [16, 1, 768], strides = [1, 1, 1]} : vector<16x64x768xf32> to vector<16x1x768xf32>
    %squeeze3A = vector.shape_cast %slice3A_137 : vector<16x1x768xf32> to vector<16x768xf32>
    %slice3A_138 = vector.extract_strided_slice %reshape3A {offsets = [0, 1, 0], sizes = [16, 1, 768], strides = [1, 1, 1]} : vector<16x64x768xf32> to vector<16x1x768xf32>
    %squeeze3A_139 = vector.shape_cast %slice3A_138 : vector<16x1x768xf32> to vector<16x768xf32>
    %slice3A_140 = vector.extract_strided_slice %reshape3A {offsets = [0, 62, 0], sizes = [16, 1, 768], strides = [1, 1, 1]} : vector<16x64x768xf32> to vector<16x1x768xf32>
    %squeeze3A_141 = vector.shape_cast %slice3A_140 : vector<16x1x768xf32> to vector<16x768xf32>
    %slice3A_142 = vector.extract_strided_slice %reshape3A {offsets = [0, 63, 0], sizes = [16, 1, 768], strides = [1, 1, 1]} : vector<16x64x768xf32> to vector<16x1x768xf32>
    %squeeze3A_143 = vector.shape_cast %slice3A_142 : vector<16x1x768xf32> to vector<16x768xf32>
    %mul3A_144 = arith.mulf %squeeze3A, %squeeze3A_139 : vector<16x768xf32>
    %mul3A_145 = arith.constant 9.99999974E-5 : f32
    %mul3A_146 = vector.broadcast %mul3A_145 : f32 to vector<16x768xf32>
    %mul3A_147 = arith.mulf %mul3A_144, %mul3A_146 : vector<16x768xf32>
    %slice3A_148 = vector.extract_strided_slice %mul3A_147 {offsets = [0, 0], sizes = [16, 128], strides = [1, 1]} : vector<16x768xf32> to vector<16x128xf32>
    %slice3A_149 = vector.extract_strided_slice %mul3A_147 {offsets = [0, 128], sizes = [16, 128], strides = [1, 1]} : vector<16x768xf32> to vector<16x128xf32>
    %slice3A_150 = vector.extract_strided_slice %mul3A_147 {offsets = [0, 256], sizes = [16, 128], strides = [1, 1]} : vector<16x768xf32> to vector<16x128xf32>
    %slice3A_151 = vector.extract_strided_slice %mul3A_147 {offsets = [0, 384], sizes = [16, 128], strides = [1, 1]} : vector<16x768xf32> to vector<16x128xf32>
    %slice3A_152 = vector.extract_strided_slice %mul3A_147 {offsets = [0, 512], sizes = [16, 128], strides = [1, 1]} : vector<16x768xf32> to vector<16x128xf32>
    %slice3A_153 = vector.extract_strided_slice %mul3A_147 {offsets = [0, 640], sizes = [16, 128], strides = [1, 1]} : vector<16x768xf32> to vector<16x128xf32>
    %add3A_154 = arith.addf %slice3A_148, %slice3A_149 : vector<16x128xf32>
    %reduce_sum3A_155 = arith.constant dense<0.000000e+00> : vector<16xf32>
    %reduce_sum3A_156 = vector.multi_reduction <add>, %add3A_154, %reduce_sum3A_155 [1] : vector<16x128xf32> to vector<16xf32>
    %broadcast_in_dim3A_157 = vector.shape_cast %reduce_sum3A_156 : vector<16xf32> to vector<16x1xf32>
    %add3A_158 = arith.addf %slice3A_150, %slice3A_151 : vector<16x128xf32>
    %reduce_sum3A_159 = arith.constant dense<0.000000e+00> : vector<16xf32>
    %reduce_sum3A_160 = vector.multi_reduction <add>, %add3A_158, %reduce_sum3A_159 [1] : vector<16x128xf32> to vector<16xf32>
    %broadcast_in_dim3A_161 = vector.shape_cast %reduce_sum3A_160 : vector<16xf32> to vector<16x1xf32>
    %add3A_162 = arith.addf %slice3A_152, %slice3A_153 : vector<16x128xf32>
    %reduce_sum3A_163 = arith.constant dense<0.000000e+00> : vector<16xf32>
    %reduce_sum3A_164 = vector.multi_reduction <add>, %add3A_162, %reduce_sum3A_163 [1] : vector<16x128xf32> to vector<16xf32>
    %broadcast_in_dim3A_165 = vector.shape_cast %reduce_sum3A_164 : vector<16xf32> to vector<16x1xf32>
    %add3A_166 = arith.addf %broadcast_in_dim3A_157, %broadcast_in_dim3A_161 : vector<16x1xf32>
    %add3A_167 = arith.addf %add3A_166, %broadcast_in_dim3A_165 : vector<16x1xf32>
    %mul3A_168 = arith.constant 9.99999974E-5 : f32
    %mul3A_169 = vector.broadcast %mul3A_168 : f32 to vector<16x768xf32>
    %mul3A_170 = arith.mulf %mul3A_169, %squeeze3A : vector<16x768xf32>
    %mul3A_171 = arith.mulf %mul3A_170, %mul3A_170 : vector<16x768xf32>
    %slice3A_172 = vector.extract_strided_slice %mul3A_171 {offsets = [0, 0], sizes = [16, 128], strides = [1, 1]} : vector<16x768xf32> to vector<16x128xf32>
    %slice3A_173 = vector.extract_strided_slice %mul3A_171 {offsets = [0, 128], sizes = [16, 128], strides = [1, 1]} : vector<16x768xf32> to vector<16x128xf32>
    %slice3A_174 = vector.extract_strided_slice %mul3A_171 {offsets = [0, 256], sizes = [16, 128], strides = [1, 1]} : vector<16x768xf32> to vector<16x128xf32>
    %slice3A_175 = vector.extract_strided_slice %mul3A_171 {offsets = [0, 384], sizes = [16, 128], strides = [1, 1]} : vector<16x768xf32> to vector<16x128xf32>
    %slice3A_176 = vector.extract_strided_slice %mul3A_171 {offsets = [0, 512], sizes = [16, 128], strides = [1, 1]} : vector<16x768xf32> to vector<16x128xf32>
    %slice3A_177 = vector.extract_strided_slice %mul3A_171 {offsets = [0, 640], sizes = [16, 128], strides = [1, 1]} : vector<16x768xf32> to vector<16x128xf32>
    %add3A_178 = arith.addf %slice3A_172, %slice3A_173 : vector<16x128xf32>
    %reduce_sum3A_179 = arith.constant dense<0.000000e+00> : vector<16xf32>
    %reduce_sum3A_180 = vector.multi_reduction <add>, %add3A_178, %reduce_sum3A_179 [1] : vector<16x128xf32> to vector<16xf32>
    %broadcast_in_dim3A_181 = vector.shape_cast %reduce_sum3A_180 : vector<16xf32> to vector<16x1xf32>
    %add3A_182 = arith.addf %slice3A_174, %slice3A_175 : vector<16x128xf32>
    %reduce_sum3A_183 = arith.constant dense<0.000000e+00> : vector<16xf32>
    %reduce_sum3A_184 = vector.multi_reduction <add>, %add3A_182, %reduce_sum3A_183 [1] : vector<16x128xf32> to vector<16xf32>
    %broadcast_in_dim3A_185 = vector.shape_cast %reduce_sum3A_184 : vector<16xf32> to vector<16x1xf32>
    %add3A_186 = arith.addf %slice3A_176, %slice3A_177 : vector<16x128xf32>
    %reduce_sum3A_187 = arith.constant dense<0.000000e+00> : vector<16xf32>
    %reduce_sum3A_188 = vector.multi_reduction <add>, %add3A_186, %reduce_sum3A_187 [1] : vector<16x128xf32> to vector<16xf32>
    %broadcast_in_dim3A_189 = vector.shape_cast %reduce_sum3A_188 : vector<16xf32> to vector<16x1xf32>
    %add3A_190 = arith.addf %broadcast_in_dim3A_181, %broadcast_in_dim3A_185 : vector<16x1xf32>
    %add3A_191 = arith.addf %add3A_190, %broadcast_in_dim3A_189 : vector<16x1xf32>
    %mul3A_192 = arith.mulf %squeeze3A_141, %squeeze3A_143 : vector<16x768xf32>
    %mul3A_193 = arith.constant 9.99999974E-5 : f32
    %mul3A_194 = vector.broadcast %mul3A_193 : f32 to vector<16x768xf32>
    %mul3A_195 = arith.mulf %mul3A_192, %mul3A_194 : vector<16x768xf32>
    %slice3A_196 = vector.extract_strided_slice %mul3A_195 {offsets = [0, 0], sizes = [16, 128], strides = [1, 1]} : vector<16x768xf32> to vector<16x128xf32>
    %slice3A_197 = vector.extract_strided_slice %mul3A_195 {offsets = [0, 128], sizes = [16, 128], strides = [1, 1]} : vector<16x768xf32> to vector<16x128xf32>
    %slice3A_198 = vector.extract_strided_slice %mul3A_195 {offsets = [0, 256], sizes = [16, 128], strides = [1, 1]} : vector<16x768xf32> to vector<16x128xf32>
    %slice3A_199 = vector.extract_strided_slice %mul3A_195 {offsets = [0, 384], sizes = [16, 128], strides = [1, 1]} : vector<16x768xf32> to vector<16x128xf32>
    %slice3A_200 = vector.extract_strided_slice %mul3A_195 {offsets = [0, 512], sizes = [16, 128], strides = [1, 1]} : vector<16x768xf32> to vector<16x128xf32>
    %slice3A_201 = vector.extract_strided_slice %mul3A_195 {offsets = [0, 640], sizes = [16, 128], strides = [1, 1]} : vector<16x768xf32> to vector<16x128xf32>
    %add3A_202 = arith.addf %slice3A_196, %slice3A_197 : vector<16x128xf32>
    %reduce_sum3A_203 = arith.constant dense<0.000000e+00> : vector<16xf32>
    %reduce_sum3A_204 = vector.multi_reduction <add>, %add3A_202, %reduce_sum3A_203 [1] : vector<16x128xf32> to vector<16xf32>
    %broadcast_in_dim3A_205 = vector.shape_cast %reduce_sum3A_204 : vector<16xf32> to vector<16x1xf32>
    %add3A_206 = arith.addf %slice3A_198, %slice3A_199 : vector<16x128xf32>
    %reduce_sum3A_207 = arith.constant dense<0.000000e+00> : vector<16xf32>
    %reduce_sum3A_208 = vector.multi_reduction <add>, %add3A_206, %reduce_sum3A_207 [1] : vector<16x128xf32> to vector<16xf32>
    %broadcast_in_dim3A_209 = vector.shape_cast %reduce_sum3A_208 : vector<16xf32> to vector<16x1xf32>
    %add3A_210 = arith.addf %slice3A_200, %slice3A_201 : vector<16x128xf32>
    %reduce_sum3A_211 = arith.constant dense<0.000000e+00> : vector<16xf32>
    %reduce_sum3A_212 = vector.multi_reduction <add>, %add3A_210, %reduce_sum3A_211 [1] : vector<16x128xf32> to vector<16xf32>
    %broadcast_in_dim3A_213 = vector.shape_cast %reduce_sum3A_212 : vector<16xf32> to vector<16x1xf32>
    %add3A_214 = arith.addf %broadcast_in_dim3A_205, %broadcast_in_dim3A_209 : vector<16x1xf32>
    %add3A_215 = arith.addf %add3A_214, %broadcast_in_dim3A_213 : vector<16x1xf32>
    %mul3A_216 = arith.constant 9.99999974E-5 : f32
    %mul3A_217 = vector.broadcast %mul3A_216 : f32 to vector<16x768xf32>
    %mul3A_218 = arith.mulf %mul3A_217, %squeeze3A_143 : vector<16x768xf32>
    %mul3A_219 = arith.mulf %mul3A_218, %mul3A_218 : vector<16x768xf32>
    %slice3A_220 = vector.extract_strided_slice %mul3A_219 {offsets = [0, 0], sizes = [16, 128], strides = [1, 1]} : vector<16x768xf32> to vector<16x128xf32>
    %slice3A_221 = vector.extract_strided_slice %mul3A_219 {offsets = [0, 128], sizes = [16, 128], strides = [1, 1]} : vector<16x768xf32> to vector<16x128xf32>
    %slice3A_222 = vector.extract_strided_slice %mul3A_219 {offsets = [0, 256], sizes = [16, 128], strides = [1, 1]} : vector<16x768xf32> to vector<16x128xf32>
    %slice3A_223 = vector.extract_strided_slice %mul3A_219 {offsets = [0, 384], sizes = [16, 128], strides = [1, 1]} : vector<16x768xf32> to vector<16x128xf32>
    %slice3A_224 = vector.extract_strided_slice %mul3A_219 {offsets = [0, 512], sizes = [16, 128], strides = [1, 1]} : vector<16x768xf32> to vector<16x128xf32>
    %slice3A_225 = vector.extract_strided_slice %mul3A_219 {offsets = [0, 640], sizes = [16, 128], strides = [1, 1]} : vector<16x768xf32> to vector<16x128xf32>
    %add3A_226 = arith.addf %slice3A_220, %slice3A_221 : vector<16x128xf32>
    %reduce_sum3A_227 = arith.constant dense<0.000000e+00> : vector<16xf32>
    %reduce_sum3A_228 = vector.multi_reduction <add>, %add3A_226, %reduce_sum3A_227 [1] : vector<16x128xf32> to vector<16xf32>
    %broadcast_in_dim3A_229 = vector.shape_cast %reduce_sum3A_228 : vector<16xf32> to vector<16x1xf32>
    %add3A_230 = arith.addf %slice3A_222, %slice3A_223 : vector<16x128xf32>
    %reduce_sum3A_231 = arith.constant dense<0.000000e+00> : vector<16xf32>
    %reduce_sum3A_232 = vector.multi_reduction <add>, %add3A_230, %reduce_sum3A_231 [1] : vector<16x128xf32> to vector<16xf32>
    %broadcast_in_dim3A_233 = vector.shape_cast %reduce_sum3A_232 : vector<16xf32> to vector<16x1xf32>
    %add3A_234 = arith.addf %slice3A_224, %slice3A_225 : vector<16x128xf32>
    %reduce_sum3A_235 = arith.constant dense<0.000000e+00> : vector<16xf32>
    %reduce_sum3A_236 = vector.multi_reduction <add>, %add3A_234, %reduce_sum3A_235 [1] : vector<16x128xf32> to vector<16xf32>
    %broadcast_in_dim3A_237 = vector.shape_cast %reduce_sum3A_236 : vector<16xf32> to vector<16x1xf32>
    %add3A_238 = arith.addf %broadcast_in_dim3A_229, %broadcast_in_dim3A_233 : vector<16x1xf32>
    %add3A_239 = arith.addf %add3A_238, %broadcast_in_dim3A_237 : vector<16x1xf32>
    %slice3A_240 = vector.extract_strided_slice %sqrt3A {offsets = [64, 0], sizes = [1024, 1], strides = [1, 1]} : vector<1152x1xf32> to vector<1024x1xf32>
    %reshape3A_241 = vector.shape_cast %slice3A_240 : vector<1024x1xf32> to vector<16x64x1xf32>
    %sqrt3A_242 = math.sqrt %add3A_191 : vector<16x1xf32>
    %slice3A_243 = vector.extract_strided_slice %reshape3A_241 {offsets = [0, 1, 0], sizes = [16, 1, 1], strides = [1, 1, 1]} : vector<16x64x1xf32> to vector<16x1x1xf32>
    %squeeze3A_244 = vector.shape_cast %slice3A_243 : vector<16x1x1xf32> to vector<16x1xf32>
    %mul3A_245 = arith.mulf %sqrt3A_242, %squeeze3A_244 : vector<16x1xf32>
    %div3A_246 = arith.divf %add3A_167, %mul3A_245 : vector<16x1xf32>
    %slice3A_247 = vector.extract_strided_slice %reshape3A_241 {offsets = [0, 62, 0], sizes = [16, 1, 1], strides = [1, 1, 1]} : vector<16x64x1xf32> to vector<16x1x1xf32>
    %squeeze3A_248 = vector.shape_cast %slice3A_247 : vector<16x1x1xf32> to vector<16x1xf32>
    %sqrt3A_249 = math.sqrt %add3A_239 : vector<16x1xf32>
    %mul3A_250 = arith.mulf %squeeze3A_248, %sqrt3A_249 : vector<16x1xf32>
    %div3A_251 = arith.divf %add3A_215, %mul3A_250 : vector<16x1xf32>
    %reshape3A_252 = vector.shape_cast %div3A : vector<1024x1xf32> to vector<16x64x1xf32>
    %iota3A_253 = tpu.iota {dimensions = array<i32: 1>} : vector<16x64x1xi32>
    %eq3A = arith.constant 0 : i32
    %eq3A_254 = vector.broadcast %eq3A : i32 to vector<16x64x1xi32>
    %eq3A_255 = arith.cmpi eq, %iota3A_253, %eq3A_254 : vector<16x64x1xi32>
    %broadcast_in_dim3A_256 = vector.shape_cast %div3A_246 : vector<16x1xf32> to vector<16x1x1xf32>
    %broadcast_in_dim3A_257 = vector.shape_cast %broadcast_in_dim3A_256 : vector<16x1x1xf32> to vector<16x1x1xf32>
    %broadcast_in_dim3A_258 = vector.broadcast %broadcast_in_dim3A_257 : vector<16x1x1xf32> to vector<16x64x1xf32>
    %select_n3A = arith.select %eq3A_255, %broadcast_in_dim3A_258, %reshape3A_252 : vector<16x64x1xi1>, vector<16x64x1xf32>
    %iota3A_259 = tpu.iota {dimensions = array<i32: 1>} : vector<16x64x1xi32>
    %eq3A_260 = arith.constant 63 : i32
    %eq3A_261 = vector.broadcast %eq3A_260 : i32 to vector<16x64x1xi32>
    %eq3A_262 = arith.cmpi eq, %iota3A_259, %eq3A_261 : vector<16x64x1xi32>
    %broadcast_in_dim3A_263 = vector.shape_cast %div3A_251 : vector<16x1xf32> to vector<16x1x1xf32>
    %broadcast_in_dim3A_264 = vector.shape_cast %broadcast_in_dim3A_263 : vector<16x1x1xf32> to vector<16x1x1xf32>
    %broadcast_in_dim3A_265 = vector.broadcast %broadcast_in_dim3A_264 : vector<16x1x1xf32> to vector<16x64x1xf32>
    %select_n3A_266 = arith.select %eq3A_262, %broadcast_in_dim3A_265, %select_n3A : vector<16x64x1xi1>, vector<16x64x1xf32>
    %reshape3A_267 = vector.shape_cast %select_n3A_266 : vector<16x64x1xf32> to vector<1024x1xf32>
    %slice3A_268 = vector.extract_strided_slice %get3A_3 {offsets = [0, 0], sizes = [64, 768], strides = [1, 1]} : vector<1024x768xf32> to vector<64x768xf32>
    %slice3A_269 = vector.extract_strided_slice %concatenate3A_25 {offsets = [0, 0], sizes = [64, 768], strides = [1, 1]} : vector<1024x768xf32> to vector<64x768xf32>
    %mul3A_270 = arith.mulf %slice3A_269, %slice3A_268 : vector<64x768xf32>
    %mul3A_271 = arith.constant 9.99999974E-5 : f32
    %mul3A_272 = vector.broadcast %mul3A_271 : f32 to vector<64x768xf32>
    %mul3A_273 = arith.mulf %mul3A_270, %mul3A_272 : vector<64x768xf32>
    %slice3A_274 = vector.extract_strided_slice %mul3A_273 {offsets = [0, 0], sizes = [64, 128], strides = [1, 1]} : vector<64x768xf32> to vector<64x128xf32>
    %slice3A_275 = vector.extract_strided_slice %mul3A_273 {offsets = [0, 128], sizes = [64, 128], strides = [1, 1]} : vector<64x768xf32> to vector<64x128xf32>
    %slice3A_276 = vector.extract_strided_slice %mul3A_273 {offsets = [0, 256], sizes = [64, 128], strides = [1, 1]} : vector<64x768xf32> to vector<64x128xf32>
    %slice3A_277 = vector.extract_strided_slice %mul3A_273 {offsets = [0, 384], sizes = [64, 128], strides = [1, 1]} : vector<64x768xf32> to vector<64x128xf32>
    %slice3A_278 = vector.extract_strided_slice %mul3A_273 {offsets = [0, 512], sizes = [64, 128], strides = [1, 1]} : vector<64x768xf32> to vector<64x128xf32>
    %slice3A_279 = vector.extract_strided_slice %mul3A_273 {offsets = [0, 640], sizes = [64, 128], strides = [1, 1]} : vector<64x768xf32> to vector<64x128xf32>
    %add3A_280 = arith.addf %slice3A_274, %slice3A_275 : vector<64x128xf32>
    %reduce_sum3A_281 = arith.constant dense<0.000000e+00> : vector<64xf32>
    %reduce_sum3A_282 = vector.multi_reduction <add>, %add3A_280, %reduce_sum3A_281 [1] : vector<64x128xf32> to vector<64xf32>
    %broadcast_in_dim3A_283 = vector.shape_cast %reduce_sum3A_282 : vector<64xf32> to vector<64x1xf32>
    %add3A_284 = arith.addf %slice3A_276, %slice3A_277 : vector<64x128xf32>
    %reduce_sum3A_285 = arith.constant dense<0.000000e+00> : vector<64xf32>
    %reduce_sum3A_286 = vector.multi_reduction <add>, %add3A_284, %reduce_sum3A_285 [1] : vector<64x128xf32> to vector<64xf32>
    %broadcast_in_dim3A_287 = vector.shape_cast %reduce_sum3A_286 : vector<64xf32> to vector<64x1xf32>
    %add3A_288 = arith.addf %slice3A_278, %slice3A_279 : vector<64x128xf32>
    %reduce_sum3A_289 = arith.constant dense<0.000000e+00> : vector<64xf32>
    %reduce_sum3A_290 = vector.multi_reduction <add>, %add3A_288, %reduce_sum3A_289 [1] : vector<64x128xf32> to vector<64xf32>
    %broadcast_in_dim3A_291 = vector.shape_cast %reduce_sum3A_290 : vector<64xf32> to vector<64x1xf32>
    %add3A_292 = arith.addf %broadcast_in_dim3A_283, %broadcast_in_dim3A_287 : vector<64x1xf32>
    %add3A_293 = arith.addf %add3A_292, %broadcast_in_dim3A_291 : vector<64x1xf32>
    %mul3A_294 = arith.constant 9.99999974E-5 : f32
    %mul3A_295 = vector.broadcast %mul3A_294 : f32 to vector<64x768xf32>
    %mul3A_296 = arith.mulf %mul3A_295, %slice3A_268 : vector<64x768xf32>
    %mul3A_297 = arith.mulf %mul3A_296, %mul3A_296 : vector<64x768xf32>
    %slice3A_298 = vector.extract_strided_slice %mul3A_297 {offsets = [0, 0], sizes = [64, 128], strides = [1, 1]} : vector<64x768xf32> to vector<64x128xf32>
    %slice3A_299 = vector.extract_strided_slice %mul3A_297 {offsets = [0, 128], sizes = [64, 128], strides = [1, 1]} : vector<64x768xf32> to vector<64x128xf32>
    %slice3A_300 = vector.extract_strided_slice %mul3A_297 {offsets = [0, 256], sizes = [64, 128], strides = [1, 1]} : vector<64x768xf32> to vector<64x128xf32>
    %slice3A_301 = vector.extract_strided_slice %mul3A_297 {offsets = [0, 384], sizes = [64, 128], strides = [1, 1]} : vector<64x768xf32> to vector<64x128xf32>
    %slice3A_302 = vector.extract_strided_slice %mul3A_297 {offsets = [0, 512], sizes = [64, 128], strides = [1, 1]} : vector<64x768xf32> to vector<64x128xf32>
    %slice3A_303 = vector.extract_strided_slice %mul3A_297 {offsets = [0, 640], sizes = [64, 128], strides = [1, 1]} : vector<64x768xf32> to vector<64x128xf32>
    %add3A_304 = arith.addf %slice3A_298, %slice3A_299 : vector<64x128xf32>
    %reduce_sum3A_305 = arith.constant dense<0.000000e+00> : vector<64xf32>
    %reduce_sum3A_306 = vector.multi_reduction <add>, %add3A_304, %reduce_sum3A_305 [1] : vector<64x128xf32> to vector<64xf32>
    %broadcast_in_dim3A_307 = vector.shape_cast %reduce_sum3A_306 : vector<64xf32> to vector<64x1xf32>
    %add3A_308 = arith.addf %slice3A_300, %slice3A_301 : vector<64x128xf32>
    %reduce_sum3A_309 = arith.constant dense<0.000000e+00> : vector<64xf32>
    %reduce_sum3A_310 = vector.multi_reduction <add>, %add3A_308, %reduce_sum3A_309 [1] : vector<64x128xf32> to vector<64xf32>
    %broadcast_in_dim3A_311 = vector.shape_cast %reduce_sum3A_310 : vector<64xf32> to vector<64x1xf32>
    %add3A_312 = arith.addf %slice3A_302, %slice3A_303 : vector<64x128xf32>
    %reduce_sum3A_313 = arith.constant dense<0.000000e+00> : vector<64xf32>
    %reduce_sum3A_314 = vector.multi_reduction <add>, %add3A_312, %reduce_sum3A_313 [1] : vector<64x128xf32> to vector<64xf32>
    %broadcast_in_dim3A_315 = vector.shape_cast %reduce_sum3A_314 : vector<64xf32> to vector<64x1xf32>
    %add3A_316 = arith.addf %broadcast_in_dim3A_307, %broadcast_in_dim3A_311 : vector<64x1xf32>
    %add3A_317 = arith.addf %add3A_316, %broadcast_in_dim3A_315 : vector<64x1xf32>
    %slice3A_318 = vector.extract_strided_slice %slice3A_91 {offsets = [0, 0], sizes = [64, 1], strides = [1, 1]} : vector<1024x1xf32> to vector<64x1xf32>
    %sqrt3A_319 = math.sqrt %add3A_317 : vector<64x1xf32>
    %mul3A_320 = arith.mulf %slice3A_318, %sqrt3A_319 : vector<64x1xf32>
    %div3A_321 = arith.divf %add3A_293, %mul3A_320 : vector<64x1xf32>
    %slice3A_322 = vector.extract_strided_slice %get3A_3 {offsets = [960, 0], sizes = [64, 768], strides = [1, 1]} : vector<1024x768xf32> to vector<64x768xf32>
    %slice3A_323 = vector.extract_strided_slice %concatenate3A_23 {offsets = [960, 0], sizes = [64, 768], strides = [1, 1]} : vector<1024x768xf32> to vector<64x768xf32>
    %mul3A_324 = arith.mulf %slice3A_323, %slice3A_322 : vector<64x768xf32>
    %mul3A_325 = arith.constant 9.99999974E-5 : f32
    %mul3A_326 = vector.broadcast %mul3A_325 : f32 to vector<64x768xf32>
    %mul3A_327 = arith.mulf %mul3A_324, %mul3A_326 : vector<64x768xf32>
    %slice3A_328 = vector.extract_strided_slice %mul3A_327 {offsets = [0, 0], sizes = [64, 128], strides = [1, 1]} : vector<64x768xf32> to vector<64x128xf32>
    %slice3A_329 = vector.extract_strided_slice %mul3A_327 {offsets = [0, 128], sizes = [64, 128], strides = [1, 1]} : vector<64x768xf32> to vector<64x128xf32>
    %slice3A_330 = vector.extract_strided_slice %mul3A_327 {offsets = [0, 256], sizes = [64, 128], strides = [1, 1]} : vector<64x768xf32> to vector<64x128xf32>
    %slice3A_331 = vector.extract_strided_slice %mul3A_327 {offsets = [0, 384], sizes = [64, 128], strides = [1, 1]} : vector<64x768xf32> to vector<64x128xf32>
    %slice3A_332 = vector.extract_strided_slice %mul3A_327 {offsets = [0, 512], sizes = [64, 128], strides = [1, 1]} : vector<64x768xf32> to vector<64x128xf32>
    %slice3A_333 = vector.extract_strided_slice %mul3A_327 {offsets = [0, 640], sizes = [64, 128], strides = [1, 1]} : vector<64x768xf32> to vector<64x128xf32>
    %add3A_334 = arith.addf %slice3A_328, %slice3A_329 : vector<64x128xf32>
    %reduce_sum3A_335 = arith.constant dense<0.000000e+00> : vector<64xf32>
    %reduce_sum3A_336 = vector.multi_reduction <add>, %add3A_334, %reduce_sum3A_335 [1] : vector<64x128xf32> to vector<64xf32>
    %broadcast_in_dim3A_337 = vector.shape_cast %reduce_sum3A_336 : vector<64xf32> to vector<64x1xf32>
    %add3A_338 = arith.addf %slice3A_330, %slice3A_331 : vector<64x128xf32>
    %reduce_sum3A_339 = arith.constant dense<0.000000e+00> : vector<64xf32>
    %reduce_sum3A_340 = vector.multi_reduction <add>, %add3A_338, %reduce_sum3A_339 [1] : vector<64x128xf32> to vector<64xf32>
    %broadcast_in_dim3A_341 = vector.shape_cast %reduce_sum3A_340 : vector<64xf32> to vector<64x1xf32>
    %add3A_342 = arith.addf %slice3A_332, %slice3A_333 : vector<64x128xf32>
    %reduce_sum3A_343 = arith.constant dense<0.000000e+00> : vector<64xf32>
    %reduce_sum3A_344 = vector.multi_reduction <add>, %add3A_342, %reduce_sum3A_343 [1] : vector<64x128xf32> to vector<64xf32>
    %broadcast_in_dim3A_345 = vector.shape_cast %reduce_sum3A_344 : vector<64xf32> to vector<64x1xf32>
    %add3A_346 = arith.addf %broadcast_in_dim3A_337, %broadcast_in_dim3A_341 : vector<64x1xf32>
    %add3A_347 = arith.addf %add3A_346, %broadcast_in_dim3A_345 : vector<64x1xf32>
    %mul3A_348 = arith.constant 9.99999974E-5 : f32
    %mul3A_349 = vector.broadcast %mul3A_348 : f32 to vector<64x768xf32>
    %mul3A_350 = arith.mulf %mul3A_349, %slice3A_322 : vector<64x768xf32>
    %mul3A_351 = arith.mulf %mul3A_350, %mul3A_350 : vector<64x768xf32>
    %slice3A_352 = vector.extract_strided_slice %mul3A_351 {offsets = [0, 0], sizes = [64, 128], strides = [1, 1]} : vector<64x768xf32> to vector<64x128xf32>
    %slice3A_353 = vector.extract_strided_slice %mul3A_351 {offsets = [0, 128], sizes = [64, 128], strides = [1, 1]} : vector<64x768xf32> to vector<64x128xf32>
    %slice3A_354 = vector.extract_strided_slice %mul3A_351 {offsets = [0, 256], sizes = [64, 128], strides = [1, 1]} : vector<64x768xf32> to vector<64x128xf32>
    %slice3A_355 = vector.extract_strided_slice %mul3A_351 {offsets = [0, 384], sizes = [64, 128], strides = [1, 1]} : vector<64x768xf32> to vector<64x128xf32>
    %slice3A_356 = vector.extract_strided_slice %mul3A_351 {offsets = [0, 512], sizes = [64, 128], strides = [1, 1]} : vector<64x768xf32> to vector<64x128xf32>
    %slice3A_357 = vector.extract_strided_slice %mul3A_351 {offsets = [0, 640], sizes = [64, 128], strides = [1, 1]} : vector<64x768xf32> to vector<64x128xf32>
    %add3A_358 = arith.addf %slice3A_352, %slice3A_353 : vector<64x128xf32>
    %reduce_sum3A_359 = arith.constant dense<0.000000e+00> : vector<64xf32>
    %reduce_sum3A_360 = vector.multi_reduction <add>, %add3A_358, %reduce_sum3A_359 [1] : vector<64x128xf32> to vector<64xf32>
    %broadcast_in_dim3A_361 = vector.shape_cast %reduce_sum3A_360 : vector<64xf32> to vector<64x1xf32>
    %add3A_362 = arith.addf %slice3A_354, %slice3A_355 : vector<64x128xf32>
    %reduce_sum3A_363 = arith.constant dense<0.000000e+00> : vector<64xf32>
    %reduce_sum3A_364 = vector.multi_reduction <add>, %add3A_362, %reduce_sum3A_363 [1] : vector<64x128xf32> to vector<64xf32>
    %broadcast_in_dim3A_365 = vector.shape_cast %reduce_sum3A_364 : vector<64xf32> to vector<64x1xf32>
    %add3A_366 = arith.addf %slice3A_356, %slice3A_357 : vector<64x128xf32>
    %reduce_sum3A_367 = arith.constant dense<0.000000e+00> : vector<64xf32>
    %reduce_sum3A_368 = vector.multi_reduction <add>, %add3A_366, %reduce_sum3A_367 [1] : vector<64x128xf32> to vector<64xf32>
    %broadcast_in_dim3A_369 = vector.shape_cast %reduce_sum3A_368 : vector<64xf32> to vector<64x1xf32>
    %add3A_370 = arith.addf %broadcast_in_dim3A_361, %broadcast_in_dim3A_365 : vector<64x1xf32>
    %add3A_371 = arith.addf %add3A_370, %broadcast_in_dim3A_369 : vector<64x1xf32>
    %sqrt3A_372 = math.sqrt %add3A_371 : vector<64x1xf32>
    %slice3A_373 = vector.extract_strided_slice %slice3A_90 {offsets = [960, 0], sizes = [64, 1], strides = [1, 1]} : vector<1024x1xf32> to vector<64x1xf32>
    %mul3A_374 = arith.mulf %sqrt3A_372, %slice3A_373 : vector<64x1xf32>
    %div3A_375 = arith.divf %add3A_347, %mul3A_374 : vector<64x1xf32>
    %broadcast_in_dim3A_376 = arith.constant 0.000000e+00 : f32
    %broadcast_in_dim3A_377 = vector.broadcast %broadcast_in_dim3A_376 : f32 to vector<960x1xf32>
    %eq3A_378 = arith.constant 0 : i32
    %eq3A_379 = vector.broadcast %eq3A_378 : i32 to vector<1024x1xi32>
    %eq3A_380 = arith.cmpi eq, %add3A_17, %eq3A_379 : vector<1024x1xi32>
    %concatenate3A_381 = tpu.concatenate %div3A_321, %broadcast_in_dim3A_377 in 0 : vector<64x1xf32>, vector<960x1xf32> -> vector<1024x1xf32>
    %select_n3A_382 = arith.select %eq3A_380, %concatenate3A_381, %div3A_136 : vector<1024x1xi1>, vector<1024x1xf32>
    %eq3A_383 = arith.constant 63 : i32
    %eq3A_384 = vector.broadcast %eq3A_383 : i32 to vector<1024x1xi32>
    %eq3A_385 = arith.cmpi eq, %add3A_17, %eq3A_384 : vector<1024x1xi32>
    %concatenate3A_386 = tpu.concatenate %broadcast_in_dim3A_377, %div3A_375 in 0 : vector<960x1xf32>, vector<64x1xf32> -> vector<1024x1xf32>
    %select_n3A_387 = arith.select %eq3A_385, %concatenate3A_386, %select_n3A_382 : vector<1024x1xi1>, vector<1024x1xf32>
    %add3A_388 = arith.addf %reshape3A_267, %select_n3A_387 : vector<1024x1xf32>
    %mul3A_389 = arith.constant 5.000000e-01 : f32
    %mul3A_390 = vector.broadcast %mul3A_389 : f32 to vector<1024x1xf32>
    %mul3A_391 = arith.mulf %add3A_388, %mul3A_390 : vector<1024x1xf32>
    %swap3A = arith.constant 0 : index
    %swap3A_392 = arith.constant 0 : index
    %swap3A_393 = arith.constant 0 : index
    %swap3A_394 = vector.load %arg5[%swap3A, %swap3A_392, %swap3A_393] : memref<1x1024x1xf32, #tpu.memory_space<vmem>>, vector<1x1024x1xf32>
    %swap3A_395 = vector.shape_cast %swap3A_394 : vector<1x1024x1xf32> to vector<1024x1xf32>
    %swap3A_396 = vector.shape_cast %mul3A_391 : vector<1024x1xf32> to vector<1x1024x1xf32>
    tpu.vector_store %arg5[%swap3A, %swap3A_392, %swap3A_393], %swap3A_396 {strides = array<i32>} : memref<1x1024x1xf32, #tpu.memory_space<vmem>>, vector<1x1024x1xf32>,
    return
  }
  func.func @transform_0(%arg0: i32, %arg1: i32) -> (i32, i32, i32) {
    %c0_i32 = arith.constant 0 : i32
    %c0_i32_0 = arith.constant 0 : i32
    return %arg0, %arg1, %c0_i32 : i32, i32, i32
  }
  func.func @transform_1(%arg0: i32, %arg1: i32) -> (i32, i32, i32) {
    %mul3A = arith.constant 16 : i32
    %mul3A_0 = arith.muli %mul3A, %arg1 : i32
    %sub3A = arith.constant 1 : i32
    %sub3A_1 = arith.subi %mul3A_0, %sub3A : i32
    %max3A = arith.constant 0 : i32
    %max3A_2 = arith.maxsi %sub3A_1, %max3A : i32
    %c0_i32 = arith.constant 0 : i32
    %c0_i32_3 = arith.constant 0 : i32
    return %arg0, %max3A_2, %c0_i32 : i32, i32, i32
  }
  func.func @transform_2(%arg0: i32, %arg1: i32) -> (i32, i32, i32) {
    %mul3A = arith.constant 16 : i32
    %mul3A_0 = arith.muli %mul3A, %arg1 : i32
    %add3A = arith.constant 16 : i32
    %add3A_1 = arith.addi %mul3A_0, %add3A : i32
    %min3A = arith.constant 63 : i32
    %min3A_2 = arith.minsi %add3A_1, %min3A : i32
    %c0_i32 = arith.constant 0 : i32
    %c0_i32_3 = arith.constant 0 : i32
    return %arg0, %min3A_2, %c0_i32 : i32, i32, i32
  }
  func.func @transform_3(%arg0: i32, %arg1: i32) -> (i32, i32, i32) {
    %c0_i32 = arith.constant 0 : i32
    %c0_i32_0 = arith.constant 0 : i32
    return %arg0, %arg1, %c0_i32 : i32, i32, i32
  }
}

module attributes {stable_mosaic.version = 14 : i64} {
  func.func @_topk_body(%arg0: memref<16x4096xf32, #tpu.memory_space<vmem>>, %arg1: memref<1x1xi32, #tpu.memory_space<smem>>, %arg2: memref<16x1024xf32, #tpu.memory_space<vmem>>, %arg3: memref<16x1024xi32, #tpu.memory_space<vmem>>, %arg4: memref<16x1024xi32, #tpu.memory_space<vmem>>, %arg5: memref<16x1024xi32, #tpu.memory_space<vmem>>) attributes {dimension_semantics = [], scalar_prefetch = 0 : i64, scratch_operands = 0 : i64, tpu.core_type = #tpu.core_type<tc>} {
    %get3A = arith.constant 0 : index
    %get3A_0 = arith.constant 0 : index
    %get3A_1 = vector.load %arg0[%get3A, %get3A_0] : memref<16x4096xf32, #tpu.memory_space<vmem>>, vector<16x4096xf32>
    %iota3A = tpu.iota {dimensions = array<i32: 1>} : vector<16x4096xi32>
    %and3A = arith.constant 63 : i32
    %and3A_2 = vector.broadcast %and3A : i32 to vector<16x4096xi32>
    %and3A_3 = arith.andi %iota3A, %and3A_2 : vector<16x4096xi32>
    %slice3A = vector.extract_strided_slice %get3A_1 {offsets = [0, 1], sizes = [16, 4095], strides = [1, 1]} : vector<16x4096xf32> to vector<16x4095xf32>
    %slice3A_4 = vector.extract_strided_slice %get3A_1 {offsets = [0, 0], sizes = [16, 1], strides = [1, 1]} : vector<16x4096xf32> to vector<16x1xf32>
    %concatenate3A = tpu.concatenate %slice3A, %slice3A_4 in 1 : vector<16x4095xf32>, vector<16x1xf32> -> vector<16x4096xf32>
    %slice3A_5 = vector.extract_strided_slice %get3A_1 {offsets = [0, 4095], sizes = [16, 1], strides = [1, 1]} : vector<16x4096xf32> to vector<16x1xf32>
    %slice3A_6 = vector.extract_strided_slice %get3A_1 {offsets = [0, 0], sizes = [16, 4095], strides = [1, 1]} : vector<16x4096xf32> to vector<16x4095xf32>
    %concatenate3A_7 = tpu.concatenate %slice3A_5, %slice3A_6 in 1 : vector<16x1xf32>, vector<16x4095xf32> -> vector<16x4096xf32>
    %eq3A = arith.constant 63 : i32
    %eq3A_8 = vector.broadcast %eq3A : i32 to vector<16x4096xi32>
    %eq3A_9 = arith.cmpi eq, %and3A_3, %eq3A_8 : vector<16x4096xi32>
    %jit3A = arith.constant 0x7F800000 : f32
    %broadcast_in_dim3A = vector.broadcast %jit3A : f32 to vector<16x4096xf32>
    %select_n3A = arith.select %eq3A_9, %broadcast_in_dim3A, %concatenate3A : vector<16x4096xi1>, vector<16x4096xf32>
    %eq3A_10 = arith.constant 0 : i32
    %eq3A_11 = vector.broadcast %eq3A_10 : i32 to vector<16x4096xi32>
    %eq3A_12 = arith.cmpi eq, %and3A_3, %eq3A_11 : vector<16x4096xi32>
    %jit3A_13 = arith.constant 0x7F800000 : f32
    %broadcast_in_dim3A_14 = vector.broadcast %jit3A_13 : f32 to vector<16x4096xf32>
    %select_n3A_15 = arith.select %eq3A_12, %broadcast_in_dim3A_14, %concatenate3A_7 : vector<16x4096xi1>, vector<16x4096xf32>
    %min3A = arith.minimumf %select_n3A_15, %get3A_1 : vector<16x4096xf32>
    %min3A_16 = arith.minimumf %min3A, %select_n3A : vector<16x4096xf32>
    %slice3A_17 = vector.extract_strided_slice %get3A_1 {offsets = [0, 64], sizes = [16, 4032], strides = [1, 1]} : vector<16x4096xf32> to vector<16x4032xf32>
    %slice3A_18 = vector.extract_strided_slice %get3A_1 {offsets = [0, 0], sizes = [16, 64], strides = [1, 1]} : vector<16x4096xf32> to vector<16x64xf32>
    %concatenate3A_19 = tpu.concatenate %slice3A_17, %slice3A_18 in 1 : vector<16x4032xf32>, vector<16x64xf32> -> vector<16x4096xf32>
    %slice3A_20 = vector.extract_strided_slice %get3A_1 {offsets = [0, 4032], sizes = [16, 64], strides = [1, 1]} : vector<16x4096xf32> to vector<16x64xf32>
    %slice3A_21 = vector.extract_strided_slice %get3A_1 {offsets = [0, 0], sizes = [16, 4032], strides = [1, 1]} : vector<16x4096xf32> to vector<16x4032xf32>
    %concatenate3A_22 = tpu.concatenate %slice3A_20, %slice3A_21 in 1 : vector<16x64xf32>, vector<16x4032xf32> -> vector<16x4096xf32>
    %ge3A = arith.constant 4032 : i32
    %ge3A_23 = vector.broadcast %ge3A : i32 to vector<16x4096xi32>
    %ge3A_24 = arith.cmpi sge, %iota3A, %ge3A_23 : vector<16x4096xi32>
    %jit3A_25 = arith.constant 0x7F800000 : f32
    %broadcast_in_dim3A_26 = vector.broadcast %jit3A_25 : f32 to vector<16x4096xf32>
    %select_n3A_27 = arith.select %ge3A_24, %broadcast_in_dim3A_26, %concatenate3A_19 : vector<16x4096xi1>, vector<16x4096xf32>
    %lt3A = arith.constant 64 : i32
    %lt3A_28 = vector.broadcast %lt3A : i32 to vector<16x4096xi32>
    %lt3A_29 = arith.cmpi slt, %iota3A, %lt3A_28 : vector<16x4096xi32>
    %jit3A_30 = arith.constant 0x7F800000 : f32
    %broadcast_in_dim3A_31 = vector.broadcast %jit3A_30 : f32 to vector<16x4096xf32>
    %select_n3A_32 = arith.select %lt3A_29, %broadcast_in_dim3A_31, %concatenate3A_22 : vector<16x4096xi1>, vector<16x4096xf32>
    %min3A_33 = arith.minimumf %select_n3A_32, %get3A_1 : vector<16x4096xf32>
    %min3A_34 = arith.minimumf %min3A_33, %select_n3A_27 : vector<16x4096xf32>
    %eq3A_35 = arith.cmpf oeq, %get3A_1, %min3A_16 : vector<16x4096xf32>
    %eq3A_36 = arith.cmpf oeq, %get3A_1, %min3A_34 : vector<16x4096xf32>
    %or3A = arith.ori %eq3A_35, %eq3A_36 : vector<16x4096xi1>
    %sub3A = arith.constant 1.000000e+00 : f32
    %sub3A_37 = vector.broadcast %sub3A : f32 to vector<16x4096xf32>
    %sub3A_38 = arith.subf %sub3A_37, %get3A_1 : vector<16x4096xf32>
    %jit3A_39 = arith.constant 0.000000e+00 : f32
    %broadcast_in_dim3A_40 = vector.broadcast %jit3A_39 : f32 to vector<16x4096xf32>
    %select_n3A_41 = arith.select %or3A, %sub3A_38, %broadcast_in_dim3A_40 : vector<16x4096xi1>, vector<16x4096xf32>
    %sub3A_42 = arith.constant 1.000000e+00 : f32
    %sub3A_43 = vector.broadcast %sub3A_42 : f32 to vector<16x4096xf32>
    %sub3A_44 = arith.subf %sub3A_43, %select_n3A_41 : vector<16x4096xf32>
    %sub3A_45 = arith.constant 1.000000e+00 : f32
    %sub3A_46 = vector.broadcast %sub3A_45 : f32 to vector<16x4096xf32>
    %sub3A_47 = arith.subf %sub3A_46, %sub3A_44 : vector<16x4096xf32>
    %slice3A_48 = vector.extract_strided_slice %sub3A_47 {offsets = [0, 1], sizes = [16, 4095], strides = [1, 1]} : vector<16x4096xf32> to vector<16x4095xf32>
    %slice3A_49 = vector.extract_strided_slice %sub3A_47 {offsets = [0, 0], sizes = [16, 1], strides = [1, 1]} : vector<16x4096xf32> to vector<16x1xf32>
    %concatenate3A_50 = tpu.concatenate %slice3A_48, %slice3A_49 in 1 : vector<16x4095xf32>, vector<16x1xf32> -> vector<16x4096xf32>
    %slice3A_51 = vector.extract_strided_slice %sub3A_47 {offsets = [0, 4095], sizes = [16, 1], strides = [1, 1]} : vector<16x4096xf32> to vector<16x1xf32>
    %slice3A_52 = vector.extract_strided_slice %sub3A_47 {offsets = [0, 0], sizes = [16, 4095], strides = [1, 1]} : vector<16x4096xf32> to vector<16x4095xf32>
    %concatenate3A_53 = tpu.concatenate %slice3A_51, %slice3A_52 in 1 : vector<16x1xf32>, vector<16x4095xf32> -> vector<16x4096xf32>
    %slice3A_54 = vector.extract_strided_slice %iota3A {offsets = [0, 1], sizes = [16, 4095], strides = [1, 1]} : vector<16x4096xi32> to vector<16x4095xi32>
    %slice3A_55 = vector.extract_strided_slice %iota3A {offsets = [0, 0], sizes = [16, 1], strides = [1, 1]} : vector<16x4096xi32> to vector<16x1xi32>
    %concatenate3A_56 = tpu.concatenate %slice3A_54, %slice3A_55 in 1 : vector<16x4095xi32>, vector<16x1xi32> -> vector<16x4096xi32>
    %slice3A_57 = vector.extract_strided_slice %iota3A {offsets = [0, 4095], sizes = [16, 1], strides = [1, 1]} : vector<16x4096xi32> to vector<16x1xi32>
    %slice3A_58 = vector.extract_strided_slice %iota3A {offsets = [0, 0], sizes = [16, 4095], strides = [1, 1]} : vector<16x4096xi32> to vector<16x4095xi32>
    %concatenate3A_59 = tpu.concatenate %slice3A_57, %slice3A_58 in 1 : vector<16x1xi32>, vector<16x4095xi32> -> vector<16x4096xi32>
    %and3A_60 = arith.constant 1 : i32
    %and3A_61 = vector.broadcast %and3A_60 : i32 to vector<16x4096xi32>
    %and3A_62 = arith.andi %iota3A, %and3A_61 : vector<16x4096xi32>
    %eq3A_63 = arith.constant 0 : i32
    %eq3A_64 = vector.broadcast %eq3A_63 : i32 to vector<16x4096xi32>
    %eq3A_65 = arith.cmpi eq, %and3A_62, %eq3A_64 : vector<16x4096xi32>
    %select_n3A_66 = arith.select %eq3A_65, %concatenate3A_50, %concatenate3A_53 : vector<16x4096xi1>, vector<16x4096xf32>
    %select_n3A_67 = arith.select %eq3A_65, %concatenate3A_56, %concatenate3A_59 : vector<16x4096xi1>, vector<16x4096xi32>
    %and3A_68 = arith.constant 2 : i32
    %and3A_69 = vector.broadcast %and3A_68 : i32 to vector<16x4096xi32>
    %and3A_70 = arith.andi %iota3A, %and3A_69 : vector<16x4096xi32>
    %eq3A_71 = arith.constant 0 : i32
    %eq3A_72 = vector.broadcast %eq3A_71 : i32 to vector<16x4096xi32>
    %eq3A_73 = arith.cmpi eq, %and3A_70, %eq3A_72 : vector<16x4096xi32>
    %gt3A = arith.cmpf ogt, %sub3A_47, %select_n3A_66 : vector<16x4096xf32>
    %eq3A_74 = arith.cmpf oeq, %sub3A_47, %select_n3A_66 : vector<16x4096xf32>
    %lt3A_75 = arith.cmpi slt, %iota3A, %select_n3A_67 : vector<16x4096xi32>
    %and3A_76 = arith.andi %eq3A_74, %lt3A_75 : vector<16x4096xi1>
    %or3A_77 = arith.ori %gt3A, %and3A_76 : vector<16x4096xi1>
    %eq3A_78 = arith.xori %eq3A_73, %eq3A_65 : vector<16x4096xi1>
    %eq3A_79 = arith.constant dense<true> : vector<16x4096xi1>
    %eq3A_80 = arith.xori %eq3A_78, %eq3A_79 : vector<16x4096xi1>
    %eq3A_81 = arith.xori %or3A_77, %eq3A_80 : vector<16x4096xi1>
    %eq3A_82 = arith.constant dense<true> : vector<16x4096xi1>
    %eq3A_83 = arith.xori %eq3A_81, %eq3A_82 : vector<16x4096xi1>
    %select_n3A_84 = arith.select %eq3A_83, %sub3A_47, %select_n3A_66 : vector<16x4096xi1>, vector<16x4096xf32>
    %select_n3A_85 = arith.select %eq3A_83, %iota3A, %select_n3A_67 : vector<16x4096xi1>, vector<16x4096xi32>
    %slice3A_86 = vector.extract_strided_slice %select_n3A_84 {offsets = [0, 2], sizes = [16, 4094], strides = [1, 1]} : vector<16x4096xf32> to vector<16x4094xf32>
    %slice3A_87 = vector.extract_strided_slice %select_n3A_84 {offsets = [0, 0], sizes = [16, 2], strides = [1, 1]} : vector<16x4096xf32> to vector<16x2xf32>
    %concatenate3A_88 = tpu.concatenate %slice3A_86, %slice3A_87 in 1 : vector<16x4094xf32>, vector<16x2xf32> -> vector<16x4096xf32>
    %slice3A_89 = vector.extract_strided_slice %select_n3A_84 {offsets = [0, 4094], sizes = [16, 2], strides = [1, 1]} : vector<16x4096xf32> to vector<16x2xf32>
    %slice3A_90 = vector.extract_strided_slice %select_n3A_84 {offsets = [0, 0], sizes = [16, 4094], strides = [1, 1]} : vector<16x4096xf32> to vector<16x4094xf32>
    %concatenate3A_91 = tpu.concatenate %slice3A_89, %slice3A_90 in 1 : vector<16x2xf32>, vector<16x4094xf32> -> vector<16x4096xf32>
    %slice3A_92 = vector.extract_strided_slice %select_n3A_85 {offsets = [0, 2], sizes = [16, 4094], strides = [1, 1]} : vector<16x4096xi32> to vector<16x4094xi32>
    %slice3A_93 = vector.extract_strided_slice %select_n3A_85 {offsets = [0, 0], sizes = [16, 2], strides = [1, 1]} : vector<16x4096xi32> to vector<16x2xi32>
    %concatenate3A_94 = tpu.concatenate %slice3A_92, %slice3A_93 in 1 : vector<16x4094xi32>, vector<16x2xi32> -> vector<16x4096xi32>
    %slice3A_95 = vector.extract_strided_slice %select_n3A_85 {offsets = [0, 4094], sizes = [16, 2], strides = [1, 1]} : vector<16x4096xi32> to vector<16x2xi32>
    %slice3A_96 = vector.extract_strided_slice %select_n3A_85 {offsets = [0, 0], sizes = [16, 4094], strides = [1, 1]} : vector<16x4096xi32> to vector<16x4094xi32>
    %concatenate3A_97 = tpu.concatenate %slice3A_95, %slice3A_96 in 1 : vector<16x2xi32>, vector<16x4094xi32> -> vector<16x4096xi32>
    %and3A_98 = arith.constant 2 : i32
    %and3A_99 = vector.broadcast %and3A_98 : i32 to vector<16x4096xi32>
    %and3A_100 = arith.andi %iota3A, %and3A_99 : vector<16x4096xi32>
    %eq3A_101 = arith.constant 0 : i32
    %eq3A_102 = vector.broadcast %eq3A_101 : i32 to vector<16x4096xi32>
    %eq3A_103 = arith.cmpi eq, %and3A_100, %eq3A_102 : vector<16x4096xi32>
    %select_n3A_104 = arith.select %eq3A_103, %concatenate3A_88, %concatenate3A_91 : vector<16x4096xi1>, vector<16x4096xf32>
    %select_n3A_105 = arith.select %eq3A_103, %concatenate3A_94, %concatenate3A_97 : vector<16x4096xi1>, vector<16x4096xi32>
    %and3A_106 = arith.constant 4 : i32
    %and3A_107 = vector.broadcast %and3A_106 : i32 to vector<16x4096xi32>
    %and3A_108 = arith.andi %iota3A, %and3A_107 : vector<16x4096xi32>
    %eq3A_109 = arith.constant 0 : i32
    %eq3A_110 = vector.broadcast %eq3A_109 : i32 to vector<16x4096xi32>
    %eq3A_111 = arith.cmpi eq, %and3A_108, %eq3A_110 : vector<16x4096xi32>
    %gt3A_112 = arith.cmpf ogt, %select_n3A_84, %select_n3A_104 : vector<16x4096xf32>
    %eq3A_113 = arith.cmpf oeq, %select_n3A_84, %select_n3A_104 : vector<16x4096xf32>
    %lt3A_114 = arith.cmpi slt, %select_n3A_85, %select_n3A_105 : vector<16x4096xi32>
    %and3A_115 = arith.andi %eq3A_113, %lt3A_114 : vector<16x4096xi1>
    %or3A_116 = arith.ori %gt3A_112, %and3A_115 : vector<16x4096xi1>
    %eq3A_117 = arith.xori %eq3A_111, %eq3A_103 : vector<16x4096xi1>
    %eq3A_118 = arith.constant dense<true> : vector<16x4096xi1>
    %eq3A_119 = arith.xori %eq3A_117, %eq3A_118 : vector<16x4096xi1>
    %eq3A_120 = arith.xori %or3A_116, %eq3A_119 : vector<16x4096xi1>
    %eq3A_121 = arith.constant dense<true> : vector<16x4096xi1>
    %eq3A_122 = arith.xori %eq3A_120, %eq3A_121 : vector<16x4096xi1>
    %select_n3A_123 = arith.select %eq3A_122, %select_n3A_84, %select_n3A_104 : vector<16x4096xi1>, vector<16x4096xf32>
    %select_n3A_124 = arith.select %eq3A_122, %select_n3A_85, %select_n3A_105 : vector<16x4096xi1>, vector<16x4096xi32>
    %slice3A_125 = vector.extract_strided_slice %select_n3A_123 {offsets = [0, 1], sizes = [16, 4095], strides = [1, 1]} : vector<16x4096xf32> to vector<16x4095xf32>
    %slice3A_126 = vector.extract_strided_slice %select_n3A_123 {offsets = [0, 0], sizes = [16, 1], strides = [1, 1]} : vector<16x4096xf32> to vector<16x1xf32>
    %concatenate3A_127 = tpu.concatenate %slice3A_125, %slice3A_126 in 1 : vector<16x4095xf32>, vector<16x1xf32> -> vector<16x4096xf32>
    %slice3A_128 = vector.extract_strided_slice %select_n3A_123 {offsets = [0, 4095], sizes = [16, 1], strides = [1, 1]} : vector<16x4096xf32> to vector<16x1xf32>
    %slice3A_129 = vector.extract_strided_slice %select_n3A_123 {offsets = [0, 0], sizes = [16, 4095], strides = [1, 1]} : vector<16x4096xf32> to vector<16x4095xf32>
    %concatenate3A_130 = tpu.concatenate %slice3A_128, %slice3A_129 in 1 : vector<16x1xf32>, vector<16x4095xf32> -> vector<16x4096xf32>
    %slice3A_131 = vector.extract_strided_slice %select_n3A_124 {offsets = [0, 1], sizes = [16, 4095], strides = [1, 1]} : vector<16x4096xi32> to vector<16x4095xi32>
    %slice3A_132 = vector.extract_strided_slice %select_n3A_124 {offsets = [0, 0], sizes = [16, 1], strides = [1, 1]} : vector<16x4096xi32> to vector<16x1xi32>
    %concatenate3A_133 = tpu.concatenate %slice3A_131, %slice3A_132 in 1 : vector<16x4095xi32>, vector<16x1xi32> -> vector<16x4096xi32>
    %slice3A_134 = vector.extract_strided_slice %select_n3A_124 {offsets = [0, 4095], sizes = [16, 1], strides = [1, 1]} : vector<16x4096xi32> to vector<16x1xi32>
    %slice3A_135 = vector.extract_strided_slice %select_n3A_124 {offsets = [0, 0], sizes = [16, 4095], strides = [1, 1]} : vector<16x4096xi32> to vector<16x4095xi32>
    %concatenate3A_136 = tpu.concatenate %slice3A_134, %slice3A_135 in 1 : vector<16x1xi32>, vector<16x4095xi32> -> vector<16x4096xi32>
    %and3A_137 = arith.constant 1 : i32
    %and3A_138 = vector.broadcast %and3A_137 : i32 to vector<16x4096xi32>
    %and3A_139 = arith.andi %iota3A, %and3A_138 : vector<16x4096xi32>
    %eq3A_140 = arith.constant 0 : i32
    %eq3A_141 = vector.broadcast %eq3A_140 : i32 to vector<16x4096xi32>
    %eq3A_142 = arith.cmpi eq, %and3A_139, %eq3A_141 : vector<16x4096xi32>
    %select_n3A_143 = arith.select %eq3A_142, %concatenate3A_127, %concatenate3A_130 : vector<16x4096xi1>, vector<16x4096xf32>
    %select_n3A_144 = arith.select %eq3A_142, %concatenate3A_133, %concatenate3A_136 : vector<16x4096xi1>, vector<16x4096xi32>
    %and3A_145 = arith.constant 4 : i32
    %and3A_146 = vector.broadcast %and3A_145 : i32 to vector<16x4096xi32>
    %and3A_147 = arith.andi %iota3A, %and3A_146 : vector<16x4096xi32>
    %eq3A_148 = arith.constant 0 : i32
    %eq3A_149 = vector.broadcast %eq3A_148 : i32 to vector<16x4096xi32>
    %eq3A_150 = arith.cmpi eq, %and3A_147, %eq3A_149 : vector<16x4096xi32>
    %gt3A_151 = arith.cmpf ogt, %select_n3A_123, %select_n3A_143 : vector<16x4096xf32>
    %eq3A_152 = arith.cmpf oeq, %select_n3A_123, %select_n3A_143 : vector<16x4096xf32>
    %lt3A_153 = arith.cmpi slt, %select_n3A_124, %select_n3A_144 : vector<16x4096xi32>
    %and3A_154 = arith.andi %eq3A_152, %lt3A_153 : vector<16x4096xi1>
    %or3A_155 = arith.ori %gt3A_151, %and3A_154 : vector<16x4096xi1>
    %eq3A_156 = arith.xori %eq3A_150, %eq3A_142 : vector<16x4096xi1>
    %eq3A_157 = arith.constant dense<true> : vector<16x4096xi1>
    %eq3A_158 = arith.xori %eq3A_156, %eq3A_157 : vector<16x4096xi1>
    %eq3A_159 = arith.xori %or3A_155, %eq3A_158 : vector<16x4096xi1>
    %eq3A_160 = arith.constant dense<true> : vector<16x4096xi1>
    %eq3A_161 = arith.xori %eq3A_159, %eq3A_160 : vector<16x4096xi1>
    %select_n3A_162 = arith.select %eq3A_161, %select_n3A_123, %select_n3A_143 : vector<16x4096xi1>, vector<16x4096xf32>
    %select_n3A_163 = arith.select %eq3A_161, %select_n3A_124, %select_n3A_144 : vector<16x4096xi1>, vector<16x4096xi32>
    %slice3A_164 = vector.extract_strided_slice %select_n3A_162 {offsets = [0, 4], sizes = [16, 4092], strides = [1, 1]} : vector<16x4096xf32> to vector<16x4092xf32>
    %slice3A_165 = vector.extract_strided_slice %select_n3A_162 {offsets = [0, 0], sizes = [16, 4], strides = [1, 1]} : vector<16x4096xf32> to vector<16x4xf32>
    %concatenate3A_166 = tpu.concatenate %slice3A_164, %slice3A_165 in 1 : vector<16x4092xf32>, vector<16x4xf32> -> vector<16x4096xf32>
    %slice3A_167 = vector.extract_strided_slice %select_n3A_162 {offsets = [0, 4092], sizes = [16, 4], strides = [1, 1]} : vector<16x4096xf32> to vector<16x4xf32>
    %slice3A_168 = vector.extract_strided_slice %select_n3A_162 {offsets = [0, 0], sizes = [16, 4092], strides = [1, 1]} : vector<16x4096xf32> to vector<16x4092xf32>
    %concatenate3A_169 = tpu.concatenate %slice3A_167, %slice3A_168 in 1 : vector<16x4xf32>, vector<16x4092xf32> -> vector<16x4096xf32>
    %slice3A_170 = vector.extract_strided_slice %select_n3A_163 {offsets = [0, 4], sizes = [16, 4092], strides = [1, 1]} : vector<16x4096xi32> to vector<16x4092xi32>
    %slice3A_171 = vector.extract_strided_slice %select_n3A_163 {offsets = [0, 0], sizes = [16, 4], strides = [1, 1]} : vector<16x4096xi32> to vector<16x4xi32>
    %concatenate3A_172 = tpu.concatenate %slice3A_170, %slice3A_171 in 1 : vector<16x4092xi32>, vector<16x4xi32> -> vector<16x4096xi32>
    %slice3A_173 = vector.extract_strided_slice %select_n3A_163 {offsets = [0, 4092], sizes = [16, 4], strides = [1, 1]} : vector<16x4096xi32> to vector<16x4xi32>
    %slice3A_174 = vector.extract_strided_slice %select_n3A_163 {offsets = [0, 0], sizes = [16, 4092], strides = [1, 1]} : vector<16x4096xi32> to vector<16x4092xi32>
    %concatenate3A_175 = tpu.concatenate %slice3A_173, %slice3A_174 in 1 : vector<16x4xi32>, vector<16x4092xi32> -> vector<16x4096xi32>
    %and3A_176 = arith.constant 4 : i32
    %and3A_177 = vector.broadcast %and3A_176 : i32 to vector<16x4096xi32>
    %and3A_178 = arith.andi %iota3A, %and3A_177 : vector<16x4096xi32>
    %eq3A_179 = arith.constant 0 : i32
    %eq3A_180 = vector.broadcast %eq3A_179 : i32 to vector<16x4096xi32>
    %eq3A_181 = arith.cmpi eq, %and3A_178, %eq3A_180 : vector<16x4096xi32>
    %select_n3A_182 = arith.select %eq3A_181, %concatenate3A_166, %concatenate3A_169 : vector<16x4096xi1>, vector<16x4096xf32>
    %select_n3A_183 = arith.select %eq3A_181, %concatenate3A_172, %concatenate3A_175 : vector<16x4096xi1>, vector<16x4096xi32>
    %and3A_184 = arith.constant 8 : i32
    %and3A_185 = vector.broadcast %and3A_184 : i32 to vector<16x4096xi32>
    %and3A_186 = arith.andi %iota3A, %and3A_185 : vector<16x4096xi32>
    %eq3A_187 = arith.constant 0 : i32
    %eq3A_188 = vector.broadcast %eq3A_187 : i32 to vector<16x4096xi32>
    %eq3A_189 = arith.cmpi eq, %and3A_186, %eq3A_188 : vector<16x4096xi32>
    %gt3A_190 = arith.cmpf ogt, %select_n3A_162, %select_n3A_182 : vector<16x4096xf32>
    %eq3A_191 = arith.cmpf oeq, %select_n3A_162, %select_n3A_182 : vector<16x4096xf32>
    %lt3A_192 = arith.cmpi slt, %select_n3A_163, %select_n3A_183 : vector<16x4096xi32>
    %and3A_193 = arith.andi %eq3A_191, %lt3A_192 : vector<16x4096xi1>
    %or3A_194 = arith.ori %gt3A_190, %and3A_193 : vector<16x4096xi1>
    %eq3A_195 = arith.xori %eq3A_189, %eq3A_181 : vector<16x4096xi1>
    %eq3A_196 = arith.constant dense<true> : vector<16x4096xi1>
    %eq3A_197 = arith.xori %eq3A_195, %eq3A_196 : vector<16x4096xi1>
    %eq3A_198 = arith.xori %or3A_194, %eq3A_197 : vector<16x4096xi1>
    %eq3A_199 = arith.constant dense<true> : vector<16x4096xi1>
    %eq3A_200 = arith.xori %eq3A_198, %eq3A_199 : vector<16x4096xi1>
    %select_n3A_201 = arith.select %eq3A_200, %select_n3A_162, %select_n3A_182 : vector<16x4096xi1>, vector<16x4096xf32>
    %select_n3A_202 = arith.select %eq3A_200, %select_n3A_163, %select_n3A_183 : vector<16x4096xi1>, vector<16x4096xi32>
    %slice3A_203 = vector.extract_strided_slice %select_n3A_201 {offsets = [0, 2], sizes = [16, 4094], strides = [1, 1]} : vector<16x4096xf32> to vector<16x4094xf32>
    %slice3A_204 = vector.extract_strided_slice %select_n3A_201 {offsets = [0, 0], sizes = [16, 2], strides = [1, 1]} : vector<16x4096xf32> to vector<16x2xf32>
    %concatenate3A_205 = tpu.concatenate %slice3A_203, %slice3A_204 in 1 : vector<16x4094xf32>, vector<16x2xf32> -> vector<16x4096xf32>
    %slice3A_206 = vector.extract_strided_slice %select_n3A_201 {offsets = [0, 4094], sizes = [16, 2], strides = [1, 1]} : vector<16x4096xf32> to vector<16x2xf32>
    %slice3A_207 = vector.extract_strided_slice %select_n3A_201 {offsets = [0, 0], sizes = [16, 4094], strides = [1, 1]} : vector<16x4096xf32> to vector<16x4094xf32>
    %concatenate3A_208 = tpu.concatenate %slice3A_206, %slice3A_207 in 1 : vector<16x2xf32>, vector<16x4094xf32> -> vector<16x4096xf32>
    %slice3A_209 = vector.extract_strided_slice %select_n3A_202 {offsets = [0, 2], sizes = [16, 4094], strides = [1, 1]} : vector<16x4096xi32> to vector<16x4094xi32>
    %slice3A_210 = vector.extract_strided_slice %select_n3A_202 {offsets = [0, 0], sizes = [16, 2], strides = [1, 1]} : vector<16x4096xi32> to vector<16x2xi32>
    %concatenate3A_211 = tpu.concatenate %slice3A_209, %slice3A_210 in 1 : vector<16x4094xi32>, vector<16x2xi32> -> vector<16x4096xi32>
    %slice3A_212 = vector.extract_strided_slice %select_n3A_202 {offsets = [0, 4094], sizes = [16, 2], strides = [1, 1]} : vector<16x4096xi32> to vector<16x2xi32>
    %slice3A_213 = vector.extract_strided_slice %select_n3A_202 {offsets = [0, 0], sizes = [16, 4094], strides = [1, 1]} : vector<16x4096xi32> to vector<16x4094xi32>
    %concatenate3A_214 = tpu.concatenate %slice3A_212, %slice3A_213 in 1 : vector<16x2xi32>, vector<16x4094xi32> -> vector<16x4096xi32>
    %and3A_215 = arith.constant 2 : i32
    %and3A_216 = vector.broadcast %and3A_215 : i32 to vector<16x4096xi32>
    %and3A_217 = arith.andi %iota3A, %and3A_216 : vector<16x4096xi32>
    %eq3A_218 = arith.constant 0 : i32
    %eq3A_219 = vector.broadcast %eq3A_218 : i32 to vector<16x4096xi32>
    %eq3A_220 = arith.cmpi eq, %and3A_217, %eq3A_219 : vector<16x4096xi32>
    %select_n3A_221 = arith.select %eq3A_220, %concatenate3A_205, %concatenate3A_208 : vector<16x4096xi1>, vector<16x4096xf32>
    %select_n3A_222 = arith.select %eq3A_220, %concatenate3A_211, %concatenate3A_214 : vector<16x4096xi1>, vector<16x4096xi32>
    %and3A_223 = arith.constant 8 : i32
    %and3A_224 = vector.broadcast %and3A_223 : i32 to vector<16x4096xi32>
    %and3A_225 = arith.andi %iota3A, %and3A_224 : vector<16x4096xi32>
    %eq3A_226 = arith.constant 0 : i32
    %eq3A_227 = vector.broadcast %eq3A_226 : i32 to vector<16x4096xi32>
    %eq3A_228 = arith.cmpi eq, %and3A_225, %eq3A_227 : vector<16x4096xi32>
    %gt3A_229 = arith.cmpf ogt, %select_n3A_201, %select_n3A_221 : vector<16x4096xf32>
    %eq3A_230 = arith.cmpf oeq, %select_n3A_201, %select_n3A_221 : vector<16x4096xf32>
    %lt3A_231 = arith.cmpi slt, %select_n3A_202, %select_n3A_222 : vector<16x4096xi32>
    %and3A_232 = arith.andi %eq3A_230, %lt3A_231 : vector<16x4096xi1>
    %or3A_233 = arith.ori %gt3A_229, %and3A_232 : vector<16x4096xi1>
    %eq3A_234 = arith.xori %eq3A_228, %eq3A_220 : vector<16x4096xi1>
    %eq3A_235 = arith.constant dense<true> : vector<16x4096xi1>
    %eq3A_236 = arith.xori %eq3A_234, %eq3A_235 : vector<16x4096xi1>
    %eq3A_237 = arith.xori %or3A_233, %eq3A_236 : vector<16x4096xi1>
    %eq3A_238 = arith.constant dense<true> : vector<16x4096xi1>
    %eq3A_239 = arith.xori %eq3A_237, %eq3A_238 : vector<16x4096xi1>
    %select_n3A_240 = arith.select %eq3A_239, %select_n3A_201, %select_n3A_221 : vector<16x4096xi1>, vector<16x4096xf32>
    %select_n3A_241 = arith.select %eq3A_239, %select_n3A_202, %select_n3A_222 : vector<16x4096xi1>, vector<16x4096xi32>
    %slice3A_242 = vector.extract_strided_slice %select_n3A_240 {offsets = [0, 1], sizes = [16, 4095], strides = [1, 1]} : vector<16x4096xf32> to vector<16x4095xf32>
    %slice3A_243 = vector.extract_strided_slice %select_n3A_240 {offsets = [0, 0], sizes = [16, 1], strides = [1, 1]} : vector<16x4096xf32> to vector<16x1xf32>
    %concatenate3A_244 = tpu.concatenate %slice3A_242, %slice3A_243 in 1 : vector<16x4095xf32>, vector<16x1xf32> -> vector<16x4096xf32>
    %slice3A_245 = vector.extract_strided_slice %select_n3A_240 {offsets = [0, 4095], sizes = [16, 1], strides = [1, 1]} : vector<16x4096xf32> to vector<16x1xf32>
    %slice3A_246 = vector.extract_strided_slice %select_n3A_240 {offsets = [0, 0], sizes = [16, 4095], strides = [1, 1]} : vector<16x4096xf32> to vector<16x4095xf32>
    %concatenate3A_247 = tpu.concatenate %slice3A_245, %slice3A_246 in 1 : vector<16x1xf32>, vector<16x4095xf32> -> vector<16x4096xf32>
    %slice3A_248 = vector.extract_strided_slice %select_n3A_241 {offsets = [0, 1], sizes = [16, 4095], strides = [1, 1]} : vector<16x4096xi32> to vector<16x4095xi32>
    %slice3A_249 = vector.extract_strided_slice %select_n3A_241 {offsets = [0, 0], sizes = [16, 1], strides = [1, 1]} : vector<16x4096xi32> to vector<16x1xi32>
    %concatenate3A_250 = tpu.concatenate %slice3A_248, %slice3A_249 in 1 : vector<16x4095xi32>, vector<16x1xi32> -> vector<16x4096xi32>
    %slice3A_251 = vector.extract_strided_slice %select_n3A_241 {offsets = [0, 4095], sizes = [16, 1], strides = [1, 1]} : vector<16x4096xi32> to vector<16x1xi32>
    %slice3A_252 = vector.extract_strided_slice %select_n3A_241 {offsets = [0, 0], sizes = [16, 4095], strides = [1, 1]} : vector<16x4096xi32> to vector<16x4095xi32>
    %concatenate3A_253 = tpu.concatenate %slice3A_251, %slice3A_252 in 1 : vector<16x1xi32>, vector<16x4095xi32> -> vector<16x4096xi32>
    %and3A_254 = arith.constant 1 : i32
    %and3A_255 = vector.broadcast %and3A_254 : i32 to vector<16x4096xi32>
    %and3A_256 = arith.andi %iota3A, %and3A_255 : vector<16x4096xi32>
    %eq3A_257 = arith.constant 0 : i32
    %eq3A_258 = vector.broadcast %eq3A_257 : i32 to vector<16x4096xi32>
    %eq3A_259 = arith.cmpi eq, %and3A_256, %eq3A_258 : vector<16x4096xi32>
    %select_n3A_260 = arith.select %eq3A_259, %concatenate3A_244, %concatenate3A_247 : vector<16x4096xi1>, vector<16x4096xf32>
    %select_n3A_261 = arith.select %eq3A_259, %concatenate3A_250, %concatenate3A_253 : vector<16x4096xi1>, vector<16x4096xi32>
    %and3A_262 = arith.constant 8 : i32
    %and3A_263 = vector.broadcast %and3A_262 : i32 to vector<16x4096xi32>
    %and3A_264 = arith.andi %iota3A, %and3A_263 : vector<16x4096xi32>
    %eq3A_265 = arith.constant 0 : i32
    %eq3A_266 = vector.broadcast %eq3A_265 : i32 to vector<16x4096xi32>
    %eq3A_267 = arith.cmpi eq, %and3A_264, %eq3A_266 : vector<16x4096xi32>
    %gt3A_268 = arith.cmpf ogt, %select_n3A_240, %select_n3A_260 : vector<16x4096xf32>
    %eq3A_269 = arith.cmpf oeq, %select_n3A_240, %select_n3A_260 : vector<16x4096xf32>
    %lt3A_270 = arith.cmpi slt, %select_n3A_241, %select_n3A_261 : vector<16x4096xi32>
    %and3A_271 = arith.andi %eq3A_269, %lt3A_270 : vector<16x4096xi1>
    %or3A_272 = arith.ori %gt3A_268, %and3A_271 : vector<16x4096xi1>
    %eq3A_273 = arith.xori %eq3A_267, %eq3A_259 : vector<16x4096xi1>
    %eq3A_274 = arith.constant dense<true> : vector<16x4096xi1>
    %eq3A_275 = arith.xori %eq3A_273, %eq3A_274 : vector<16x4096xi1>
    %eq3A_276 = arith.xori %or3A_272, %eq3A_275 : vector<16x4096xi1>
    %eq3A_277 = arith.constant dense<true> : vector<16x4096xi1>
    %eq3A_278 = arith.xori %eq3A_276, %eq3A_277 : vector<16x4096xi1>
    %select_n3A_279 = arith.select %eq3A_278, %select_n3A_240, %select_n3A_260 : vector<16x4096xi1>, vector<16x4096xf32>
    %select_n3A_280 = arith.select %eq3A_278, %select_n3A_241, %select_n3A_261 : vector<16x4096xi1>, vector<16x4096xi32>
    %slice3A_281 = vector.extract_strided_slice %select_n3A_279 {offsets = [0, 8], sizes = [16, 4088], strides = [1, 1]} : vector<16x4096xf32> to vector<16x4088xf32>
    %slice3A_282 = vector.extract_strided_slice %select_n3A_279 {offsets = [0, 0], sizes = [16, 8], strides = [1, 1]} : vector<16x4096xf32> to vector<16x8xf32>
    %concatenate3A_283 = tpu.concatenate %slice3A_281, %slice3A_282 in 1 : vector<16x4088xf32>, vector<16x8xf32> -> vector<16x4096xf32>
    %slice3A_284 = vector.extract_strided_slice %select_n3A_279 {offsets = [0, 4088], sizes = [16, 8], strides = [1, 1]} : vector<16x4096xf32> to vector<16x8xf32>
    %slice3A_285 = vector.extract_strided_slice %select_n3A_279 {offsets = [0, 0], sizes = [16, 4088], strides = [1, 1]} : vector<16x4096xf32> to vector<16x4088xf32>
    %concatenate3A_286 = tpu.concatenate %slice3A_284, %slice3A_285 in 1 : vector<16x8xf32>, vector<16x4088xf32> -> vector<16x4096xf32>
    %slice3A_287 = vector.extract_strided_slice %select_n3A_280 {offsets = [0, 8], sizes = [16, 4088], strides = [1, 1]} : vector<16x4096xi32> to vector<16x4088xi32>
    %slice3A_288 = vector.extract_strided_slice %select_n3A_280 {offsets = [0, 0], sizes = [16, 8], strides = [1, 1]} : vector<16x4096xi32> to vector<16x8xi32>
    %concatenate3A_289 = tpu.concatenate %slice3A_287, %slice3A_288 in 1 : vector<16x4088xi32>, vector<16x8xi32> -> vector<16x4096xi32>
    %slice3A_290 = vector.extract_strided_slice %select_n3A_280 {offsets = [0, 4088], sizes = [16, 8], strides = [1, 1]} : vector<16x4096xi32> to vector<16x8xi32>
    %slice3A_291 = vector.extract_strided_slice %select_n3A_280 {offsets = [0, 0], sizes = [16, 4088], strides = [1, 1]} : vector<16x4096xi32> to vector<16x4088xi32>
    %concatenate3A_292 = tpu.concatenate %slice3A_290, %slice3A_291 in 1 : vector<16x8xi32>, vector<16x4088xi32> -> vector<16x4096xi32>
    %and3A_293 = arith.constant 8 : i32
    %and3A_294 = vector.broadcast %and3A_293 : i32 to vector<16x4096xi32>
    %and3A_295 = arith.andi %iota3A, %and3A_294 : vector<16x4096xi32>
    %eq3A_296 = arith.constant 0 : i32
    %eq3A_297 = vector.broadcast %eq3A_296 : i32 to vector<16x4096xi32>
    %eq3A_298 = arith.cmpi eq, %and3A_295, %eq3A_297 : vector<16x4096xi32>
    %select_n3A_299 = arith.select %eq3A_298, %concatenate3A_283, %concatenate3A_286 : vector<16x4096xi1>, vector<16x4096xf32>
    %select_n3A_300 = arith.select %eq3A_298, %concatenate3A_289, %concatenate3A_292 : vector<16x4096xi1>, vector<16x4096xi32>
    %and3A_301 = arith.constant 16 : i32
    %and3A_302 = vector.broadcast %and3A_301 : i32 to vector<16x4096xi32>
    %and3A_303 = arith.andi %iota3A, %and3A_302 : vector<16x4096xi32>
    %eq3A_304 = arith.constant 0 : i32
    %eq3A_305 = vector.broadcast %eq3A_304 : i32 to vector<16x4096xi32>
    %eq3A_306 = arith.cmpi eq, %and3A_303, %eq3A_305 : vector<16x4096xi32>
    %gt3A_307 = arith.cmpf ogt, %select_n3A_279, %select_n3A_299 : vector<16x4096xf32>
    %eq3A_308 = arith.cmpf oeq, %select_n3A_279, %select_n3A_299 : vector<16x4096xf32>
    %lt3A_309 = arith.cmpi slt, %select_n3A_280, %select_n3A_300 : vector<16x4096xi32>
    %and3A_310 = arith.andi %eq3A_308, %lt3A_309 : vector<16x4096xi1>
    %or3A_311 = arith.ori %gt3A_307, %and3A_310 : vector<16x4096xi1>
    %eq3A_312 = arith.xori %eq3A_306, %eq3A_298 : vector<16x4096xi1>
    %eq3A_313 = arith.constant dense<true> : vector<16x4096xi1>
    %eq3A_314 = arith.xori %eq3A_312, %eq3A_313 : vector<16x4096xi1>
    %eq3A_315 = arith.xori %or3A_311, %eq3A_314 : vector<16x4096xi1>
    %eq3A_316 = arith.constant dense<true> : vector<16x4096xi1>
    %eq3A_317 = arith.xori %eq3A_315, %eq3A_316 : vector<16x4096xi1>
    %select_n3A_318 = arith.select %eq3A_317, %select_n3A_279, %select_n3A_299 : vector<16x4096xi1>, vector<16x4096xf32>
    %select_n3A_319 = arith.select %eq3A_317, %select_n3A_280, %select_n3A_300 : vector<16x4096xi1>, vector<16x4096xi32>
    %slice3A_320 = vector.extract_strided_slice %select_n3A_318 {offsets = [0, 4], sizes = [16, 4092], strides = [1, 1]} : vector<16x4096xf32> to vector<16x4092xf32>
    %slice3A_321 = vector.extract_strided_slice %select_n3A_318 {offsets = [0, 0], sizes = [16, 4], strides = [1, 1]} : vector<16x4096xf32> to vector<16x4xf32>
    %concatenate3A_322 = tpu.concatenate %slice3A_320, %slice3A_321 in 1 : vector<16x4092xf32>, vector<16x4xf32> -> vector<16x4096xf32>
    %slice3A_323 = vector.extract_strided_slice %select_n3A_318 {offsets = [0, 4092], sizes = [16, 4], strides = [1, 1]} : vector<16x4096xf32> to vector<16x4xf32>
    %slice3A_324 = vector.extract_strided_slice %select_n3A_318 {offsets = [0, 0], sizes = [16, 4092], strides = [1, 1]} : vector<16x4096xf32> to vector<16x4092xf32>
    %concatenate3A_325 = tpu.concatenate %slice3A_323, %slice3A_324 in 1 : vector<16x4xf32>, vector<16x4092xf32> -> vector<16x4096xf32>
    %slice3A_326 = vector.extract_strided_slice %select_n3A_319 {offsets = [0, 4], sizes = [16, 4092], strides = [1, 1]} : vector<16x4096xi32> to vector<16x4092xi32>
    %slice3A_327 = vector.extract_strided_slice %select_n3A_319 {offsets = [0, 0], sizes = [16, 4], strides = [1, 1]} : vector<16x4096xi32> to vector<16x4xi32>
    %concatenate3A_328 = tpu.concatenate %slice3A_326, %slice3A_327 in 1 : vector<16x4092xi32>, vector<16x4xi32> -> vector<16x4096xi32>
    %slice3A_329 = vector.extract_strided_slice %select_n3A_319 {offsets = [0, 4092], sizes = [16, 4], strides = [1, 1]} : vector<16x4096xi32> to vector<16x4xi32>
    %slice3A_330 = vector.extract_strided_slice %select_n3A_319 {offsets = [0, 0], sizes = [16, 4092], strides = [1, 1]} : vector<16x4096xi32> to vector<16x4092xi32>
    %concatenate3A_331 = tpu.concatenate %slice3A_329, %slice3A_330 in 1 : vector<16x4xi32>, vector<16x4092xi32> -> vector<16x4096xi32>
    %and3A_332 = arith.constant 4 : i32
    %and3A_333 = vector.broadcast %and3A_332 : i32 to vector<16x4096xi32>
    %and3A_334 = arith.andi %iota3A, %and3A_333 : vector<16x4096xi32>
    %eq3A_335 = arith.constant 0 : i32
    %eq3A_336 = vector.broadcast %eq3A_335 : i32 to vector<16x4096xi32>
    %eq3A_337 = arith.cmpi eq, %and3A_334, %eq3A_336 : vector<16x4096xi32>
    %select_n3A_338 = arith.select %eq3A_337, %concatenate3A_322, %concatenate3A_325 : vector<16x4096xi1>, vector<16x4096xf32>
    %select_n3A_339 = arith.select %eq3A_337, %concatenate3A_328, %concatenate3A_331 : vector<16x4096xi1>, vector<16x4096xi32>
    %and3A_340 = arith.constant 16 : i32
    %and3A_341 = vector.broadcast %and3A_340 : i32 to vector<16x4096xi32>
    %and3A_342 = arith.andi %iota3A, %and3A_341 : vector<16x4096xi32>
    %eq3A_343 = arith.constant 0 : i32
    %eq3A_344 = vector.broadcast %eq3A_343 : i32 to vector<16x4096xi32>
    %eq3A_345 = arith.cmpi eq, %and3A_342, %eq3A_344 : vector<16x4096xi32>
    %gt3A_346 = arith.cmpf ogt, %select_n3A_318, %select_n3A_338 : vector<16x4096xf32>
    %eq3A_347 = arith.cmpf oeq, %select_n3A_318, %select_n3A_338 : vector<16x4096xf32>
    %lt3A_348 = arith.cmpi slt, %select_n3A_319, %select_n3A_339 : vector<16x4096xi32>
    %and3A_349 = arith.andi %eq3A_347, %lt3A_348 : vector<16x4096xi1>
    %or3A_350 = arith.ori %gt3A_346, %and3A_349 : vector<16x4096xi1>
    %eq3A_351 = arith.xori %eq3A_345, %eq3A_337 : vector<16x4096xi1>
    %eq3A_352 = arith.constant dense<true> : vector<16x4096xi1>
    %eq3A_353 = arith.xori %eq3A_351, %eq3A_352 : vector<16x4096xi1>
    %eq3A_354 = arith.xori %or3A_350, %eq3A_353 : vector<16x4096xi1>
    %eq3A_355 = arith.constant dense<true> : vector<16x4096xi1>
    %eq3A_356 = arith.xori %eq3A_354, %eq3A_355 : vector<16x4096xi1>
    %select_n3A_357 = arith.select %eq3A_356, %select_n3A_318, %select_n3A_338 : vector<16x4096xi1>, vector<16x4096xf32>
    %select_n3A_358 = arith.select %eq3A_356, %select_n3A_319, %select_n3A_339 : vector<16x4096xi1>, vector<16x4096xi32>
    %slice3A_359 = vector.extract_strided_slice %select_n3A_357 {offsets = [0, 2], sizes = [16, 4094], strides = [1, 1]} : vector<16x4096xf32> to vector<16x4094xf32>
    %slice3A_360 = vector.extract_strided_slice %select_n3A_357 {offsets = [0, 0], sizes = [16, 2], strides = [1, 1]} : vector<16x4096xf32> to vector<16x2xf32>
    %concatenate3A_361 = tpu.concatenate %slice3A_359, %slice3A_360 in 1 : vector<16x4094xf32>, vector<16x2xf32> -> vector<16x4096xf32>
    %slice3A_362 = vector.extract_strided_slice %select_n3A_357 {offsets = [0, 4094], sizes = [16, 2], strides = [1, 1]} : vector<16x4096xf32> to vector<16x2xf32>
    %slice3A_363 = vector.extract_strided_slice %select_n3A_357 {offsets = [0, 0], sizes = [16, 4094], strides = [1, 1]} : vector<16x4096xf32> to vector<16x4094xf32>
    %concatenate3A_364 = tpu.concatenate %slice3A_362, %slice3A_363 in 1 : vector<16x2xf32>, vector<16x4094xf32> -> vector<16x4096xf32>
    %slice3A_365 = vector.extract_strided_slice %select_n3A_358 {offsets = [0, 2], sizes = [16, 4094], strides = [1, 1]} : vector<16x4096xi32> to vector<16x4094xi32>
    %slice3A_366 = vector.extract_strided_slice %select_n3A_358 {offsets = [0, 0], sizes = [16, 2], strides = [1, 1]} : vector<16x4096xi32> to vector<16x2xi32>
    %concatenate3A_367 = tpu.concatenate %slice3A_365, %slice3A_366 in 1 : vector<16x4094xi32>, vector<16x2xi32> -> vector<16x4096xi32>
    %slice3A_368 = vector.extract_strided_slice %select_n3A_358 {offsets = [0, 4094], sizes = [16, 2], strides = [1, 1]} : vector<16x4096xi32> to vector<16x2xi32>
    %slice3A_369 = vector.extract_strided_slice %select_n3A_358 {offsets = [0, 0], sizes = [16, 4094], strides = [1, 1]} : vector<16x4096xi32> to vector<16x4094xi32>
    %concatenate3A_370 = tpu.concatenate %slice3A_368, %slice3A_369 in 1 : vector<16x2xi32>, vector<16x4094xi32> -> vector<16x4096xi32>
    %and3A_371 = arith.constant 2 : i32
    %and3A_372 = vector.broadcast %and3A_371 : i32 to vector<16x4096xi32>
    %and3A_373 = arith.andi %iota3A, %and3A_372 : vector<16x4096xi32>
    %eq3A_374 = arith.constant 0 : i32
    %eq3A_375 = vector.broadcast %eq3A_374 : i32 to vector<16x4096xi32>
    %eq3A_376 = arith.cmpi eq, %and3A_373, %eq3A_375 : vector<16x4096xi32>
    %select_n3A_377 = arith.select %eq3A_376, %concatenate3A_361, %concatenate3A_364 : vector<16x4096xi1>, vector<16x4096xf32>
    %select_n3A_378 = arith.select %eq3A_376, %concatenate3A_367, %concatenate3A_370 : vector<16x4096xi1>, vector<16x4096xi32>
    %and3A_379 = arith.constant 16 : i32
    %and3A_380 = vector.broadcast %and3A_379 : i32 to vector<16x4096xi32>
    %and3A_381 = arith.andi %iota3A, %and3A_380 : vector<16x4096xi32>
    %eq3A_382 = arith.constant 0 : i32
    %eq3A_383 = vector.broadcast %eq3A_382 : i32 to vector<16x4096xi32>
    %eq3A_384 = arith.cmpi eq, %and3A_381, %eq3A_383 : vector<16x4096xi32>
    %gt3A_385 = arith.cmpf ogt, %select_n3A_357, %select_n3A_377 : vector<16x4096xf32>
    %eq3A_386 = arith.cmpf oeq, %select_n3A_357, %select_n3A_377 : vector<16x4096xf32>
    %lt3A_387 = arith.cmpi slt, %select_n3A_358, %select_n3A_378 : vector<16x4096xi32>
    %and3A_388 = arith.andi %eq3A_386, %lt3A_387 : vector<16x4096xi1>
    %or3A_389 = arith.ori %gt3A_385, %and3A_388 : vector<16x4096xi1>
    %eq3A_390 = arith.xori %eq3A_384, %eq3A_376 : vector<16x4096xi1>
    %eq3A_391 = arith.constant dense<true> : vector<16x4096xi1>
    %eq3A_392 = arith.xori %eq3A_390, %eq3A_391 : vector<16x4096xi1>
    %eq3A_393 = arith.xori %or3A_389, %eq3A_392 : vector<16x4096xi1>
    %eq3A_394 = arith.constant dense<true> : vector<16x4096xi1>
    %eq3A_395 = arith.xori %eq3A_393, %eq3A_394 : vector<16x4096xi1>
    %select_n3A_396 = arith.select %eq3A_395, %select_n3A_357, %select_n3A_377 : vector<16x4096xi1>, vector<16x4096xf32>
    %select_n3A_397 = arith.select %eq3A_395, %select_n3A_358, %select_n3A_378 : vector<16x4096xi1>, vector<16x4096xi32>
    %slice3A_398 = vector.extract_strided_slice %select_n3A_396 {offsets = [0, 1], sizes = [16, 4095], strides = [1, 1]} : vector<16x4096xf32> to vector<16x4095xf32>
    %slice3A_399 = vector.extract_strided_slice %select_n3A_396 {offsets = [0, 0], sizes = [16, 1], strides = [1, 1]} : vector<16x4096xf32> to vector<16x1xf32>
    %concatenate3A_400 = tpu.concatenate %slice3A_398, %slice3A_399 in 1 : vector<16x4095xf32>, vector<16x1xf32> -> vector<16x4096xf32>
    %slice3A_401 = vector.extract_strided_slice %select_n3A_396 {offsets = [0, 4095], sizes = [16, 1], strides = [1, 1]} : vector<16x4096xf32> to vector<16x1xf32>
    %slice3A_402 = vector.extract_strided_slice %select_n3A_396 {offsets = [0, 0], sizes = [16, 4095], strides = [1, 1]} : vector<16x4096xf32> to vector<16x4095xf32>
    %concatenate3A_403 = tpu.concatenate %slice3A_401, %slice3A_402 in 1 : vector<16x1xf32>, vector<16x4095xf32> -> vector<16x4096xf32>
    %slice3A_404 = vector.extract_strided_slice %select_n3A_397 {offsets = [0, 1], sizes = [16, 4095], strides = [1, 1]} : vector<16x4096xi32> to vector<16x4095xi32>
    %slice3A_405 = vector.extract_strided_slice %select_n3A_397 {offsets = [0, 0], sizes = [16, 1], strides = [1, 1]} : vector<16x4096xi32> to vector<16x1xi32>
    %concatenate3A_406 = tpu.concatenate %slice3A_404, %slice3A_405 in 1 : vector<16x4095xi32>, vector<16x1xi32> -> vector<16x4096xi32>
    %slice3A_407 = vector.extract_strided_slice %select_n3A_397 {offsets = [0, 4095], sizes = [16, 1], strides = [1, 1]} : vector<16x4096xi32> to vector<16x1xi32>
    %slice3A_408 = vector.extract_strided_slice %select_n3A_397 {offsets = [0, 0], sizes = [16, 4095], strides = [1, 1]} : vector<16x4096xi32> to vector<16x4095xi32>
    %concatenate3A_409 = tpu.concatenate %slice3A_407, %slice3A_408 in 1 : vector<16x1xi32>, vector<16x4095xi32> -> vector<16x4096xi32>
    %and3A_410 = arith.constant 1 : i32
    %and3A_411 = vector.broadcast %and3A_410 : i32 to vector<16x4096xi32>
    %and3A_412 = arith.andi %iota3A, %and3A_411 : vector<16x4096xi32>
    %eq3A_413 = arith.constant 0 : i32
    %eq3A_414 = vector.broadcast %eq3A_413 : i32 to vector<16x4096xi32>
    %eq3A_415 = arith.cmpi eq, %and3A_412, %eq3A_414 : vector<16x4096xi32>
    %select_n3A_416 = arith.select %eq3A_415, %concatenate3A_400, %concatenate3A_403 : vector<16x4096xi1>, vector<16x4096xf32>
    %select_n3A_417 = arith.select %eq3A_415, %concatenate3A_406, %concatenate3A_409 : vector<16x4096xi1>, vector<16x4096xi32>
    %and3A_418 = arith.constant 16 : i32
    %and3A_419 = vector.broadcast %and3A_418 : i32 to vector<16x4096xi32>
    %and3A_420 = arith.andi %iota3A, %and3A_419 : vector<16x4096xi32>
    %eq3A_421 = arith.constant 0 : i32
    %eq3A_422 = vector.broadcast %eq3A_421 : i32 to vector<16x4096xi32>
    %eq3A_423 = arith.cmpi eq, %and3A_420, %eq3A_422 : vector<16x4096xi32>
    %gt3A_424 = arith.cmpf ogt, %select_n3A_396, %select_n3A_416 : vector<16x4096xf32>
    %eq3A_425 = arith.cmpf oeq, %select_n3A_396, %select_n3A_416 : vector<16x4096xf32>
    %lt3A_426 = arith.cmpi slt, %select_n3A_397, %select_n3A_417 : vector<16x4096xi32>
    %and3A_427 = arith.andi %eq3A_425, %lt3A_426 : vector<16x4096xi1>
    %or3A_428 = arith.ori %gt3A_424, %and3A_427 : vector<16x4096xi1>
    %eq3A_429 = arith.xori %eq3A_423, %eq3A_415 : vector<16x4096xi1>
    %eq3A_430 = arith.constant dense<true> : vector<16x4096xi1>
    %eq3A_431 = arith.xori %eq3A_429, %eq3A_430 : vector<16x4096xi1>
    %eq3A_432 = arith.xori %or3A_428, %eq3A_431 : vector<16x4096xi1>
    %eq3A_433 = arith.constant dense<true> : vector<16x4096xi1>
    %eq3A_434 = arith.xori %eq3A_432, %eq3A_433 : vector<16x4096xi1>
    %select_n3A_435 = arith.select %eq3A_434, %select_n3A_396, %select_n3A_416 : vector<16x4096xi1>, vector<16x4096xf32>
    %select_n3A_436 = arith.select %eq3A_434, %select_n3A_397, %select_n3A_417 : vector<16x4096xi1>, vector<16x4096xi32>
    %slice3A_437 = vector.extract_strided_slice %select_n3A_435 {offsets = [0, 16], sizes = [16, 4080], strides = [1, 1]} : vector<16x4096xf32> to vector<16x4080xf32>
    %slice3A_438 = vector.extract_strided_slice %select_n3A_435 {offsets = [0, 0], sizes = [16, 16], strides = [1, 1]} : vector<16x4096xf32> to vector<16x16xf32>
    %concatenate3A_439 = tpu.concatenate %slice3A_437, %slice3A_438 in 1 : vector<16x4080xf32>, vector<16x16xf32> -> vector<16x4096xf32>
    %slice3A_440 = vector.extract_strided_slice %select_n3A_435 {offsets = [0, 4080], sizes = [16, 16], strides = [1, 1]} : vector<16x4096xf32> to vector<16x16xf32>
    %slice3A_441 = vector.extract_strided_slice %select_n3A_435 {offsets = [0, 0], sizes = [16, 4080], strides = [1, 1]} : vector<16x4096xf32> to vector<16x4080xf32>
    %concatenate3A_442 = tpu.concatenate %slice3A_440, %slice3A_441 in 1 : vector<16x16xf32>, vector<16x4080xf32> -> vector<16x4096xf32>
    %slice3A_443 = vector.extract_strided_slice %select_n3A_436 {offsets = [0, 16], sizes = [16, 4080], strides = [1, 1]} : vector<16x4096xi32> to vector<16x4080xi32>
    %slice3A_444 = vector.extract_strided_slice %select_n3A_436 {offsets = [0, 0], sizes = [16, 16], strides = [1, 1]} : vector<16x4096xi32> to vector<16x16xi32>
    %concatenate3A_445 = tpu.concatenate %slice3A_443, %slice3A_444 in 1 : vector<16x4080xi32>, vector<16x16xi32> -> vector<16x4096xi32>
    %slice3A_446 = vector.extract_strided_slice %select_n3A_436 {offsets = [0, 4080], sizes = [16, 16], strides = [1, 1]} : vector<16x4096xi32> to vector<16x16xi32>
    %slice3A_447 = vector.extract_strided_slice %select_n3A_436 {offsets = [0, 0], sizes = [16, 4080], strides = [1, 1]} : vector<16x4096xi32> to vector<16x4080xi32>
    %concatenate3A_448 = tpu.concatenate %slice3A_446, %slice3A_447 in 1 : vector<16x16xi32>, vector<16x4080xi32> -> vector<16x4096xi32>
    %and3A_449 = arith.constant 16 : i32
    %and3A_450 = vector.broadcast %and3A_449 : i32 to vector<16x4096xi32>
    %and3A_451 = arith.andi %iota3A, %and3A_450 : vector<16x4096xi32>
    %eq3A_452 = arith.constant 0 : i32
    %eq3A_453 = vector.broadcast %eq3A_452 : i32 to vector<16x4096xi32>
    %eq3A_454 = arith.cmpi eq, %and3A_451, %eq3A_453 : vector<16x4096xi32>
    %select_n3A_455 = arith.select %eq3A_454, %concatenate3A_439, %concatenate3A_442 : vector<16x4096xi1>, vector<16x4096xf32>
    %select_n3A_456 = arith.select %eq3A_454, %concatenate3A_445, %concatenate3A_448 : vector<16x4096xi1>, vector<16x4096xi32>
    %and3A_457 = arith.constant 32 : i32
    %and3A_458 = vector.broadcast %and3A_457 : i32 to vector<16x4096xi32>
    %and3A_459 = arith.andi %iota3A, %and3A_458 : vector<16x4096xi32>
    %eq3A_460 = arith.constant 0 : i32
    %eq3A_461 = vector.broadcast %eq3A_460 : i32 to vector<16x4096xi32>
    %eq3A_462 = arith.cmpi eq, %and3A_459, %eq3A_461 : vector<16x4096xi32>
    %gt3A_463 = arith.cmpf ogt, %select_n3A_435, %select_n3A_455 : vector<16x4096xf32>
    %eq3A_464 = arith.cmpf oeq, %select_n3A_435, %select_n3A_455 : vector<16x4096xf32>
    %lt3A_465 = arith.cmpi slt, %select_n3A_436, %select_n3A_456 : vector<16x4096xi32>
    %and3A_466 = arith.andi %eq3A_464, %lt3A_465 : vector<16x4096xi1>
    %or3A_467 = arith.ori %gt3A_463, %and3A_466 : vector<16x4096xi1>
    %eq3A_468 = arith.xori %eq3A_462, %eq3A_454 : vector<16x4096xi1>
    %eq3A_469 = arith.constant dense<true> : vector<16x4096xi1>
    %eq3A_470 = arith.xori %eq3A_468, %eq3A_469 : vector<16x4096xi1>
    %eq3A_471 = arith.xori %or3A_467, %eq3A_470 : vector<16x4096xi1>
    %eq3A_472 = arith.constant dense<true> : vector<16x4096xi1>
    %eq3A_473 = arith.xori %eq3A_471, %eq3A_472 : vector<16x4096xi1>
    %select_n3A_474 = arith.select %eq3A_473, %select_n3A_435, %select_n3A_455 : vector<16x4096xi1>, vector<16x4096xf32>
    %select_n3A_475 = arith.select %eq3A_473, %select_n3A_436, %select_n3A_456 : vector<16x4096xi1>, vector<16x4096xi32>
    %slice3A_476 = vector.extract_strided_slice %select_n3A_474 {offsets = [0, 8], sizes = [16, 4088], strides = [1, 1]} : vector<16x4096xf32> to vector<16x4088xf32>
    %slice3A_477 = vector.extract_strided_slice %select_n3A_474 {offsets = [0, 0], sizes = [16, 8], strides = [1, 1]} : vector<16x4096xf32> to vector<16x8xf32>
    %concatenate3A_478 = tpu.concatenate %slice3A_476, %slice3A_477 in 1 : vector<16x4088xf32>, vector<16x8xf32> -> vector<16x4096xf32>
    %slice3A_479 = vector.extract_strided_slice %select_n3A_474 {offsets = [0, 4088], sizes = [16, 8], strides = [1, 1]} : vector<16x4096xf32> to vector<16x8xf32>
    %slice3A_480 = vector.extract_strided_slice %select_n3A_474 {offsets = [0, 0], sizes = [16, 4088], strides = [1, 1]} : vector<16x4096xf32> to vector<16x4088xf32>
    %concatenate3A_481 = tpu.concatenate %slice3A_479, %slice3A_480 in 1 : vector<16x8xf32>, vector<16x4088xf32> -> vector<16x4096xf32>
    %slice3A_482 = vector.extract_strided_slice %select_n3A_475 {offsets = [0, 8], sizes = [16, 4088], strides = [1, 1]} : vector<16x4096xi32> to vector<16x4088xi32>
    %slice3A_483 = vector.extract_strided_slice %select_n3A_475 {offsets = [0, 0], sizes = [16, 8], strides = [1, 1]} : vector<16x4096xi32> to vector<16x8xi32>
    %concatenate3A_484 = tpu.concatenate %slice3A_482, %slice3A_483 in 1 : vector<16x4088xi32>, vector<16x8xi32> -> vector<16x4096xi32>
    %slice3A_485 = vector.extract_strided_slice %select_n3A_475 {offsets = [0, 4088], sizes = [16, 8], strides = [1, 1]} : vector<16x4096xi32> to vector<16x8xi32>
    %slice3A_486 = vector.extract_strided_slice %select_n3A_475 {offsets = [0, 0], sizes = [16, 4088], strides = [1, 1]} : vector<16x4096xi32> to vector<16x4088xi32>
    %concatenate3A_487 = tpu.concatenate %slice3A_485, %slice3A_486 in 1 : vector<16x8xi32>, vector<16x4088xi32> -> vector<16x4096xi32>
    %and3A_488 = arith.constant 8 : i32
    %and3A_489 = vector.broadcast %and3A_488 : i32 to vector<16x4096xi32>
    %and3A_490 = arith.andi %iota3A, %and3A_489 : vector<16x4096xi32>
    %eq3A_491 = arith.constant 0 : i32
    %eq3A_492 = vector.broadcast %eq3A_491 : i32 to vector<16x4096xi32>
    %eq3A_493 = arith.cmpi eq, %and3A_490, %eq3A_492 : vector<16x4096xi32>
    %select_n3A_494 = arith.select %eq3A_493, %concatenate3A_478, %concatenate3A_481 : vector<16x4096xi1>, vector<16x4096xf32>
    %select_n3A_495 = arith.select %eq3A_493, %concatenate3A_484, %concatenate3A_487 : vector<16x4096xi1>, vector<16x4096xi32>
    %and3A_496 = arith.constant 32 : i32
    %and3A_497 = vector.broadcast %and3A_496 : i32 to vector<16x4096xi32>
    %and3A_498 = arith.andi %iota3A, %and3A_497 : vector<16x4096xi32>
    %eq3A_499 = arith.constant 0 : i32
    %eq3A_500 = vector.broadcast %eq3A_499 : i32 to vector<16x4096xi32>
    %eq3A_501 = arith.cmpi eq, %and3A_498, %eq3A_500 : vector<16x4096xi32>
    %gt3A_502 = arith.cmpf ogt, %select_n3A_474, %select_n3A_494 : vector<16x4096xf32>
    %eq3A_503 = arith.cmpf oeq, %select_n3A_474, %select_n3A_494 : vector<16x4096xf32>
    %lt3A_504 = arith.cmpi slt, %select_n3A_475, %select_n3A_495 : vector<16x4096xi32>
    %and3A_505 = arith.andi %eq3A_503, %lt3A_504 : vector<16x4096xi1>
    %or3A_506 = arith.ori %gt3A_502, %and3A_505 : vector<16x4096xi1>
    %eq3A_507 = arith.xori %eq3A_501, %eq3A_493 : vector<16x4096xi1>
    %eq3A_508 = arith.constant dense<true> : vector<16x4096xi1>
    %eq3A_509 = arith.xori %eq3A_507, %eq3A_508 : vector<16x4096xi1>
    %eq3A_510 = arith.xori %or3A_506, %eq3A_509 : vector<16x4096xi1>
    %eq3A_511 = arith.constant dense<true> : vector<16x4096xi1>
    %eq3A_512 = arith.xori %eq3A_510, %eq3A_511 : vector<16x4096xi1>
    %select_n3A_513 = arith.select %eq3A_512, %select_n3A_474, %select_n3A_494 : vector<16x4096xi1>, vector<16x4096xf32>
    %select_n3A_514 = arith.select %eq3A_512, %select_n3A_475, %select_n3A_495 : vector<16x4096xi1>, vector<16x4096xi32>
    %slice3A_515 = vector.extract_strided_slice %select_n3A_513 {offsets = [0, 4], sizes = [16, 4092], strides = [1, 1]} : vector<16x4096xf32> to vector<16x4092xf32>
    %slice3A_516 = vector.extract_strided_slice %select_n3A_513 {offsets = [0, 0], sizes = [16, 4], strides = [1, 1]} : vector<16x4096xf32> to vector<16x4xf32>
    %concatenate3A_517 = tpu.concatenate %slice3A_515, %slice3A_516 in 1 : vector<16x4092xf32>, vector<16x4xf32> -> vector<16x4096xf32>
    %slice3A_518 = vector.extract_strided_slice %select_n3A_513 {offsets = [0, 4092], sizes = [16, 4], strides = [1, 1]} : vector<16x4096xf32> to vector<16x4xf32>
    %slice3A_519 = vector.extract_strided_slice %select_n3A_513 {offsets = [0, 0], sizes = [16, 4092], strides = [1, 1]} : vector<16x4096xf32> to vector<16x4092xf32>
    %concatenate3A_520 = tpu.concatenate %slice3A_518, %slice3A_519 in 1 : vector<16x4xf32>, vector<16x4092xf32> -> vector<16x4096xf32>
    %slice3A_521 = vector.extract_strided_slice %select_n3A_514 {offsets = [0, 4], sizes = [16, 4092], strides = [1, 1]} : vector<16x4096xi32> to vector<16x4092xi32>
    %slice3A_522 = vector.extract_strided_slice %select_n3A_514 {offsets = [0, 0], sizes = [16, 4], strides = [1, 1]} : vector<16x4096xi32> to vector<16x4xi32>
    %concatenate3A_523 = tpu.concatenate %slice3A_521, %slice3A_522 in 1 : vector<16x4092xi32>, vector<16x4xi32> -> vector<16x4096xi32>
    %slice3A_524 = vector.extract_strided_slice %select_n3A_514 {offsets = [0, 4092], sizes = [16, 4], strides = [1, 1]} : vector<16x4096xi32> to vector<16x4xi32>
    %slice3A_525 = vector.extract_strided_slice %select_n3A_514 {offsets = [0, 0], sizes = [16, 4092], strides = [1, 1]} : vector<16x4096xi32> to vector<16x4092xi32>
    %concatenate3A_526 = tpu.concatenate %slice3A_524, %slice3A_525 in 1 : vector<16x4xi32>, vector<16x4092xi32> -> vector<16x4096xi32>
    %and3A_527 = arith.constant 4 : i32
    %and3A_528 = vector.broadcast %and3A_527 : i32 to vector<16x4096xi32>
    %and3A_529 = arith.andi %iota3A, %and3A_528 : vector<16x4096xi32>
    %eq3A_530 = arith.constant 0 : i32
    %eq3A_531 = vector.broadcast %eq3A_530 : i32 to vector<16x4096xi32>
    %eq3A_532 = arith.cmpi eq, %and3A_529, %eq3A_531 : vector<16x4096xi32>
    %select_n3A_533 = arith.select %eq3A_532, %concatenate3A_517, %concatenate3A_520 : vector<16x4096xi1>, vector<16x4096xf32>
    %select_n3A_534 = arith.select %eq3A_532, %concatenate3A_523, %concatenate3A_526 : vector<16x4096xi1>, vector<16x4096xi32>
    %and3A_535 = arith.constant 32 : i32
    %and3A_536 = vector.broadcast %and3A_535 : i32 to vector<16x4096xi32>
    %and3A_537 = arith.andi %iota3A, %and3A_536 : vector<16x4096xi32>
    %eq3A_538 = arith.constant 0 : i32
    %eq3A_539 = vector.broadcast %eq3A_538 : i32 to vector<16x4096xi32>
    %eq3A_540 = arith.cmpi eq, %and3A_537, %eq3A_539 : vector<16x4096xi32>
    %gt3A_541 = arith.cmpf ogt, %select_n3A_513, %select_n3A_533 : vector<16x4096xf32>
    %eq3A_542 = arith.cmpf oeq, %select_n3A_513, %select_n3A_533 : vector<16x4096xf32>
    %lt3A_543 = arith.cmpi slt, %select_n3A_514, %select_n3A_534 : vector<16x4096xi32>
    %and3A_544 = arith.andi %eq3A_542, %lt3A_543 : vector<16x4096xi1>
    %or3A_545 = arith.ori %gt3A_541, %and3A_544 : vector<16x4096xi1>
    %eq3A_546 = arith.xori %eq3A_540, %eq3A_532 : vector<16x4096xi1>
    %eq3A_547 = arith.constant dense<true> : vector<16x4096xi1>
    %eq3A_548 = arith.xori %eq3A_546, %eq3A_547 : vector<16x4096xi1>
    %eq3A_549 = arith.xori %or3A_545, %eq3A_548 : vector<16x4096xi1>
    %eq3A_550 = arith.constant dense<true> : vector<16x4096xi1>
    %eq3A_551 = arith.xori %eq3A_549, %eq3A_550 : vector<16x4096xi1>
    %select_n3A_552 = arith.select %eq3A_551, %select_n3A_513, %select_n3A_533 : vector<16x4096xi1>, vector<16x4096xf32>
    %select_n3A_553 = arith.select %eq3A_551, %select_n3A_514, %select_n3A_534 : vector<16x4096xi1>, vector<16x4096xi32>
    %slice3A_554 = vector.extract_strided_slice %select_n3A_552 {offsets = [0, 2], sizes = [16, 4094], strides = [1, 1]} : vector<16x4096xf32> to vector<16x4094xf32>
    %slice3A_555 = vector.extract_strided_slice %select_n3A_552 {offsets = [0, 0], sizes = [16, 2], strides = [1, 1]} : vector<16x4096xf32> to vector<16x2xf32>
    %concatenate3A_556 = tpu.concatenate %slice3A_554, %slice3A_555 in 1 : vector<16x4094xf32>, vector<16x2xf32> -> vector<16x4096xf32>
    %slice3A_557 = vector.extract_strided_slice %select_n3A_552 {offsets = [0, 4094], sizes = [16, 2], strides = [1, 1]} : vector<16x4096xf32> to vector<16x2xf32>
    %slice3A_558 = vector.extract_strided_slice %select_n3A_552 {offsets = [0, 0], sizes = [16, 4094], strides = [1, 1]} : vector<16x4096xf32> to vector<16x4094xf32>
    %concatenate3A_559 = tpu.concatenate %slice3A_557, %slice3A_558 in 1 : vector<16x2xf32>, vector<16x4094xf32> -> vector<16x4096xf32>
    %slice3A_560 = vector.extract_strided_slice %select_n3A_553 {offsets = [0, 2], sizes = [16, 4094], strides = [1, 1]} : vector<16x4096xi32> to vector<16x4094xi32>
    %slice3A_561 = vector.extract_strided_slice %select_n3A_553 {offsets = [0, 0], sizes = [16, 2], strides = [1, 1]} : vector<16x4096xi32> to vector<16x2xi32>
    %concatenate3A_562 = tpu.concatenate %slice3A_560, %slice3A_561 in 1 : vector<16x4094xi32>, vector<16x2xi32> -> vector<16x4096xi32>
    %slice3A_563 = vector.extract_strided_slice %select_n3A_553 {offsets = [0, 4094], sizes = [16, 2], strides = [1, 1]} : vector<16x4096xi32> to vector<16x2xi32>
    %slice3A_564 = vector.extract_strided_slice %select_n3A_553 {offsets = [0, 0], sizes = [16, 4094], strides = [1, 1]} : vector<16x4096xi32> to vector<16x4094xi32>
    %concatenate3A_565 = tpu.concatenate %slice3A_563, %slice3A_564 in 1 : vector<16x2xi32>, vector<16x4094xi32> -> vector<16x4096xi32>
    %and3A_566 = arith.constant 2 : i32
    %and3A_567 = vector.broadcast %and3A_566 : i32 to vector<16x4096xi32>
    %and3A_568 = arith.andi %iota3A, %and3A_567 : vector<16x4096xi32>
    %eq3A_569 = arith.constant 0 : i32
    %eq3A_570 = vector.broadcast %eq3A_569 : i32 to vector<16x4096xi32>
    %eq3A_571 = arith.cmpi eq, %and3A_568, %eq3A_570 : vector<16x4096xi32>
    %select_n3A_572 = arith.select %eq3A_571, %concatenate3A_556, %concatenate3A_559 : vector<16x4096xi1>, vector<16x4096xf32>
    %select_n3A_573 = arith.select %eq3A_571, %concatenate3A_562, %concatenate3A_565 : vector<16x4096xi1>, vector<16x4096xi32>
    %and3A_574 = arith.constant 32 : i32
    %and3A_575 = vector.broadcast %and3A_574 : i32 to vector<16x4096xi32>
    %and3A_576 = arith.andi %iota3A, %and3A_575 : vector<16x4096xi32>
    %eq3A_577 = arith.constant 0 : i32
    %eq3A_578 = vector.broadcast %eq3A_577 : i32 to vector<16x4096xi32>
    %eq3A_579 = arith.cmpi eq, %and3A_576, %eq3A_578 : vector<16x4096xi32>
    %gt3A_580 = arith.cmpf ogt, %select_n3A_552, %select_n3A_572 : vector<16x4096xf32>
    %eq3A_581 = arith.cmpf oeq, %select_n3A_552, %select_n3A_572 : vector<16x4096xf32>
    %lt3A_582 = arith.cmpi slt, %select_n3A_553, %select_n3A_573 : vector<16x4096xi32>
    %and3A_583 = arith.andi %eq3A_581, %lt3A_582 : vector<16x4096xi1>
    %or3A_584 = arith.ori %gt3A_580, %and3A_583 : vector<16x4096xi1>
    %eq3A_585 = arith.xori %eq3A_579, %eq3A_571 : vector<16x4096xi1>
    %eq3A_586 = arith.constant dense<true> : vector<16x4096xi1>
    %eq3A_587 = arith.xori %eq3A_585, %eq3A_586 : vector<16x4096xi1>
    %eq3A_588 = arith.xori %or3A_584, %eq3A_587 : vector<16x4096xi1>
    %eq3A_589 = arith.constant dense<true> : vector<16x4096xi1>
    %eq3A_590 = arith.xori %eq3A_588, %eq3A_589 : vector<16x4096xi1>
    %select_n3A_591 = arith.select %eq3A_590, %select_n3A_552, %select_n3A_572 : vector<16x4096xi1>, vector<16x4096xf32>
    %select_n3A_592 = arith.select %eq3A_590, %select_n3A_553, %select_n3A_573 : vector<16x4096xi1>, vector<16x4096xi32>
    %slice3A_593 = vector.extract_strided_slice %select_n3A_591 {offsets = [0, 1], sizes = [16, 4095], strides = [1, 1]} : vector<16x4096xf32> to vector<16x4095xf32>
    %slice3A_594 = vector.extract_strided_slice %select_n3A_591 {offsets = [0, 0], sizes = [16, 1], strides = [1, 1]} : vector<16x4096xf32> to vector<16x1xf32>
    %concatenate3A_595 = tpu.concatenate %slice3A_593, %slice3A_594 in 1 : vector<16x4095xf32>, vector<16x1xf32> -> vector<16x4096xf32>
    %slice3A_596 = vector.extract_strided_slice %select_n3A_591 {offsets = [0, 4095], sizes = [16, 1], strides = [1, 1]} : vector<16x4096xf32> to vector<16x1xf32>
    %slice3A_597 = vector.extract_strided_slice %select_n3A_591 {offsets = [0, 0], sizes = [16, 4095], strides = [1, 1]} : vector<16x4096xf32> to vector<16x4095xf32>
    %concatenate3A_598 = tpu.concatenate %slice3A_596, %slice3A_597 in 1 : vector<16x1xf32>, vector<16x4095xf32> -> vector<16x4096xf32>
    %slice3A_599 = vector.extract_strided_slice %select_n3A_592 {offsets = [0, 1], sizes = [16, 4095], strides = [1, 1]} : vector<16x4096xi32> to vector<16x4095xi32>
    %slice3A_600 = vector.extract_strided_slice %select_n3A_592 {offsets = [0, 0], sizes = [16, 1], strides = [1, 1]} : vector<16x4096xi32> to vector<16x1xi32>
    %concatenate3A_601 = tpu.concatenate %slice3A_599, %slice3A_600 in 1 : vector<16x4095xi32>, vector<16x1xi32> -> vector<16x4096xi32>
    %slice3A_602 = vector.extract_strided_slice %select_n3A_592 {offsets = [0, 4095], sizes = [16, 1], strides = [1, 1]} : vector<16x4096xi32> to vector<16x1xi32>
    %slice3A_603 = vector.extract_strided_slice %select_n3A_592 {offsets = [0, 0], sizes = [16, 4095], strides = [1, 1]} : vector<16x4096xi32> to vector<16x4095xi32>
    %concatenate3A_604 = tpu.concatenate %slice3A_602, %slice3A_603 in 1 : vector<16x1xi32>, vector<16x4095xi32> -> vector<16x4096xi32>
    %and3A_605 = arith.constant 1 : i32
    %and3A_606 = vector.broadcast %and3A_605 : i32 to vector<16x4096xi32>
    %and3A_607 = arith.andi %iota3A, %and3A_606 : vector<16x4096xi32>
    %eq3A_608 = arith.constant 0 : i32
    %eq3A_609 = vector.broadcast %eq3A_608 : i32 to vector<16x4096xi32>
    %eq3A_610 = arith.cmpi eq, %and3A_607, %eq3A_609 : vector<16x4096xi32>
    %select_n3A_611 = arith.select %eq3A_610, %concatenate3A_595, %concatenate3A_598 : vector<16x4096xi1>, vector<16x4096xf32>
    %select_n3A_612 = arith.select %eq3A_610, %concatenate3A_601, %concatenate3A_604 : vector<16x4096xi1>, vector<16x4096xi32>
    %and3A_613 = arith.constant 32 : i32
    %and3A_614 = vector.broadcast %and3A_613 : i32 to vector<16x4096xi32>
    %and3A_615 = arith.andi %iota3A, %and3A_614 : vector<16x4096xi32>
    %eq3A_616 = arith.constant 0 : i32
    %eq3A_617 = vector.broadcast %eq3A_616 : i32 to vector<16x4096xi32>
    %eq3A_618 = arith.cmpi eq, %and3A_615, %eq3A_617 : vector<16x4096xi32>
    %gt3A_619 = arith.cmpf ogt, %select_n3A_591, %select_n3A_611 : vector<16x4096xf32>
    %eq3A_620 = arith.cmpf oeq, %select_n3A_591, %select_n3A_611 : vector<16x4096xf32>
    %lt3A_621 = arith.cmpi slt, %select_n3A_592, %select_n3A_612 : vector<16x4096xi32>
    %and3A_622 = arith.andi %eq3A_620, %lt3A_621 : vector<16x4096xi1>
    %or3A_623 = arith.ori %gt3A_619, %and3A_622 : vector<16x4096xi1>
    %eq3A_624 = arith.xori %eq3A_618, %eq3A_610 : vector<16x4096xi1>
    %eq3A_625 = arith.constant dense<true> : vector<16x4096xi1>
    %eq3A_626 = arith.xori %eq3A_624, %eq3A_625 : vector<16x4096xi1>
    %eq3A_627 = arith.xori %or3A_623, %eq3A_626 : vector<16x4096xi1>
    %eq3A_628 = arith.constant dense<true> : vector<16x4096xi1>
    %eq3A_629 = arith.xori %eq3A_627, %eq3A_628 : vector<16x4096xi1>
    %select_n3A_630 = arith.select %eq3A_629, %select_n3A_591, %select_n3A_611 : vector<16x4096xi1>, vector<16x4096xf32>
    %select_n3A_631 = arith.select %eq3A_629, %select_n3A_592, %select_n3A_612 : vector<16x4096xi1>, vector<16x4096xi32>
    %slice3A_632 = vector.extract_strided_slice %select_n3A_630 {offsets = [0, 32], sizes = [16, 4064], strides = [1, 1]} : vector<16x4096xf32> to vector<16x4064xf32>
    %slice3A_633 = vector.extract_strided_slice %select_n3A_630 {offsets = [0, 0], sizes = [16, 32], strides = [1, 1]} : vector<16x4096xf32> to vector<16x32xf32>
    %concatenate3A_634 = tpu.concatenate %slice3A_632, %slice3A_633 in 1 : vector<16x4064xf32>, vector<16x32xf32> -> vector<16x4096xf32>
    %slice3A_635 = vector.extract_strided_slice %select_n3A_630 {offsets = [0, 4064], sizes = [16, 32], strides = [1, 1]} : vector<16x4096xf32> to vector<16x32xf32>
    %slice3A_636 = vector.extract_strided_slice %select_n3A_630 {offsets = [0, 0], sizes = [16, 4064], strides = [1, 1]} : vector<16x4096xf32> to vector<16x4064xf32>
    %concatenate3A_637 = tpu.concatenate %slice3A_635, %slice3A_636 in 1 : vector<16x32xf32>, vector<16x4064xf32> -> vector<16x4096xf32>
    %slice3A_638 = vector.extract_strided_slice %select_n3A_631 {offsets = [0, 32], sizes = [16, 4064], strides = [1, 1]} : vector<16x4096xi32> to vector<16x4064xi32>
    %slice3A_639 = vector.extract_strided_slice %select_n3A_631 {offsets = [0, 0], sizes = [16, 32], strides = [1, 1]} : vector<16x4096xi32> to vector<16x32xi32>
    %concatenate3A_640 = tpu.concatenate %slice3A_638, %slice3A_639 in 1 : vector<16x4064xi32>, vector<16x32xi32> -> vector<16x4096xi32>
    %slice3A_641 = vector.extract_strided_slice %select_n3A_631 {offsets = [0, 4064], sizes = [16, 32], strides = [1, 1]} : vector<16x4096xi32> to vector<16x32xi32>
    %slice3A_642 = vector.extract_strided_slice %select_n3A_631 {offsets = [0, 0], sizes = [16, 4064], strides = [1, 1]} : vector<16x4096xi32> to vector<16x4064xi32>
    %concatenate3A_643 = tpu.concatenate %slice3A_641, %slice3A_642 in 1 : vector<16x32xi32>, vector<16x4064xi32> -> vector<16x4096xi32>
    %and3A_644 = arith.constant 32 : i32
    %and3A_645 = vector.broadcast %and3A_644 : i32 to vector<16x4096xi32>
    %and3A_646 = arith.andi %iota3A, %and3A_645 : vector<16x4096xi32>
    %eq3A_647 = arith.constant 0 : i32
    %eq3A_648 = vector.broadcast %eq3A_647 : i32 to vector<16x4096xi32>
    %eq3A_649 = arith.cmpi eq, %and3A_646, %eq3A_648 : vector<16x4096xi32>
    %select_n3A_650 = arith.select %eq3A_649, %concatenate3A_634, %concatenate3A_637 : vector<16x4096xi1>, vector<16x4096xf32>
    %select_n3A_651 = arith.select %eq3A_649, %concatenate3A_640, %concatenate3A_643 : vector<16x4096xi1>, vector<16x4096xi32>
    %and3A_652 = arith.constant 64 : i32
    %and3A_653 = vector.broadcast %and3A_652 : i32 to vector<16x4096xi32>
    %and3A_654 = arith.andi %iota3A, %and3A_653 : vector<16x4096xi32>
    %eq3A_655 = arith.constant 0 : i32
    %eq3A_656 = vector.broadcast %eq3A_655 : i32 to vector<16x4096xi32>
    %eq3A_657 = arith.cmpi eq, %and3A_654, %eq3A_656 : vector<16x4096xi32>
    %gt3A_658 = arith.cmpf ogt, %select_n3A_630, %select_n3A_650 : vector<16x4096xf32>
    %eq3A_659 = arith.cmpf oeq, %select_n3A_630, %select_n3A_650 : vector<16x4096xf32>
    %lt3A_660 = arith.cmpi slt, %select_n3A_631, %select_n3A_651 : vector<16x4096xi32>
    %and3A_661 = arith.andi %eq3A_659, %lt3A_660 : vector<16x4096xi1>
    %or3A_662 = arith.ori %gt3A_658, %and3A_661 : vector<16x4096xi1>
    %eq3A_663 = arith.xori %eq3A_657, %eq3A_649 : vector<16x4096xi1>
    %eq3A_664 = arith.constant dense<true> : vector<16x4096xi1>
    %eq3A_665 = arith.xori %eq3A_663, %eq3A_664 : vector<16x4096xi1>
    %eq3A_666 = arith.xori %or3A_662, %eq3A_665 : vector<16x4096xi1>
    %eq3A_667 = arith.constant dense<true> : vector<16x4096xi1>
    %eq3A_668 = arith.xori %eq3A_666, %eq3A_667 : vector<16x4096xi1>
    %select_n3A_669 = arith.select %eq3A_668, %select_n3A_630, %select_n3A_650 : vector<16x4096xi1>, vector<16x4096xf32>
    %select_n3A_670 = arith.select %eq3A_668, %select_n3A_631, %select_n3A_651 : vector<16x4096xi1>, vector<16x4096xi32>
    %slice3A_671 = vector.extract_strided_slice %select_n3A_669 {offsets = [0, 16], sizes = [16, 4080], strides = [1, 1]} : vector<16x4096xf32> to vector<16x4080xf32>
    %slice3A_672 = vector.extract_strided_slice %select_n3A_669 {offsets = [0, 0], sizes = [16, 16], strides = [1, 1]} : vector<16x4096xf32> to vector<16x16xf32>
    %concatenate3A_673 = tpu.concatenate %slice3A_671, %slice3A_672 in 1 : vector<16x4080xf32>, vector<16x16xf32> -> vector<16x4096xf32>
    %slice3A_674 = vector.extract_strided_slice %select_n3A_669 {offsets = [0, 4080], sizes = [16, 16], strides = [1, 1]} : vector<16x4096xf32> to vector<16x16xf32>
    %slice3A_675 = vector.extract_strided_slice %select_n3A_669 {offsets = [0, 0], sizes = [16, 4080], strides = [1, 1]} : vector<16x4096xf32> to vector<16x4080xf32>
    %concatenate3A_676 = tpu.concatenate %slice3A_674, %slice3A_675 in 1 : vector<16x16xf32>, vector<16x4080xf32> -> vector<16x4096xf32>
    %slice3A_677 = vector.extract_strided_slice %select_n3A_670 {offsets = [0, 16], sizes = [16, 4080], strides = [1, 1]} : vector<16x4096xi32> to vector<16x4080xi32>
    %slice3A_678 = vector.extract_strided_slice %select_n3A_670 {offsets = [0, 0], sizes = [16, 16], strides = [1, 1]} : vector<16x4096xi32> to vector<16x16xi32>
    %concatenate3A_679 = tpu.concatenate %slice3A_677, %slice3A_678 in 1 : vector<16x4080xi32>, vector<16x16xi32> -> vector<16x4096xi32>
    %slice3A_680 = vector.extract_strided_slice %select_n3A_670 {offsets = [0, 4080], sizes = [16, 16], strides = [1, 1]} : vector<16x4096xi32> to vector<16x16xi32>
    %slice3A_681 = vector.extract_strided_slice %select_n3A_670 {offsets = [0, 0], sizes = [16, 4080], strides = [1, 1]} : vector<16x4096xi32> to vector<16x4080xi32>
    %concatenate3A_682 = tpu.concatenate %slice3A_680, %slice3A_681 in 1 : vector<16x16xi32>, vector<16x4080xi32> -> vector<16x4096xi32>
    %and3A_683 = arith.constant 16 : i32
    %and3A_684 = vector.broadcast %and3A_683 : i32 to vector<16x4096xi32>
    %and3A_685 = arith.andi %iota3A, %and3A_684 : vector<16x4096xi32>
    %eq3A_686 = arith.constant 0 : i32
    %eq3A_687 = vector.broadcast %eq3A_686 : i32 to vector<16x4096xi32>
    %eq3A_688 = arith.cmpi eq, %and3A_685, %eq3A_687 : vector<16x4096xi32>
    %select_n3A_689 = arith.select %eq3A_688, %concatenate3A_673, %concatenate3A_676 : vector<16x4096xi1>, vector<16x4096xf32>
    %select_n3A_690 = arith.select %eq3A_688, %concatenate3A_679, %concatenate3A_682 : vector<16x4096xi1>, vector<16x4096xi32>
    %and3A_691 = arith.constant 64 : i32
    %and3A_692 = vector.broadcast %and3A_691 : i32 to vector<16x4096xi32>
    %and3A_693 = arith.andi %iota3A, %and3A_692 : vector<16x4096xi32>
    %eq3A_694 = arith.constant 0 : i32
    %eq3A_695 = vector.broadcast %eq3A_694 : i32 to vector<16x4096xi32>
    %eq3A_696 = arith.cmpi eq, %and3A_693, %eq3A_695 : vector<16x4096xi32>
    %gt3A_697 = arith.cmpf ogt, %select_n3A_669, %select_n3A_689 : vector<16x4096xf32>
    %eq3A_698 = arith.cmpf oeq, %select_n3A_669, %select_n3A_689 : vector<16x4096xf32>
    %lt3A_699 = arith.cmpi slt, %select_n3A_670, %select_n3A_690 : vector<16x4096xi32>
    %and3A_700 = arith.andi %eq3A_698, %lt3A_699 : vector<16x4096xi1>
    %or3A_701 = arith.ori %gt3A_697, %and3A_700 : vector<16x4096xi1>
    %eq3A_702 = arith.xori %eq3A_696, %eq3A_688 : vector<16x4096xi1>
    %eq3A_703 = arith.constant dense<true> : vector<16x4096xi1>
    %eq3A_704 = arith.xori %eq3A_702, %eq3A_703 : vector<16x4096xi1>
    %eq3A_705 = arith.xori %or3A_701, %eq3A_704 : vector<16x4096xi1>
    %eq3A_706 = arith.constant dense<true> : vector<16x4096xi1>
    %eq3A_707 = arith.xori %eq3A_705, %eq3A_706 : vector<16x4096xi1>
    %select_n3A_708 = arith.select %eq3A_707, %select_n3A_669, %select_n3A_689 : vector<16x4096xi1>, vector<16x4096xf32>
    %select_n3A_709 = arith.select %eq3A_707, %select_n3A_670, %select_n3A_690 : vector<16x4096xi1>, vector<16x4096xi32>
    %slice3A_710 = vector.extract_strided_slice %select_n3A_708 {offsets = [0, 8], sizes = [16, 4088], strides = [1, 1]} : vector<16x4096xf32> to vector<16x4088xf32>
    %slice3A_711 = vector.extract_strided_slice %select_n3A_708 {offsets = [0, 0], sizes = [16, 8], strides = [1, 1]} : vector<16x4096xf32> to vector<16x8xf32>
    %concatenate3A_712 = tpu.concatenate %slice3A_710, %slice3A_711 in 1 : vector<16x4088xf32>, vector<16x8xf32> -> vector<16x4096xf32>
    %slice3A_713 = vector.extract_strided_slice %select_n3A_708 {offsets = [0, 4088], sizes = [16, 8], strides = [1, 1]} : vector<16x4096xf32> to vector<16x8xf32>
    %slice3A_714 = vector.extract_strided_slice %select_n3A_708 {offsets = [0, 0], sizes = [16, 4088], strides = [1, 1]} : vector<16x4096xf32> to vector<16x4088xf32>
    %concatenate3A_715 = tpu.concatenate %slice3A_713, %slice3A_714 in 1 : vector<16x8xf32>, vector<16x4088xf32> -> vector<16x4096xf32>
    %slice3A_716 = vector.extract_strided_slice %select_n3A_709 {offsets = [0, 8], sizes = [16, 4088], strides = [1, 1]} : vector<16x4096xi32> to vector<16x4088xi32>
    %slice3A_717 = vector.extract_strided_slice %select_n3A_709 {offsets = [0, 0], sizes = [16, 8], strides = [1, 1]} : vector<16x4096xi32> to vector<16x8xi32>
    %concatenate3A_718 = tpu.concatenate %slice3A_716, %slice3A_717 in 1 : vector<16x4088xi32>, vector<16x8xi32> -> vector<16x4096xi32>
    %slice3A_719 = vector.extract_strided_slice %select_n3A_709 {offsets = [0, 4088], sizes = [16, 8], strides = [1, 1]} : vector<16x4096xi32> to vector<16x8xi32>
    %slice3A_720 = vector.extract_strided_slice %select_n3A_709 {offsets = [0, 0], sizes = [16, 4088], strides = [1, 1]} : vector<16x4096xi32> to vector<16x4088xi32>
    %concatenate3A_721 = tpu.concatenate %slice3A_719, %slice3A_720 in 1 : vector<16x8xi32>, vector<16x4088xi32> -> vector<16x4096xi32>
    %and3A_722 = arith.constant 8 : i32
    %and3A_723 = vector.broadcast %and3A_722 : i32 to vector<16x4096xi32>
    %and3A_724 = arith.andi %iota3A, %and3A_723 : vector<16x4096xi32>
    %eq3A_725 = arith.constant 0 : i32
    %eq3A_726 = vector.broadcast %eq3A_725 : i32 to vector<16x4096xi32>
    %eq3A_727 = arith.cmpi eq, %and3A_724, %eq3A_726 : vector<16x4096xi32>
    %select_n3A_728 = arith.select %eq3A_727, %concatenate3A_712, %concatenate3A_715 : vector<16x4096xi1>, vector<16x4096xf32>
    %select_n3A_729 = arith.select %eq3A_727, %concatenate3A_718, %concatenate3A_721 : vector<16x4096xi1>, vector<16x4096xi32>
    %and3A_730 = arith.constant 64 : i32
    %and3A_731 = vector.broadcast %and3A_730 : i32 to vector<16x4096xi32>
    %and3A_732 = arith.andi %iota3A, %and3A_731 : vector<16x4096xi32>
    %eq3A_733 = arith.constant 0 : i32
    %eq3A_734 = vector.broadcast %eq3A_733 : i32 to vector<16x4096xi32>
    %eq3A_735 = arith.cmpi eq, %and3A_732, %eq3A_734 : vector<16x4096xi32>
    %gt3A_736 = arith.cmpf ogt, %select_n3A_708, %select_n3A_728 : vector<16x4096xf32>
    %eq3A_737 = arith.cmpf oeq, %select_n3A_708, %select_n3A_728 : vector<16x4096xf32>
    %lt3A_738 = arith.cmpi slt, %select_n3A_709, %select_n3A_729 : vector<16x4096xi32>
    %and3A_739 = arith.andi %eq3A_737, %lt3A_738 : vector<16x4096xi1>
    %or3A_740 = arith.ori %gt3A_736, %and3A_739 : vector<16x4096xi1>
    %eq3A_741 = arith.xori %eq3A_735, %eq3A_727 : vector<16x4096xi1>
    %eq3A_742 = arith.constant dense<true> : vector<16x4096xi1>
    %eq3A_743 = arith.xori %eq3A_741, %eq3A_742 : vector<16x4096xi1>
    %eq3A_744 = arith.xori %or3A_740, %eq3A_743 : vector<16x4096xi1>
    %eq3A_745 = arith.constant dense<true> : vector<16x4096xi1>
    %eq3A_746 = arith.xori %eq3A_744, %eq3A_745 : vector<16x4096xi1>
    %select_n3A_747 = arith.select %eq3A_746, %select_n3A_708, %select_n3A_728 : vector<16x4096xi1>, vector<16x4096xf32>
    %select_n3A_748 = arith.select %eq3A_746, %select_n3A_709, %select_n3A_729 : vector<16x4096xi1>, vector<16x4096xi32>
    %slice3A_749 = vector.extract_strided_slice %select_n3A_747 {offsets = [0, 4], sizes = [16, 4092], strides = [1, 1]} : vector<16x4096xf32> to vector<16x4092xf32>
    %slice3A_750 = vector.extract_strided_slice %select_n3A_747 {offsets = [0, 0], sizes = [16, 4], strides = [1, 1]} : vector<16x4096xf32> to vector<16x4xf32>
    %concatenate3A_751 = tpu.concatenate %slice3A_749, %slice3A_750 in 1 : vector<16x4092xf32>, vector<16x4xf32> -> vector<16x4096xf32>
    %slice3A_752 = vector.extract_strided_slice %select_n3A_747 {offsets = [0, 4092], sizes = [16, 4], strides = [1, 1]} : vector<16x4096xf32> to vector<16x4xf32>
    %slice3A_753 = vector.extract_strided_slice %select_n3A_747 {offsets = [0, 0], sizes = [16, 4092], strides = [1, 1]} : vector<16x4096xf32> to vector<16x4092xf32>
    %concatenate3A_754 = tpu.concatenate %slice3A_752, %slice3A_753 in 1 : vector<16x4xf32>, vector<16x4092xf32> -> vector<16x4096xf32>
    %slice3A_755 = vector.extract_strided_slice %select_n3A_748 {offsets = [0, 4], sizes = [16, 4092], strides = [1, 1]} : vector<16x4096xi32> to vector<16x4092xi32>
    %slice3A_756 = vector.extract_strided_slice %select_n3A_748 {offsets = [0, 0], sizes = [16, 4], strides = [1, 1]} : vector<16x4096xi32> to vector<16x4xi32>
    %concatenate3A_757 = tpu.concatenate %slice3A_755, %slice3A_756 in 1 : vector<16x4092xi32>, vector<16x4xi32> -> vector<16x4096xi32>
    %slice3A_758 = vector.extract_strided_slice %select_n3A_748 {offsets = [0, 4092], sizes = [16, 4], strides = [1, 1]} : vector<16x4096xi32> to vector<16x4xi32>
    %slice3A_759 = vector.extract_strided_slice %select_n3A_748 {offsets = [0, 0], sizes = [16, 4092], strides = [1, 1]} : vector<16x4096xi32> to vector<16x4092xi32>
    %concatenate3A_760 = tpu.concatenate %slice3A_758, %slice3A_759 in 1 : vector<16x4xi32>, vector<16x4092xi32> -> vector<16x4096xi32>
    %and3A_761 = arith.constant 4 : i32
    %and3A_762 = vector.broadcast %and3A_761 : i32 to vector<16x4096xi32>
    %and3A_763 = arith.andi %iota3A, %and3A_762 : vector<16x4096xi32>
    %eq3A_764 = arith.constant 0 : i32
    %eq3A_765 = vector.broadcast %eq3A_764 : i32 to vector<16x4096xi32>
    %eq3A_766 = arith.cmpi eq, %and3A_763, %eq3A_765 : vector<16x4096xi32>
    %select_n3A_767 = arith.select %eq3A_766, %concatenate3A_751, %concatenate3A_754 : vector<16x4096xi1>, vector<16x4096xf32>
    %select_n3A_768 = arith.select %eq3A_766, %concatenate3A_757, %concatenate3A_760 : vector<16x4096xi1>, vector<16x4096xi32>
    %and3A_769 = arith.constant 64 : i32
    %and3A_770 = vector.broadcast %and3A_769 : i32 to vector<16x4096xi32>
    %and3A_771 = arith.andi %iota3A, %and3A_770 : vector<16x4096xi32>
    %eq3A_772 = arith.constant 0 : i32
    %eq3A_773 = vector.broadcast %eq3A_772 : i32 to vector<16x4096xi32>
    %eq3A_774 = arith.cmpi eq, %and3A_771, %eq3A_773 : vector<16x4096xi32>
    %gt3A_775 = arith.cmpf ogt, %select_n3A_747, %select_n3A_767 : vector<16x4096xf32>
    %eq3A_776 = arith.cmpf oeq, %select_n3A_747, %select_n3A_767 : vector<16x4096xf32>
    %lt3A_777 = arith.cmpi slt, %select_n3A_748, %select_n3A_768 : vector<16x4096xi32>
    %and3A_778 = arith.andi %eq3A_776, %lt3A_777 : vector<16x4096xi1>
    %or3A_779 = arith.ori %gt3A_775, %and3A_778 : vector<16x4096xi1>
    %eq3A_780 = arith.xori %eq3A_774, %eq3A_766 : vector<16x4096xi1>
    %eq3A_781 = arith.constant dense<true> : vector<16x4096xi1>
    %eq3A_782 = arith.xori %eq3A_780, %eq3A_781 : vector<16x4096xi1>
    %eq3A_783 = arith.xori %or3A_779, %eq3A_782 : vector<16x4096xi1>
    %eq3A_784 = arith.constant dense<true> : vector<16x4096xi1>
    %eq3A_785 = arith.xori %eq3A_783, %eq3A_784 : vector<16x4096xi1>
    %select_n3A_786 = arith.select %eq3A_785, %select_n3A_747, %select_n3A_767 : vector<16x4096xi1>, vector<16x4096xf32>
    %select_n3A_787 = arith.select %eq3A_785, %select_n3A_748, %select_n3A_768 : vector<16x4096xi1>, vector<16x4096xi32>
    %slice3A_788 = vector.extract_strided_slice %select_n3A_786 {offsets = [0, 2], sizes = [16, 4094], strides = [1, 1]} : vector<16x4096xf32> to vector<16x4094xf32>
    %slice3A_789 = vector.extract_strided_slice %select_n3A_786 {offsets = [0, 0], sizes = [16, 2], strides = [1, 1]} : vector<16x4096xf32> to vector<16x2xf32>
    %concatenate3A_790 = tpu.concatenate %slice3A_788, %slice3A_789 in 1 : vector<16x4094xf32>, vector<16x2xf32> -> vector<16x4096xf32>
    %slice3A_791 = vector.extract_strided_slice %select_n3A_786 {offsets = [0, 4094], sizes = [16, 2], strides = [1, 1]} : vector<16x4096xf32> to vector<16x2xf32>
    %slice3A_792 = vector.extract_strided_slice %select_n3A_786 {offsets = [0, 0], sizes = [16, 4094], strides = [1, 1]} : vector<16x4096xf32> to vector<16x4094xf32>
    %concatenate3A_793 = tpu.concatenate %slice3A_791, %slice3A_792 in 1 : vector<16x2xf32>, vector<16x4094xf32> -> vector<16x4096xf32>
    %slice3A_794 = vector.extract_strided_slice %select_n3A_787 {offsets = [0, 2], sizes = [16, 4094], strides = [1, 1]} : vector<16x4096xi32> to vector<16x4094xi32>
    %slice3A_795 = vector.extract_strided_slice %select_n3A_787 {offsets = [0, 0], sizes = [16, 2], strides = [1, 1]} : vector<16x4096xi32> to vector<16x2xi32>
    %concatenate3A_796 = tpu.concatenate %slice3A_794, %slice3A_795 in 1 : vector<16x4094xi32>, vector<16x2xi32> -> vector<16x4096xi32>
    %slice3A_797 = vector.extract_strided_slice %select_n3A_787 {offsets = [0, 4094], sizes = [16, 2], strides = [1, 1]} : vector<16x4096xi32> to vector<16x2xi32>
    %slice3A_798 = vector.extract_strided_slice %select_n3A_787 {offsets = [0, 0], sizes = [16, 4094], strides = [1, 1]} : vector<16x4096xi32> to vector<16x4094xi32>
    %concatenate3A_799 = tpu.concatenate %slice3A_797, %slice3A_798 in 1 : vector<16x2xi32>, vector<16x4094xi32> -> vector<16x4096xi32>
    %and3A_800 = arith.constant 2 : i32
    %and3A_801 = vector.broadcast %and3A_800 : i32 to vector<16x4096xi32>
    %and3A_802 = arith.andi %iota3A, %and3A_801 : vector<16x4096xi32>
    %eq3A_803 = arith.constant 0 : i32
    %eq3A_804 = vector.broadcast %eq3A_803 : i32 to vector<16x4096xi32>
    %eq3A_805 = arith.cmpi eq, %and3A_802, %eq3A_804 : vector<16x4096xi32>
    %select_n3A_806 = arith.select %eq3A_805, %concatenate3A_790, %concatenate3A_793 : vector<16x4096xi1>, vector<16x4096xf32>
    %select_n3A_807 = arith.select %eq3A_805, %concatenate3A_796, %concatenate3A_799 : vector<16x4096xi1>, vector<16x4096xi32>
    %and3A_808 = arith.constant 64 : i32
    %and3A_809 = vector.broadcast %and3A_808 : i32 to vector<16x4096xi32>
    %and3A_810 = arith.andi %iota3A, %and3A_809 : vector<16x4096xi32>
    %eq3A_811 = arith.constant 0 : i32
    %eq3A_812 = vector.broadcast %eq3A_811 : i32 to vector<16x4096xi32>
    %eq3A_813 = arith.cmpi eq, %and3A_810, %eq3A_812 : vector<16x4096xi32>
    %gt3A_814 = arith.cmpf ogt, %select_n3A_786, %select_n3A_806 : vector<16x4096xf32>
    %eq3A_815 = arith.cmpf oeq, %select_n3A_786, %select_n3A_806 : vector<16x4096xf32>
    %lt3A_816 = arith.cmpi slt, %select_n3A_787, %select_n3A_807 : vector<16x4096xi32>
    %and3A_817 = arith.andi %eq3A_815, %lt3A_816 : vector<16x4096xi1>
    %or3A_818 = arith.ori %gt3A_814, %and3A_817 : vector<16x4096xi1>
    %eq3A_819 = arith.xori %eq3A_813, %eq3A_805 : vector<16x4096xi1>
    %eq3A_820 = arith.constant dense<true> : vector<16x4096xi1>
    %eq3A_821 = arith.xori %eq3A_819, %eq3A_820 : vector<16x4096xi1>
    %eq3A_822 = arith.xori %or3A_818, %eq3A_821 : vector<16x4096xi1>
    %eq3A_823 = arith.constant dense<true> : vector<16x4096xi1>
    %eq3A_824 = arith.xori %eq3A_822, %eq3A_823 : vector<16x4096xi1>
    %select_n3A_825 = arith.select %eq3A_824, %select_n3A_786, %select_n3A_806 : vector<16x4096xi1>, vector<16x4096xf32>
    %select_n3A_826 = arith.select %eq3A_824, %select_n3A_787, %select_n3A_807 : vector<16x4096xi1>, vector<16x4096xi32>
    %slice3A_827 = vector.extract_strided_slice %select_n3A_825 {offsets = [0, 1], sizes = [16, 4095], strides = [1, 1]} : vector<16x4096xf32> to vector<16x4095xf32>
    %slice3A_828 = vector.extract_strided_slice %select_n3A_825 {offsets = [0, 0], sizes = [16, 1], strides = [1, 1]} : vector<16x4096xf32> to vector<16x1xf32>
    %concatenate3A_829 = tpu.concatenate %slice3A_827, %slice3A_828 in 1 : vector<16x4095xf32>, vector<16x1xf32> -> vector<16x4096xf32>
    %slice3A_830 = vector.extract_strided_slice %select_n3A_825 {offsets = [0, 4095], sizes = [16, 1], strides = [1, 1]} : vector<16x4096xf32> to vector<16x1xf32>
    %slice3A_831 = vector.extract_strided_slice %select_n3A_825 {offsets = [0, 0], sizes = [16, 4095], strides = [1, 1]} : vector<16x4096xf32> to vector<16x4095xf32>
    %concatenate3A_832 = tpu.concatenate %slice3A_830, %slice3A_831 in 1 : vector<16x1xf32>, vector<16x4095xf32> -> vector<16x4096xf32>
    %slice3A_833 = vector.extract_strided_slice %select_n3A_826 {offsets = [0, 1], sizes = [16, 4095], strides = [1, 1]} : vector<16x4096xi32> to vector<16x4095xi32>
    %slice3A_834 = vector.extract_strided_slice %select_n3A_826 {offsets = [0, 0], sizes = [16, 1], strides = [1, 1]} : vector<16x4096xi32> to vector<16x1xi32>
    %concatenate3A_835 = tpu.concatenate %slice3A_833, %slice3A_834 in 1 : vector<16x4095xi32>, vector<16x1xi32> -> vector<16x4096xi32>
    %slice3A_836 = vector.extract_strided_slice %select_n3A_826 {offsets = [0, 4095], sizes = [16, 1], strides = [1, 1]} : vector<16x4096xi32> to vector<16x1xi32>
    %slice3A_837 = vector.extract_strided_slice %select_n3A_826 {offsets = [0, 0], sizes = [16, 4095], strides = [1, 1]} : vector<16x4096xi32> to vector<16x4095xi32>
    %concatenate3A_838 = tpu.concatenate %slice3A_836, %slice3A_837 in 1 : vector<16x1xi32>, vector<16x4095xi32> -> vector<16x4096xi32>
    %and3A_839 = arith.constant 1 : i32
    %and3A_840 = vector.broadcast %and3A_839 : i32 to vector<16x4096xi32>
    %and3A_841 = arith.andi %iota3A, %and3A_840 : vector<16x4096xi32>
    %eq3A_842 = arith.constant 0 : i32
    %eq3A_843 = vector.broadcast %eq3A_842 : i32 to vector<16x4096xi32>
    %eq3A_844 = arith.cmpi eq, %and3A_841, %eq3A_843 : vector<16x4096xi32>
    %select_n3A_845 = arith.select %eq3A_844, %concatenate3A_829, %concatenate3A_832 : vector<16x4096xi1>, vector<16x4096xf32>
    %select_n3A_846 = arith.select %eq3A_844, %concatenate3A_835, %concatenate3A_838 : vector<16x4096xi1>, vector<16x4096xi32>
    %and3A_847 = arith.constant 64 : i32
    %and3A_848 = vector.broadcast %and3A_847 : i32 to vector<16x4096xi32>
    %and3A_849 = arith.andi %iota3A, %and3A_848 : vector<16x4096xi32>
    %eq3A_850 = arith.constant 0 : i32
    %eq3A_851 = vector.broadcast %eq3A_850 : i32 to vector<16x4096xi32>
    %eq3A_852 = arith.cmpi eq, %and3A_849, %eq3A_851 : vector<16x4096xi32>
    %gt3A_853 = arith.cmpf ogt, %select_n3A_825, %select_n3A_845 : vector<16x4096xf32>
    %eq3A_854 = arith.cmpf oeq, %select_n3A_825, %select_n3A_845 : vector<16x4096xf32>
    %lt3A_855 = arith.cmpi slt, %select_n3A_826, %select_n3A_846 : vector<16x4096xi32>
    %and3A_856 = arith.andi %eq3A_854, %lt3A_855 : vector<16x4096xi1>
    %or3A_857 = arith.ori %gt3A_853, %and3A_856 : vector<16x4096xi1>
    %eq3A_858 = arith.xori %eq3A_852, %eq3A_844 : vector<16x4096xi1>
    %eq3A_859 = arith.constant dense<true> : vector<16x4096xi1>
    %eq3A_860 = arith.xori %eq3A_858, %eq3A_859 : vector<16x4096xi1>
    %eq3A_861 = arith.xori %or3A_857, %eq3A_860 : vector<16x4096xi1>
    %eq3A_862 = arith.constant dense<true> : vector<16x4096xi1>
    %eq3A_863 = arith.xori %eq3A_861, %eq3A_862 : vector<16x4096xi1>
    %select_n3A_864 = arith.select %eq3A_863, %select_n3A_825, %select_n3A_845 : vector<16x4096xi1>, vector<16x4096xf32>
    %select_n3A_865 = arith.select %eq3A_863, %select_n3A_826, %select_n3A_846 : vector<16x4096xi1>, vector<16x4096xi32>
    %slice3A_866 = vector.extract_strided_slice %select_n3A_864 {offsets = [0, 64], sizes = [16, 4032], strides = [1, 1]} : vector<16x4096xf32> to vector<16x4032xf32>
    %slice3A_867 = vector.extract_strided_slice %select_n3A_864 {offsets = [0, 0], sizes = [16, 64], strides = [1, 1]} : vector<16x4096xf32> to vector<16x64xf32>
    %concatenate3A_868 = tpu.concatenate %slice3A_866, %slice3A_867 in 1 : vector<16x4032xf32>, vector<16x64xf32> -> vector<16x4096xf32>
    %slice3A_869 = vector.extract_strided_slice %select_n3A_864 {offsets = [0, 4032], sizes = [16, 64], strides = [1, 1]} : vector<16x4096xf32> to vector<16x64xf32>
    %slice3A_870 = vector.extract_strided_slice %select_n3A_864 {offsets = [0, 0], sizes = [16, 4032], strides = [1, 1]} : vector<16x4096xf32> to vector<16x4032xf32>
    %concatenate3A_871 = tpu.concatenate %slice3A_869, %slice3A_870 in 1 : vector<16x64xf32>, vector<16x4032xf32> -> vector<16x4096xf32>
    %slice3A_872 = vector.extract_strided_slice %select_n3A_865 {offsets = [0, 64], sizes = [16, 4032], strides = [1, 1]} : vector<16x4096xi32> to vector<16x4032xi32>
    %slice3A_873 = vector.extract_strided_slice %select_n3A_865 {offsets = [0, 0], sizes = [16, 64], strides = [1, 1]} : vector<16x4096xi32> to vector<16x64xi32>
    %concatenate3A_874 = tpu.concatenate %slice3A_872, %slice3A_873 in 1 : vector<16x4032xi32>, vector<16x64xi32> -> vector<16x4096xi32>
    %slice3A_875 = vector.extract_strided_slice %select_n3A_865 {offsets = [0, 4032], sizes = [16, 64], strides = [1, 1]} : vector<16x4096xi32> to vector<16x64xi32>
    %slice3A_876 = vector.extract_strided_slice %select_n3A_865 {offsets = [0, 0], sizes = [16, 4032], strides = [1, 1]} : vector<16x4096xi32> to vector<16x4032xi32>
    %concatenate3A_877 = tpu.concatenate %slice3A_875, %slice3A_876 in 1 : vector<16x64xi32>, vector<16x4032xi32> -> vector<16x4096xi32>
    %and3A_878 = arith.constant 64 : i32
    %and3A_879 = vector.broadcast %and3A_878 : i32 to vector<16x4096xi32>
    %and3A_880 = arith.andi %iota3A, %and3A_879 : vector<16x4096xi32>
    %eq3A_881 = arith.constant 0 : i32
    %eq3A_882 = vector.broadcast %eq3A_881 : i32 to vector<16x4096xi32>
    %eq3A_883 = arith.cmpi eq, %and3A_880, %eq3A_882 : vector<16x4096xi32>
    %select_n3A_884 = arith.select %eq3A_883, %concatenate3A_868, %concatenate3A_871 : vector<16x4096xi1>, vector<16x4096xf32>
    %select_n3A_885 = arith.select %eq3A_883, %concatenate3A_874, %concatenate3A_877 : vector<16x4096xi1>, vector<16x4096xi32>
    %and3A_886 = arith.constant 128 : i32
    %and3A_887 = vector.broadcast %and3A_886 : i32 to vector<16x4096xi32>
    %and3A_888 = arith.andi %iota3A, %and3A_887 : vector<16x4096xi32>
    %eq3A_889 = arith.constant 0 : i32
    %eq3A_890 = vector.broadcast %eq3A_889 : i32 to vector<16x4096xi32>
    %eq3A_891 = arith.cmpi eq, %and3A_888, %eq3A_890 : vector<16x4096xi32>
    %gt3A_892 = arith.cmpf ogt, %select_n3A_864, %select_n3A_884 : vector<16x4096xf32>
    %eq3A_893 = arith.cmpf oeq, %select_n3A_864, %select_n3A_884 : vector<16x4096xf32>
    %lt3A_894 = arith.cmpi slt, %select_n3A_865, %select_n3A_885 : vector<16x4096xi32>
    %and3A_895 = arith.andi %eq3A_893, %lt3A_894 : vector<16x4096xi1>
    %or3A_896 = arith.ori %gt3A_892, %and3A_895 : vector<16x4096xi1>
    %eq3A_897 = arith.xori %eq3A_891, %eq3A_883 : vector<16x4096xi1>
    %eq3A_898 = arith.constant dense<true> : vector<16x4096xi1>
    %eq3A_899 = arith.xori %eq3A_897, %eq3A_898 : vector<16x4096xi1>
    %eq3A_900 = arith.xori %or3A_896, %eq3A_899 : vector<16x4096xi1>
    %eq3A_901 = arith.constant dense<true> : vector<16x4096xi1>
    %eq3A_902 = arith.xori %eq3A_900, %eq3A_901 : vector<16x4096xi1>
    %select_n3A_903 = arith.select %eq3A_902, %select_n3A_864, %select_n3A_884 : vector<16x4096xi1>, vector<16x4096xf32>
    %select_n3A_904 = arith.select %eq3A_902, %select_n3A_865, %select_n3A_885 : vector<16x4096xi1>, vector<16x4096xi32>
    %slice3A_905 = vector.extract_strided_slice %select_n3A_903 {offsets = [0, 32], sizes = [16, 4064], strides = [1, 1]} : vector<16x4096xf32> to vector<16x4064xf32>
    %slice3A_906 = vector.extract_strided_slice %select_n3A_903 {offsets = [0, 0], sizes = [16, 32], strides = [1, 1]} : vector<16x4096xf32> to vector<16x32xf32>
    %concatenate3A_907 = tpu.concatenate %slice3A_905, %slice3A_906 in 1 : vector<16x4064xf32>, vector<16x32xf32> -> vector<16x4096xf32>
    %slice3A_908 = vector.extract_strided_slice %select_n3A_903 {offsets = [0, 4064], sizes = [16, 32], strides = [1, 1]} : vector<16x4096xf32> to vector<16x32xf32>
    %slice3A_909 = vector.extract_strided_slice %select_n3A_903 {offsets = [0, 0], sizes = [16, 4064], strides = [1, 1]} : vector<16x4096xf32> to vector<16x4064xf32>
    %concatenate3A_910 = tpu.concatenate %slice3A_908, %slice3A_909 in 1 : vector<16x32xf32>, vector<16x4064xf32> -> vector<16x4096xf32>
    %slice3A_911 = vector.extract_strided_slice %select_n3A_904 {offsets = [0, 32], sizes = [16, 4064], strides = [1, 1]} : vector<16x4096xi32> to vector<16x4064xi32>
    %slice3A_912 = vector.extract_strided_slice %select_n3A_904 {offsets = [0, 0], sizes = [16, 32], strides = [1, 1]} : vector<16x4096xi32> to vector<16x32xi32>
    %concatenate3A_913 = tpu.concatenate %slice3A_911, %slice3A_912 in 1 : vector<16x4064xi32>, vector<16x32xi32> -> vector<16x4096xi32>
    %slice3A_914 = vector.extract_strided_slice %select_n3A_904 {offsets = [0, 4064], sizes = [16, 32], strides = [1, 1]} : vector<16x4096xi32> to vector<16x32xi32>
    %slice3A_915 = vector.extract_strided_slice %select_n3A_904 {offsets = [0, 0], sizes = [16, 4064], strides = [1, 1]} : vector<16x4096xi32> to vector<16x4064xi32>
    %concatenate3A_916 = tpu.concatenate %slice3A_914, %slice3A_915 in 1 : vector<16x32xi32>, vector<16x4064xi32> -> vector<16x4096xi32>
    %and3A_917 = arith.constant 32 : i32
    %and3A_918 = vector.broadcast %and3A_917 : i32 to vector<16x4096xi32>
    %and3A_919 = arith.andi %iota3A, %and3A_918 : vector<16x4096xi32>
    %eq3A_920 = arith.constant 0 : i32
    %eq3A_921 = vector.broadcast %eq3A_920 : i32 to vector<16x4096xi32>
    %eq3A_922 = arith.cmpi eq, %and3A_919, %eq3A_921 : vector<16x4096xi32>
    %select_n3A_923 = arith.select %eq3A_922, %concatenate3A_907, %concatenate3A_910 : vector<16x4096xi1>, vector<16x4096xf32>
    %select_n3A_924 = arith.select %eq3A_922, %concatenate3A_913, %concatenate3A_916 : vector<16x4096xi1>, vector<16x4096xi32>
    %and3A_925 = arith.constant 128 : i32
    %and3A_926 = vector.broadcast %and3A_925 : i32 to vector<16x4096xi32>
    %and3A_927 = arith.andi %iota3A, %and3A_926 : vector<16x4096xi32>
    %eq3A_928 = arith.constant 0 : i32
    %eq3A_929 = vector.broadcast %eq3A_928 : i32 to vector<16x4096xi32>
    %eq3A_930 = arith.cmpi eq, %and3A_927, %eq3A_929 : vector<16x4096xi32>
    %gt3A_931 = arith.cmpf ogt, %select_n3A_903, %select_n3A_923 : vector<16x4096xf32>
    %eq3A_932 = arith.cmpf oeq, %select_n3A_903, %select_n3A_923 : vector<16x4096xf32>
    %lt3A_933 = arith.cmpi slt, %select_n3A_904, %select_n3A_924 : vector<16x4096xi32>
    %and3A_934 = arith.andi %eq3A_932, %lt3A_933 : vector<16x4096xi1>
    %or3A_935 = arith.ori %gt3A_931, %and3A_934 : vector<16x4096xi1>
    %eq3A_936 = arith.xori %eq3A_930, %eq3A_922 : vector<16x4096xi1>
    %eq3A_937 = arith.constant dense<true> : vector<16x4096xi1>
    %eq3A_938 = arith.xori %eq3A_936, %eq3A_937 : vector<16x4096xi1>
    %eq3A_939 = arith.xori %or3A_935, %eq3A_938 : vector<16x4096xi1>
    %eq3A_940 = arith.constant dense<true> : vector<16x4096xi1>
    %eq3A_941 = arith.xori %eq3A_939, %eq3A_940 : vector<16x4096xi1>
    %select_n3A_942 = arith.select %eq3A_941, %select_n3A_903, %select_n3A_923 : vector<16x4096xi1>, vector<16x4096xf32>
    %select_n3A_943 = arith.select %eq3A_941, %select_n3A_904, %select_n3A_924 : vector<16x4096xi1>, vector<16x4096xi32>
    %slice3A_944 = vector.extract_strided_slice %select_n3A_942 {offsets = [0, 16], sizes = [16, 4080], strides = [1, 1]} : vector<16x4096xf32> to vector<16x4080xf32>
    %slice3A_945 = vector.extract_strided_slice %select_n3A_942 {offsets = [0, 0], sizes = [16, 16], strides = [1, 1]} : vector<16x4096xf32> to vector<16x16xf32>
    %concatenate3A_946 = tpu.concatenate %slice3A_944, %slice3A_945 in 1 : vector<16x4080xf32>, vector<16x16xf32> -> vector<16x4096xf32>
    %slice3A_947 = vector.extract_strided_slice %select_n3A_942 {offsets = [0, 4080], sizes = [16, 16], strides = [1, 1]} : vector<16x4096xf32> to vector<16x16xf32>
    %slice3A_948 = vector.extract_strided_slice %select_n3A_942 {offsets = [0, 0], sizes = [16, 4080], strides = [1, 1]} : vector<16x4096xf32> to vector<16x4080xf32>
    %concatenate3A_949 = tpu.concatenate %slice3A_947, %slice3A_948 in 1 : vector<16x16xf32>, vector<16x4080xf32> -> vector<16x4096xf32>
    %slice3A_950 = vector.extract_strided_slice %select_n3A_943 {offsets = [0, 16], sizes = [16, 4080], strides = [1, 1]} : vector<16x4096xi32> to vector<16x4080xi32>
    %slice3A_951 = vector.extract_strided_slice %select_n3A_943 {offsets = [0, 0], sizes = [16, 16], strides = [1, 1]} : vector<16x4096xi32> to vector<16x16xi32>
    %concatenate3A_952 = tpu.concatenate %slice3A_950, %slice3A_951 in 1 : vector<16x4080xi32>, vector<16x16xi32> -> vector<16x4096xi32>
    %slice3A_953 = vector.extract_strided_slice %select_n3A_943 {offsets = [0, 4080], sizes = [16, 16], strides = [1, 1]} : vector<16x4096xi32> to vector<16x16xi32>
    %slice3A_954 = vector.extract_strided_slice %select_n3A_943 {offsets = [0, 0], sizes = [16, 4080], strides = [1, 1]} : vector<16x4096xi32> to vector<16x4080xi32>
    %concatenate3A_955 = tpu.concatenate %slice3A_953, %slice3A_954 in 1 : vector<16x16xi32>, vector<16x4080xi32> -> vector<16x4096xi32>
    %and3A_956 = arith.constant 16 : i32
    %and3A_957 = vector.broadcast %and3A_956 : i32 to vector<16x4096xi32>
    %and3A_958 = arith.andi %iota3A, %and3A_957 : vector<16x4096xi32>
    %eq3A_959 = arith.constant 0 : i32
    %eq3A_960 = vector.broadcast %eq3A_959 : i32 to vector<16x4096xi32>
    %eq3A_961 = arith.cmpi eq, %and3A_958, %eq3A_960 : vector<16x4096xi32>
    %select_n3A_962 = arith.select %eq3A_961, %concatenate3A_946, %concatenate3A_949 : vector<16x4096xi1>, vector<16x4096xf32>
    %select_n3A_963 = arith.select %eq3A_961, %concatenate3A_952, %concatenate3A_955 : vector<16x4096xi1>, vector<16x4096xi32>
    %and3A_964 = arith.constant 128 : i32
    %and3A_965 = vector.broadcast %and3A_964 : i32 to vector<16x4096xi32>
    %and3A_966 = arith.andi %iota3A, %and3A_965 : vector<16x4096xi32>
    %eq3A_967 = arith.constant 0 : i32
    %eq3A_968 = vector.broadcast %eq3A_967 : i32 to vector<16x4096xi32>
    %eq3A_969 = arith.cmpi eq, %and3A_966, %eq3A_968 : vector<16x4096xi32>
    %gt3A_970 = arith.cmpf ogt, %select_n3A_942, %select_n3A_962 : vector<16x4096xf32>
    %eq3A_971 = arith.cmpf oeq, %select_n3A_942, %select_n3A_962 : vector<16x4096xf32>
    %lt3A_972 = arith.cmpi slt, %select_n3A_943, %select_n3A_963 : vector<16x4096xi32>
    %and3A_973 = arith.andi %eq3A_971, %lt3A_972 : vector<16x4096xi1>
    %or3A_974 = arith.ori %gt3A_970, %and3A_973 : vector<16x4096xi1>
    %eq3A_975 = arith.xori %eq3A_969, %eq3A_961 : vector<16x4096xi1>
    %eq3A_976 = arith.constant dense<true> : vector<16x4096xi1>
    %eq3A_977 = arith.xori %eq3A_975, %eq3A_976 : vector<16x4096xi1>
    %eq3A_978 = arith.xori %or3A_974, %eq3A_977 : vector<16x4096xi1>
    %eq3A_979 = arith.constant dense<true> : vector<16x4096xi1>
    %eq3A_980 = arith.xori %eq3A_978, %eq3A_979 : vector<16x4096xi1>
    %select_n3A_981 = arith.select %eq3A_980, %select_n3A_942, %select_n3A_962 : vector<16x4096xi1>, vector<16x4096xf32>
    %select_n3A_982 = arith.select %eq3A_980, %select_n3A_943, %select_n3A_963 : vector<16x4096xi1>, vector<16x4096xi32>
    %slice3A_983 = vector.extract_strided_slice %select_n3A_981 {offsets = [0, 8], sizes = [16, 4088], strides = [1, 1]} : vector<16x4096xf32> to vector<16x4088xf32>
    %slice3A_984 = vector.extract_strided_slice %select_n3A_981 {offsets = [0, 0], sizes = [16, 8], strides = [1, 1]} : vector<16x4096xf32> to vector<16x8xf32>
    %concatenate3A_985 = tpu.concatenate %slice3A_983, %slice3A_984 in 1 : vector<16x4088xf32>, vector<16x8xf32> -> vector<16x4096xf32>
    %slice3A_986 = vector.extract_strided_slice %select_n3A_981 {offsets = [0, 4088], sizes = [16, 8], strides = [1, 1]} : vector<16x4096xf32> to vector<16x8xf32>
    %slice3A_987 = vector.extract_strided_slice %select_n3A_981 {offsets = [0, 0], sizes = [16, 4088], strides = [1, 1]} : vector<16x4096xf32> to vector<16x4088xf32>
    %concatenate3A_988 = tpu.concatenate %slice3A_986, %slice3A_987 in 1 : vector<16x8xf32>, vector<16x4088xf32> -> vector<16x4096xf32>
    %slice3A_989 = vector.extract_strided_slice %select_n3A_982 {offsets = [0, 8], sizes = [16, 4088], strides = [1, 1]} : vector<16x4096xi32> to vector<16x4088xi32>
    %slice3A_990 = vector.extract_strided_slice %select_n3A_982 {offsets = [0, 0], sizes = [16, 8], strides = [1, 1]} : vector<16x4096xi32> to vector<16x8xi32>
    %concatenate3A_991 = tpu.concatenate %slice3A_989, %slice3A_990 in 1 : vector<16x4088xi32>, vector<16x8xi32> -> vector<16x4096xi32>
    %slice3A_992 = vector.extract_strided_slice %select_n3A_982 {offsets = [0, 4088], sizes = [16, 8], strides = [1, 1]} : vector<16x4096xi32> to vector<16x8xi32>
    %slice3A_993 = vector.extract_strided_slice %select_n3A_982 {offsets = [0, 0], sizes = [16, 4088], strides = [1, 1]} : vector<16x4096xi32> to vector<16x4088xi32>
    %concatenate3A_994 = tpu.concatenate %slice3A_992, %slice3A_993 in 1 : vector<16x8xi32>, vector<16x4088xi32> -> vector<16x4096xi32>
    %and3A_995 = arith.constant 8 : i32
    %and3A_996 = vector.broadcast %and3A_995 : i32 to vector<16x4096xi32>
    %and3A_997 = arith.andi %iota3A, %and3A_996 : vector<16x4096xi32>
    %eq3A_998 = arith.constant 0 : i32
    %eq3A_999 = vector.broadcast %eq3A_998 : i32 to vector<16x4096xi32>
    %eq3A_1000 = arith.cmpi eq, %and3A_997, %eq3A_999 : vector<16x4096xi32>
    %select_n3A_1001 = arith.select %eq3A_1000, %concatenate3A_985, %concatenate3A_988 : vector<16x4096xi1>, vector<16x4096xf32>
    %select_n3A_1002 = arith.select %eq3A_1000, %concatenate3A_991, %concatenate3A_994 : vector<16x4096xi1>, vector<16x4096xi32>
    %and3A_1003 = arith.constant 128 : i32
    %and3A_1004 = vector.broadcast %and3A_1003 : i32 to vector<16x4096xi32>
    %and3A_1005 = arith.andi %iota3A, %and3A_1004 : vector<16x4096xi32>
    %eq3A_1006 = arith.constant 0 : i32
    %eq3A_1007 = vector.broadcast %eq3A_1006 : i32 to vector<16x4096xi32>
    %eq3A_1008 = arith.cmpi eq, %and3A_1005, %eq3A_1007 : vector<16x4096xi32>
    %gt3A_1009 = arith.cmpf ogt, %select_n3A_981, %select_n3A_1001 : vector<16x4096xf32>
    %eq3A_1010 = arith.cmpf oeq, %select_n3A_981, %select_n3A_1001 : vector<16x4096xf32>
    %lt3A_1011 = arith.cmpi slt, %select_n3A_982, %select_n3A_1002 : vector<16x4096xi32>
    %and3A_1012 = arith.andi %eq3A_1010, %lt3A_1011 : vector<16x4096xi1>
    %or3A_1013 = arith.ori %gt3A_1009, %and3A_1012 : vector<16x4096xi1>
    %eq3A_1014 = arith.xori %eq3A_1008, %eq3A_1000 : vector<16x4096xi1>
    %eq3A_1015 = arith.constant dense<true> : vector<16x4096xi1>
    %eq3A_1016 = arith.xori %eq3A_1014, %eq3A_1015 : vector<16x4096xi1>
    %eq3A_1017 = arith.xori %or3A_1013, %eq3A_1016 : vector<16x4096xi1>
    %eq3A_1018 = arith.constant dense<true> : vector<16x4096xi1>
    %eq3A_1019 = arith.xori %eq3A_1017, %eq3A_1018 : vector<16x4096xi1>
    %select_n3A_1020 = arith.select %eq3A_1019, %select_n3A_981, %select_n3A_1001 : vector<16x4096xi1>, vector<16x4096xf32>
    %select_n3A_1021 = arith.select %eq3A_1019, %select_n3A_982, %select_n3A_1002 : vector<16x4096xi1>, vector<16x4096xi32>
    %slice3A_1022 = vector.extract_strided_slice %select_n3A_1020 {offsets = [0, 4], sizes = [16, 4092], strides = [1, 1]} : vector<16x4096xf32> to vector<16x4092xf32>
    %slice3A_1023 = vector.extract_strided_slice %select_n3A_1020 {offsets = [0, 0], sizes = [16, 4], strides = [1, 1]} : vector<16x4096xf32> to vector<16x4xf32>
    %concatenate3A_1024 = tpu.concatenate %slice3A_1022, %slice3A_1023 in 1 : vector<16x4092xf32>, vector<16x4xf32> -> vector<16x4096xf32>
    %slice3A_1025 = vector.extract_strided_slice %select_n3A_1020 {offsets = [0, 4092], sizes = [16, 4], strides = [1, 1]} : vector<16x4096xf32> to vector<16x4xf32>
    %slice3A_1026 = vector.extract_strided_slice %select_n3A_1020 {offsets = [0, 0], sizes = [16, 4092], strides = [1, 1]} : vector<16x4096xf32> to vector<16x4092xf32>
    %concatenate3A_1027 = tpu.concatenate %slice3A_1025, %slice3A_1026 in 1 : vector<16x4xf32>, vector<16x4092xf32> -> vector<16x4096xf32>
    %slice3A_1028 = vector.extract_strided_slice %select_n3A_1021 {offsets = [0, 4], sizes = [16, 4092], strides = [1, 1]} : vector<16x4096xi32> to vector<16x4092xi32>
    %slice3A_1029 = vector.extract_strided_slice %select_n3A_1021 {offsets = [0, 0], sizes = [16, 4], strides = [1, 1]} : vector<16x4096xi32> to vector<16x4xi32>
    %concatenate3A_1030 = tpu.concatenate %slice3A_1028, %slice3A_1029 in 1 : vector<16x4092xi32>, vector<16x4xi32> -> vector<16x4096xi32>
    %slice3A_1031 = vector.extract_strided_slice %select_n3A_1021 {offsets = [0, 4092], sizes = [16, 4], strides = [1, 1]} : vector<16x4096xi32> to vector<16x4xi32>
    %slice3A_1032 = vector.extract_strided_slice %select_n3A_1021 {offsets = [0, 0], sizes = [16, 4092], strides = [1, 1]} : vector<16x4096xi32> to vector<16x4092xi32>
    %concatenate3A_1033 = tpu.concatenate %slice3A_1031, %slice3A_1032 in 1 : vector<16x4xi32>, vector<16x4092xi32> -> vector<16x4096xi32>
    %and3A_1034 = arith.constant 4 : i32
    %and3A_1035 = vector.broadcast %and3A_1034 : i32 to vector<16x4096xi32>
    %and3A_1036 = arith.andi %iota3A, %and3A_1035 : vector<16x4096xi32>
    %eq3A_1037 = arith.constant 0 : i32
    %eq3A_1038 = vector.broadcast %eq3A_1037 : i32 to vector<16x4096xi32>
    %eq3A_1039 = arith.cmpi eq, %and3A_1036, %eq3A_1038 : vector<16x4096xi32>
    %select_n3A_1040 = arith.select %eq3A_1039, %concatenate3A_1024, %concatenate3A_1027 : vector<16x4096xi1>, vector<16x4096xf32>
    %select_n3A_1041 = arith.select %eq3A_1039, %concatenate3A_1030, %concatenate3A_1033 : vector<16x4096xi1>, vector<16x4096xi32>
    %and3A_1042 = arith.constant 128 : i32
    %and3A_1043 = vector.broadcast %and3A_1042 : i32 to vector<16x4096xi32>
    %and3A_1044 = arith.andi %iota3A, %and3A_1043 : vector<16x4096xi32>
    %eq3A_1045 = arith.constant 0 : i32
    %eq3A_1046 = vector.broadcast %eq3A_1045 : i32 to vector<16x4096xi32>
    %eq3A_1047 = arith.cmpi eq, %and3A_1044, %eq3A_1046 : vector<16x4096xi32>
    %gt3A_1048 = arith.cmpf ogt, %select_n3A_1020, %select_n3A_1040 : vector<16x4096xf32>
    %eq3A_1049 = arith.cmpf oeq, %select_n3A_1020, %select_n3A_1040 : vector<16x4096xf32>
    %lt3A_1050 = arith.cmpi slt, %select_n3A_1021, %select_n3A_1041 : vector<16x4096xi32>
    %and3A_1051 = arith.andi %eq3A_1049, %lt3A_1050 : vector<16x4096xi1>
    %or3A_1052 = arith.ori %gt3A_1048, %and3A_1051 : vector<16x4096xi1>
    %eq3A_1053 = arith.xori %eq3A_1047, %eq3A_1039 : vector<16x4096xi1>
    %eq3A_1054 = arith.constant dense<true> : vector<16x4096xi1>
    %eq3A_1055 = arith.xori %eq3A_1053, %eq3A_1054 : vector<16x4096xi1>
    %eq3A_1056 = arith.xori %or3A_1052, %eq3A_1055 : vector<16x4096xi1>
    %eq3A_1057 = arith.constant dense<true> : vector<16x4096xi1>
    %eq3A_1058 = arith.xori %eq3A_1056, %eq3A_1057 : vector<16x4096xi1>
    %select_n3A_1059 = arith.select %eq3A_1058, %select_n3A_1020, %select_n3A_1040 : vector<16x4096xi1>, vector<16x4096xf32>
    %select_n3A_1060 = arith.select %eq3A_1058, %select_n3A_1021, %select_n3A_1041 : vector<16x4096xi1>, vector<16x4096xi32>
    %slice3A_1061 = vector.extract_strided_slice %select_n3A_1059 {offsets = [0, 2], sizes = [16, 4094], strides = [1, 1]} : vector<16x4096xf32> to vector<16x4094xf32>
    %slice3A_1062 = vector.extract_strided_slice %select_n3A_1059 {offsets = [0, 0], sizes = [16, 2], strides = [1, 1]} : vector<16x4096xf32> to vector<16x2xf32>
    %concatenate3A_1063 = tpu.concatenate %slice3A_1061, %slice3A_1062 in 1 : vector<16x4094xf32>, vector<16x2xf32> -> vector<16x4096xf32>
    %slice3A_1064 = vector.extract_strided_slice %select_n3A_1059 {offsets = [0, 4094], sizes = [16, 2], strides = [1, 1]} : vector<16x4096xf32> to vector<16x2xf32>
    %slice3A_1065 = vector.extract_strided_slice %select_n3A_1059 {offsets = [0, 0], sizes = [16, 4094], strides = [1, 1]} : vector<16x4096xf32> to vector<16x4094xf32>
    %concatenate3A_1066 = tpu.concatenate %slice3A_1064, %slice3A_1065 in 1 : vector<16x2xf32>, vector<16x4094xf32> -> vector<16x4096xf32>
    %slice3A_1067 = vector.extract_strided_slice %select_n3A_1060 {offsets = [0, 2], sizes = [16, 4094], strides = [1, 1]} : vector<16x4096xi32> to vector<16x4094xi32>
    %slice3A_1068 = vector.extract_strided_slice %select_n3A_1060 {offsets = [0, 0], sizes = [16, 2], strides = [1, 1]} : vector<16x4096xi32> to vector<16x2xi32>
    %concatenate3A_1069 = tpu.concatenate %slice3A_1067, %slice3A_1068 in 1 : vector<16x4094xi32>, vector<16x2xi32> -> vector<16x4096xi32>
    %slice3A_1070 = vector.extract_strided_slice %select_n3A_1060 {offsets = [0, 4094], sizes = [16, 2], strides = [1, 1]} : vector<16x4096xi32> to vector<16x2xi32>
    %slice3A_1071 = vector.extract_strided_slice %select_n3A_1060 {offsets = [0, 0], sizes = [16, 4094], strides = [1, 1]} : vector<16x4096xi32> to vector<16x4094xi32>
    %concatenate3A_1072 = tpu.concatenate %slice3A_1070, %slice3A_1071 in 1 : vector<16x2xi32>, vector<16x4094xi32> -> vector<16x4096xi32>
    %and3A_1073 = arith.constant 2 : i32
    %and3A_1074 = vector.broadcast %and3A_1073 : i32 to vector<16x4096xi32>
    %and3A_1075 = arith.andi %iota3A, %and3A_1074 : vector<16x4096xi32>
    %eq3A_1076 = arith.constant 0 : i32
    %eq3A_1077 = vector.broadcast %eq3A_1076 : i32 to vector<16x4096xi32>
    %eq3A_1078 = arith.cmpi eq, %and3A_1075, %eq3A_1077 : vector<16x4096xi32>
    %select_n3A_1079 = arith.select %eq3A_1078, %concatenate3A_1063, %concatenate3A_1066 : vector<16x4096xi1>, vector<16x4096xf32>
    %select_n3A_1080 = arith.select %eq3A_1078, %concatenate3A_1069, %concatenate3A_1072 : vector<16x4096xi1>, vector<16x4096xi32>
    %and3A_1081 = arith.constant 128 : i32
    %and3A_1082 = vector.broadcast %and3A_1081 : i32 to vector<16x4096xi32>
    %and3A_1083 = arith.andi %iota3A, %and3A_1082 : vector<16x4096xi32>
    %eq3A_1084 = arith.constant 0 : i32
    %eq3A_1085 = vector.broadcast %eq3A_1084 : i32 to vector<16x4096xi32>
    %eq3A_1086 = arith.cmpi eq, %and3A_1083, %eq3A_1085 : vector<16x4096xi32>
    %gt3A_1087 = arith.cmpf ogt, %select_n3A_1059, %select_n3A_1079 : vector<16x4096xf32>
    %eq3A_1088 = arith.cmpf oeq, %select_n3A_1059, %select_n3A_1079 : vector<16x4096xf32>
    %lt3A_1089 = arith.cmpi slt, %select_n3A_1060, %select_n3A_1080 : vector<16x4096xi32>
    %and3A_1090 = arith.andi %eq3A_1088, %lt3A_1089 : vector<16x4096xi1>
    %or3A_1091 = arith.ori %gt3A_1087, %and3A_1090 : vector<16x4096xi1>
    %eq3A_1092 = arith.xori %eq3A_1086, %eq3A_1078 : vector<16x4096xi1>
    %eq3A_1093 = arith.constant dense<true> : vector<16x4096xi1>
    %eq3A_1094 = arith.xori %eq3A_1092, %eq3A_1093 : vector<16x4096xi1>
    %eq3A_1095 = arith.xori %or3A_1091, %eq3A_1094 : vector<16x4096xi1>
    %eq3A_1096 = arith.constant dense<true> : vector<16x4096xi1>
    %eq3A_1097 = arith.xori %eq3A_1095, %eq3A_1096 : vector<16x4096xi1>
    %select_n3A_1098 = arith.select %eq3A_1097, %select_n3A_1059, %select_n3A_1079 : vector<16x4096xi1>, vector<16x4096xf32>
    %select_n3A_1099 = arith.select %eq3A_1097, %select_n3A_1060, %select_n3A_1080 : vector<16x4096xi1>, vector<16x4096xi32>
    %slice3A_1100 = vector.extract_strided_slice %select_n3A_1098 {offsets = [0, 1], sizes = [16, 4095], strides = [1, 1]} : vector<16x4096xf32> to vector<16x4095xf32>
    %slice3A_1101 = vector.extract_strided_slice %select_n3A_1098 {offsets = [0, 0], sizes = [16, 1], strides = [1, 1]} : vector<16x4096xf32> to vector<16x1xf32>
    %concatenate3A_1102 = tpu.concatenate %slice3A_1100, %slice3A_1101 in 1 : vector<16x4095xf32>, vector<16x1xf32> -> vector<16x4096xf32>
    %slice3A_1103 = vector.extract_strided_slice %select_n3A_1098 {offsets = [0, 4095], sizes = [16, 1], strides = [1, 1]} : vector<16x4096xf32> to vector<16x1xf32>
    %slice3A_1104 = vector.extract_strided_slice %select_n3A_1098 {offsets = [0, 0], sizes = [16, 4095], strides = [1, 1]} : vector<16x4096xf32> to vector<16x4095xf32>
    %concatenate3A_1105 = tpu.concatenate %slice3A_1103, %slice3A_1104 in 1 : vector<16x1xf32>, vector<16x4095xf32> -> vector<16x4096xf32>
    %slice3A_1106 = vector.extract_strided_slice %select_n3A_1099 {offsets = [0, 1], sizes = [16, 4095], strides = [1, 1]} : vector<16x4096xi32> to vector<16x4095xi32>
    %slice3A_1107 = vector.extract_strided_slice %select_n3A_1099 {offsets = [0, 0], sizes = [16, 1], strides = [1, 1]} : vector<16x4096xi32> to vector<16x1xi32>
    %concatenate3A_1108 = tpu.concatenate %slice3A_1106, %slice3A_1107 in 1 : vector<16x4095xi32>, vector<16x1xi32> -> vector<16x4096xi32>
    %slice3A_1109 = vector.extract_strided_slice %select_n3A_1099 {offsets = [0, 4095], sizes = [16, 1], strides = [1, 1]} : vector<16x4096xi32> to vector<16x1xi32>
    %slice3A_1110 = vector.extract_strided_slice %select_n3A_1099 {offsets = [0, 0], sizes = [16, 4095], strides = [1, 1]} : vector<16x4096xi32> to vector<16x4095xi32>
    %concatenate3A_1111 = tpu.concatenate %slice3A_1109, %slice3A_1110 in 1 : vector<16x1xi32>, vector<16x4095xi32> -> vector<16x4096xi32>
    %and3A_1112 = arith.constant 1 : i32
    %and3A_1113 = vector.broadcast %and3A_1112 : i32 to vector<16x4096xi32>
    %and3A_1114 = arith.andi %iota3A, %and3A_1113 : vector<16x4096xi32>
    %eq3A_1115 = arith.constant 0 : i32
    %eq3A_1116 = vector.broadcast %eq3A_1115 : i32 to vector<16x4096xi32>
    %eq3A_1117 = arith.cmpi eq, %and3A_1114, %eq3A_1116 : vector<16x4096xi32>
    %select_n3A_1118 = arith.select %eq3A_1117, %concatenate3A_1102, %concatenate3A_1105 : vector<16x4096xi1>, vector<16x4096xf32>
    %select_n3A_1119 = arith.select %eq3A_1117, %concatenate3A_1108, %concatenate3A_1111 : vector<16x4096xi1>, vector<16x4096xi32>
    %and3A_1120 = arith.constant 128 : i32
    %and3A_1121 = vector.broadcast %and3A_1120 : i32 to vector<16x4096xi32>
    %and3A_1122 = arith.andi %iota3A, %and3A_1121 : vector<16x4096xi32>
    %eq3A_1123 = arith.constant 0 : i32
    %eq3A_1124 = vector.broadcast %eq3A_1123 : i32 to vector<16x4096xi32>
    %eq3A_1125 = arith.cmpi eq, %and3A_1122, %eq3A_1124 : vector<16x4096xi32>
    %gt3A_1126 = arith.cmpf ogt, %select_n3A_1098, %select_n3A_1118 : vector<16x4096xf32>
    %eq3A_1127 = arith.cmpf oeq, %select_n3A_1098, %select_n3A_1118 : vector<16x4096xf32>
    %lt3A_1128 = arith.cmpi slt, %select_n3A_1099, %select_n3A_1119 : vector<16x4096xi32>
    %and3A_1129 = arith.andi %eq3A_1127, %lt3A_1128 : vector<16x4096xi1>
    %or3A_1130 = arith.ori %gt3A_1126, %and3A_1129 : vector<16x4096xi1>
    %eq3A_1131 = arith.xori %eq3A_1125, %eq3A_1117 : vector<16x4096xi1>
    %eq3A_1132 = arith.constant dense<true> : vector<16x4096xi1>
    %eq3A_1133 = arith.xori %eq3A_1131, %eq3A_1132 : vector<16x4096xi1>
    %eq3A_1134 = arith.xori %or3A_1130, %eq3A_1133 : vector<16x4096xi1>
    %eq3A_1135 = arith.constant dense<true> : vector<16x4096xi1>
    %eq3A_1136 = arith.xori %eq3A_1134, %eq3A_1135 : vector<16x4096xi1>
    %select_n3A_1137 = arith.select %eq3A_1136, %select_n3A_1098, %select_n3A_1118 : vector<16x4096xi1>, vector<16x4096xf32>
    %select_n3A_1138 = arith.select %eq3A_1136, %select_n3A_1099, %select_n3A_1119 : vector<16x4096xi1>, vector<16x4096xi32>
    %slice3A_1139 = vector.extract_strided_slice %select_n3A_1137 {offsets = [0, 128], sizes = [16, 3968], strides = [1, 1]} : vector<16x4096xf32> to vector<16x3968xf32>
    %slice3A_1140 = vector.extract_strided_slice %select_n3A_1137 {offsets = [0, 0], sizes = [16, 128], strides = [1, 1]} : vector<16x4096xf32> to vector<16x128xf32>
    %concatenate3A_1141 = tpu.concatenate %slice3A_1139, %slice3A_1140 in 1 : vector<16x3968xf32>, vector<16x128xf32> -> vector<16x4096xf32>
    %slice3A_1142 = vector.extract_strided_slice %select_n3A_1137 {offsets = [0, 3968], sizes = [16, 128], strides = [1, 1]} : vector<16x4096xf32> to vector<16x128xf32>
    %slice3A_1143 = vector.extract_strided_slice %select_n3A_1137 {offsets = [0, 0], sizes = [16, 3968], strides = [1, 1]} : vector<16x4096xf32> to vector<16x3968xf32>
    %concatenate3A_1144 = tpu.concatenate %slice3A_1142, %slice3A_1143 in 1 : vector<16x128xf32>, vector<16x3968xf32> -> vector<16x4096xf32>
    %slice3A_1145 = vector.extract_strided_slice %select_n3A_1138 {offsets = [0, 128], sizes = [16, 3968], strides = [1, 1]} : vector<16x4096xi32> to vector<16x3968xi32>
    %slice3A_1146 = vector.extract_strided_slice %select_n3A_1138 {offsets = [0, 0], sizes = [16, 128], strides = [1, 1]} : vector<16x4096xi32> to vector<16x128xi32>
    %concatenate3A_1147 = tpu.concatenate %slice3A_1145, %slice3A_1146 in 1 : vector<16x3968xi32>, vector<16x128xi32> -> vector<16x4096xi32>
    %slice3A_1148 = vector.extract_strided_slice %select_n3A_1138 {offsets = [0, 3968], sizes = [16, 128], strides = [1, 1]} : vector<16x4096xi32> to vector<16x128xi32>
    %slice3A_1149 = vector.extract_strided_slice %select_n3A_1138 {offsets = [0, 0], sizes = [16, 3968], strides = [1, 1]} : vector<16x4096xi32> to vector<16x3968xi32>
    %concatenate3A_1150 = tpu.concatenate %slice3A_1148, %slice3A_1149 in 1 : vector<16x128xi32>, vector<16x3968xi32> -> vector<16x4096xi32>
    %and3A_1151 = arith.constant 128 : i32
    %and3A_1152 = vector.broadcast %and3A_1151 : i32 to vector<16x4096xi32>
    %and3A_1153 = arith.andi %iota3A, %and3A_1152 : vector<16x4096xi32>
    %eq3A_1154 = arith.constant 0 : i32
    %eq3A_1155 = vector.broadcast %eq3A_1154 : i32 to vector<16x4096xi32>
    %eq3A_1156 = arith.cmpi eq, %and3A_1153, %eq3A_1155 : vector<16x4096xi32>
    %select_n3A_1157 = arith.select %eq3A_1156, %concatenate3A_1141, %concatenate3A_1144 : vector<16x4096xi1>, vector<16x4096xf32>
    %select_n3A_1158 = arith.select %eq3A_1156, %concatenate3A_1147, %concatenate3A_1150 : vector<16x4096xi1>, vector<16x4096xi32>
    %and3A_1159 = arith.constant 256 : i32
    %and3A_1160 = vector.broadcast %and3A_1159 : i32 to vector<16x4096xi32>
    %and3A_1161 = arith.andi %iota3A, %and3A_1160 : vector<16x4096xi32>
    %eq3A_1162 = arith.constant 0 : i32
    %eq3A_1163 = vector.broadcast %eq3A_1162 : i32 to vector<16x4096xi32>
    %eq3A_1164 = arith.cmpi eq, %and3A_1161, %eq3A_1163 : vector<16x4096xi32>
    %gt3A_1165 = arith.cmpf ogt, %select_n3A_1137, %select_n3A_1157 : vector<16x4096xf32>
    %eq3A_1166 = arith.cmpf oeq, %select_n3A_1137, %select_n3A_1157 : vector<16x4096xf32>
    %lt3A_1167 = arith.cmpi slt, %select_n3A_1138, %select_n3A_1158 : vector<16x4096xi32>
    %and3A_1168 = arith.andi %eq3A_1166, %lt3A_1167 : vector<16x4096xi1>
    %or3A_1169 = arith.ori %gt3A_1165, %and3A_1168 : vector<16x4096xi1>
    %eq3A_1170 = arith.xori %eq3A_1164, %eq3A_1156 : vector<16x4096xi1>
    %eq3A_1171 = arith.constant dense<true> : vector<16x4096xi1>
    %eq3A_1172 = arith.xori %eq3A_1170, %eq3A_1171 : vector<16x4096xi1>
    %eq3A_1173 = arith.xori %or3A_1169, %eq3A_1172 : vector<16x4096xi1>
    %eq3A_1174 = arith.constant dense<true> : vector<16x4096xi1>
    %eq3A_1175 = arith.xori %eq3A_1173, %eq3A_1174 : vector<16x4096xi1>
    %select_n3A_1176 = arith.select %eq3A_1175, %select_n3A_1137, %select_n3A_1157 : vector<16x4096xi1>, vector<16x4096xf32>
    %select_n3A_1177 = arith.select %eq3A_1175, %select_n3A_1138, %select_n3A_1158 : vector<16x4096xi1>, vector<16x4096xi32>
    %slice3A_1178 = vector.extract_strided_slice %select_n3A_1176 {offsets = [0, 64], sizes = [16, 4032], strides = [1, 1]} : vector<16x4096xf32> to vector<16x4032xf32>
    %slice3A_1179 = vector.extract_strided_slice %select_n3A_1176 {offsets = [0, 0], sizes = [16, 64], strides = [1, 1]} : vector<16x4096xf32> to vector<16x64xf32>
    %concatenate3A_1180 = tpu.concatenate %slice3A_1178, %slice3A_1179 in 1 : vector<16x4032xf32>, vector<16x64xf32> -> vector<16x4096xf32>
    %slice3A_1181 = vector.extract_strided_slice %select_n3A_1176 {offsets = [0, 4032], sizes = [16, 64], strides = [1, 1]} : vector<16x4096xf32> to vector<16x64xf32>
    %slice3A_1182 = vector.extract_strided_slice %select_n3A_1176 {offsets = [0, 0], sizes = [16, 4032], strides = [1, 1]} : vector<16x4096xf32> to vector<16x4032xf32>
    %concatenate3A_1183 = tpu.concatenate %slice3A_1181, %slice3A_1182 in 1 : vector<16x64xf32>, vector<16x4032xf32> -> vector<16x4096xf32>
    %slice3A_1184 = vector.extract_strided_slice %select_n3A_1177 {offsets = [0, 64], sizes = [16, 4032], strides = [1, 1]} : vector<16x4096xi32> to vector<16x4032xi32>
    %slice3A_1185 = vector.extract_strided_slice %select_n3A_1177 {offsets = [0, 0], sizes = [16, 64], strides = [1, 1]} : vector<16x4096xi32> to vector<16x64xi32>
    %concatenate3A_1186 = tpu.concatenate %slice3A_1184, %slice3A_1185 in 1 : vector<16x4032xi32>, vector<16x64xi32> -> vector<16x4096xi32>
    %slice3A_1187 = vector.extract_strided_slice %select_n3A_1177 {offsets = [0, 4032], sizes = [16, 64], strides = [1, 1]} : vector<16x4096xi32> to vector<16x64xi32>
    %slice3A_1188 = vector.extract_strided_slice %select_n3A_1177 {offsets = [0, 0], sizes = [16, 4032], strides = [1, 1]} : vector<16x4096xi32> to vector<16x4032xi32>
    %concatenate3A_1189 = tpu.concatenate %slice3A_1187, %slice3A_1188 in 1 : vector<16x64xi32>, vector<16x4032xi32> -> vector<16x4096xi32>
    %and3A_1190 = arith.constant 64 : i32
    %and3A_1191 = vector.broadcast %and3A_1190 : i32 to vector<16x4096xi32>
    %and3A_1192 = arith.andi %iota3A, %and3A_1191 : vector<16x4096xi32>
    %eq3A_1193 = arith.constant 0 : i32
    %eq3A_1194 = vector.broadcast %eq3A_1193 : i32 to vector<16x4096xi32>
    %eq3A_1195 = arith.cmpi eq, %and3A_1192, %eq3A_1194 : vector<16x4096xi32>
    %select_n3A_1196 = arith.select %eq3A_1195, %concatenate3A_1180, %concatenate3A_1183 : vector<16x4096xi1>, vector<16x4096xf32>
    %select_n3A_1197 = arith.select %eq3A_1195, %concatenate3A_1186, %concatenate3A_1189 : vector<16x4096xi1>, vector<16x4096xi32>
    %and3A_1198 = arith.constant 256 : i32
    %and3A_1199 = vector.broadcast %and3A_1198 : i32 to vector<16x4096xi32>
    %and3A_1200 = arith.andi %iota3A, %and3A_1199 : vector<16x4096xi32>
    %eq3A_1201 = arith.constant 0 : i32
    %eq3A_1202 = vector.broadcast %eq3A_1201 : i32 to vector<16x4096xi32>
    %eq3A_1203 = arith.cmpi eq, %and3A_1200, %eq3A_1202 : vector<16x4096xi32>
    %gt3A_1204 = arith.cmpf ogt, %select_n3A_1176, %select_n3A_1196 : vector<16x4096xf32>
    %eq3A_1205 = arith.cmpf oeq, %select_n3A_1176, %select_n3A_1196 : vector<16x4096xf32>
    %lt3A_1206 = arith.cmpi slt, %select_n3A_1177, %select_n3A_1197 : vector<16x4096xi32>
    %and3A_1207 = arith.andi %eq3A_1205, %lt3A_1206 : vector<16x4096xi1>
    %or3A_1208 = arith.ori %gt3A_1204, %and3A_1207 : vector<16x4096xi1>
    %eq3A_1209 = arith.xori %eq3A_1203, %eq3A_1195 : vector<16x4096xi1>
    %eq3A_1210 = arith.constant dense<true> : vector<16x4096xi1>
    %eq3A_1211 = arith.xori %eq3A_1209, %eq3A_1210 : vector<16x4096xi1>
    %eq3A_1212 = arith.xori %or3A_1208, %eq3A_1211 : vector<16x4096xi1>
    %eq3A_1213 = arith.constant dense<true> : vector<16x4096xi1>
    %eq3A_1214 = arith.xori %eq3A_1212, %eq3A_1213 : vector<16x4096xi1>
    %select_n3A_1215 = arith.select %eq3A_1214, %select_n3A_1176, %select_n3A_1196 : vector<16x4096xi1>, vector<16x4096xf32>
    %select_n3A_1216 = arith.select %eq3A_1214, %select_n3A_1177, %select_n3A_1197 : vector<16x4096xi1>, vector<16x4096xi32>
    %slice3A_1217 = vector.extract_strided_slice %select_n3A_1215 {offsets = [0, 32], sizes = [16, 4064], strides = [1, 1]} : vector<16x4096xf32> to vector<16x4064xf32>
    %slice3A_1218 = vector.extract_strided_slice %select_n3A_1215 {offsets = [0, 0], sizes = [16, 32], strides = [1, 1]} : vector<16x4096xf32> to vector<16x32xf32>
    %concatenate3A_1219 = tpu.concatenate %slice3A_1217, %slice3A_1218 in 1 : vector<16x4064xf32>, vector<16x32xf32> -> vector<16x4096xf32>
    %slice3A_1220 = vector.extract_strided_slice %select_n3A_1215 {offsets = [0, 4064], sizes = [16, 32], strides = [1, 1]} : vector<16x4096xf32> to vector<16x32xf32>
    %slice3A_1221 = vector.extract_strided_slice %select_n3A_1215 {offsets = [0, 0], sizes = [16, 4064], strides = [1, 1]} : vector<16x4096xf32> to vector<16x4064xf32>
    %concatenate3A_1222 = tpu.concatenate %slice3A_1220, %slice3A_1221 in 1 : vector<16x32xf32>, vector<16x4064xf32> -> vector<16x4096xf32>
    %slice3A_1223 = vector.extract_strided_slice %select_n3A_1216 {offsets = [0, 32], sizes = [16, 4064], strides = [1, 1]} : vector<16x4096xi32> to vector<16x4064xi32>
    %slice3A_1224 = vector.extract_strided_slice %select_n3A_1216 {offsets = [0, 0], sizes = [16, 32], strides = [1, 1]} : vector<16x4096xi32> to vector<16x32xi32>
    %concatenate3A_1225 = tpu.concatenate %slice3A_1223, %slice3A_1224 in 1 : vector<16x4064xi32>, vector<16x32xi32> -> vector<16x4096xi32>
    %slice3A_1226 = vector.extract_strided_slice %select_n3A_1216 {offsets = [0, 4064], sizes = [16, 32], strides = [1, 1]} : vector<16x4096xi32> to vector<16x32xi32>
    %slice3A_1227 = vector.extract_strided_slice %select_n3A_1216 {offsets = [0, 0], sizes = [16, 4064], strides = [1, 1]} : vector<16x4096xi32> to vector<16x4064xi32>
    %concatenate3A_1228 = tpu.concatenate %slice3A_1226, %slice3A_1227 in 1 : vector<16x32xi32>, vector<16x4064xi32> -> vector<16x4096xi32>
    %and3A_1229 = arith.constant 32 : i32
    %and3A_1230 = vector.broadcast %and3A_1229 : i32 to vector<16x4096xi32>
    %and3A_1231 = arith.andi %iota3A, %and3A_1230 : vector<16x4096xi32>
    %eq3A_1232 = arith.constant 0 : i32
    %eq3A_1233 = vector.broadcast %eq3A_1232 : i32 to vector<16x4096xi32>
    %eq3A_1234 = arith.cmpi eq, %and3A_1231, %eq3A_1233 : vector<16x4096xi32>
    %select_n3A_1235 = arith.select %eq3A_1234, %concatenate3A_1219, %concatenate3A_1222 : vector<16x4096xi1>, vector<16x4096xf32>
    %select_n3A_1236 = arith.select %eq3A_1234, %concatenate3A_1225, %concatenate3A_1228 : vector<16x4096xi1>, vector<16x4096xi32>
    %and3A_1237 = arith.constant 256 : i32
    %and3A_1238 = vector.broadcast %and3A_1237 : i32 to vector<16x4096xi32>
    %and3A_1239 = arith.andi %iota3A, %and3A_1238 : vector<16x4096xi32>
    %eq3A_1240 = arith.constant 0 : i32
    %eq3A_1241 = vector.broadcast %eq3A_1240 : i32 to vector<16x4096xi32>
    %eq3A_1242 = arith.cmpi eq, %and3A_1239, %eq3A_1241 : vector<16x4096xi32>
    %gt3A_1243 = arith.cmpf ogt, %select_n3A_1215, %select_n3A_1235 : vector<16x4096xf32>
    %eq3A_1244 = arith.cmpf oeq, %select_n3A_1215, %select_n3A_1235 : vector<16x4096xf32>
    %lt3A_1245 = arith.cmpi slt, %select_n3A_1216, %select_n3A_1236 : vector<16x4096xi32>
    %and3A_1246 = arith.andi %eq3A_1244, %lt3A_1245 : vector<16x4096xi1>
    %or3A_1247 = arith.ori %gt3A_1243, %and3A_1246 : vector<16x4096xi1>
    %eq3A_1248 = arith.xori %eq3A_1242, %eq3A_1234 : vector<16x4096xi1>
    %eq3A_1249 = arith.constant dense<true> : vector<16x4096xi1>
    %eq3A_1250 = arith.xori %eq3A_1248, %eq3A_1249 : vector<16x4096xi1>
    %eq3A_1251 = arith.xori %or3A_1247, %eq3A_1250 : vector<16x4096xi1>
    %eq3A_1252 = arith.constant dense<true> : vector<16x4096xi1>
    %eq3A_1253 = arith.xori %eq3A_1251, %eq3A_1252 : vector<16x4096xi1>
    %select_n3A_1254 = arith.select %eq3A_1253, %select_n3A_1215, %select_n3A_1235 : vector<16x4096xi1>, vector<16x4096xf32>
    %select_n3A_1255 = arith.select %eq3A_1253, %select_n3A_1216, %select_n3A_1236 : vector<16x4096xi1>, vector<16x4096xi32>
    %slice3A_1256 = vector.extract_strided_slice %select_n3A_1254 {offsets = [0, 16], sizes = [16, 4080], strides = [1, 1]} : vector<16x4096xf32> to vector<16x4080xf32>
    %slice3A_1257 = vector.extract_strided_slice %select_n3A_1254 {offsets = [0, 0], sizes = [16, 16], strides = [1, 1]} : vector<16x4096xf32> to vector<16x16xf32>
    %concatenate3A_1258 = tpu.concatenate %slice3A_1256, %slice3A_1257 in 1 : vector<16x4080xf32>, vector<16x16xf32> -> vector<16x4096xf32>
    %slice3A_1259 = vector.extract_strided_slice %select_n3A_1254 {offsets = [0, 4080], sizes = [16, 16], strides = [1, 1]} : vector<16x4096xf32> to vector<16x16xf32>
    %slice3A_1260 = vector.extract_strided_slice %select_n3A_1254 {offsets = [0, 0], sizes = [16, 4080], strides = [1, 1]} : vector<16x4096xf32> to vector<16x4080xf32>
    %concatenate3A_1261 = tpu.concatenate %slice3A_1259, %slice3A_1260 in 1 : vector<16x16xf32>, vector<16x4080xf32> -> vector<16x4096xf32>
    %slice3A_1262 = vector.extract_strided_slice %select_n3A_1255 {offsets = [0, 16], sizes = [16, 4080], strides = [1, 1]} : vector<16x4096xi32> to vector<16x4080xi32>
    %slice3A_1263 = vector.extract_strided_slice %select_n3A_1255 {offsets = [0, 0], sizes = [16, 16], strides = [1, 1]} : vector<16x4096xi32> to vector<16x16xi32>
    %concatenate3A_1264 = tpu.concatenate %slice3A_1262, %slice3A_1263 in 1 : vector<16x4080xi32>, vector<16x16xi32> -> vector<16x4096xi32>
    %slice3A_1265 = vector.extract_strided_slice %select_n3A_1255 {offsets = [0, 4080], sizes = [16, 16], strides = [1, 1]} : vector<16x4096xi32> to vector<16x16xi32>
    %slice3A_1266 = vector.extract_strided_slice %select_n3A_1255 {offsets = [0, 0], sizes = [16, 4080], strides = [1, 1]} : vector<16x4096xi32> to vector<16x4080xi32>
    %concatenate3A_1267 = tpu.concatenate %slice3A_1265, %slice3A_1266 in 1 : vector<16x16xi32>, vector<16x4080xi32> -> vector<16x4096xi32>
    %and3A_1268 = arith.constant 16 : i32
    %and3A_1269 = vector.broadcast %and3A_1268 : i32 to vector<16x4096xi32>
    %and3A_1270 = arith.andi %iota3A, %and3A_1269 : vector<16x4096xi32>
    %eq3A_1271 = arith.constant 0 : i32
    %eq3A_1272 = vector.broadcast %eq3A_1271 : i32 to vector<16x4096xi32>
    %eq3A_1273 = arith.cmpi eq, %and3A_1270, %eq3A_1272 : vector<16x4096xi32>
    %select_n3A_1274 = arith.select %eq3A_1273, %concatenate3A_1258, %concatenate3A_1261 : vector<16x4096xi1>, vector<16x4096xf32>
    %select_n3A_1275 = arith.select %eq3A_1273, %concatenate3A_1264, %concatenate3A_1267 : vector<16x4096xi1>, vector<16x4096xi32>
    %and3A_1276 = arith.constant 256 : i32
    %and3A_1277 = vector.broadcast %and3A_1276 : i32 to vector<16x4096xi32>
    %and3A_1278 = arith.andi %iota3A, %and3A_1277 : vector<16x4096xi32>
    %eq3A_1279 = arith.constant 0 : i32
    %eq3A_1280 = vector.broadcast %eq3A_1279 : i32 to vector<16x4096xi32>
    %eq3A_1281 = arith.cmpi eq, %and3A_1278, %eq3A_1280 : vector<16x4096xi32>
    %gt3A_1282 = arith.cmpf ogt, %select_n3A_1254, %select_n3A_1274 : vector<16x4096xf32>
    %eq3A_1283 = arith.cmpf oeq, %select_n3A_1254, %select_n3A_1274 : vector<16x4096xf32>
    %lt3A_1284 = arith.cmpi slt, %select_n3A_1255, %select_n3A_1275 : vector<16x4096xi32>
    %and3A_1285 = arith.andi %eq3A_1283, %lt3A_1284 : vector<16x4096xi1>
    %or3A_1286 = arith.ori %gt3A_1282, %and3A_1285 : vector<16x4096xi1>
    %eq3A_1287 = arith.xori %eq3A_1281, %eq3A_1273 : vector<16x4096xi1>
    %eq3A_1288 = arith.constant dense<true> : vector<16x4096xi1>
    %eq3A_1289 = arith.xori %eq3A_1287, %eq3A_1288 : vector<16x4096xi1>
    %eq3A_1290 = arith.xori %or3A_1286, %eq3A_1289 : vector<16x4096xi1>
    %eq3A_1291 = arith.constant dense<true> : vector<16x4096xi1>
    %eq3A_1292 = arith.xori %eq3A_1290, %eq3A_1291 : vector<16x4096xi1>
    %select_n3A_1293 = arith.select %eq3A_1292, %select_n3A_1254, %select_n3A_1274 : vector<16x4096xi1>, vector<16x4096xf32>
    %select_n3A_1294 = arith.select %eq3A_1292, %select_n3A_1255, %select_n3A_1275 : vector<16x4096xi1>, vector<16x4096xi32>
    %slice3A_1295 = vector.extract_strided_slice %select_n3A_1293 {offsets = [0, 8], sizes = [16, 4088], strides = [1, 1]} : vector<16x4096xf32> to vector<16x4088xf32>
    %slice3A_1296 = vector.extract_strided_slice %select_n3A_1293 {offsets = [0, 0], sizes = [16, 8], strides = [1, 1]} : vector<16x4096xf32> to vector<16x8xf32>
    %concatenate3A_1297 = tpu.concatenate %slice3A_1295, %slice3A_1296 in 1 : vector<16x4088xf32>, vector<16x8xf32> -> vector<16x4096xf32>
    %slice3A_1298 = vector.extract_strided_slice %select_n3A_1293 {offsets = [0, 4088], sizes = [16, 8], strides = [1, 1]} : vector<16x4096xf32> to vector<16x8xf32>
    %slice3A_1299 = vector.extract_strided_slice %select_n3A_1293 {offsets = [0, 0], sizes = [16, 4088], strides = [1, 1]} : vector<16x4096xf32> to vector<16x4088xf32>
    %concatenate3A_1300 = tpu.concatenate %slice3A_1298, %slice3A_1299 in 1 : vector<16x8xf32>, vector<16x4088xf32> -> vector<16x4096xf32>
    %slice3A_1301 = vector.extract_strided_slice %select_n3A_1294 {offsets = [0, 8], sizes = [16, 4088], strides = [1, 1]} : vector<16x4096xi32> to vector<16x4088xi32>
    %slice3A_1302 = vector.extract_strided_slice %select_n3A_1294 {offsets = [0, 0], sizes = [16, 8], strides = [1, 1]} : vector<16x4096xi32> to vector<16x8xi32>
    %concatenate3A_1303 = tpu.concatenate %slice3A_1301, %slice3A_1302 in 1 : vector<16x4088xi32>, vector<16x8xi32> -> vector<16x4096xi32>
    %slice3A_1304 = vector.extract_strided_slice %select_n3A_1294 {offsets = [0, 4088], sizes = [16, 8], strides = [1, 1]} : vector<16x4096xi32> to vector<16x8xi32>
    %slice3A_1305 = vector.extract_strided_slice %select_n3A_1294 {offsets = [0, 0], sizes = [16, 4088], strides = [1, 1]} : vector<16x4096xi32> to vector<16x4088xi32>
    %concatenate3A_1306 = tpu.concatenate %slice3A_1304, %slice3A_1305 in 1 : vector<16x8xi32>, vector<16x4088xi32> -> vector<16x4096xi32>
    %and3A_1307 = arith.constant 8 : i32
    %and3A_1308 = vector.broadcast %and3A_1307 : i32 to vector<16x4096xi32>
    %and3A_1309 = arith.andi %iota3A, %and3A_1308 : vector<16x4096xi32>
    %eq3A_1310 = arith.constant 0 : i32
    %eq3A_1311 = vector.broadcast %eq3A_1310 : i32 to vector<16x4096xi32>
    %eq3A_1312 = arith.cmpi eq, %and3A_1309, %eq3A_1311 : vector<16x4096xi32>
    %select_n3A_1313 = arith.select %eq3A_1312, %concatenate3A_1297, %concatenate3A_1300 : vector<16x4096xi1>, vector<16x4096xf32>
    %select_n3A_1314 = arith.select %eq3A_1312, %concatenate3A_1303, %concatenate3A_1306 : vector<16x4096xi1>, vector<16x4096xi32>
    %and3A_1315 = arith.constant 256 : i32
    %and3A_1316 = vector.broadcast %and3A_1315 : i32 to vector<16x4096xi32>
    %and3A_1317 = arith.andi %iota3A, %and3A_1316 : vector<16x4096xi32>
    %eq3A_1318 = arith.constant 0 : i32
    %eq3A_1319 = vector.broadcast %eq3A_1318 : i32 to vector<16x4096xi32>
    %eq3A_1320 = arith.cmpi eq, %and3A_1317, %eq3A_1319 : vector<16x4096xi32>
    %gt3A_1321 = arith.cmpf ogt, %select_n3A_1293, %select_n3A_1313 : vector<16x4096xf32>
    %eq3A_1322 = arith.cmpf oeq, %select_n3A_1293, %select_n3A_1313 : vector<16x4096xf32>
    %lt3A_1323 = arith.cmpi slt, %select_n3A_1294, %select_n3A_1314 : vector<16x4096xi32>
    %and3A_1324 = arith.andi %eq3A_1322, %lt3A_1323 : vector<16x4096xi1>
    %or3A_1325 = arith.ori %gt3A_1321, %and3A_1324 : vector<16x4096xi1>
    %eq3A_1326 = arith.xori %eq3A_1320, %eq3A_1312 : vector<16x4096xi1>
    %eq3A_1327 = arith.constant dense<true> : vector<16x4096xi1>
    %eq3A_1328 = arith.xori %eq3A_1326, %eq3A_1327 : vector<16x4096xi1>
    %eq3A_1329 = arith.xori %or3A_1325, %eq3A_1328 : vector<16x4096xi1>
    %eq3A_1330 = arith.constant dense<true> : vector<16x4096xi1>
    %eq3A_1331 = arith.xori %eq3A_1329, %eq3A_1330 : vector<16x4096xi1>
    %select_n3A_1332 = arith.select %eq3A_1331, %select_n3A_1293, %select_n3A_1313 : vector<16x4096xi1>, vector<16x4096xf32>
    %select_n3A_1333 = arith.select %eq3A_1331, %select_n3A_1294, %select_n3A_1314 : vector<16x4096xi1>, vector<16x4096xi32>
    %slice3A_1334 = vector.extract_strided_slice %select_n3A_1332 {offsets = [0, 4], sizes = [16, 4092], strides = [1, 1]} : vector<16x4096xf32> to vector<16x4092xf32>
    %slice3A_1335 = vector.extract_strided_slice %select_n3A_1332 {offsets = [0, 0], sizes = [16, 4], strides = [1, 1]} : vector<16x4096xf32> to vector<16x4xf32>
    %concatenate3A_1336 = tpu.concatenate %slice3A_1334, %slice3A_1335 in 1 : vector<16x4092xf32>, vector<16x4xf32> -> vector<16x4096xf32>
    %slice3A_1337 = vector.extract_strided_slice %select_n3A_1332 {offsets = [0, 4092], sizes = [16, 4], strides = [1, 1]} : vector<16x4096xf32> to vector<16x4xf32>
    %slice3A_1338 = vector.extract_strided_slice %select_n3A_1332 {offsets = [0, 0], sizes = [16, 4092], strides = [1, 1]} : vector<16x4096xf32> to vector<16x4092xf32>
    %concatenate3A_1339 = tpu.concatenate %slice3A_1337, %slice3A_1338 in 1 : vector<16x4xf32>, vector<16x4092xf32> -> vector<16x4096xf32>
    %slice3A_1340 = vector.extract_strided_slice %select_n3A_1333 {offsets = [0, 4], sizes = [16, 4092], strides = [1, 1]} : vector<16x4096xi32> to vector<16x4092xi32>
    %slice3A_1341 = vector.extract_strided_slice %select_n3A_1333 {offsets = [0, 0], sizes = [16, 4], strides = [1, 1]} : vector<16x4096xi32> to vector<16x4xi32>
    %concatenate3A_1342 = tpu.concatenate %slice3A_1340, %slice3A_1341 in 1 : vector<16x4092xi32>, vector<16x4xi32> -> vector<16x4096xi32>
    %slice3A_1343 = vector.extract_strided_slice %select_n3A_1333 {offsets = [0, 4092], sizes = [16, 4], strides = [1, 1]} : vector<16x4096xi32> to vector<16x4xi32>
    %slice3A_1344 = vector.extract_strided_slice %select_n3A_1333 {offsets = [0, 0], sizes = [16, 4092], strides = [1, 1]} : vector<16x4096xi32> to vector<16x4092xi32>
    %concatenate3A_1345 = tpu.concatenate %slice3A_1343, %slice3A_1344 in 1 : vector<16x4xi32>, vector<16x4092xi32> -> vector<16x4096xi32>
    %and3A_1346 = arith.constant 4 : i32
    %and3A_1347 = vector.broadcast %and3A_1346 : i32 to vector<16x4096xi32>
    %and3A_1348 = arith.andi %iota3A, %and3A_1347 : vector<16x4096xi32>
    %eq3A_1349 = arith.constant 0 : i32
    %eq3A_1350 = vector.broadcast %eq3A_1349 : i32 to vector<16x4096xi32>
    %eq3A_1351 = arith.cmpi eq, %and3A_1348, %eq3A_1350 : vector<16x4096xi32>
    %select_n3A_1352 = arith.select %eq3A_1351, %concatenate3A_1336, %concatenate3A_1339 : vector<16x4096xi1>, vector<16x4096xf32>
    %select_n3A_1353 = arith.select %eq3A_1351, %concatenate3A_1342, %concatenate3A_1345 : vector<16x4096xi1>, vector<16x4096xi32>
    %and3A_1354 = arith.constant 256 : i32
    %and3A_1355 = vector.broadcast %and3A_1354 : i32 to vector<16x4096xi32>
    %and3A_1356 = arith.andi %iota3A, %and3A_1355 : vector<16x4096xi32>
    %eq3A_1357 = arith.constant 0 : i32
    %eq3A_1358 = vector.broadcast %eq3A_1357 : i32 to vector<16x4096xi32>
    %eq3A_1359 = arith.cmpi eq, %and3A_1356, %eq3A_1358 : vector<16x4096xi32>
    %gt3A_1360 = arith.cmpf ogt, %select_n3A_1332, %select_n3A_1352 : vector<16x4096xf32>
    %eq3A_1361 = arith.cmpf oeq, %select_n3A_1332, %select_n3A_1352 : vector<16x4096xf32>
    %lt3A_1362 = arith.cmpi slt, %select_n3A_1333, %select_n3A_1353 : vector<16x4096xi32>
    %and3A_1363 = arith.andi %eq3A_1361, %lt3A_1362 : vector<16x4096xi1>
    %or3A_1364 = arith.ori %gt3A_1360, %and3A_1363 : vector<16x4096xi1>
    %eq3A_1365 = arith.xori %eq3A_1359, %eq3A_1351 : vector<16x4096xi1>
    %eq3A_1366 = arith.constant dense<true> : vector<16x4096xi1>
    %eq3A_1367 = arith.xori %eq3A_1365, %eq3A_1366 : vector<16x4096xi1>
    %eq3A_1368 = arith.xori %or3A_1364, %eq3A_1367 : vector<16x4096xi1>
    %eq3A_1369 = arith.constant dense<true> : vector<16x4096xi1>
    %eq3A_1370 = arith.xori %eq3A_1368, %eq3A_1369 : vector<16x4096xi1>
    %select_n3A_1371 = arith.select %eq3A_1370, %select_n3A_1332, %select_n3A_1352 : vector<16x4096xi1>, vector<16x4096xf32>
    %select_n3A_1372 = arith.select %eq3A_1370, %select_n3A_1333, %select_n3A_1353 : vector<16x4096xi1>, vector<16x4096xi32>
    %slice3A_1373 = vector.extract_strided_slice %select_n3A_1371 {offsets = [0, 2], sizes = [16, 4094], strides = [1, 1]} : vector<16x4096xf32> to vector<16x4094xf32>
    %slice3A_1374 = vector.extract_strided_slice %select_n3A_1371 {offsets = [0, 0], sizes = [16, 2], strides = [1, 1]} : vector<16x4096xf32> to vector<16x2xf32>
    %concatenate3A_1375 = tpu.concatenate %slice3A_1373, %slice3A_1374 in 1 : vector<16x4094xf32>, vector<16x2xf32> -> vector<16x4096xf32>
    %slice3A_1376 = vector.extract_strided_slice %select_n3A_1371 {offsets = [0, 4094], sizes = [16, 2], strides = [1, 1]} : vector<16x4096xf32> to vector<16x2xf32>
    %slice3A_1377 = vector.extract_strided_slice %select_n3A_1371 {offsets = [0, 0], sizes = [16, 4094], strides = [1, 1]} : vector<16x4096xf32> to vector<16x4094xf32>
    %concatenate3A_1378 = tpu.concatenate %slice3A_1376, %slice3A_1377 in 1 : vector<16x2xf32>, vector<16x4094xf32> -> vector<16x4096xf32>
    %slice3A_1379 = vector.extract_strided_slice %select_n3A_1372 {offsets = [0, 2], sizes = [16, 4094], strides = [1, 1]} : vector<16x4096xi32> to vector<16x4094xi32>
    %slice3A_1380 = vector.extract_strided_slice %select_n3A_1372 {offsets = [0, 0], sizes = [16, 2], strides = [1, 1]} : vector<16x4096xi32> to vector<16x2xi32>
    %concatenate3A_1381 = tpu.concatenate %slice3A_1379, %slice3A_1380 in 1 : vector<16x4094xi32>, vector<16x2xi32> -> vector<16x4096xi32>
    %slice3A_1382 = vector.extract_strided_slice %select_n3A_1372 {offsets = [0, 4094], sizes = [16, 2], strides = [1, 1]} : vector<16x4096xi32> to vector<16x2xi32>
    %slice3A_1383 = vector.extract_strided_slice %select_n3A_1372 {offsets = [0, 0], sizes = [16, 4094], strides = [1, 1]} : vector<16x4096xi32> to vector<16x4094xi32>
    %concatenate3A_1384 = tpu.concatenate %slice3A_1382, %slice3A_1383 in 1 : vector<16x2xi32>, vector<16x4094xi32> -> vector<16x4096xi32>
    %and3A_1385 = arith.constant 2 : i32
    %and3A_1386 = vector.broadcast %and3A_1385 : i32 to vector<16x4096xi32>
    %and3A_1387 = arith.andi %iota3A, %and3A_1386 : vector<16x4096xi32>
    %eq3A_1388 = arith.constant 0 : i32
    %eq3A_1389 = vector.broadcast %eq3A_1388 : i32 to vector<16x4096xi32>
    %eq3A_1390 = arith.cmpi eq, %and3A_1387, %eq3A_1389 : vector<16x4096xi32>
    %select_n3A_1391 = arith.select %eq3A_1390, %concatenate3A_1375, %concatenate3A_1378 : vector<16x4096xi1>, vector<16x4096xf32>
    %select_n3A_1392 = arith.select %eq3A_1390, %concatenate3A_1381, %concatenate3A_1384 : vector<16x4096xi1>, vector<16x4096xi32>
    %and3A_1393 = arith.constant 256 : i32
    %and3A_1394 = vector.broadcast %and3A_1393 : i32 to vector<16x4096xi32>
    %and3A_1395 = arith.andi %iota3A, %and3A_1394 : vector<16x4096xi32>
    %eq3A_1396 = arith.constant 0 : i32
    %eq3A_1397 = vector.broadcast %eq3A_1396 : i32 to vector<16x4096xi32>
    %eq3A_1398 = arith.cmpi eq, %and3A_1395, %eq3A_1397 : vector<16x4096xi32>
    %gt3A_1399 = arith.cmpf ogt, %select_n3A_1371, %select_n3A_1391 : vector<16x4096xf32>
    %eq3A_1400 = arith.cmpf oeq, %select_n3A_1371, %select_n3A_1391 : vector<16x4096xf32>
    %lt3A_1401 = arith.cmpi slt, %select_n3A_1372, %select_n3A_1392 : vector<16x4096xi32>
    %and3A_1402 = arith.andi %eq3A_1400, %lt3A_1401 : vector<16x4096xi1>
    %or3A_1403 = arith.ori %gt3A_1399, %and3A_1402 : vector<16x4096xi1>
    %eq3A_1404 = arith.xori %eq3A_1398, %eq3A_1390 : vector<16x4096xi1>
    %eq3A_1405 = arith.constant dense<true> : vector<16x4096xi1>
    %eq3A_1406 = arith.xori %eq3A_1404, %eq3A_1405 : vector<16x4096xi1>
    %eq3A_1407 = arith.xori %or3A_1403, %eq3A_1406 : vector<16x4096xi1>
    %eq3A_1408 = arith.constant dense<true> : vector<16x4096xi1>
    %eq3A_1409 = arith.xori %eq3A_1407, %eq3A_1408 : vector<16x4096xi1>
    %select_n3A_1410 = arith.select %eq3A_1409, %select_n3A_1371, %select_n3A_1391 : vector<16x4096xi1>, vector<16x4096xf32>
    %select_n3A_1411 = arith.select %eq3A_1409, %select_n3A_1372, %select_n3A_1392 : vector<16x4096xi1>, vector<16x4096xi32>
    %slice3A_1412 = vector.extract_strided_slice %select_n3A_1410 {offsets = [0, 1], sizes = [16, 4095], strides = [1, 1]} : vector<16x4096xf32> to vector<16x4095xf32>
    %slice3A_1413 = vector.extract_strided_slice %select_n3A_1410 {offsets = [0, 0], sizes = [16, 1], strides = [1, 1]} : vector<16x4096xf32> to vector<16x1xf32>
    %concatenate3A_1414 = tpu.concatenate %slice3A_1412, %slice3A_1413 in 1 : vector<16x4095xf32>, vector<16x1xf32> -> vector<16x4096xf32>
    %slice3A_1415 = vector.extract_strided_slice %select_n3A_1410 {offsets = [0, 4095], sizes = [16, 1], strides = [1, 1]} : vector<16x4096xf32> to vector<16x1xf32>
    %slice3A_1416 = vector.extract_strided_slice %select_n3A_1410 {offsets = [0, 0], sizes = [16, 4095], strides = [1, 1]} : vector<16x4096xf32> to vector<16x4095xf32>
    %concatenate3A_1417 = tpu.concatenate %slice3A_1415, %slice3A_1416 in 1 : vector<16x1xf32>, vector<16x4095xf32> -> vector<16x4096xf32>
    %slice3A_1418 = vector.extract_strided_slice %select_n3A_1411 {offsets = [0, 1], sizes = [16, 4095], strides = [1, 1]} : vector<16x4096xi32> to vector<16x4095xi32>
    %slice3A_1419 = vector.extract_strided_slice %select_n3A_1411 {offsets = [0, 0], sizes = [16, 1], strides = [1, 1]} : vector<16x4096xi32> to vector<16x1xi32>
    %concatenate3A_1420 = tpu.concatenate %slice3A_1418, %slice3A_1419 in 1 : vector<16x4095xi32>, vector<16x1xi32> -> vector<16x4096xi32>
    %slice3A_1421 = vector.extract_strided_slice %select_n3A_1411 {offsets = [0, 4095], sizes = [16, 1], strides = [1, 1]} : vector<16x4096xi32> to vector<16x1xi32>
    %slice3A_1422 = vector.extract_strided_slice %select_n3A_1411 {offsets = [0, 0], sizes = [16, 4095], strides = [1, 1]} : vector<16x4096xi32> to vector<16x4095xi32>
    %concatenate3A_1423 = tpu.concatenate %slice3A_1421, %slice3A_1422 in 1 : vector<16x1xi32>, vector<16x4095xi32> -> vector<16x4096xi32>
    %and3A_1424 = arith.constant 1 : i32
    %and3A_1425 = vector.broadcast %and3A_1424 : i32 to vector<16x4096xi32>
    %and3A_1426 = arith.andi %iota3A, %and3A_1425 : vector<16x4096xi32>
    %eq3A_1427 = arith.constant 0 : i32
    %eq3A_1428 = vector.broadcast %eq3A_1427 : i32 to vector<16x4096xi32>
    %eq3A_1429 = arith.cmpi eq, %and3A_1426, %eq3A_1428 : vector<16x4096xi32>
    %select_n3A_1430 = arith.select %eq3A_1429, %concatenate3A_1414, %concatenate3A_1417 : vector<16x4096xi1>, vector<16x4096xf32>
    %select_n3A_1431 = arith.select %eq3A_1429, %concatenate3A_1420, %concatenate3A_1423 : vector<16x4096xi1>, vector<16x4096xi32>
    %and3A_1432 = arith.constant 256 : i32
    %and3A_1433 = vector.broadcast %and3A_1432 : i32 to vector<16x4096xi32>
    %and3A_1434 = arith.andi %iota3A, %and3A_1433 : vector<16x4096xi32>
    %eq3A_1435 = arith.constant 0 : i32
    %eq3A_1436 = vector.broadcast %eq3A_1435 : i32 to vector<16x4096xi32>
    %eq3A_1437 = arith.cmpi eq, %and3A_1434, %eq3A_1436 : vector<16x4096xi32>
    %gt3A_1438 = arith.cmpf ogt, %select_n3A_1410, %select_n3A_1430 : vector<16x4096xf32>
    %eq3A_1439 = arith.cmpf oeq, %select_n3A_1410, %select_n3A_1430 : vector<16x4096xf32>
    %lt3A_1440 = arith.cmpi slt, %select_n3A_1411, %select_n3A_1431 : vector<16x4096xi32>
    %and3A_1441 = arith.andi %eq3A_1439, %lt3A_1440 : vector<16x4096xi1>
    %or3A_1442 = arith.ori %gt3A_1438, %and3A_1441 : vector<16x4096xi1>
    %eq3A_1443 = arith.xori %eq3A_1437, %eq3A_1429 : vector<16x4096xi1>
    %eq3A_1444 = arith.constant dense<true> : vector<16x4096xi1>
    %eq3A_1445 = arith.xori %eq3A_1443, %eq3A_1444 : vector<16x4096xi1>
    %eq3A_1446 = arith.xori %or3A_1442, %eq3A_1445 : vector<16x4096xi1>
    %eq3A_1447 = arith.constant dense<true> : vector<16x4096xi1>
    %eq3A_1448 = arith.xori %eq3A_1446, %eq3A_1447 : vector<16x4096xi1>
    %select_n3A_1449 = arith.select %eq3A_1448, %select_n3A_1410, %select_n3A_1430 : vector<16x4096xi1>, vector<16x4096xf32>
    %select_n3A_1450 = arith.select %eq3A_1448, %select_n3A_1411, %select_n3A_1431 : vector<16x4096xi1>, vector<16x4096xi32>
    %slice3A_1451 = vector.extract_strided_slice %select_n3A_1449 {offsets = [0, 256], sizes = [16, 3840], strides = [1, 1]} : vector<16x4096xf32> to vector<16x3840xf32>
    %slice3A_1452 = vector.extract_strided_slice %select_n3A_1449 {offsets = [0, 0], sizes = [16, 256], strides = [1, 1]} : vector<16x4096xf32> to vector<16x256xf32>
    %concatenate3A_1453 = tpu.concatenate %slice3A_1451, %slice3A_1452 in 1 : vector<16x3840xf32>, vector<16x256xf32> -> vector<16x4096xf32>
    %slice3A_1454 = vector.extract_strided_slice %select_n3A_1449 {offsets = [0, 3840], sizes = [16, 256], strides = [1, 1]} : vector<16x4096xf32> to vector<16x256xf32>
    %slice3A_1455 = vector.extract_strided_slice %select_n3A_1449 {offsets = [0, 0], sizes = [16, 3840], strides = [1, 1]} : vector<16x4096xf32> to vector<16x3840xf32>
    %concatenate3A_1456 = tpu.concatenate %slice3A_1454, %slice3A_1455 in 1 : vector<16x256xf32>, vector<16x3840xf32> -> vector<16x4096xf32>
    %slice3A_1457 = vector.extract_strided_slice %select_n3A_1450 {offsets = [0, 256], sizes = [16, 3840], strides = [1, 1]} : vector<16x4096xi32> to vector<16x3840xi32>
    %slice3A_1458 = vector.extract_strided_slice %select_n3A_1450 {offsets = [0, 0], sizes = [16, 256], strides = [1, 1]} : vector<16x4096xi32> to vector<16x256xi32>
    %concatenate3A_1459 = tpu.concatenate %slice3A_1457, %slice3A_1458 in 1 : vector<16x3840xi32>, vector<16x256xi32> -> vector<16x4096xi32>
    %slice3A_1460 = vector.extract_strided_slice %select_n3A_1450 {offsets = [0, 3840], sizes = [16, 256], strides = [1, 1]} : vector<16x4096xi32> to vector<16x256xi32>
    %slice3A_1461 = vector.extract_strided_slice %select_n3A_1450 {offsets = [0, 0], sizes = [16, 3840], strides = [1, 1]} : vector<16x4096xi32> to vector<16x3840xi32>
    %concatenate3A_1462 = tpu.concatenate %slice3A_1460, %slice3A_1461 in 1 : vector<16x256xi32>, vector<16x3840xi32> -> vector<16x4096xi32>
    %and3A_1463 = arith.constant 256 : i32
    %and3A_1464 = vector.broadcast %and3A_1463 : i32 to vector<16x4096xi32>
    %and3A_1465 = arith.andi %iota3A, %and3A_1464 : vector<16x4096xi32>
    %eq3A_1466 = arith.constant 0 : i32
    %eq3A_1467 = vector.broadcast %eq3A_1466 : i32 to vector<16x4096xi32>
    %eq3A_1468 = arith.cmpi eq, %and3A_1465, %eq3A_1467 : vector<16x4096xi32>
    %select_n3A_1469 = arith.select %eq3A_1468, %concatenate3A_1453, %concatenate3A_1456 : vector<16x4096xi1>, vector<16x4096xf32>
    %select_n3A_1470 = arith.select %eq3A_1468, %concatenate3A_1459, %concatenate3A_1462 : vector<16x4096xi1>, vector<16x4096xi32>
    %and3A_1471 = arith.constant 512 : i32
    %and3A_1472 = vector.broadcast %and3A_1471 : i32 to vector<16x4096xi32>
    %and3A_1473 = arith.andi %iota3A, %and3A_1472 : vector<16x4096xi32>
    %eq3A_1474 = arith.constant 0 : i32
    %eq3A_1475 = vector.broadcast %eq3A_1474 : i32 to vector<16x4096xi32>
    %eq3A_1476 = arith.cmpi eq, %and3A_1473, %eq3A_1475 : vector<16x4096xi32>
    %gt3A_1477 = arith.cmpf ogt, %select_n3A_1449, %select_n3A_1469 : vector<16x4096xf32>
    %eq3A_1478 = arith.cmpf oeq, %select_n3A_1449, %select_n3A_1469 : vector<16x4096xf32>
    %lt3A_1479 = arith.cmpi slt, %select_n3A_1450, %select_n3A_1470 : vector<16x4096xi32>
    %and3A_1480 = arith.andi %eq3A_1478, %lt3A_1479 : vector<16x4096xi1>
    %or3A_1481 = arith.ori %gt3A_1477, %and3A_1480 : vector<16x4096xi1>
    %eq3A_1482 = arith.xori %eq3A_1476, %eq3A_1468 : vector<16x4096xi1>
    %eq3A_1483 = arith.constant dense<true> : vector<16x4096xi1>
    %eq3A_1484 = arith.xori %eq3A_1482, %eq3A_1483 : vector<16x4096xi1>
    %eq3A_1485 = arith.xori %or3A_1481, %eq3A_1484 : vector<16x4096xi1>
    %eq3A_1486 = arith.constant dense<true> : vector<16x4096xi1>
    %eq3A_1487 = arith.xori %eq3A_1485, %eq3A_1486 : vector<16x4096xi1>
    %select_n3A_1488 = arith.select %eq3A_1487, %select_n3A_1449, %select_n3A_1469 : vector<16x4096xi1>, vector<16x4096xf32>
    %select_n3A_1489 = arith.select %eq3A_1487, %select_n3A_1450, %select_n3A_1470 : vector<16x4096xi1>, vector<16x4096xi32>
    %slice3A_1490 = vector.extract_strided_slice %select_n3A_1488 {offsets = [0, 128], sizes = [16, 3968], strides = [1, 1]} : vector<16x4096xf32> to vector<16x3968xf32>
    %slice3A_1491 = vector.extract_strided_slice %select_n3A_1488 {offsets = [0, 0], sizes = [16, 128], strides = [1, 1]} : vector<16x4096xf32> to vector<16x128xf32>
    %concatenate3A_1492 = tpu.concatenate %slice3A_1490, %slice3A_1491 in 1 : vector<16x3968xf32>, vector<16x128xf32> -> vector<16x4096xf32>
    %slice3A_1493 = vector.extract_strided_slice %select_n3A_1488 {offsets = [0, 3968], sizes = [16, 128], strides = [1, 1]} : vector<16x4096xf32> to vector<16x128xf32>
    %slice3A_1494 = vector.extract_strided_slice %select_n3A_1488 {offsets = [0, 0], sizes = [16, 3968], strides = [1, 1]} : vector<16x4096xf32> to vector<16x3968xf32>
    %concatenate3A_1495 = tpu.concatenate %slice3A_1493, %slice3A_1494 in 1 : vector<16x128xf32>, vector<16x3968xf32> -> vector<16x4096xf32>
    %slice3A_1496 = vector.extract_strided_slice %select_n3A_1489 {offsets = [0, 128], sizes = [16, 3968], strides = [1, 1]} : vector<16x4096xi32> to vector<16x3968xi32>
    %slice3A_1497 = vector.extract_strided_slice %select_n3A_1489 {offsets = [0, 0], sizes = [16, 128], strides = [1, 1]} : vector<16x4096xi32> to vector<16x128xi32>
    %concatenate3A_1498 = tpu.concatenate %slice3A_1496, %slice3A_1497 in 1 : vector<16x3968xi32>, vector<16x128xi32> -> vector<16x4096xi32>
    %slice3A_1499 = vector.extract_strided_slice %select_n3A_1489 {offsets = [0, 3968], sizes = [16, 128], strides = [1, 1]} : vector<16x4096xi32> to vector<16x128xi32>
    %slice3A_1500 = vector.extract_strided_slice %select_n3A_1489 {offsets = [0, 0], sizes = [16, 3968], strides = [1, 1]} : vector<16x4096xi32> to vector<16x3968xi32>
    %concatenate3A_1501 = tpu.concatenate %slice3A_1499, %slice3A_1500 in 1 : vector<16x128xi32>, vector<16x3968xi32> -> vector<16x4096xi32>
    %and3A_1502 = arith.constant 128 : i32
    %and3A_1503 = vector.broadcast %and3A_1502 : i32 to vector<16x4096xi32>
    %and3A_1504 = arith.andi %iota3A, %and3A_1503 : vector<16x4096xi32>
    %eq3A_1505 = arith.constant 0 : i32
    %eq3A_1506 = vector.broadcast %eq3A_1505 : i32 to vector<16x4096xi32>
    %eq3A_1507 = arith.cmpi eq, %and3A_1504, %eq3A_1506 : vector<16x4096xi32>
    %select_n3A_1508 = arith.select %eq3A_1507, %concatenate3A_1492, %concatenate3A_1495 : vector<16x4096xi1>, vector<16x4096xf32>
    %select_n3A_1509 = arith.select %eq3A_1507, %concatenate3A_1498, %concatenate3A_1501 : vector<16x4096xi1>, vector<16x4096xi32>
    %and3A_1510 = arith.constant 512 : i32
    %and3A_1511 = vector.broadcast %and3A_1510 : i32 to vector<16x4096xi32>
    %and3A_1512 = arith.andi %iota3A, %and3A_1511 : vector<16x4096xi32>
    %eq3A_1513 = arith.constant 0 : i32
    %eq3A_1514 = vector.broadcast %eq3A_1513 : i32 to vector<16x4096xi32>
    %eq3A_1515 = arith.cmpi eq, %and3A_1512, %eq3A_1514 : vector<16x4096xi32>
    %gt3A_1516 = arith.cmpf ogt, %select_n3A_1488, %select_n3A_1508 : vector<16x4096xf32>
    %eq3A_1517 = arith.cmpf oeq, %select_n3A_1488, %select_n3A_1508 : vector<16x4096xf32>
    %lt3A_1518 = arith.cmpi slt, %select_n3A_1489, %select_n3A_1509 : vector<16x4096xi32>
    %and3A_1519 = arith.andi %eq3A_1517, %lt3A_1518 : vector<16x4096xi1>
    %or3A_1520 = arith.ori %gt3A_1516, %and3A_1519 : vector<16x4096xi1>
    %eq3A_1521 = arith.xori %eq3A_1515, %eq3A_1507 : vector<16x4096xi1>
    %eq3A_1522 = arith.constant dense<true> : vector<16x4096xi1>
    %eq3A_1523 = arith.xori %eq3A_1521, %eq3A_1522 : vector<16x4096xi1>
    %eq3A_1524 = arith.xori %or3A_1520, %eq3A_1523 : vector<16x4096xi1>
    %eq3A_1525 = arith.constant dense<true> : vector<16x4096xi1>
    %eq3A_1526 = arith.xori %eq3A_1524, %eq3A_1525 : vector<16x4096xi1>
    %select_n3A_1527 = arith.select %eq3A_1526, %select_n3A_1488, %select_n3A_1508 : vector<16x4096xi1>, vector<16x4096xf32>
    %select_n3A_1528 = arith.select %eq3A_1526, %select_n3A_1489, %select_n3A_1509 : vector<16x4096xi1>, vector<16x4096xi32>
    %slice3A_1529 = vector.extract_strided_slice %select_n3A_1527 {offsets = [0, 64], sizes = [16, 4032], strides = [1, 1]} : vector<16x4096xf32> to vector<16x4032xf32>
    %slice3A_1530 = vector.extract_strided_slice %select_n3A_1527 {offsets = [0, 0], sizes = [16, 64], strides = [1, 1]} : vector<16x4096xf32> to vector<16x64xf32>
    %concatenate3A_1531 = tpu.concatenate %slice3A_1529, %slice3A_1530 in 1 : vector<16x4032xf32>, vector<16x64xf32> -> vector<16x4096xf32>
    %slice3A_1532 = vector.extract_strided_slice %select_n3A_1527 {offsets = [0, 4032], sizes = [16, 64], strides = [1, 1]} : vector<16x4096xf32> to vector<16x64xf32>
    %slice3A_1533 = vector.extract_strided_slice %select_n3A_1527 {offsets = [0, 0], sizes = [16, 4032], strides = [1, 1]} : vector<16x4096xf32> to vector<16x4032xf32>
    %concatenate3A_1534 = tpu.concatenate %slice3A_1532, %slice3A_1533 in 1 : vector<16x64xf32>, vector<16x4032xf32> -> vector<16x4096xf32>
    %slice3A_1535 = vector.extract_strided_slice %select_n3A_1528 {offsets = [0, 64], sizes = [16, 4032], strides = [1, 1]} : vector<16x4096xi32> to vector<16x4032xi32>
    %slice3A_1536 = vector.extract_strided_slice %select_n3A_1528 {offsets = [0, 0], sizes = [16, 64], strides = [1, 1]} : vector<16x4096xi32> to vector<16x64xi32>
    %concatenate3A_1537 = tpu.concatenate %slice3A_1535, %slice3A_1536 in 1 : vector<16x4032xi32>, vector<16x64xi32> -> vector<16x4096xi32>
    %slice3A_1538 = vector.extract_strided_slice %select_n3A_1528 {offsets = [0, 4032], sizes = [16, 64], strides = [1, 1]} : vector<16x4096xi32> to vector<16x64xi32>
    %slice3A_1539 = vector.extract_strided_slice %select_n3A_1528 {offsets = [0, 0], sizes = [16, 4032], strides = [1, 1]} : vector<16x4096xi32> to vector<16x4032xi32>
    %concatenate3A_1540 = tpu.concatenate %slice3A_1538, %slice3A_1539 in 1 : vector<16x64xi32>, vector<16x4032xi32> -> vector<16x4096xi32>
    %and3A_1541 = arith.constant 64 : i32
    %and3A_1542 = vector.broadcast %and3A_1541 : i32 to vector<16x4096xi32>
    %and3A_1543 = arith.andi %iota3A, %and3A_1542 : vector<16x4096xi32>
    %eq3A_1544 = arith.constant 0 : i32
    %eq3A_1545 = vector.broadcast %eq3A_1544 : i32 to vector<16x4096xi32>
    %eq3A_1546 = arith.cmpi eq, %and3A_1543, %eq3A_1545 : vector<16x4096xi32>
    %select_n3A_1547 = arith.select %eq3A_1546, %concatenate3A_1531, %concatenate3A_1534 : vector<16x4096xi1>, vector<16x4096xf32>
    %select_n3A_1548 = arith.select %eq3A_1546, %concatenate3A_1537, %concatenate3A_1540 : vector<16x4096xi1>, vector<16x4096xi32>
    %and3A_1549 = arith.constant 512 : i32
    %and3A_1550 = vector.broadcast %and3A_1549 : i32 to vector<16x4096xi32>
    %and3A_1551 = arith.andi %iota3A, %and3A_1550 : vector<16x4096xi32>
    %eq3A_1552 = arith.constant 0 : i32
    %eq3A_1553 = vector.broadcast %eq3A_1552 : i32 to vector<16x4096xi32>
    %eq3A_1554 = arith.cmpi eq, %and3A_1551, %eq3A_1553 : vector<16x4096xi32>
    %gt3A_1555 = arith.cmpf ogt, %select_n3A_1527, %select_n3A_1547 : vector<16x4096xf32>
    %eq3A_1556 = arith.cmpf oeq, %select_n3A_1527, %select_n3A_1547 : vector<16x4096xf32>
    %lt3A_1557 = arith.cmpi slt, %select_n3A_1528, %select_n3A_1548 : vector<16x4096xi32>
    %and3A_1558 = arith.andi %eq3A_1556, %lt3A_1557 : vector<16x4096xi1>
    %or3A_1559 = arith.ori %gt3A_1555, %and3A_1558 : vector<16x4096xi1>
    %eq3A_1560 = arith.xori %eq3A_1554, %eq3A_1546 : vector<16x4096xi1>
    %eq3A_1561 = arith.constant dense<true> : vector<16x4096xi1>
    %eq3A_1562 = arith.xori %eq3A_1560, %eq3A_1561 : vector<16x4096xi1>
    %eq3A_1563 = arith.xori %or3A_1559, %eq3A_1562 : vector<16x4096xi1>
    %eq3A_1564 = arith.constant dense<true> : vector<16x4096xi1>
    %eq3A_1565 = arith.xori %eq3A_1563, %eq3A_1564 : vector<16x4096xi1>
    %select_n3A_1566 = arith.select %eq3A_1565, %select_n3A_1527, %select_n3A_1547 : vector<16x4096xi1>, vector<16x4096xf32>
    %select_n3A_1567 = arith.select %eq3A_1565, %select_n3A_1528, %select_n3A_1548 : vector<16x4096xi1>, vector<16x4096xi32>
    %slice3A_1568 = vector.extract_strided_slice %select_n3A_1566 {offsets = [0, 32], sizes = [16, 4064], strides = [1, 1]} : vector<16x4096xf32> to vector<16x4064xf32>
    %slice3A_1569 = vector.extract_strided_slice %select_n3A_1566 {offsets = [0, 0], sizes = [16, 32], strides = [1, 1]} : vector<16x4096xf32> to vector<16x32xf32>
    %concatenate3A_1570 = tpu.concatenate %slice3A_1568, %slice3A_1569 in 1 : vector<16x4064xf32>, vector<16x32xf32> -> vector<16x4096xf32>
    %slice3A_1571 = vector.extract_strided_slice %select_n3A_1566 {offsets = [0, 4064], sizes = [16, 32], strides = [1, 1]} : vector<16x4096xf32> to vector<16x32xf32>
    %slice3A_1572 = vector.extract_strided_slice %select_n3A_1566 {offsets = [0, 0], sizes = [16, 4064], strides = [1, 1]} : vector<16x4096xf32> to vector<16x4064xf32>
    %concatenate3A_1573 = tpu.concatenate %slice3A_1571, %slice3A_1572 in 1 : vector<16x32xf32>, vector<16x4064xf32> -> vector<16x4096xf32>
    %slice3A_1574 = vector.extract_strided_slice %select_n3A_1567 {offsets = [0, 32], sizes = [16, 4064], strides = [1, 1]} : vector<16x4096xi32> to vector<16x4064xi32>
    %slice3A_1575 = vector.extract_strided_slice %select_n3A_1567 {offsets = [0, 0], sizes = [16, 32], strides = [1, 1]} : vector<16x4096xi32> to vector<16x32xi32>
    %concatenate3A_1576 = tpu.concatenate %slice3A_1574, %slice3A_1575 in 1 : vector<16x4064xi32>, vector<16x32xi32> -> vector<16x4096xi32>
    %slice3A_1577 = vector.extract_strided_slice %select_n3A_1567 {offsets = [0, 4064], sizes = [16, 32], strides = [1, 1]} : vector<16x4096xi32> to vector<16x32xi32>
    %slice3A_1578 = vector.extract_strided_slice %select_n3A_1567 {offsets = [0, 0], sizes = [16, 4064], strides = [1, 1]} : vector<16x4096xi32> to vector<16x4064xi32>
    %concatenate3A_1579 = tpu.concatenate %slice3A_1577, %slice3A_1578 in 1 : vector<16x32xi32>, vector<16x4064xi32> -> vector<16x4096xi32>
    %and3A_1580 = arith.constant 32 : i32
    %and3A_1581 = vector.broadcast %and3A_1580 : i32 to vector<16x4096xi32>
    %and3A_1582 = arith.andi %iota3A, %and3A_1581 : vector<16x4096xi32>
    %eq3A_1583 = arith.constant 0 : i32
    %eq3A_1584 = vector.broadcast %eq3A_1583 : i32 to vector<16x4096xi32>
    %eq3A_1585 = arith.cmpi eq, %and3A_1582, %eq3A_1584 : vector<16x4096xi32>
    %select_n3A_1586 = arith.select %eq3A_1585, %concatenate3A_1570, %concatenate3A_1573 : vector<16x4096xi1>, vector<16x4096xf32>
    %select_n3A_1587 = arith.select %eq3A_1585, %concatenate3A_1576, %concatenate3A_1579 : vector<16x4096xi1>, vector<16x4096xi32>
    %and3A_1588 = arith.constant 512 : i32
    %and3A_1589 = vector.broadcast %and3A_1588 : i32 to vector<16x4096xi32>
    %and3A_1590 = arith.andi %iota3A, %and3A_1589 : vector<16x4096xi32>
    %eq3A_1591 = arith.constant 0 : i32
    %eq3A_1592 = vector.broadcast %eq3A_1591 : i32 to vector<16x4096xi32>
    %eq3A_1593 = arith.cmpi eq, %and3A_1590, %eq3A_1592 : vector<16x4096xi32>
    %gt3A_1594 = arith.cmpf ogt, %select_n3A_1566, %select_n3A_1586 : vector<16x4096xf32>
    %eq3A_1595 = arith.cmpf oeq, %select_n3A_1566, %select_n3A_1586 : vector<16x4096xf32>
    %lt3A_1596 = arith.cmpi slt, %select_n3A_1567, %select_n3A_1587 : vector<16x4096xi32>
    %and3A_1597 = arith.andi %eq3A_1595, %lt3A_1596 : vector<16x4096xi1>
    %or3A_1598 = arith.ori %gt3A_1594, %and3A_1597 : vector<16x4096xi1>
    %eq3A_1599 = arith.xori %eq3A_1593, %eq3A_1585 : vector<16x4096xi1>
    %eq3A_1600 = arith.constant dense<true> : vector<16x4096xi1>
    %eq3A_1601 = arith.xori %eq3A_1599, %eq3A_1600 : vector<16x4096xi1>
    %eq3A_1602 = arith.xori %or3A_1598, %eq3A_1601 : vector<16x4096xi1>
    %eq3A_1603 = arith.constant dense<true> : vector<16x4096xi1>
    %eq3A_1604 = arith.xori %eq3A_1602, %eq3A_1603 : vector<16x4096xi1>
    %select_n3A_1605 = arith.select %eq3A_1604, %select_n3A_1566, %select_n3A_1586 : vector<16x4096xi1>, vector<16x4096xf32>
    %select_n3A_1606 = arith.select %eq3A_1604, %select_n3A_1567, %select_n3A_1587 : vector<16x4096xi1>, vector<16x4096xi32>
    %slice3A_1607 = vector.extract_strided_slice %select_n3A_1605 {offsets = [0, 16], sizes = [16, 4080], strides = [1, 1]} : vector<16x4096xf32> to vector<16x4080xf32>
    %slice3A_1608 = vector.extract_strided_slice %select_n3A_1605 {offsets = [0, 0], sizes = [16, 16], strides = [1, 1]} : vector<16x4096xf32> to vector<16x16xf32>
    %concatenate3A_1609 = tpu.concatenate %slice3A_1607, %slice3A_1608 in 1 : vector<16x4080xf32>, vector<16x16xf32> -> vector<16x4096xf32>
    %slice3A_1610 = vector.extract_strided_slice %select_n3A_1605 {offsets = [0, 4080], sizes = [16, 16], strides = [1, 1]} : vector<16x4096xf32> to vector<16x16xf32>
    %slice3A_1611 = vector.extract_strided_slice %select_n3A_1605 {offsets = [0, 0], sizes = [16, 4080], strides = [1, 1]} : vector<16x4096xf32> to vector<16x4080xf32>
    %concatenate3A_1612 = tpu.concatenate %slice3A_1610, %slice3A_1611 in 1 : vector<16x16xf32>, vector<16x4080xf32> -> vector<16x4096xf32>
    %slice3A_1613 = vector.extract_strided_slice %select_n3A_1606 {offsets = [0, 16], sizes = [16, 4080], strides = [1, 1]} : vector<16x4096xi32> to vector<16x4080xi32>
    %slice3A_1614 = vector.extract_strided_slice %select_n3A_1606 {offsets = [0, 0], sizes = [16, 16], strides = [1, 1]} : vector<16x4096xi32> to vector<16x16xi32>
    %concatenate3A_1615 = tpu.concatenate %slice3A_1613, %slice3A_1614 in 1 : vector<16x4080xi32>, vector<16x16xi32> -> vector<16x4096xi32>
    %slice3A_1616 = vector.extract_strided_slice %select_n3A_1606 {offsets = [0, 4080], sizes = [16, 16], strides = [1, 1]} : vector<16x4096xi32> to vector<16x16xi32>
    %slice3A_1617 = vector.extract_strided_slice %select_n3A_1606 {offsets = [0, 0], sizes = [16, 4080], strides = [1, 1]} : vector<16x4096xi32> to vector<16x4080xi32>
    %concatenate3A_1618 = tpu.concatenate %slice3A_1616, %slice3A_1617 in 1 : vector<16x16xi32>, vector<16x4080xi32> -> vector<16x4096xi32>
    %and3A_1619 = arith.constant 16 : i32
    %and3A_1620 = vector.broadcast %and3A_1619 : i32 to vector<16x4096xi32>
    %and3A_1621 = arith.andi %iota3A, %and3A_1620 : vector<16x4096xi32>
    %eq3A_1622 = arith.constant 0 : i32
    %eq3A_1623 = vector.broadcast %eq3A_1622 : i32 to vector<16x4096xi32>
    %eq3A_1624 = arith.cmpi eq, %and3A_1621, %eq3A_1623 : vector<16x4096xi32>
    %select_n3A_1625 = arith.select %eq3A_1624, %concatenate3A_1609, %concatenate3A_1612 : vector<16x4096xi1>, vector<16x4096xf32>
    %select_n3A_1626 = arith.select %eq3A_1624, %concatenate3A_1615, %concatenate3A_1618 : vector<16x4096xi1>, vector<16x4096xi32>
    %and3A_1627 = arith.constant 512 : i32
    %and3A_1628 = vector.broadcast %and3A_1627 : i32 to vector<16x4096xi32>
    %and3A_1629 = arith.andi %iota3A, %and3A_1628 : vector<16x4096xi32>
    %eq3A_1630 = arith.constant 0 : i32
    %eq3A_1631 = vector.broadcast %eq3A_1630 : i32 to vector<16x4096xi32>
    %eq3A_1632 = arith.cmpi eq, %and3A_1629, %eq3A_1631 : vector<16x4096xi32>
    %gt3A_1633 = arith.cmpf ogt, %select_n3A_1605, %select_n3A_1625 : vector<16x4096xf32>
    %eq3A_1634 = arith.cmpf oeq, %select_n3A_1605, %select_n3A_1625 : vector<16x4096xf32>
    %lt3A_1635 = arith.cmpi slt, %select_n3A_1606, %select_n3A_1626 : vector<16x4096xi32>
    %and3A_1636 = arith.andi %eq3A_1634, %lt3A_1635 : vector<16x4096xi1>
    %or3A_1637 = arith.ori %gt3A_1633, %and3A_1636 : vector<16x4096xi1>
    %eq3A_1638 = arith.xori %eq3A_1632, %eq3A_1624 : vector<16x4096xi1>
    %eq3A_1639 = arith.constant dense<true> : vector<16x4096xi1>
    %eq3A_1640 = arith.xori %eq3A_1638, %eq3A_1639 : vector<16x4096xi1>
    %eq3A_1641 = arith.xori %or3A_1637, %eq3A_1640 : vector<16x4096xi1>
    %eq3A_1642 = arith.constant dense<true> : vector<16x4096xi1>
    %eq3A_1643 = arith.xori %eq3A_1641, %eq3A_1642 : vector<16x4096xi1>
    %select_n3A_1644 = arith.select %eq3A_1643, %select_n3A_1605, %select_n3A_1625 : vector<16x4096xi1>, vector<16x4096xf32>
    %select_n3A_1645 = arith.select %eq3A_1643, %select_n3A_1606, %select_n3A_1626 : vector<16x4096xi1>, vector<16x4096xi32>
    %slice3A_1646 = vector.extract_strided_slice %select_n3A_1644 {offsets = [0, 8], sizes = [16, 4088], strides = [1, 1]} : vector<16x4096xf32> to vector<16x4088xf32>
    %slice3A_1647 = vector.extract_strided_slice %select_n3A_1644 {offsets = [0, 0], sizes = [16, 8], strides = [1, 1]} : vector<16x4096xf32> to vector<16x8xf32>
    %concatenate3A_1648 = tpu.concatenate %slice3A_1646, %slice3A_1647 in 1 : vector<16x4088xf32>, vector<16x8xf32> -> vector<16x4096xf32>
    %slice3A_1649 = vector.extract_strided_slice %select_n3A_1644 {offsets = [0, 4088], sizes = [16, 8], strides = [1, 1]} : vector<16x4096xf32> to vector<16x8xf32>
    %slice3A_1650 = vector.extract_strided_slice %select_n3A_1644 {offsets = [0, 0], sizes = [16, 4088], strides = [1, 1]} : vector<16x4096xf32> to vector<16x4088xf32>
    %concatenate3A_1651 = tpu.concatenate %slice3A_1649, %slice3A_1650 in 1 : vector<16x8xf32>, vector<16x4088xf32> -> vector<16x4096xf32>
    %slice3A_1652 = vector.extract_strided_slice %select_n3A_1645 {offsets = [0, 8], sizes = [16, 4088], strides = [1, 1]} : vector<16x4096xi32> to vector<16x4088xi32>
    %slice3A_1653 = vector.extract_strided_slice %select_n3A_1645 {offsets = [0, 0], sizes = [16, 8], strides = [1, 1]} : vector<16x4096xi32> to vector<16x8xi32>
    %concatenate3A_1654 = tpu.concatenate %slice3A_1652, %slice3A_1653 in 1 : vector<16x4088xi32>, vector<16x8xi32> -> vector<16x4096xi32>
    %slice3A_1655 = vector.extract_strided_slice %select_n3A_1645 {offsets = [0, 4088], sizes = [16, 8], strides = [1, 1]} : vector<16x4096xi32> to vector<16x8xi32>
    %slice3A_1656 = vector.extract_strided_slice %select_n3A_1645 {offsets = [0, 0], sizes = [16, 4088], strides = [1, 1]} : vector<16x4096xi32> to vector<16x4088xi32>
    %concatenate3A_1657 = tpu.concatenate %slice3A_1655, %slice3A_1656 in 1 : vector<16x8xi32>, vector<16x4088xi32> -> vector<16x4096xi32>
    %and3A_1658 = arith.constant 8 : i32
    %and3A_1659 = vector.broadcast %and3A_1658 : i32 to vector<16x4096xi32>
    %and3A_1660 = arith.andi %iota3A, %and3A_1659 : vector<16x4096xi32>
    %eq3A_1661 = arith.constant 0 : i32
    %eq3A_1662 = vector.broadcast %eq3A_1661 : i32 to vector<16x4096xi32>
    %eq3A_1663 = arith.cmpi eq, %and3A_1660, %eq3A_1662 : vector<16x4096xi32>
    %select_n3A_1664 = arith.select %eq3A_1663, %concatenate3A_1648, %concatenate3A_1651 : vector<16x4096xi1>, vector<16x4096xf32>
    %select_n3A_1665 = arith.select %eq3A_1663, %concatenate3A_1654, %concatenate3A_1657 : vector<16x4096xi1>, vector<16x4096xi32>
    %and3A_1666 = arith.constant 512 : i32
    %and3A_1667 = vector.broadcast %and3A_1666 : i32 to vector<16x4096xi32>
    %and3A_1668 = arith.andi %iota3A, %and3A_1667 : vector<16x4096xi32>
    %eq3A_1669 = arith.constant 0 : i32
    %eq3A_1670 = vector.broadcast %eq3A_1669 : i32 to vector<16x4096xi32>
    %eq3A_1671 = arith.cmpi eq, %and3A_1668, %eq3A_1670 : vector<16x4096xi32>
    %gt3A_1672 = arith.cmpf ogt, %select_n3A_1644, %select_n3A_1664 : vector<16x4096xf32>
    %eq3A_1673 = arith.cmpf oeq, %select_n3A_1644, %select_n3A_1664 : vector<16x4096xf32>
    %lt3A_1674 = arith.cmpi slt, %select_n3A_1645, %select_n3A_1665 : vector<16x4096xi32>
    %and3A_1675 = arith.andi %eq3A_1673, %lt3A_1674 : vector<16x4096xi1>
    %or3A_1676 = arith.ori %gt3A_1672, %and3A_1675 : vector<16x4096xi1>
    %eq3A_1677 = arith.xori %eq3A_1671, %eq3A_1663 : vector<16x4096xi1>
    %eq3A_1678 = arith.constant dense<true> : vector<16x4096xi1>
    %eq3A_1679 = arith.xori %eq3A_1677, %eq3A_1678 : vector<16x4096xi1>
    %eq3A_1680 = arith.xori %or3A_1676, %eq3A_1679 : vector<16x4096xi1>
    %eq3A_1681 = arith.constant dense<true> : vector<16x4096xi1>
    %eq3A_1682 = arith.xori %eq3A_1680, %eq3A_1681 : vector<16x4096xi1>
    %select_n3A_1683 = arith.select %eq3A_1682, %select_n3A_1644, %select_n3A_1664 : vector<16x4096xi1>, vector<16x4096xf32>
    %select_n3A_1684 = arith.select %eq3A_1682, %select_n3A_1645, %select_n3A_1665 : vector<16x4096xi1>, vector<16x4096xi32>
    %slice3A_1685 = vector.extract_strided_slice %select_n3A_1683 {offsets = [0, 4], sizes = [16, 4092], strides = [1, 1]} : vector<16x4096xf32> to vector<16x4092xf32>
    %slice3A_1686 = vector.extract_strided_slice %select_n3A_1683 {offsets = [0, 0], sizes = [16, 4], strides = [1, 1]} : vector<16x4096xf32> to vector<16x4xf32>
    %concatenate3A_1687 = tpu.concatenate %slice3A_1685, %slice3A_1686 in 1 : vector<16x4092xf32>, vector<16x4xf32> -> vector<16x4096xf32>
    %slice3A_1688 = vector.extract_strided_slice %select_n3A_1683 {offsets = [0, 4092], sizes = [16, 4], strides = [1, 1]} : vector<16x4096xf32> to vector<16x4xf32>
    %slice3A_1689 = vector.extract_strided_slice %select_n3A_1683 {offsets = [0, 0], sizes = [16, 4092], strides = [1, 1]} : vector<16x4096xf32> to vector<16x4092xf32>
    %concatenate3A_1690 = tpu.concatenate %slice3A_1688, %slice3A_1689 in 1 : vector<16x4xf32>, vector<16x4092xf32> -> vector<16x4096xf32>
    %slice3A_1691 = vector.extract_strided_slice %select_n3A_1684 {offsets = [0, 4], sizes = [16, 4092], strides = [1, 1]} : vector<16x4096xi32> to vector<16x4092xi32>
    %slice3A_1692 = vector.extract_strided_slice %select_n3A_1684 {offsets = [0, 0], sizes = [16, 4], strides = [1, 1]} : vector<16x4096xi32> to vector<16x4xi32>
    %concatenate3A_1693 = tpu.concatenate %slice3A_1691, %slice3A_1692 in 1 : vector<16x4092xi32>, vector<16x4xi32> -> vector<16x4096xi32>
    %slice3A_1694 = vector.extract_strided_slice %select_n3A_1684 {offsets = [0, 4092], sizes = [16, 4], strides = [1, 1]} : vector<16x4096xi32> to vector<16x4xi32>
    %slice3A_1695 = vector.extract_strided_slice %select_n3A_1684 {offsets = [0, 0], sizes = [16, 4092], strides = [1, 1]} : vector<16x4096xi32> to vector<16x4092xi32>
    %concatenate3A_1696 = tpu.concatenate %slice3A_1694, %slice3A_1695 in 1 : vector<16x4xi32>, vector<16x4092xi32> -> vector<16x4096xi32>
    %and3A_1697 = arith.constant 4 : i32
    %and3A_1698 = vector.broadcast %and3A_1697 : i32 to vector<16x4096xi32>
    %and3A_1699 = arith.andi %iota3A, %and3A_1698 : vector<16x4096xi32>
    %eq3A_1700 = arith.constant 0 : i32
    %eq3A_1701 = vector.broadcast %eq3A_1700 : i32 to vector<16x4096xi32>
    %eq3A_1702 = arith.cmpi eq, %and3A_1699, %eq3A_1701 : vector<16x4096xi32>
    %select_n3A_1703 = arith.select %eq3A_1702, %concatenate3A_1687, %concatenate3A_1690 : vector<16x4096xi1>, vector<16x4096xf32>
    %select_n3A_1704 = arith.select %eq3A_1702, %concatenate3A_1693, %concatenate3A_1696 : vector<16x4096xi1>, vector<16x4096xi32>
    %and3A_1705 = arith.constant 512 : i32
    %and3A_1706 = vector.broadcast %and3A_1705 : i32 to vector<16x4096xi32>
    %and3A_1707 = arith.andi %iota3A, %and3A_1706 : vector<16x4096xi32>
    %eq3A_1708 = arith.constant 0 : i32
    %eq3A_1709 = vector.broadcast %eq3A_1708 : i32 to vector<16x4096xi32>
    %eq3A_1710 = arith.cmpi eq, %and3A_1707, %eq3A_1709 : vector<16x4096xi32>
    %gt3A_1711 = arith.cmpf ogt, %select_n3A_1683, %select_n3A_1703 : vector<16x4096xf32>
    %eq3A_1712 = arith.cmpf oeq, %select_n3A_1683, %select_n3A_1703 : vector<16x4096xf32>
    %lt3A_1713 = arith.cmpi slt, %select_n3A_1684, %select_n3A_1704 : vector<16x4096xi32>
    %and3A_1714 = arith.andi %eq3A_1712, %lt3A_1713 : vector<16x4096xi1>
    %or3A_1715 = arith.ori %gt3A_1711, %and3A_1714 : vector<16x4096xi1>
    %eq3A_1716 = arith.xori %eq3A_1710, %eq3A_1702 : vector<16x4096xi1>
    %eq3A_1717 = arith.constant dense<true> : vector<16x4096xi1>
    %eq3A_1718 = arith.xori %eq3A_1716, %eq3A_1717 : vector<16x4096xi1>
    %eq3A_1719 = arith.xori %or3A_1715, %eq3A_1718 : vector<16x4096xi1>
    %eq3A_1720 = arith.constant dense<true> : vector<16x4096xi1>
    %eq3A_1721 = arith.xori %eq3A_1719, %eq3A_1720 : vector<16x4096xi1>
    %select_n3A_1722 = arith.select %eq3A_1721, %select_n3A_1683, %select_n3A_1703 : vector<16x4096xi1>, vector<16x4096xf32>
    %select_n3A_1723 = arith.select %eq3A_1721, %select_n3A_1684, %select_n3A_1704 : vector<16x4096xi1>, vector<16x4096xi32>
    %slice3A_1724 = vector.extract_strided_slice %select_n3A_1722 {offsets = [0, 2], sizes = [16, 4094], strides = [1, 1]} : vector<16x4096xf32> to vector<16x4094xf32>
    %slice3A_1725 = vector.extract_strided_slice %select_n3A_1722 {offsets = [0, 0], sizes = [16, 2], strides = [1, 1]} : vector<16x4096xf32> to vector<16x2xf32>
    %concatenate3A_1726 = tpu.concatenate %slice3A_1724, %slice3A_1725 in 1 : vector<16x4094xf32>, vector<16x2xf32> -> vector<16x4096xf32>
    %slice3A_1727 = vector.extract_strided_slice %select_n3A_1722 {offsets = [0, 4094], sizes = [16, 2], strides = [1, 1]} : vector<16x4096xf32> to vector<16x2xf32>
    %slice3A_1728 = vector.extract_strided_slice %select_n3A_1722 {offsets = [0, 0], sizes = [16, 4094], strides = [1, 1]} : vector<16x4096xf32> to vector<16x4094xf32>
    %concatenate3A_1729 = tpu.concatenate %slice3A_1727, %slice3A_1728 in 1 : vector<16x2xf32>, vector<16x4094xf32> -> vector<16x4096xf32>
    %slice3A_1730 = vector.extract_strided_slice %select_n3A_1723 {offsets = [0, 2], sizes = [16, 4094], strides = [1, 1]} : vector<16x4096xi32> to vector<16x4094xi32>
    %slice3A_1731 = vector.extract_strided_slice %select_n3A_1723 {offsets = [0, 0], sizes = [16, 2], strides = [1, 1]} : vector<16x4096xi32> to vector<16x2xi32>
    %concatenate3A_1732 = tpu.concatenate %slice3A_1730, %slice3A_1731 in 1 : vector<16x4094xi32>, vector<16x2xi32> -> vector<16x4096xi32>
    %slice3A_1733 = vector.extract_strided_slice %select_n3A_1723 {offsets = [0, 4094], sizes = [16, 2], strides = [1, 1]} : vector<16x4096xi32> to vector<16x2xi32>
    %slice3A_1734 = vector.extract_strided_slice %select_n3A_1723 {offsets = [0, 0], sizes = [16, 4094], strides = [1, 1]} : vector<16x4096xi32> to vector<16x4094xi32>
    %concatenate3A_1735 = tpu.concatenate %slice3A_1733, %slice3A_1734 in 1 : vector<16x2xi32>, vector<16x4094xi32> -> vector<16x4096xi32>
    %and3A_1736 = arith.constant 2 : i32
    %and3A_1737 = vector.broadcast %and3A_1736 : i32 to vector<16x4096xi32>
    %and3A_1738 = arith.andi %iota3A, %and3A_1737 : vector<16x4096xi32>
    %eq3A_1739 = arith.constant 0 : i32
    %eq3A_1740 = vector.broadcast %eq3A_1739 : i32 to vector<16x4096xi32>
    %eq3A_1741 = arith.cmpi eq, %and3A_1738, %eq3A_1740 : vector<16x4096xi32>
    %select_n3A_1742 = arith.select %eq3A_1741, %concatenate3A_1726, %concatenate3A_1729 : vector<16x4096xi1>, vector<16x4096xf32>
    %select_n3A_1743 = arith.select %eq3A_1741, %concatenate3A_1732, %concatenate3A_1735 : vector<16x4096xi1>, vector<16x4096xi32>
    %and3A_1744 = arith.constant 512 : i32
    %and3A_1745 = vector.broadcast %and3A_1744 : i32 to vector<16x4096xi32>
    %and3A_1746 = arith.andi %iota3A, %and3A_1745 : vector<16x4096xi32>
    %eq3A_1747 = arith.constant 0 : i32
    %eq3A_1748 = vector.broadcast %eq3A_1747 : i32 to vector<16x4096xi32>
    %eq3A_1749 = arith.cmpi eq, %and3A_1746, %eq3A_1748 : vector<16x4096xi32>
    %gt3A_1750 = arith.cmpf ogt, %select_n3A_1722, %select_n3A_1742 : vector<16x4096xf32>
    %eq3A_1751 = arith.cmpf oeq, %select_n3A_1722, %select_n3A_1742 : vector<16x4096xf32>
    %lt3A_1752 = arith.cmpi slt, %select_n3A_1723, %select_n3A_1743 : vector<16x4096xi32>
    %and3A_1753 = arith.andi %eq3A_1751, %lt3A_1752 : vector<16x4096xi1>
    %or3A_1754 = arith.ori %gt3A_1750, %and3A_1753 : vector<16x4096xi1>
    %eq3A_1755 = arith.xori %eq3A_1749, %eq3A_1741 : vector<16x4096xi1>
    %eq3A_1756 = arith.constant dense<true> : vector<16x4096xi1>
    %eq3A_1757 = arith.xori %eq3A_1755, %eq3A_1756 : vector<16x4096xi1>
    %eq3A_1758 = arith.xori %or3A_1754, %eq3A_1757 : vector<16x4096xi1>
    %eq3A_1759 = arith.constant dense<true> : vector<16x4096xi1>
    %eq3A_1760 = arith.xori %eq3A_1758, %eq3A_1759 : vector<16x4096xi1>
    %select_n3A_1761 = arith.select %eq3A_1760, %select_n3A_1722, %select_n3A_1742 : vector<16x4096xi1>, vector<16x4096xf32>
    %select_n3A_1762 = arith.select %eq3A_1760, %select_n3A_1723, %select_n3A_1743 : vector<16x4096xi1>, vector<16x4096xi32>
    %slice3A_1763 = vector.extract_strided_slice %select_n3A_1761 {offsets = [0, 1], sizes = [16, 4095], strides = [1, 1]} : vector<16x4096xf32> to vector<16x4095xf32>
    %slice3A_1764 = vector.extract_strided_slice %select_n3A_1761 {offsets = [0, 0], sizes = [16, 1], strides = [1, 1]} : vector<16x4096xf32> to vector<16x1xf32>
    %concatenate3A_1765 = tpu.concatenate %slice3A_1763, %slice3A_1764 in 1 : vector<16x4095xf32>, vector<16x1xf32> -> vector<16x4096xf32>
    %slice3A_1766 = vector.extract_strided_slice %select_n3A_1761 {offsets = [0, 4095], sizes = [16, 1], strides = [1, 1]} : vector<16x4096xf32> to vector<16x1xf32>
    %slice3A_1767 = vector.extract_strided_slice %select_n3A_1761 {offsets = [0, 0], sizes = [16, 4095], strides = [1, 1]} : vector<16x4096xf32> to vector<16x4095xf32>
    %concatenate3A_1768 = tpu.concatenate %slice3A_1766, %slice3A_1767 in 1 : vector<16x1xf32>, vector<16x4095xf32> -> vector<16x4096xf32>
    %slice3A_1769 = vector.extract_strided_slice %select_n3A_1762 {offsets = [0, 1], sizes = [16, 4095], strides = [1, 1]} : vector<16x4096xi32> to vector<16x4095xi32>
    %slice3A_1770 = vector.extract_strided_slice %select_n3A_1762 {offsets = [0, 0], sizes = [16, 1], strides = [1, 1]} : vector<16x4096xi32> to vector<16x1xi32>
    %concatenate3A_1771 = tpu.concatenate %slice3A_1769, %slice3A_1770 in 1 : vector<16x4095xi32>, vector<16x1xi32> -> vector<16x4096xi32>
    %slice3A_1772 = vector.extract_strided_slice %select_n3A_1762 {offsets = [0, 4095], sizes = [16, 1], strides = [1, 1]} : vector<16x4096xi32> to vector<16x1xi32>
    %slice3A_1773 = vector.extract_strided_slice %select_n3A_1762 {offsets = [0, 0], sizes = [16, 4095], strides = [1, 1]} : vector<16x4096xi32> to vector<16x4095xi32>
    %concatenate3A_1774 = tpu.concatenate %slice3A_1772, %slice3A_1773 in 1 : vector<16x1xi32>, vector<16x4095xi32> -> vector<16x4096xi32>
    %and3A_1775 = arith.constant 1 : i32
    %and3A_1776 = vector.broadcast %and3A_1775 : i32 to vector<16x4096xi32>
    %and3A_1777 = arith.andi %iota3A, %and3A_1776 : vector<16x4096xi32>
    %eq3A_1778 = arith.constant 0 : i32
    %eq3A_1779 = vector.broadcast %eq3A_1778 : i32 to vector<16x4096xi32>
    %eq3A_1780 = arith.cmpi eq, %and3A_1777, %eq3A_1779 : vector<16x4096xi32>
    %select_n3A_1781 = arith.select %eq3A_1780, %concatenate3A_1765, %concatenate3A_1768 : vector<16x4096xi1>, vector<16x4096xf32>
    %select_n3A_1782 = arith.select %eq3A_1780, %concatenate3A_1771, %concatenate3A_1774 : vector<16x4096xi1>, vector<16x4096xi32>
    %and3A_1783 = arith.constant 512 : i32
    %and3A_1784 = vector.broadcast %and3A_1783 : i32 to vector<16x4096xi32>
    %and3A_1785 = arith.andi %iota3A, %and3A_1784 : vector<16x4096xi32>
    %eq3A_1786 = arith.constant 0 : i32
    %eq3A_1787 = vector.broadcast %eq3A_1786 : i32 to vector<16x4096xi32>
    %eq3A_1788 = arith.cmpi eq, %and3A_1785, %eq3A_1787 : vector<16x4096xi32>
    %gt3A_1789 = arith.cmpf ogt, %select_n3A_1761, %select_n3A_1781 : vector<16x4096xf32>
    %eq3A_1790 = arith.cmpf oeq, %select_n3A_1761, %select_n3A_1781 : vector<16x4096xf32>
    %lt3A_1791 = arith.cmpi slt, %select_n3A_1762, %select_n3A_1782 : vector<16x4096xi32>
    %and3A_1792 = arith.andi %eq3A_1790, %lt3A_1791 : vector<16x4096xi1>
    %or3A_1793 = arith.ori %gt3A_1789, %and3A_1792 : vector<16x4096xi1>
    %eq3A_1794 = arith.xori %eq3A_1788, %eq3A_1780 : vector<16x4096xi1>
    %eq3A_1795 = arith.constant dense<true> : vector<16x4096xi1>
    %eq3A_1796 = arith.xori %eq3A_1794, %eq3A_1795 : vector<16x4096xi1>
    %eq3A_1797 = arith.xori %or3A_1793, %eq3A_1796 : vector<16x4096xi1>
    %eq3A_1798 = arith.constant dense<true> : vector<16x4096xi1>
    %eq3A_1799 = arith.xori %eq3A_1797, %eq3A_1798 : vector<16x4096xi1>
    %select_n3A_1800 = arith.select %eq3A_1799, %select_n3A_1761, %select_n3A_1781 : vector<16x4096xi1>, vector<16x4096xf32>
    %select_n3A_1801 = arith.select %eq3A_1799, %select_n3A_1762, %select_n3A_1782 : vector<16x4096xi1>, vector<16x4096xi32>
    %slice3A_1802 = vector.extract_strided_slice %select_n3A_1800 {offsets = [0, 512], sizes = [16, 3584], strides = [1, 1]} : vector<16x4096xf32> to vector<16x3584xf32>
    %slice3A_1803 = vector.extract_strided_slice %select_n3A_1800 {offsets = [0, 0], sizes = [16, 512], strides = [1, 1]} : vector<16x4096xf32> to vector<16x512xf32>
    %concatenate3A_1804 = tpu.concatenate %slice3A_1802, %slice3A_1803 in 1 : vector<16x3584xf32>, vector<16x512xf32> -> vector<16x4096xf32>
    %slice3A_1805 = vector.extract_strided_slice %select_n3A_1800 {offsets = [0, 3584], sizes = [16, 512], strides = [1, 1]} : vector<16x4096xf32> to vector<16x512xf32>
    %slice3A_1806 = vector.extract_strided_slice %select_n3A_1800 {offsets = [0, 0], sizes = [16, 3584], strides = [1, 1]} : vector<16x4096xf32> to vector<16x3584xf32>
    %concatenate3A_1807 = tpu.concatenate %slice3A_1805, %slice3A_1806 in 1 : vector<16x512xf32>, vector<16x3584xf32> -> vector<16x4096xf32>
    %slice3A_1808 = vector.extract_strided_slice %select_n3A_1801 {offsets = [0, 512], sizes = [16, 3584], strides = [1, 1]} : vector<16x4096xi32> to vector<16x3584xi32>
    %slice3A_1809 = vector.extract_strided_slice %select_n3A_1801 {offsets = [0, 0], sizes = [16, 512], strides = [1, 1]} : vector<16x4096xi32> to vector<16x512xi32>
    %concatenate3A_1810 = tpu.concatenate %slice3A_1808, %slice3A_1809 in 1 : vector<16x3584xi32>, vector<16x512xi32> -> vector<16x4096xi32>
    %slice3A_1811 = vector.extract_strided_slice %select_n3A_1801 {offsets = [0, 3584], sizes = [16, 512], strides = [1, 1]} : vector<16x4096xi32> to vector<16x512xi32>
    %slice3A_1812 = vector.extract_strided_slice %select_n3A_1801 {offsets = [0, 0], sizes = [16, 3584], strides = [1, 1]} : vector<16x4096xi32> to vector<16x3584xi32>
    %concatenate3A_1813 = tpu.concatenate %slice3A_1811, %slice3A_1812 in 1 : vector<16x512xi32>, vector<16x3584xi32> -> vector<16x4096xi32>
    %and3A_1814 = arith.constant 512 : i32
    %and3A_1815 = vector.broadcast %and3A_1814 : i32 to vector<16x4096xi32>
    %and3A_1816 = arith.andi %iota3A, %and3A_1815 : vector<16x4096xi32>
    %eq3A_1817 = arith.constant 0 : i32
    %eq3A_1818 = vector.broadcast %eq3A_1817 : i32 to vector<16x4096xi32>
    %eq3A_1819 = arith.cmpi eq, %and3A_1816, %eq3A_1818 : vector<16x4096xi32>
    %select_n3A_1820 = arith.select %eq3A_1819, %concatenate3A_1804, %concatenate3A_1807 : vector<16x4096xi1>, vector<16x4096xf32>
    %select_n3A_1821 = arith.select %eq3A_1819, %concatenate3A_1810, %concatenate3A_1813 : vector<16x4096xi1>, vector<16x4096xi32>
    %and3A_1822 = arith.constant 1024 : i32
    %and3A_1823 = vector.broadcast %and3A_1822 : i32 to vector<16x4096xi32>
    %and3A_1824 = arith.andi %iota3A, %and3A_1823 : vector<16x4096xi32>
    %eq3A_1825 = arith.constant 0 : i32
    %eq3A_1826 = vector.broadcast %eq3A_1825 : i32 to vector<16x4096xi32>
    %eq3A_1827 = arith.cmpi eq, %and3A_1824, %eq3A_1826 : vector<16x4096xi32>
    %gt3A_1828 = arith.cmpf ogt, %select_n3A_1800, %select_n3A_1820 : vector<16x4096xf32>
    %eq3A_1829 = arith.cmpf oeq, %select_n3A_1800, %select_n3A_1820 : vector<16x4096xf32>
    %lt3A_1830 = arith.cmpi slt, %select_n3A_1801, %select_n3A_1821 : vector<16x4096xi32>
    %and3A_1831 = arith.andi %eq3A_1829, %lt3A_1830 : vector<16x4096xi1>
    %or3A_1832 = arith.ori %gt3A_1828, %and3A_1831 : vector<16x4096xi1>
    %eq3A_1833 = arith.xori %eq3A_1827, %eq3A_1819 : vector<16x4096xi1>
    %eq3A_1834 = arith.constant dense<true> : vector<16x4096xi1>
    %eq3A_1835 = arith.xori %eq3A_1833, %eq3A_1834 : vector<16x4096xi1>
    %eq3A_1836 = arith.xori %or3A_1832, %eq3A_1835 : vector<16x4096xi1>
    %eq3A_1837 = arith.constant dense<true> : vector<16x4096xi1>
    %eq3A_1838 = arith.xori %eq3A_1836, %eq3A_1837 : vector<16x4096xi1>
    %select_n3A_1839 = arith.select %eq3A_1838, %select_n3A_1800, %select_n3A_1820 : vector<16x4096xi1>, vector<16x4096xf32>
    %select_n3A_1840 = arith.select %eq3A_1838, %select_n3A_1801, %select_n3A_1821 : vector<16x4096xi1>, vector<16x4096xi32>
    %slice3A_1841 = vector.extract_strided_slice %select_n3A_1839 {offsets = [0, 256], sizes = [16, 3840], strides = [1, 1]} : vector<16x4096xf32> to vector<16x3840xf32>
    %slice3A_1842 = vector.extract_strided_slice %select_n3A_1839 {offsets = [0, 0], sizes = [16, 256], strides = [1, 1]} : vector<16x4096xf32> to vector<16x256xf32>
    %concatenate3A_1843 = tpu.concatenate %slice3A_1841, %slice3A_1842 in 1 : vector<16x3840xf32>, vector<16x256xf32> -> vector<16x4096xf32>
    %slice3A_1844 = vector.extract_strided_slice %select_n3A_1839 {offsets = [0, 3840], sizes = [16, 256], strides = [1, 1]} : vector<16x4096xf32> to vector<16x256xf32>
    %slice3A_1845 = vector.extract_strided_slice %select_n3A_1839 {offsets = [0, 0], sizes = [16, 3840], strides = [1, 1]} : vector<16x4096xf32> to vector<16x3840xf32>
    %concatenate3A_1846 = tpu.concatenate %slice3A_1844, %slice3A_1845 in 1 : vector<16x256xf32>, vector<16x3840xf32> -> vector<16x4096xf32>
    %slice3A_1847 = vector.extract_strided_slice %select_n3A_1840 {offsets = [0, 256], sizes = [16, 3840], strides = [1, 1]} : vector<16x4096xi32> to vector<16x3840xi32>
    %slice3A_1848 = vector.extract_strided_slice %select_n3A_1840 {offsets = [0, 0], sizes = [16, 256], strides = [1, 1]} : vector<16x4096xi32> to vector<16x256xi32>
    %concatenate3A_1849 = tpu.concatenate %slice3A_1847, %slice3A_1848 in 1 : vector<16x3840xi32>, vector<16x256xi32> -> vector<16x4096xi32>
    %slice3A_1850 = vector.extract_strided_slice %select_n3A_1840 {offsets = [0, 3840], sizes = [16, 256], strides = [1, 1]} : vector<16x4096xi32> to vector<16x256xi32>
    %slice3A_1851 = vector.extract_strided_slice %select_n3A_1840 {offsets = [0, 0], sizes = [16, 3840], strides = [1, 1]} : vector<16x4096xi32> to vector<16x3840xi32>
    %concatenate3A_1852 = tpu.concatenate %slice3A_1850, %slice3A_1851 in 1 : vector<16x256xi32>, vector<16x3840xi32> -> vector<16x4096xi32>
    %and3A_1853 = arith.constant 256 : i32
    %and3A_1854 = vector.broadcast %and3A_1853 : i32 to vector<16x4096xi32>
    %and3A_1855 = arith.andi %iota3A, %and3A_1854 : vector<16x4096xi32>
    %eq3A_1856 = arith.constant 0 : i32
    %eq3A_1857 = vector.broadcast %eq3A_1856 : i32 to vector<16x4096xi32>
    %eq3A_1858 = arith.cmpi eq, %and3A_1855, %eq3A_1857 : vector<16x4096xi32>
    %select_n3A_1859 = arith.select %eq3A_1858, %concatenate3A_1843, %concatenate3A_1846 : vector<16x4096xi1>, vector<16x4096xf32>
    %select_n3A_1860 = arith.select %eq3A_1858, %concatenate3A_1849, %concatenate3A_1852 : vector<16x4096xi1>, vector<16x4096xi32>
    %and3A_1861 = arith.constant 1024 : i32
    %and3A_1862 = vector.broadcast %and3A_1861 : i32 to vector<16x4096xi32>
    %and3A_1863 = arith.andi %iota3A, %and3A_1862 : vector<16x4096xi32>
    %eq3A_1864 = arith.constant 0 : i32
    %eq3A_1865 = vector.broadcast %eq3A_1864 : i32 to vector<16x4096xi32>
    %eq3A_1866 = arith.cmpi eq, %and3A_1863, %eq3A_1865 : vector<16x4096xi32>
    %gt3A_1867 = arith.cmpf ogt, %select_n3A_1839, %select_n3A_1859 : vector<16x4096xf32>
    %eq3A_1868 = arith.cmpf oeq, %select_n3A_1839, %select_n3A_1859 : vector<16x4096xf32>
    %lt3A_1869 = arith.cmpi slt, %select_n3A_1840, %select_n3A_1860 : vector<16x4096xi32>
    %and3A_1870 = arith.andi %eq3A_1868, %lt3A_1869 : vector<16x4096xi1>
    %or3A_1871 = arith.ori %gt3A_1867, %and3A_1870 : vector<16x4096xi1>
    %eq3A_1872 = arith.xori %eq3A_1866, %eq3A_1858 : vector<16x4096xi1>
    %eq3A_1873 = arith.constant dense<true> : vector<16x4096xi1>
    %eq3A_1874 = arith.xori %eq3A_1872, %eq3A_1873 : vector<16x4096xi1>
    %eq3A_1875 = arith.xori %or3A_1871, %eq3A_1874 : vector<16x4096xi1>
    %eq3A_1876 = arith.constant dense<true> : vector<16x4096xi1>
    %eq3A_1877 = arith.xori %eq3A_1875, %eq3A_1876 : vector<16x4096xi1>
    %select_n3A_1878 = arith.select %eq3A_1877, %select_n3A_1839, %select_n3A_1859 : vector<16x4096xi1>, vector<16x4096xf32>
    %select_n3A_1879 = arith.select %eq3A_1877, %select_n3A_1840, %select_n3A_1860 : vector<16x4096xi1>, vector<16x4096xi32>
    %slice3A_1880 = vector.extract_strided_slice %select_n3A_1878 {offsets = [0, 128], sizes = [16, 3968], strides = [1, 1]} : vector<16x4096xf32> to vector<16x3968xf32>
    %slice3A_1881 = vector.extract_strided_slice %select_n3A_1878 {offsets = [0, 0], sizes = [16, 128], strides = [1, 1]} : vector<16x4096xf32> to vector<16x128xf32>
    %concatenate3A_1882 = tpu.concatenate %slice3A_1880, %slice3A_1881 in 1 : vector<16x3968xf32>, vector<16x128xf32> -> vector<16x4096xf32>
    %slice3A_1883 = vector.extract_strided_slice %select_n3A_1878 {offsets = [0, 3968], sizes = [16, 128], strides = [1, 1]} : vector<16x4096xf32> to vector<16x128xf32>
    %slice3A_1884 = vector.extract_strided_slice %select_n3A_1878 {offsets = [0, 0], sizes = [16, 3968], strides = [1, 1]} : vector<16x4096xf32> to vector<16x3968xf32>
    %concatenate3A_1885 = tpu.concatenate %slice3A_1883, %slice3A_1884 in 1 : vector<16x128xf32>, vector<16x3968xf32> -> vector<16x4096xf32>
    %slice3A_1886 = vector.extract_strided_slice %select_n3A_1879 {offsets = [0, 128], sizes = [16, 3968], strides = [1, 1]} : vector<16x4096xi32> to vector<16x3968xi32>
    %slice3A_1887 = vector.extract_strided_slice %select_n3A_1879 {offsets = [0, 0], sizes = [16, 128], strides = [1, 1]} : vector<16x4096xi32> to vector<16x128xi32>
    %concatenate3A_1888 = tpu.concatenate %slice3A_1886, %slice3A_1887 in 1 : vector<16x3968xi32>, vector<16x128xi32> -> vector<16x4096xi32>
    %slice3A_1889 = vector.extract_strided_slice %select_n3A_1879 {offsets = [0, 3968], sizes = [16, 128], strides = [1, 1]} : vector<16x4096xi32> to vector<16x128xi32>
    %slice3A_1890 = vector.extract_strided_slice %select_n3A_1879 {offsets = [0, 0], sizes = [16, 3968], strides = [1, 1]} : vector<16x4096xi32> to vector<16x3968xi32>
    %concatenate3A_1891 = tpu.concatenate %slice3A_1889, %slice3A_1890 in 1 : vector<16x128xi32>, vector<16x3968xi32> -> vector<16x4096xi32>
    %and3A_1892 = arith.constant 128 : i32
    %and3A_1893 = vector.broadcast %and3A_1892 : i32 to vector<16x4096xi32>
    %and3A_1894 = arith.andi %iota3A, %and3A_1893 : vector<16x4096xi32>
    %eq3A_1895 = arith.constant 0 : i32
    %eq3A_1896 = vector.broadcast %eq3A_1895 : i32 to vector<16x4096xi32>
    %eq3A_1897 = arith.cmpi eq, %and3A_1894, %eq3A_1896 : vector<16x4096xi32>
    %select_n3A_1898 = arith.select %eq3A_1897, %concatenate3A_1882, %concatenate3A_1885 : vector<16x4096xi1>, vector<16x4096xf32>
    %select_n3A_1899 = arith.select %eq3A_1897, %concatenate3A_1888, %concatenate3A_1891 : vector<16x4096xi1>, vector<16x4096xi32>
    %and3A_1900 = arith.constant 1024 : i32
    %and3A_1901 = vector.broadcast %and3A_1900 : i32 to vector<16x4096xi32>
    %and3A_1902 = arith.andi %iota3A, %and3A_1901 : vector<16x4096xi32>
    %eq3A_1903 = arith.constant 0 : i32
    %eq3A_1904 = vector.broadcast %eq3A_1903 : i32 to vector<16x4096xi32>
    %eq3A_1905 = arith.cmpi eq, %and3A_1902, %eq3A_1904 : vector<16x4096xi32>
    %gt3A_1906 = arith.cmpf ogt, %select_n3A_1878, %select_n3A_1898 : vector<16x4096xf32>
    %eq3A_1907 = arith.cmpf oeq, %select_n3A_1878, %select_n3A_1898 : vector<16x4096xf32>
    %lt3A_1908 = arith.cmpi slt, %select_n3A_1879, %select_n3A_1899 : vector<16x4096xi32>
    %and3A_1909 = arith.andi %eq3A_1907, %lt3A_1908 : vector<16x4096xi1>
    %or3A_1910 = arith.ori %gt3A_1906, %and3A_1909 : vector<16x4096xi1>
    %eq3A_1911 = arith.xori %eq3A_1905, %eq3A_1897 : vector<16x4096xi1>
    %eq3A_1912 = arith.constant dense<true> : vector<16x4096xi1>
    %eq3A_1913 = arith.xori %eq3A_1911, %eq3A_1912 : vector<16x4096xi1>
    %eq3A_1914 = arith.xori %or3A_1910, %eq3A_1913 : vector<16x4096xi1>
    %eq3A_1915 = arith.constant dense<true> : vector<16x4096xi1>
    %eq3A_1916 = arith.xori %eq3A_1914, %eq3A_1915 : vector<16x4096xi1>
    %select_n3A_1917 = arith.select %eq3A_1916, %select_n3A_1878, %select_n3A_1898 : vector<16x4096xi1>, vector<16x4096xf32>
    %select_n3A_1918 = arith.select %eq3A_1916, %select_n3A_1879, %select_n3A_1899 : vector<16x4096xi1>, vector<16x4096xi32>
    %slice3A_1919 = vector.extract_strided_slice %select_n3A_1917 {offsets = [0, 64], sizes = [16, 4032], strides = [1, 1]} : vector<16x4096xf32> to vector<16x4032xf32>
    %slice3A_1920 = vector.extract_strided_slice %select_n3A_1917 {offsets = [0, 0], sizes = [16, 64], strides = [1, 1]} : vector<16x4096xf32> to vector<16x64xf32>
    %concatenate3A_1921 = tpu.concatenate %slice3A_1919, %slice3A_1920 in 1 : vector<16x4032xf32>, vector<16x64xf32> -> vector<16x4096xf32>
    %slice3A_1922 = vector.extract_strided_slice %select_n3A_1917 {offsets = [0, 4032], sizes = [16, 64], strides = [1, 1]} : vector<16x4096xf32> to vector<16x64xf32>
    %slice3A_1923 = vector.extract_strided_slice %select_n3A_1917 {offsets = [0, 0], sizes = [16, 4032], strides = [1, 1]} : vector<16x4096xf32> to vector<16x4032xf32>
    %concatenate3A_1924 = tpu.concatenate %slice3A_1922, %slice3A_1923 in 1 : vector<16x64xf32>, vector<16x4032xf32> -> vector<16x4096xf32>
    %slice3A_1925 = vector.extract_strided_slice %select_n3A_1918 {offsets = [0, 64], sizes = [16, 4032], strides = [1, 1]} : vector<16x4096xi32> to vector<16x4032xi32>
    %slice3A_1926 = vector.extract_strided_slice %select_n3A_1918 {offsets = [0, 0], sizes = [16, 64], strides = [1, 1]} : vector<16x4096xi32> to vector<16x64xi32>
    %concatenate3A_1927 = tpu.concatenate %slice3A_1925, %slice3A_1926 in 1 : vector<16x4032xi32>, vector<16x64xi32> -> vector<16x4096xi32>
    %slice3A_1928 = vector.extract_strided_slice %select_n3A_1918 {offsets = [0, 4032], sizes = [16, 64], strides = [1, 1]} : vector<16x4096xi32> to vector<16x64xi32>
    %slice3A_1929 = vector.extract_strided_slice %select_n3A_1918 {offsets = [0, 0], sizes = [16, 4032], strides = [1, 1]} : vector<16x4096xi32> to vector<16x4032xi32>
    %concatenate3A_1930 = tpu.concatenate %slice3A_1928, %slice3A_1929 in 1 : vector<16x64xi32>, vector<16x4032xi32> -> vector<16x4096xi32>
    %and3A_1931 = arith.constant 64 : i32
    %and3A_1932 = vector.broadcast %and3A_1931 : i32 to vector<16x4096xi32>
    %and3A_1933 = arith.andi %iota3A, %and3A_1932 : vector<16x4096xi32>
    %eq3A_1934 = arith.constant 0 : i32
    %eq3A_1935 = vector.broadcast %eq3A_1934 : i32 to vector<16x4096xi32>
    %eq3A_1936 = arith.cmpi eq, %and3A_1933, %eq3A_1935 : vector<16x4096xi32>
    %select_n3A_1937 = arith.select %eq3A_1936, %concatenate3A_1921, %concatenate3A_1924 : vector<16x4096xi1>, vector<16x4096xf32>
    %select_n3A_1938 = arith.select %eq3A_1936, %concatenate3A_1927, %concatenate3A_1930 : vector<16x4096xi1>, vector<16x4096xi32>
    %and3A_1939 = arith.constant 1024 : i32
    %and3A_1940 = vector.broadcast %and3A_1939 : i32 to vector<16x4096xi32>
    %and3A_1941 = arith.andi %iota3A, %and3A_1940 : vector<16x4096xi32>
    %eq3A_1942 = arith.constant 0 : i32
    %eq3A_1943 = vector.broadcast %eq3A_1942 : i32 to vector<16x4096xi32>
    %eq3A_1944 = arith.cmpi eq, %and3A_1941, %eq3A_1943 : vector<16x4096xi32>
    %gt3A_1945 = arith.cmpf ogt, %select_n3A_1917, %select_n3A_1937 : vector<16x4096xf32>
    %eq3A_1946 = arith.cmpf oeq, %select_n3A_1917, %select_n3A_1937 : vector<16x4096xf32>
    %lt3A_1947 = arith.cmpi slt, %select_n3A_1918, %select_n3A_1938 : vector<16x4096xi32>
    %and3A_1948 = arith.andi %eq3A_1946, %lt3A_1947 : vector<16x4096xi1>
    %or3A_1949 = arith.ori %gt3A_1945, %and3A_1948 : vector<16x4096xi1>
    %eq3A_1950 = arith.xori %eq3A_1944, %eq3A_1936 : vector<16x4096xi1>
    %eq3A_1951 = arith.constant dense<true> : vector<16x4096xi1>
    %eq3A_1952 = arith.xori %eq3A_1950, %eq3A_1951 : vector<16x4096xi1>
    %eq3A_1953 = arith.xori %or3A_1949, %eq3A_1952 : vector<16x4096xi1>
    %eq3A_1954 = arith.constant dense<true> : vector<16x4096xi1>
    %eq3A_1955 = arith.xori %eq3A_1953, %eq3A_1954 : vector<16x4096xi1>
    %select_n3A_1956 = arith.select %eq3A_1955, %select_n3A_1917, %select_n3A_1937 : vector<16x4096xi1>, vector<16x4096xf32>
    %select_n3A_1957 = arith.select %eq3A_1955, %select_n3A_1918, %select_n3A_1938 : vector<16x4096xi1>, vector<16x4096xi32>
    %slice3A_1958 = vector.extract_strided_slice %select_n3A_1956 {offsets = [0, 32], sizes = [16, 4064], strides = [1, 1]} : vector<16x4096xf32> to vector<16x4064xf32>
    %slice3A_1959 = vector.extract_strided_slice %select_n3A_1956 {offsets = [0, 0], sizes = [16, 32], strides = [1, 1]} : vector<16x4096xf32> to vector<16x32xf32>
    %concatenate3A_1960 = tpu.concatenate %slice3A_1958, %slice3A_1959 in 1 : vector<16x4064xf32>, vector<16x32xf32> -> vector<16x4096xf32>
    %slice3A_1961 = vector.extract_strided_slice %select_n3A_1956 {offsets = [0, 4064], sizes = [16, 32], strides = [1, 1]} : vector<16x4096xf32> to vector<16x32xf32>
    %slice3A_1962 = vector.extract_strided_slice %select_n3A_1956 {offsets = [0, 0], sizes = [16, 4064], strides = [1, 1]} : vector<16x4096xf32> to vector<16x4064xf32>
    %concatenate3A_1963 = tpu.concatenate %slice3A_1961, %slice3A_1962 in 1 : vector<16x32xf32>, vector<16x4064xf32> -> vector<16x4096xf32>
    %slice3A_1964 = vector.extract_strided_slice %select_n3A_1957 {offsets = [0, 32], sizes = [16, 4064], strides = [1, 1]} : vector<16x4096xi32> to vector<16x4064xi32>
    %slice3A_1965 = vector.extract_strided_slice %select_n3A_1957 {offsets = [0, 0], sizes = [16, 32], strides = [1, 1]} : vector<16x4096xi32> to vector<16x32xi32>
    %concatenate3A_1966 = tpu.concatenate %slice3A_1964, %slice3A_1965 in 1 : vector<16x4064xi32>, vector<16x32xi32> -> vector<16x4096xi32>
    %slice3A_1967 = vector.extract_strided_slice %select_n3A_1957 {offsets = [0, 4064], sizes = [16, 32], strides = [1, 1]} : vector<16x4096xi32> to vector<16x32xi32>
    %slice3A_1968 = vector.extract_strided_slice %select_n3A_1957 {offsets = [0, 0], sizes = [16, 4064], strides = [1, 1]} : vector<16x4096xi32> to vector<16x4064xi32>
    %concatenate3A_1969 = tpu.concatenate %slice3A_1967, %slice3A_1968 in 1 : vector<16x32xi32>, vector<16x4064xi32> -> vector<16x4096xi32>
    %and3A_1970 = arith.constant 32 : i32
    %and3A_1971 = vector.broadcast %and3A_1970 : i32 to vector<16x4096xi32>
    %and3A_1972 = arith.andi %iota3A, %and3A_1971 : vector<16x4096xi32>
    %eq3A_1973 = arith.constant 0 : i32
    %eq3A_1974 = vector.broadcast %eq3A_1973 : i32 to vector<16x4096xi32>
    %eq3A_1975 = arith.cmpi eq, %and3A_1972, %eq3A_1974 : vector<16x4096xi32>
    %select_n3A_1976 = arith.select %eq3A_1975, %concatenate3A_1960, %concatenate3A_1963 : vector<16x4096xi1>, vector<16x4096xf32>
    %select_n3A_1977 = arith.select %eq3A_1975, %concatenate3A_1966, %concatenate3A_1969 : vector<16x4096xi1>, vector<16x4096xi32>
    %and3A_1978 = arith.constant 1024 : i32
    %and3A_1979 = vector.broadcast %and3A_1978 : i32 to vector<16x4096xi32>
    %and3A_1980 = arith.andi %iota3A, %and3A_1979 : vector<16x4096xi32>
    %eq3A_1981 = arith.constant 0 : i32
    %eq3A_1982 = vector.broadcast %eq3A_1981 : i32 to vector<16x4096xi32>
    %eq3A_1983 = arith.cmpi eq, %and3A_1980, %eq3A_1982 : vector<16x4096xi32>
    %gt3A_1984 = arith.cmpf ogt, %select_n3A_1956, %select_n3A_1976 : vector<16x4096xf32>
    %eq3A_1985 = arith.cmpf oeq, %select_n3A_1956, %select_n3A_1976 : vector<16x4096xf32>
    %lt3A_1986 = arith.cmpi slt, %select_n3A_1957, %select_n3A_1977 : vector<16x4096xi32>
    %and3A_1987 = arith.andi %eq3A_1985, %lt3A_1986 : vector<16x4096xi1>
    %or3A_1988 = arith.ori %gt3A_1984, %and3A_1987 : vector<16x4096xi1>
    %eq3A_1989 = arith.xori %eq3A_1983, %eq3A_1975 : vector<16x4096xi1>
    %eq3A_1990 = arith.constant dense<true> : vector<16x4096xi1>
    %eq3A_1991 = arith.xori %eq3A_1989, %eq3A_1990 : vector<16x4096xi1>
    %eq3A_1992 = arith.xori %or3A_1988, %eq3A_1991 : vector<16x4096xi1>
    %eq3A_1993 = arith.constant dense<true> : vector<16x4096xi1>
    %eq3A_1994 = arith.xori %eq3A_1992, %eq3A_1993 : vector<16x4096xi1>
    %select_n3A_1995 = arith.select %eq3A_1994, %select_n3A_1956, %select_n3A_1976 : vector<16x4096xi1>, vector<16x4096xf32>
    %select_n3A_1996 = arith.select %eq3A_1994, %select_n3A_1957, %select_n3A_1977 : vector<16x4096xi1>, vector<16x4096xi32>
    %slice3A_1997 = vector.extract_strided_slice %select_n3A_1995 {offsets = [0, 16], sizes = [16, 4080], strides = [1, 1]} : vector<16x4096xf32> to vector<16x4080xf32>
    %slice3A_1998 = vector.extract_strided_slice %select_n3A_1995 {offsets = [0, 0], sizes = [16, 16], strides = [1, 1]} : vector<16x4096xf32> to vector<16x16xf32>
    %concatenate3A_1999 = tpu.concatenate %slice3A_1997, %slice3A_1998 in 1 : vector<16x4080xf32>, vector<16x16xf32> -> vector<16x4096xf32>
    %slice3A_2000 = vector.extract_strided_slice %select_n3A_1995 {offsets = [0, 4080], sizes = [16, 16], strides = [1, 1]} : vector<16x4096xf32> to vector<16x16xf32>
    %slice3A_2001 = vector.extract_strided_slice %select_n3A_1995 {offsets = [0, 0], sizes = [16, 4080], strides = [1, 1]} : vector<16x4096xf32> to vector<16x4080xf32>
    %concatenate3A_2002 = tpu.concatenate %slice3A_2000, %slice3A_2001 in 1 : vector<16x16xf32>, vector<16x4080xf32> -> vector<16x4096xf32>
    %slice3A_2003 = vector.extract_strided_slice %select_n3A_1996 {offsets = [0, 16], sizes = [16, 4080], strides = [1, 1]} : vector<16x4096xi32> to vector<16x4080xi32>
    %slice3A_2004 = vector.extract_strided_slice %select_n3A_1996 {offsets = [0, 0], sizes = [16, 16], strides = [1, 1]} : vector<16x4096xi32> to vector<16x16xi32>
    %concatenate3A_2005 = tpu.concatenate %slice3A_2003, %slice3A_2004 in 1 : vector<16x4080xi32>, vector<16x16xi32> -> vector<16x4096xi32>
    %slice3A_2006 = vector.extract_strided_slice %select_n3A_1996 {offsets = [0, 4080], sizes = [16, 16], strides = [1, 1]} : vector<16x4096xi32> to vector<16x16xi32>
    %slice3A_2007 = vector.extract_strided_slice %select_n3A_1996 {offsets = [0, 0], sizes = [16, 4080], strides = [1, 1]} : vector<16x4096xi32> to vector<16x4080xi32>
    %concatenate3A_2008 = tpu.concatenate %slice3A_2006, %slice3A_2007 in 1 : vector<16x16xi32>, vector<16x4080xi32> -> vector<16x4096xi32>
    %and3A_2009 = arith.constant 16 : i32
    %and3A_2010 = vector.broadcast %and3A_2009 : i32 to vector<16x4096xi32>
    %and3A_2011 = arith.andi %iota3A, %and3A_2010 : vector<16x4096xi32>
    %eq3A_2012 = arith.constant 0 : i32
    %eq3A_2013 = vector.broadcast %eq3A_2012 : i32 to vector<16x4096xi32>
    %eq3A_2014 = arith.cmpi eq, %and3A_2011, %eq3A_2013 : vector<16x4096xi32>
    %select_n3A_2015 = arith.select %eq3A_2014, %concatenate3A_1999, %concatenate3A_2002 : vector<16x4096xi1>, vector<16x4096xf32>
    %select_n3A_2016 = arith.select %eq3A_2014, %concatenate3A_2005, %concatenate3A_2008 : vector<16x4096xi1>, vector<16x4096xi32>
    %and3A_2017 = arith.constant 1024 : i32
    %and3A_2018 = vector.broadcast %and3A_2017 : i32 to vector<16x4096xi32>
    %and3A_2019 = arith.andi %iota3A, %and3A_2018 : vector<16x4096xi32>
    %eq3A_2020 = arith.constant 0 : i32
    %eq3A_2021 = vector.broadcast %eq3A_2020 : i32 to vector<16x4096xi32>
    %eq3A_2022 = arith.cmpi eq, %and3A_2019, %eq3A_2021 : vector<16x4096xi32>
    %gt3A_2023 = arith.cmpf ogt, %select_n3A_1995, %select_n3A_2015 : vector<16x4096xf32>
    %eq3A_2024 = arith.cmpf oeq, %select_n3A_1995, %select_n3A_2015 : vector<16x4096xf32>
    %lt3A_2025 = arith.cmpi slt, %select_n3A_1996, %select_n3A_2016 : vector<16x4096xi32>
    %and3A_2026 = arith.andi %eq3A_2024, %lt3A_2025 : vector<16x4096xi1>
    %or3A_2027 = arith.ori %gt3A_2023, %and3A_2026 : vector<16x4096xi1>
    %eq3A_2028 = arith.xori %eq3A_2022, %eq3A_2014 : vector<16x4096xi1>
    %eq3A_2029 = arith.constant dense<true> : vector<16x4096xi1>
    %eq3A_2030 = arith.xori %eq3A_2028, %eq3A_2029 : vector<16x4096xi1>
    %eq3A_2031 = arith.xori %or3A_2027, %eq3A_2030 : vector<16x4096xi1>
    %eq3A_2032 = arith.constant dense<true> : vector<16x4096xi1>
    %eq3A_2033 = arith.xori %eq3A_2031, %eq3A_2032 : vector<16x4096xi1>
    %select_n3A_2034 = arith.select %eq3A_2033, %select_n3A_1995, %select_n3A_2015 : vector<16x4096xi1>, vector<16x4096xf32>
    %select_n3A_2035 = arith.select %eq3A_2033, %select_n3A_1996, %select_n3A_2016 : vector<16x4096xi1>, vector<16x4096xi32>
    %slice3A_2036 = vector.extract_strided_slice %select_n3A_2034 {offsets = [0, 8], sizes = [16, 4088], strides = [1, 1]} : vector<16x4096xf32> to vector<16x4088xf32>
    %slice3A_2037 = vector.extract_strided_slice %select_n3A_2034 {offsets = [0, 0], sizes = [16, 8], strides = [1, 1]} : vector<16x4096xf32> to vector<16x8xf32>
    %concatenate3A_2038 = tpu.concatenate %slice3A_2036, %slice3A_2037 in 1 : vector<16x4088xf32>, vector<16x8xf32> -> vector<16x4096xf32>
    %slice3A_2039 = vector.extract_strided_slice %select_n3A_2034 {offsets = [0, 4088], sizes = [16, 8], strides = [1, 1]} : vector<16x4096xf32> to vector<16x8xf32>
    %slice3A_2040 = vector.extract_strided_slice %select_n3A_2034 {offsets = [0, 0], sizes = [16, 4088], strides = [1, 1]} : vector<16x4096xf32> to vector<16x4088xf32>
    %concatenate3A_2041 = tpu.concatenate %slice3A_2039, %slice3A_2040 in 1 : vector<16x8xf32>, vector<16x4088xf32> -> vector<16x4096xf32>
    %slice3A_2042 = vector.extract_strided_slice %select_n3A_2035 {offsets = [0, 8], sizes = [16, 4088], strides = [1, 1]} : vector<16x4096xi32> to vector<16x4088xi32>
    %slice3A_2043 = vector.extract_strided_slice %select_n3A_2035 {offsets = [0, 0], sizes = [16, 8], strides = [1, 1]} : vector<16x4096xi32> to vector<16x8xi32>
    %concatenate3A_2044 = tpu.concatenate %slice3A_2042, %slice3A_2043 in 1 : vector<16x4088xi32>, vector<16x8xi32> -> vector<16x4096xi32>
    %slice3A_2045 = vector.extract_strided_slice %select_n3A_2035 {offsets = [0, 4088], sizes = [16, 8], strides = [1, 1]} : vector<16x4096xi32> to vector<16x8xi32>
    %slice3A_2046 = vector.extract_strided_slice %select_n3A_2035 {offsets = [0, 0], sizes = [16, 4088], strides = [1, 1]} : vector<16x4096xi32> to vector<16x4088xi32>
    %concatenate3A_2047 = tpu.concatenate %slice3A_2045, %slice3A_2046 in 1 : vector<16x8xi32>, vector<16x4088xi32> -> vector<16x4096xi32>
    %and3A_2048 = arith.constant 8 : i32
    %and3A_2049 = vector.broadcast %and3A_2048 : i32 to vector<16x4096xi32>
    %and3A_2050 = arith.andi %iota3A, %and3A_2049 : vector<16x4096xi32>
    %eq3A_2051 = arith.constant 0 : i32
    %eq3A_2052 = vector.broadcast %eq3A_2051 : i32 to vector<16x4096xi32>
    %eq3A_2053 = arith.cmpi eq, %and3A_2050, %eq3A_2052 : vector<16x4096xi32>
    %select_n3A_2054 = arith.select %eq3A_2053, %concatenate3A_2038, %concatenate3A_2041 : vector<16x4096xi1>, vector<16x4096xf32>
    %select_n3A_2055 = arith.select %eq3A_2053, %concatenate3A_2044, %concatenate3A_2047 : vector<16x4096xi1>, vector<16x4096xi32>
    %and3A_2056 = arith.constant 1024 : i32
    %and3A_2057 = vector.broadcast %and3A_2056 : i32 to vector<16x4096xi32>
    %and3A_2058 = arith.andi %iota3A, %and3A_2057 : vector<16x4096xi32>
    %eq3A_2059 = arith.constant 0 : i32
    %eq3A_2060 = vector.broadcast %eq3A_2059 : i32 to vector<16x4096xi32>
    %eq3A_2061 = arith.cmpi eq, %and3A_2058, %eq3A_2060 : vector<16x4096xi32>
    %gt3A_2062 = arith.cmpf ogt, %select_n3A_2034, %select_n3A_2054 : vector<16x4096xf32>
    %eq3A_2063 = arith.cmpf oeq, %select_n3A_2034, %select_n3A_2054 : vector<16x4096xf32>
    %lt3A_2064 = arith.cmpi slt, %select_n3A_2035, %select_n3A_2055 : vector<16x4096xi32>
    %and3A_2065 = arith.andi %eq3A_2063, %lt3A_2064 : vector<16x4096xi1>
    %or3A_2066 = arith.ori %gt3A_2062, %and3A_2065 : vector<16x4096xi1>
    %eq3A_2067 = arith.xori %eq3A_2061, %eq3A_2053 : vector<16x4096xi1>
    %eq3A_2068 = arith.constant dense<true> : vector<16x4096xi1>
    %eq3A_2069 = arith.xori %eq3A_2067, %eq3A_2068 : vector<16x4096xi1>
    %eq3A_2070 = arith.xori %or3A_2066, %eq3A_2069 : vector<16x4096xi1>
    %eq3A_2071 = arith.constant dense<true> : vector<16x4096xi1>
    %eq3A_2072 = arith.xori %eq3A_2070, %eq3A_2071 : vector<16x4096xi1>
    %select_n3A_2073 = arith.select %eq3A_2072, %select_n3A_2034, %select_n3A_2054 : vector<16x4096xi1>, vector<16x4096xf32>
    %select_n3A_2074 = arith.select %eq3A_2072, %select_n3A_2035, %select_n3A_2055 : vector<16x4096xi1>, vector<16x4096xi32>
    %slice3A_2075 = vector.extract_strided_slice %select_n3A_2073 {offsets = [0, 4], sizes = [16, 4092], strides = [1, 1]} : vector<16x4096xf32> to vector<16x4092xf32>
    %slice3A_2076 = vector.extract_strided_slice %select_n3A_2073 {offsets = [0, 0], sizes = [16, 4], strides = [1, 1]} : vector<16x4096xf32> to vector<16x4xf32>
    %concatenate3A_2077 = tpu.concatenate %slice3A_2075, %slice3A_2076 in 1 : vector<16x4092xf32>, vector<16x4xf32> -> vector<16x4096xf32>
    %slice3A_2078 = vector.extract_strided_slice %select_n3A_2073 {offsets = [0, 4092], sizes = [16, 4], strides = [1, 1]} : vector<16x4096xf32> to vector<16x4xf32>
    %slice3A_2079 = vector.extract_strided_slice %select_n3A_2073 {offsets = [0, 0], sizes = [16, 4092], strides = [1, 1]} : vector<16x4096xf32> to vector<16x4092xf32>
    %concatenate3A_2080 = tpu.concatenate %slice3A_2078, %slice3A_2079 in 1 : vector<16x4xf32>, vector<16x4092xf32> -> vector<16x4096xf32>
    %slice3A_2081 = vector.extract_strided_slice %select_n3A_2074 {offsets = [0, 4], sizes = [16, 4092], strides = [1, 1]} : vector<16x4096xi32> to vector<16x4092xi32>
    %slice3A_2082 = vector.extract_strided_slice %select_n3A_2074 {offsets = [0, 0], sizes = [16, 4], strides = [1, 1]} : vector<16x4096xi32> to vector<16x4xi32>
    %concatenate3A_2083 = tpu.concatenate %slice3A_2081, %slice3A_2082 in 1 : vector<16x4092xi32>, vector<16x4xi32> -> vector<16x4096xi32>
    %slice3A_2084 = vector.extract_strided_slice %select_n3A_2074 {offsets = [0, 4092], sizes = [16, 4], strides = [1, 1]} : vector<16x4096xi32> to vector<16x4xi32>
    %slice3A_2085 = vector.extract_strided_slice %select_n3A_2074 {offsets = [0, 0], sizes = [16, 4092], strides = [1, 1]} : vector<16x4096xi32> to vector<16x4092xi32>
    %concatenate3A_2086 = tpu.concatenate %slice3A_2084, %slice3A_2085 in 1 : vector<16x4xi32>, vector<16x4092xi32> -> vector<16x4096xi32>
    %and3A_2087 = arith.constant 4 : i32
    %and3A_2088 = vector.broadcast %and3A_2087 : i32 to vector<16x4096xi32>
    %and3A_2089 = arith.andi %iota3A, %and3A_2088 : vector<16x4096xi32>
    %eq3A_2090 = arith.constant 0 : i32
    %eq3A_2091 = vector.broadcast %eq3A_2090 : i32 to vector<16x4096xi32>
    %eq3A_2092 = arith.cmpi eq, %and3A_2089, %eq3A_2091 : vector<16x4096xi32>
    %select_n3A_2093 = arith.select %eq3A_2092, %concatenate3A_2077, %concatenate3A_2080 : vector<16x4096xi1>, vector<16x4096xf32>
    %select_n3A_2094 = arith.select %eq3A_2092, %concatenate3A_2083, %concatenate3A_2086 : vector<16x4096xi1>, vector<16x4096xi32>
    %and3A_2095 = arith.constant 1024 : i32
    %and3A_2096 = vector.broadcast %and3A_2095 : i32 to vector<16x4096xi32>
    %and3A_2097 = arith.andi %iota3A, %and3A_2096 : vector<16x4096xi32>
    %eq3A_2098 = arith.constant 0 : i32
    %eq3A_2099 = vector.broadcast %eq3A_2098 : i32 to vector<16x4096xi32>
    %eq3A_2100 = arith.cmpi eq, %and3A_2097, %eq3A_2099 : vector<16x4096xi32>
    %gt3A_2101 = arith.cmpf ogt, %select_n3A_2073, %select_n3A_2093 : vector<16x4096xf32>
    %eq3A_2102 = arith.cmpf oeq, %select_n3A_2073, %select_n3A_2093 : vector<16x4096xf32>
    %lt3A_2103 = arith.cmpi slt, %select_n3A_2074, %select_n3A_2094 : vector<16x4096xi32>
    %and3A_2104 = arith.andi %eq3A_2102, %lt3A_2103 : vector<16x4096xi1>
    %or3A_2105 = arith.ori %gt3A_2101, %and3A_2104 : vector<16x4096xi1>
    %eq3A_2106 = arith.xori %eq3A_2100, %eq3A_2092 : vector<16x4096xi1>
    %eq3A_2107 = arith.constant dense<true> : vector<16x4096xi1>
    %eq3A_2108 = arith.xori %eq3A_2106, %eq3A_2107 : vector<16x4096xi1>
    %eq3A_2109 = arith.xori %or3A_2105, %eq3A_2108 : vector<16x4096xi1>
    %eq3A_2110 = arith.constant dense<true> : vector<16x4096xi1>
    %eq3A_2111 = arith.xori %eq3A_2109, %eq3A_2110 : vector<16x4096xi1>
    %select_n3A_2112 = arith.select %eq3A_2111, %select_n3A_2073, %select_n3A_2093 : vector<16x4096xi1>, vector<16x4096xf32>
    %select_n3A_2113 = arith.select %eq3A_2111, %select_n3A_2074, %select_n3A_2094 : vector<16x4096xi1>, vector<16x4096xi32>
    %slice3A_2114 = vector.extract_strided_slice %select_n3A_2112 {offsets = [0, 2], sizes = [16, 4094], strides = [1, 1]} : vector<16x4096xf32> to vector<16x4094xf32>
    %slice3A_2115 = vector.extract_strided_slice %select_n3A_2112 {offsets = [0, 0], sizes = [16, 2], strides = [1, 1]} : vector<16x4096xf32> to vector<16x2xf32>
    %concatenate3A_2116 = tpu.concatenate %slice3A_2114, %slice3A_2115 in 1 : vector<16x4094xf32>, vector<16x2xf32> -> vector<16x4096xf32>
    %slice3A_2117 = vector.extract_strided_slice %select_n3A_2112 {offsets = [0, 4094], sizes = [16, 2], strides = [1, 1]} : vector<16x4096xf32> to vector<16x2xf32>
    %slice3A_2118 = vector.extract_strided_slice %select_n3A_2112 {offsets = [0, 0], sizes = [16, 4094], strides = [1, 1]} : vector<16x4096xf32> to vector<16x4094xf32>
    %concatenate3A_2119 = tpu.concatenate %slice3A_2117, %slice3A_2118 in 1 : vector<16x2xf32>, vector<16x4094xf32> -> vector<16x4096xf32>
    %slice3A_2120 = vector.extract_strided_slice %select_n3A_2113 {offsets = [0, 2], sizes = [16, 4094], strides = [1, 1]} : vector<16x4096xi32> to vector<16x4094xi32>
    %slice3A_2121 = vector.extract_strided_slice %select_n3A_2113 {offsets = [0, 0], sizes = [16, 2], strides = [1, 1]} : vector<16x4096xi32> to vector<16x2xi32>
    %concatenate3A_2122 = tpu.concatenate %slice3A_2120, %slice3A_2121 in 1 : vector<16x4094xi32>, vector<16x2xi32> -> vector<16x4096xi32>
    %slice3A_2123 = vector.extract_strided_slice %select_n3A_2113 {offsets = [0, 4094], sizes = [16, 2], strides = [1, 1]} : vector<16x4096xi32> to vector<16x2xi32>
    %slice3A_2124 = vector.extract_strided_slice %select_n3A_2113 {offsets = [0, 0], sizes = [16, 4094], strides = [1, 1]} : vector<16x4096xi32> to vector<16x4094xi32>
    %concatenate3A_2125 = tpu.concatenate %slice3A_2123, %slice3A_2124 in 1 : vector<16x2xi32>, vector<16x4094xi32> -> vector<16x4096xi32>
    %and3A_2126 = arith.constant 2 : i32
    %and3A_2127 = vector.broadcast %and3A_2126 : i32 to vector<16x4096xi32>
    %and3A_2128 = arith.andi %iota3A, %and3A_2127 : vector<16x4096xi32>
    %eq3A_2129 = arith.constant 0 : i32
    %eq3A_2130 = vector.broadcast %eq3A_2129 : i32 to vector<16x4096xi32>
    %eq3A_2131 = arith.cmpi eq, %and3A_2128, %eq3A_2130 : vector<16x4096xi32>
    %select_n3A_2132 = arith.select %eq3A_2131, %concatenate3A_2116, %concatenate3A_2119 : vector<16x4096xi1>, vector<16x4096xf32>
    %select_n3A_2133 = arith.select %eq3A_2131, %concatenate3A_2122, %concatenate3A_2125 : vector<16x4096xi1>, vector<16x4096xi32>
    %and3A_2134 = arith.constant 1024 : i32
    %and3A_2135 = vector.broadcast %and3A_2134 : i32 to vector<16x4096xi32>
    %and3A_2136 = arith.andi %iota3A, %and3A_2135 : vector<16x4096xi32>
    %eq3A_2137 = arith.constant 0 : i32
    %eq3A_2138 = vector.broadcast %eq3A_2137 : i32 to vector<16x4096xi32>
    %eq3A_2139 = arith.cmpi eq, %and3A_2136, %eq3A_2138 : vector<16x4096xi32>
    %gt3A_2140 = arith.cmpf ogt, %select_n3A_2112, %select_n3A_2132 : vector<16x4096xf32>
    %eq3A_2141 = arith.cmpf oeq, %select_n3A_2112, %select_n3A_2132 : vector<16x4096xf32>
    %lt3A_2142 = arith.cmpi slt, %select_n3A_2113, %select_n3A_2133 : vector<16x4096xi32>
    %and3A_2143 = arith.andi %eq3A_2141, %lt3A_2142 : vector<16x4096xi1>
    %or3A_2144 = arith.ori %gt3A_2140, %and3A_2143 : vector<16x4096xi1>
    %eq3A_2145 = arith.xori %eq3A_2139, %eq3A_2131 : vector<16x4096xi1>
    %eq3A_2146 = arith.constant dense<true> : vector<16x4096xi1>
    %eq3A_2147 = arith.xori %eq3A_2145, %eq3A_2146 : vector<16x4096xi1>
    %eq3A_2148 = arith.xori %or3A_2144, %eq3A_2147 : vector<16x4096xi1>
    %eq3A_2149 = arith.constant dense<true> : vector<16x4096xi1>
    %eq3A_2150 = arith.xori %eq3A_2148, %eq3A_2149 : vector<16x4096xi1>
    %select_n3A_2151 = arith.select %eq3A_2150, %select_n3A_2112, %select_n3A_2132 : vector<16x4096xi1>, vector<16x4096xf32>
    %select_n3A_2152 = arith.select %eq3A_2150, %select_n3A_2113, %select_n3A_2133 : vector<16x4096xi1>, vector<16x4096xi32>
    %slice3A_2153 = vector.extract_strided_slice %select_n3A_2151 {offsets = [0, 1], sizes = [16, 4095], strides = [1, 1]} : vector<16x4096xf32> to vector<16x4095xf32>
    %slice3A_2154 = vector.extract_strided_slice %select_n3A_2151 {offsets = [0, 0], sizes = [16, 1], strides = [1, 1]} : vector<16x4096xf32> to vector<16x1xf32>
    %concatenate3A_2155 = tpu.concatenate %slice3A_2153, %slice3A_2154 in 1 : vector<16x4095xf32>, vector<16x1xf32> -> vector<16x4096xf32>
    %slice3A_2156 = vector.extract_strided_slice %select_n3A_2151 {offsets = [0, 4095], sizes = [16, 1], strides = [1, 1]} : vector<16x4096xf32> to vector<16x1xf32>
    %slice3A_2157 = vector.extract_strided_slice %select_n3A_2151 {offsets = [0, 0], sizes = [16, 4095], strides = [1, 1]} : vector<16x4096xf32> to vector<16x4095xf32>
    %concatenate3A_2158 = tpu.concatenate %slice3A_2156, %slice3A_2157 in 1 : vector<16x1xf32>, vector<16x4095xf32> -> vector<16x4096xf32>
    %slice3A_2159 = vector.extract_strided_slice %select_n3A_2152 {offsets = [0, 1], sizes = [16, 4095], strides = [1, 1]} : vector<16x4096xi32> to vector<16x4095xi32>
    %slice3A_2160 = vector.extract_strided_slice %select_n3A_2152 {offsets = [0, 0], sizes = [16, 1], strides = [1, 1]} : vector<16x4096xi32> to vector<16x1xi32>
    %concatenate3A_2161 = tpu.concatenate %slice3A_2159, %slice3A_2160 in 1 : vector<16x4095xi32>, vector<16x1xi32> -> vector<16x4096xi32>
    %slice3A_2162 = vector.extract_strided_slice %select_n3A_2152 {offsets = [0, 4095], sizes = [16, 1], strides = [1, 1]} : vector<16x4096xi32> to vector<16x1xi32>
    %slice3A_2163 = vector.extract_strided_slice %select_n3A_2152 {offsets = [0, 0], sizes = [16, 4095], strides = [1, 1]} : vector<16x4096xi32> to vector<16x4095xi32>
    %concatenate3A_2164 = tpu.concatenate %slice3A_2162, %slice3A_2163 in 1 : vector<16x1xi32>, vector<16x4095xi32> -> vector<16x4096xi32>
    %and3A_2165 = arith.constant 1 : i32
    %and3A_2166 = vector.broadcast %and3A_2165 : i32 to vector<16x4096xi32>
    %and3A_2167 = arith.andi %iota3A, %and3A_2166 : vector<16x4096xi32>
    %eq3A_2168 = arith.constant 0 : i32
    %eq3A_2169 = vector.broadcast %eq3A_2168 : i32 to vector<16x4096xi32>
    %eq3A_2170 = arith.cmpi eq, %and3A_2167, %eq3A_2169 : vector<16x4096xi32>
    %select_n3A_2171 = arith.select %eq3A_2170, %concatenate3A_2155, %concatenate3A_2158 : vector<16x4096xi1>, vector<16x4096xf32>
    %select_n3A_2172 = arith.select %eq3A_2170, %concatenate3A_2161, %concatenate3A_2164 : vector<16x4096xi1>, vector<16x4096xi32>
    %and3A_2173 = arith.constant 1024 : i32
    %and3A_2174 = vector.broadcast %and3A_2173 : i32 to vector<16x4096xi32>
    %and3A_2175 = arith.andi %iota3A, %and3A_2174 : vector<16x4096xi32>
    %eq3A_2176 = arith.constant 0 : i32
    %eq3A_2177 = vector.broadcast %eq3A_2176 : i32 to vector<16x4096xi32>
    %eq3A_2178 = arith.cmpi eq, %and3A_2175, %eq3A_2177 : vector<16x4096xi32>
    %gt3A_2179 = arith.cmpf ogt, %select_n3A_2151, %select_n3A_2171 : vector<16x4096xf32>
    %eq3A_2180 = arith.cmpf oeq, %select_n3A_2151, %select_n3A_2171 : vector<16x4096xf32>
    %lt3A_2181 = arith.cmpi slt, %select_n3A_2152, %select_n3A_2172 : vector<16x4096xi32>
    %and3A_2182 = arith.andi %eq3A_2180, %lt3A_2181 : vector<16x4096xi1>
    %or3A_2183 = arith.ori %gt3A_2179, %and3A_2182 : vector<16x4096xi1>
    %eq3A_2184 = arith.xori %eq3A_2178, %eq3A_2170 : vector<16x4096xi1>
    %eq3A_2185 = arith.constant dense<true> : vector<16x4096xi1>
    %eq3A_2186 = arith.xori %eq3A_2184, %eq3A_2185 : vector<16x4096xi1>
    %eq3A_2187 = arith.xori %or3A_2183, %eq3A_2186 : vector<16x4096xi1>
    %eq3A_2188 = arith.constant dense<true> : vector<16x4096xi1>
    %eq3A_2189 = arith.xori %eq3A_2187, %eq3A_2188 : vector<16x4096xi1>
    %select_n3A_2190 = arith.select %eq3A_2189, %select_n3A_2151, %select_n3A_2171 : vector<16x4096xi1>, vector<16x4096xf32>
    %select_n3A_2191 = arith.select %eq3A_2189, %select_n3A_2152, %select_n3A_2172 : vector<16x4096xi1>, vector<16x4096xi32>
    %slice3A_2192 = vector.extract_strided_slice %select_n3A_2190 {offsets = [0, 1024], sizes = [16, 3072], strides = [1, 1]} : vector<16x4096xf32> to vector<16x3072xf32>
    %slice3A_2193 = vector.extract_strided_slice %select_n3A_2190 {offsets = [0, 0], sizes = [16, 1024], strides = [1, 1]} : vector<16x4096xf32> to vector<16x1024xf32>
    %concatenate3A_2194 = tpu.concatenate %slice3A_2192, %slice3A_2193 in 1 : vector<16x3072xf32>, vector<16x1024xf32> -> vector<16x4096xf32>
    %slice3A_2195 = vector.extract_strided_slice %select_n3A_2190 {offsets = [0, 3072], sizes = [16, 1024], strides = [1, 1]} : vector<16x4096xf32> to vector<16x1024xf32>
    %slice3A_2196 = vector.extract_strided_slice %select_n3A_2190 {offsets = [0, 0], sizes = [16, 3072], strides = [1, 1]} : vector<16x4096xf32> to vector<16x3072xf32>
    %concatenate3A_2197 = tpu.concatenate %slice3A_2195, %slice3A_2196 in 1 : vector<16x1024xf32>, vector<16x3072xf32> -> vector<16x4096xf32>
    %slice3A_2198 = vector.extract_strided_slice %select_n3A_2191 {offsets = [0, 1024], sizes = [16, 3072], strides = [1, 1]} : vector<16x4096xi32> to vector<16x3072xi32>
    %slice3A_2199 = vector.extract_strided_slice %select_n3A_2191 {offsets = [0, 0], sizes = [16, 1024], strides = [1, 1]} : vector<16x4096xi32> to vector<16x1024xi32>
    %concatenate3A_2200 = tpu.concatenate %slice3A_2198, %slice3A_2199 in 1 : vector<16x3072xi32>, vector<16x1024xi32> -> vector<16x4096xi32>
    %slice3A_2201 = vector.extract_strided_slice %select_n3A_2191 {offsets = [0, 3072], sizes = [16, 1024], strides = [1, 1]} : vector<16x4096xi32> to vector<16x1024xi32>
    %slice3A_2202 = vector.extract_strided_slice %select_n3A_2191 {offsets = [0, 0], sizes = [16, 3072], strides = [1, 1]} : vector<16x4096xi32> to vector<16x3072xi32>
    %concatenate3A_2203 = tpu.concatenate %slice3A_2201, %slice3A_2202 in 1 : vector<16x1024xi32>, vector<16x3072xi32> -> vector<16x4096xi32>
    %and3A_2204 = arith.constant 1024 : i32
    %and3A_2205 = vector.broadcast %and3A_2204 : i32 to vector<16x4096xi32>
    %and3A_2206 = arith.andi %iota3A, %and3A_2205 : vector<16x4096xi32>
    %eq3A_2207 = arith.constant 0 : i32
    %eq3A_2208 = vector.broadcast %eq3A_2207 : i32 to vector<16x4096xi32>
    %eq3A_2209 = arith.cmpi eq, %and3A_2206, %eq3A_2208 : vector<16x4096xi32>
    %select_n3A_2210 = arith.select %eq3A_2209, %concatenate3A_2194, %concatenate3A_2197 : vector<16x4096xi1>, vector<16x4096xf32>
    %select_n3A_2211 = arith.select %eq3A_2209, %concatenate3A_2200, %concatenate3A_2203 : vector<16x4096xi1>, vector<16x4096xi32>
    %and3A_2212 = arith.constant 2048 : i32
    %and3A_2213 = vector.broadcast %and3A_2212 : i32 to vector<16x4096xi32>
    %and3A_2214 = arith.andi %iota3A, %and3A_2213 : vector<16x4096xi32>
    %eq3A_2215 = arith.constant 0 : i32
    %eq3A_2216 = vector.broadcast %eq3A_2215 : i32 to vector<16x4096xi32>
    %eq3A_2217 = arith.cmpi eq, %and3A_2214, %eq3A_2216 : vector<16x4096xi32>
    %gt3A_2218 = arith.cmpf ogt, %select_n3A_2190, %select_n3A_2210 : vector<16x4096xf32>
    %eq3A_2219 = arith.cmpf oeq, %select_n3A_2190, %select_n3A_2210 : vector<16x4096xf32>
    %lt3A_2220 = arith.cmpi slt, %select_n3A_2191, %select_n3A_2211 : vector<16x4096xi32>
    %and3A_2221 = arith.andi %eq3A_2219, %lt3A_2220 : vector<16x4096xi1>
    %or3A_2222 = arith.ori %gt3A_2218, %and3A_2221 : vector<16x4096xi1>
    %eq3A_2223 = arith.xori %eq3A_2217, %eq3A_2209 : vector<16x4096xi1>
    %eq3A_2224 = arith.constant dense<true> : vector<16x4096xi1>
    %eq3A_2225 = arith.xori %eq3A_2223, %eq3A_2224 : vector<16x4096xi1>
    %eq3A_2226 = arith.xori %or3A_2222, %eq3A_2225 : vector<16x4096xi1>
    %eq3A_2227 = arith.constant dense<true> : vector<16x4096xi1>
    %eq3A_2228 = arith.xori %eq3A_2226, %eq3A_2227 : vector<16x4096xi1>
    %select_n3A_2229 = arith.select %eq3A_2228, %select_n3A_2190, %select_n3A_2210 : vector<16x4096xi1>, vector<16x4096xf32>
    %select_n3A_2230 = arith.select %eq3A_2228, %select_n3A_2191, %select_n3A_2211 : vector<16x4096xi1>, vector<16x4096xi32>
    %slice3A_2231 = vector.extract_strided_slice %select_n3A_2229 {offsets = [0, 512], sizes = [16, 3584], strides = [1, 1]} : vector<16x4096xf32> to vector<16x3584xf32>
    %slice3A_2232 = vector.extract_strided_slice %select_n3A_2229 {offsets = [0, 0], sizes = [16, 512], strides = [1, 1]} : vector<16x4096xf32> to vector<16x512xf32>
    %concatenate3A_2233 = tpu.concatenate %slice3A_2231, %slice3A_2232 in 1 : vector<16x3584xf32>, vector<16x512xf32> -> vector<16x4096xf32>
    %slice3A_2234 = vector.extract_strided_slice %select_n3A_2229 {offsets = [0, 3584], sizes = [16, 512], strides = [1, 1]} : vector<16x4096xf32> to vector<16x512xf32>
    %slice3A_2235 = vector.extract_strided_slice %select_n3A_2229 {offsets = [0, 0], sizes = [16, 3584], strides = [1, 1]} : vector<16x4096xf32> to vector<16x3584xf32>
    %concatenate3A_2236 = tpu.concatenate %slice3A_2234, %slice3A_2235 in 1 : vector<16x512xf32>, vector<16x3584xf32> -> vector<16x4096xf32>
    %slice3A_2237 = vector.extract_strided_slice %select_n3A_2230 {offsets = [0, 512], sizes = [16, 3584], strides = [1, 1]} : vector<16x4096xi32> to vector<16x3584xi32>
    %slice3A_2238 = vector.extract_strided_slice %select_n3A_2230 {offsets = [0, 0], sizes = [16, 512], strides = [1, 1]} : vector<16x4096xi32> to vector<16x512xi32>
    %concatenate3A_2239 = tpu.concatenate %slice3A_2237, %slice3A_2238 in 1 : vector<16x3584xi32>, vector<16x512xi32> -> vector<16x4096xi32>
    %slice3A_2240 = vector.extract_strided_slice %select_n3A_2230 {offsets = [0, 3584], sizes = [16, 512], strides = [1, 1]} : vector<16x4096xi32> to vector<16x512xi32>
    %slice3A_2241 = vector.extract_strided_slice %select_n3A_2230 {offsets = [0, 0], sizes = [16, 3584], strides = [1, 1]} : vector<16x4096xi32> to vector<16x3584xi32>
    %concatenate3A_2242 = tpu.concatenate %slice3A_2240, %slice3A_2241 in 1 : vector<16x512xi32>, vector<16x3584xi32> -> vector<16x4096xi32>
    %and3A_2243 = arith.constant 512 : i32
    %and3A_2244 = vector.broadcast %and3A_2243 : i32 to vector<16x4096xi32>
    %and3A_2245 = arith.andi %iota3A, %and3A_2244 : vector<16x4096xi32>
    %eq3A_2246 = arith.constant 0 : i32
    %eq3A_2247 = vector.broadcast %eq3A_2246 : i32 to vector<16x4096xi32>
    %eq3A_2248 = arith.cmpi eq, %and3A_2245, %eq3A_2247 : vector<16x4096xi32>
    %select_n3A_2249 = arith.select %eq3A_2248, %concatenate3A_2233, %concatenate3A_2236 : vector<16x4096xi1>, vector<16x4096xf32>
    %select_n3A_2250 = arith.select %eq3A_2248, %concatenate3A_2239, %concatenate3A_2242 : vector<16x4096xi1>, vector<16x4096xi32>
    %and3A_2251 = arith.constant 2048 : i32
    %and3A_2252 = vector.broadcast %and3A_2251 : i32 to vector<16x4096xi32>
    %and3A_2253 = arith.andi %iota3A, %and3A_2252 : vector<16x4096xi32>
    %eq3A_2254 = arith.constant 0 : i32
    %eq3A_2255 = vector.broadcast %eq3A_2254 : i32 to vector<16x4096xi32>
    %eq3A_2256 = arith.cmpi eq, %and3A_2253, %eq3A_2255 : vector<16x4096xi32>
    %gt3A_2257 = arith.cmpf ogt, %select_n3A_2229, %select_n3A_2249 : vector<16x4096xf32>
    %eq3A_2258 = arith.cmpf oeq, %select_n3A_2229, %select_n3A_2249 : vector<16x4096xf32>
    %lt3A_2259 = arith.cmpi slt, %select_n3A_2230, %select_n3A_2250 : vector<16x4096xi32>
    %and3A_2260 = arith.andi %eq3A_2258, %lt3A_2259 : vector<16x4096xi1>
    %or3A_2261 = arith.ori %gt3A_2257, %and3A_2260 : vector<16x4096xi1>
    %eq3A_2262 = arith.xori %eq3A_2256, %eq3A_2248 : vector<16x4096xi1>
    %eq3A_2263 = arith.constant dense<true> : vector<16x4096xi1>
    %eq3A_2264 = arith.xori %eq3A_2262, %eq3A_2263 : vector<16x4096xi1>
    %eq3A_2265 = arith.xori %or3A_2261, %eq3A_2264 : vector<16x4096xi1>
    %eq3A_2266 = arith.constant dense<true> : vector<16x4096xi1>
    %eq3A_2267 = arith.xori %eq3A_2265, %eq3A_2266 : vector<16x4096xi1>
    %select_n3A_2268 = arith.select %eq3A_2267, %select_n3A_2229, %select_n3A_2249 : vector<16x4096xi1>, vector<16x4096xf32>
    %select_n3A_2269 = arith.select %eq3A_2267, %select_n3A_2230, %select_n3A_2250 : vector<16x4096xi1>, vector<16x4096xi32>
    %slice3A_2270 = vector.extract_strided_slice %select_n3A_2268 {offsets = [0, 256], sizes = [16, 3840], strides = [1, 1]} : vector<16x4096xf32> to vector<16x3840xf32>
    %slice3A_2271 = vector.extract_strided_slice %select_n3A_2268 {offsets = [0, 0], sizes = [16, 256], strides = [1, 1]} : vector<16x4096xf32> to vector<16x256xf32>
    %concatenate3A_2272 = tpu.concatenate %slice3A_2270, %slice3A_2271 in 1 : vector<16x3840xf32>, vector<16x256xf32> -> vector<16x4096xf32>
    %slice3A_2273 = vector.extract_strided_slice %select_n3A_2268 {offsets = [0, 3840], sizes = [16, 256], strides = [1, 1]} : vector<16x4096xf32> to vector<16x256xf32>
    %slice3A_2274 = vector.extract_strided_slice %select_n3A_2268 {offsets = [0, 0], sizes = [16, 3840], strides = [1, 1]} : vector<16x4096xf32> to vector<16x3840xf32>
    %concatenate3A_2275 = tpu.concatenate %slice3A_2273, %slice3A_2274 in 1 : vector<16x256xf32>, vector<16x3840xf32> -> vector<16x4096xf32>
    %slice3A_2276 = vector.extract_strided_slice %select_n3A_2269 {offsets = [0, 256], sizes = [16, 3840], strides = [1, 1]} : vector<16x4096xi32> to vector<16x3840xi32>
    %slice3A_2277 = vector.extract_strided_slice %select_n3A_2269 {offsets = [0, 0], sizes = [16, 256], strides = [1, 1]} : vector<16x4096xi32> to vector<16x256xi32>
    %concatenate3A_2278 = tpu.concatenate %slice3A_2276, %slice3A_2277 in 1 : vector<16x3840xi32>, vector<16x256xi32> -> vector<16x4096xi32>
    %slice3A_2279 = vector.extract_strided_slice %select_n3A_2269 {offsets = [0, 3840], sizes = [16, 256], strides = [1, 1]} : vector<16x4096xi32> to vector<16x256xi32>
    %slice3A_2280 = vector.extract_strided_slice %select_n3A_2269 {offsets = [0, 0], sizes = [16, 3840], strides = [1, 1]} : vector<16x4096xi32> to vector<16x3840xi32>
    %concatenate3A_2281 = tpu.concatenate %slice3A_2279, %slice3A_2280 in 1 : vector<16x256xi32>, vector<16x3840xi32> -> vector<16x4096xi32>
    %and3A_2282 = arith.constant 256 : i32
    %and3A_2283 = vector.broadcast %and3A_2282 : i32 to vector<16x4096xi32>
    %and3A_2284 = arith.andi %iota3A, %and3A_2283 : vector<16x4096xi32>
    %eq3A_2285 = arith.constant 0 : i32
    %eq3A_2286 = vector.broadcast %eq3A_2285 : i32 to vector<16x4096xi32>
    %eq3A_2287 = arith.cmpi eq, %and3A_2284, %eq3A_2286 : vector<16x4096xi32>
    %select_n3A_2288 = arith.select %eq3A_2287, %concatenate3A_2272, %concatenate3A_2275 : vector<16x4096xi1>, vector<16x4096xf32>
    %select_n3A_2289 = arith.select %eq3A_2287, %concatenate3A_2278, %concatenate3A_2281 : vector<16x4096xi1>, vector<16x4096xi32>
    %and3A_2290 = arith.constant 2048 : i32
    %and3A_2291 = vector.broadcast %and3A_2290 : i32 to vector<16x4096xi32>
    %and3A_2292 = arith.andi %iota3A, %and3A_2291 : vector<16x4096xi32>
    %eq3A_2293 = arith.constant 0 : i32
    %eq3A_2294 = vector.broadcast %eq3A_2293 : i32 to vector<16x4096xi32>
    %eq3A_2295 = arith.cmpi eq, %and3A_2292, %eq3A_2294 : vector<16x4096xi32>
    %gt3A_2296 = arith.cmpf ogt, %select_n3A_2268, %select_n3A_2288 : vector<16x4096xf32>
    %eq3A_2297 = arith.cmpf oeq, %select_n3A_2268, %select_n3A_2288 : vector<16x4096xf32>
    %lt3A_2298 = arith.cmpi slt, %select_n3A_2269, %select_n3A_2289 : vector<16x4096xi32>
    %and3A_2299 = arith.andi %eq3A_2297, %lt3A_2298 : vector<16x4096xi1>
    %or3A_2300 = arith.ori %gt3A_2296, %and3A_2299 : vector<16x4096xi1>
    %eq3A_2301 = arith.xori %eq3A_2295, %eq3A_2287 : vector<16x4096xi1>
    %eq3A_2302 = arith.constant dense<true> : vector<16x4096xi1>
    %eq3A_2303 = arith.xori %eq3A_2301, %eq3A_2302 : vector<16x4096xi1>
    %eq3A_2304 = arith.xori %or3A_2300, %eq3A_2303 : vector<16x4096xi1>
    %eq3A_2305 = arith.constant dense<true> : vector<16x4096xi1>
    %eq3A_2306 = arith.xori %eq3A_2304, %eq3A_2305 : vector<16x4096xi1>
    %select_n3A_2307 = arith.select %eq3A_2306, %select_n3A_2268, %select_n3A_2288 : vector<16x4096xi1>, vector<16x4096xf32>
    %select_n3A_2308 = arith.select %eq3A_2306, %select_n3A_2269, %select_n3A_2289 : vector<16x4096xi1>, vector<16x4096xi32>
    %slice3A_2309 = vector.extract_strided_slice %select_n3A_2307 {offsets = [0, 128], sizes = [16, 3968], strides = [1, 1]} : vector<16x4096xf32> to vector<16x3968xf32>
    %slice3A_2310 = vector.extract_strided_slice %select_n3A_2307 {offsets = [0, 0], sizes = [16, 128], strides = [1, 1]} : vector<16x4096xf32> to vector<16x128xf32>
    %concatenate3A_2311 = tpu.concatenate %slice3A_2309, %slice3A_2310 in 1 : vector<16x3968xf32>, vector<16x128xf32> -> vector<16x4096xf32>
    %slice3A_2312 = vector.extract_strided_slice %select_n3A_2307 {offsets = [0, 3968], sizes = [16, 128], strides = [1, 1]} : vector<16x4096xf32> to vector<16x128xf32>
    %slice3A_2313 = vector.extract_strided_slice %select_n3A_2307 {offsets = [0, 0], sizes = [16, 3968], strides = [1, 1]} : vector<16x4096xf32> to vector<16x3968xf32>
    %concatenate3A_2314 = tpu.concatenate %slice3A_2312, %slice3A_2313 in 1 : vector<16x128xf32>, vector<16x3968xf32> -> vector<16x4096xf32>
    %slice3A_2315 = vector.extract_strided_slice %select_n3A_2308 {offsets = [0, 128], sizes = [16, 3968], strides = [1, 1]} : vector<16x4096xi32> to vector<16x3968xi32>
    %slice3A_2316 = vector.extract_strided_slice %select_n3A_2308 {offsets = [0, 0], sizes = [16, 128], strides = [1, 1]} : vector<16x4096xi32> to vector<16x128xi32>
    %concatenate3A_2317 = tpu.concatenate %slice3A_2315, %slice3A_2316 in 1 : vector<16x3968xi32>, vector<16x128xi32> -> vector<16x4096xi32>
    %slice3A_2318 = vector.extract_strided_slice %select_n3A_2308 {offsets = [0, 3968], sizes = [16, 128], strides = [1, 1]} : vector<16x4096xi32> to vector<16x128xi32>
    %slice3A_2319 = vector.extract_strided_slice %select_n3A_2308 {offsets = [0, 0], sizes = [16, 3968], strides = [1, 1]} : vector<16x4096xi32> to vector<16x3968xi32>
    %concatenate3A_2320 = tpu.concatenate %slice3A_2318, %slice3A_2319 in 1 : vector<16x128xi32>, vector<16x3968xi32> -> vector<16x4096xi32>
    %and3A_2321 = arith.constant 128 : i32
    %and3A_2322 = vector.broadcast %and3A_2321 : i32 to vector<16x4096xi32>
    %and3A_2323 = arith.andi %iota3A, %and3A_2322 : vector<16x4096xi32>
    %eq3A_2324 = arith.constant 0 : i32
    %eq3A_2325 = vector.broadcast %eq3A_2324 : i32 to vector<16x4096xi32>
    %eq3A_2326 = arith.cmpi eq, %and3A_2323, %eq3A_2325 : vector<16x4096xi32>
    %select_n3A_2327 = arith.select %eq3A_2326, %concatenate3A_2311, %concatenate3A_2314 : vector<16x4096xi1>, vector<16x4096xf32>
    %select_n3A_2328 = arith.select %eq3A_2326, %concatenate3A_2317, %concatenate3A_2320 : vector<16x4096xi1>, vector<16x4096xi32>
    %and3A_2329 = arith.constant 2048 : i32
    %and3A_2330 = vector.broadcast %and3A_2329 : i32 to vector<16x4096xi32>
    %and3A_2331 = arith.andi %iota3A, %and3A_2330 : vector<16x4096xi32>
    %eq3A_2332 = arith.constant 0 : i32
    %eq3A_2333 = vector.broadcast %eq3A_2332 : i32 to vector<16x4096xi32>
    %eq3A_2334 = arith.cmpi eq, %and3A_2331, %eq3A_2333 : vector<16x4096xi32>
    %gt3A_2335 = arith.cmpf ogt, %select_n3A_2307, %select_n3A_2327 : vector<16x4096xf32>
    %eq3A_2336 = arith.cmpf oeq, %select_n3A_2307, %select_n3A_2327 : vector<16x4096xf32>
    %lt3A_2337 = arith.cmpi slt, %select_n3A_2308, %select_n3A_2328 : vector<16x4096xi32>
    %and3A_2338 = arith.andi %eq3A_2336, %lt3A_2337 : vector<16x4096xi1>
    %or3A_2339 = arith.ori %gt3A_2335, %and3A_2338 : vector<16x4096xi1>
    %eq3A_2340 = arith.xori %eq3A_2334, %eq3A_2326 : vector<16x4096xi1>
    %eq3A_2341 = arith.constant dense<true> : vector<16x4096xi1>
    %eq3A_2342 = arith.xori %eq3A_2340, %eq3A_2341 : vector<16x4096xi1>
    %eq3A_2343 = arith.xori %or3A_2339, %eq3A_2342 : vector<16x4096xi1>
    %eq3A_2344 = arith.constant dense<true> : vector<16x4096xi1>
    %eq3A_2345 = arith.xori %eq3A_2343, %eq3A_2344 : vector<16x4096xi1>
    %select_n3A_2346 = arith.select %eq3A_2345, %select_n3A_2307, %select_n3A_2327 : vector<16x4096xi1>, vector<16x4096xf32>
    %select_n3A_2347 = arith.select %eq3A_2345, %select_n3A_2308, %select_n3A_2328 : vector<16x4096xi1>, vector<16x4096xi32>
    %slice3A_2348 = vector.extract_strided_slice %select_n3A_2346 {offsets = [0, 64], sizes = [16, 4032], strides = [1, 1]} : vector<16x4096xf32> to vector<16x4032xf32>
    %slice3A_2349 = vector.extract_strided_slice %select_n3A_2346 {offsets = [0, 0], sizes = [16, 64], strides = [1, 1]} : vector<16x4096xf32> to vector<16x64xf32>
    %concatenate3A_2350 = tpu.concatenate %slice3A_2348, %slice3A_2349 in 1 : vector<16x4032xf32>, vector<16x64xf32> -> vector<16x4096xf32>
    %slice3A_2351 = vector.extract_strided_slice %select_n3A_2346 {offsets = [0, 4032], sizes = [16, 64], strides = [1, 1]} : vector<16x4096xf32> to vector<16x64xf32>
    %slice3A_2352 = vector.extract_strided_slice %select_n3A_2346 {offsets = [0, 0], sizes = [16, 4032], strides = [1, 1]} : vector<16x4096xf32> to vector<16x4032xf32>
    %concatenate3A_2353 = tpu.concatenate %slice3A_2351, %slice3A_2352 in 1 : vector<16x64xf32>, vector<16x4032xf32> -> vector<16x4096xf32>
    %slice3A_2354 = vector.extract_strided_slice %select_n3A_2347 {offsets = [0, 64], sizes = [16, 4032], strides = [1, 1]} : vector<16x4096xi32> to vector<16x4032xi32>
    %slice3A_2355 = vector.extract_strided_slice %select_n3A_2347 {offsets = [0, 0], sizes = [16, 64], strides = [1, 1]} : vector<16x4096xi32> to vector<16x64xi32>
    %concatenate3A_2356 = tpu.concatenate %slice3A_2354, %slice3A_2355 in 1 : vector<16x4032xi32>, vector<16x64xi32> -> vector<16x4096xi32>
    %slice3A_2357 = vector.extract_strided_slice %select_n3A_2347 {offsets = [0, 4032], sizes = [16, 64], strides = [1, 1]} : vector<16x4096xi32> to vector<16x64xi32>
    %slice3A_2358 = vector.extract_strided_slice %select_n3A_2347 {offsets = [0, 0], sizes = [16, 4032], strides = [1, 1]} : vector<16x4096xi32> to vector<16x4032xi32>
    %concatenate3A_2359 = tpu.concatenate %slice3A_2357, %slice3A_2358 in 1 : vector<16x64xi32>, vector<16x4032xi32> -> vector<16x4096xi32>
    %and3A_2360 = arith.constant 64 : i32
    %and3A_2361 = vector.broadcast %and3A_2360 : i32 to vector<16x4096xi32>
    %and3A_2362 = arith.andi %iota3A, %and3A_2361 : vector<16x4096xi32>
    %eq3A_2363 = arith.constant 0 : i32
    %eq3A_2364 = vector.broadcast %eq3A_2363 : i32 to vector<16x4096xi32>
    %eq3A_2365 = arith.cmpi eq, %and3A_2362, %eq3A_2364 : vector<16x4096xi32>
    %select_n3A_2366 = arith.select %eq3A_2365, %concatenate3A_2350, %concatenate3A_2353 : vector<16x4096xi1>, vector<16x4096xf32>
    %select_n3A_2367 = arith.select %eq3A_2365, %concatenate3A_2356, %concatenate3A_2359 : vector<16x4096xi1>, vector<16x4096xi32>
    %and3A_2368 = arith.constant 2048 : i32
    %and3A_2369 = vector.broadcast %and3A_2368 : i32 to vector<16x4096xi32>
    %and3A_2370 = arith.andi %iota3A, %and3A_2369 : vector<16x4096xi32>
    %eq3A_2371 = arith.constant 0 : i32
    %eq3A_2372 = vector.broadcast %eq3A_2371 : i32 to vector<16x4096xi32>
    %eq3A_2373 = arith.cmpi eq, %and3A_2370, %eq3A_2372 : vector<16x4096xi32>
    %gt3A_2374 = arith.cmpf ogt, %select_n3A_2346, %select_n3A_2366 : vector<16x4096xf32>
    %eq3A_2375 = arith.cmpf oeq, %select_n3A_2346, %select_n3A_2366 : vector<16x4096xf32>
    %lt3A_2376 = arith.cmpi slt, %select_n3A_2347, %select_n3A_2367 : vector<16x4096xi32>
    %and3A_2377 = arith.andi %eq3A_2375, %lt3A_2376 : vector<16x4096xi1>
    %or3A_2378 = arith.ori %gt3A_2374, %and3A_2377 : vector<16x4096xi1>
    %eq3A_2379 = arith.xori %eq3A_2373, %eq3A_2365 : vector<16x4096xi1>
    %eq3A_2380 = arith.constant dense<true> : vector<16x4096xi1>
    %eq3A_2381 = arith.xori %eq3A_2379, %eq3A_2380 : vector<16x4096xi1>
    %eq3A_2382 = arith.xori %or3A_2378, %eq3A_2381 : vector<16x4096xi1>
    %eq3A_2383 = arith.constant dense<true> : vector<16x4096xi1>
    %eq3A_2384 = arith.xori %eq3A_2382, %eq3A_2383 : vector<16x4096xi1>
    %select_n3A_2385 = arith.select %eq3A_2384, %select_n3A_2346, %select_n3A_2366 : vector<16x4096xi1>, vector<16x4096xf32>
    %select_n3A_2386 = arith.select %eq3A_2384, %select_n3A_2347, %select_n3A_2367 : vector<16x4096xi1>, vector<16x4096xi32>
    %slice3A_2387 = vector.extract_strided_slice %select_n3A_2385 {offsets = [0, 32], sizes = [16, 4064], strides = [1, 1]} : vector<16x4096xf32> to vector<16x4064xf32>
    %slice3A_2388 = vector.extract_strided_slice %select_n3A_2385 {offsets = [0, 0], sizes = [16, 32], strides = [1, 1]} : vector<16x4096xf32> to vector<16x32xf32>
    %concatenate3A_2389 = tpu.concatenate %slice3A_2387, %slice3A_2388 in 1 : vector<16x4064xf32>, vector<16x32xf32> -> vector<16x4096xf32>
    %slice3A_2390 = vector.extract_strided_slice %select_n3A_2385 {offsets = [0, 4064], sizes = [16, 32], strides = [1, 1]} : vector<16x4096xf32> to vector<16x32xf32>
    %slice3A_2391 = vector.extract_strided_slice %select_n3A_2385 {offsets = [0, 0], sizes = [16, 4064], strides = [1, 1]} : vector<16x4096xf32> to vector<16x4064xf32>
    %concatenate3A_2392 = tpu.concatenate %slice3A_2390, %slice3A_2391 in 1 : vector<16x32xf32>, vector<16x4064xf32> -> vector<16x4096xf32>
    %slice3A_2393 = vector.extract_strided_slice %select_n3A_2386 {offsets = [0, 32], sizes = [16, 4064], strides = [1, 1]} : vector<16x4096xi32> to vector<16x4064xi32>
    %slice3A_2394 = vector.extract_strided_slice %select_n3A_2386 {offsets = [0, 0], sizes = [16, 32], strides = [1, 1]} : vector<16x4096xi32> to vector<16x32xi32>
    %concatenate3A_2395 = tpu.concatenate %slice3A_2393, %slice3A_2394 in 1 : vector<16x4064xi32>, vector<16x32xi32> -> vector<16x4096xi32>
    %slice3A_2396 = vector.extract_strided_slice %select_n3A_2386 {offsets = [0, 4064], sizes = [16, 32], strides = [1, 1]} : vector<16x4096xi32> to vector<16x32xi32>
    %slice3A_2397 = vector.extract_strided_slice %select_n3A_2386 {offsets = [0, 0], sizes = [16, 4064], strides = [1, 1]} : vector<16x4096xi32> to vector<16x4064xi32>
    %concatenate3A_2398 = tpu.concatenate %slice3A_2396, %slice3A_2397 in 1 : vector<16x32xi32>, vector<16x4064xi32> -> vector<16x4096xi32>
    %and3A_2399 = arith.constant 32 : i32
    %and3A_2400 = vector.broadcast %and3A_2399 : i32 to vector<16x4096xi32>
    %and3A_2401 = arith.andi %iota3A, %and3A_2400 : vector<16x4096xi32>
    %eq3A_2402 = arith.constant 0 : i32
    %eq3A_2403 = vector.broadcast %eq3A_2402 : i32 to vector<16x4096xi32>
    %eq3A_2404 = arith.cmpi eq, %and3A_2401, %eq3A_2403 : vector<16x4096xi32>
    %select_n3A_2405 = arith.select %eq3A_2404, %concatenate3A_2389, %concatenate3A_2392 : vector<16x4096xi1>, vector<16x4096xf32>
    %select_n3A_2406 = arith.select %eq3A_2404, %concatenate3A_2395, %concatenate3A_2398 : vector<16x4096xi1>, vector<16x4096xi32>
    %and3A_2407 = arith.constant 2048 : i32
    %and3A_2408 = vector.broadcast %and3A_2407 : i32 to vector<16x4096xi32>
    %and3A_2409 = arith.andi %iota3A, %and3A_2408 : vector<16x4096xi32>
    %eq3A_2410 = arith.constant 0 : i32
    %eq3A_2411 = vector.broadcast %eq3A_2410 : i32 to vector<16x4096xi32>
    %eq3A_2412 = arith.cmpi eq, %and3A_2409, %eq3A_2411 : vector<16x4096xi32>
    %gt3A_2413 = arith.cmpf ogt, %select_n3A_2385, %select_n3A_2405 : vector<16x4096xf32>
    %eq3A_2414 = arith.cmpf oeq, %select_n3A_2385, %select_n3A_2405 : vector<16x4096xf32>
    %lt3A_2415 = arith.cmpi slt, %select_n3A_2386, %select_n3A_2406 : vector<16x4096xi32>
    %and3A_2416 = arith.andi %eq3A_2414, %lt3A_2415 : vector<16x4096xi1>
    %or3A_2417 = arith.ori %gt3A_2413, %and3A_2416 : vector<16x4096xi1>
    %eq3A_2418 = arith.xori %eq3A_2412, %eq3A_2404 : vector<16x4096xi1>
    %eq3A_2419 = arith.constant dense<true> : vector<16x4096xi1>
    %eq3A_2420 = arith.xori %eq3A_2418, %eq3A_2419 : vector<16x4096xi1>
    %eq3A_2421 = arith.xori %or3A_2417, %eq3A_2420 : vector<16x4096xi1>
    %eq3A_2422 = arith.constant dense<true> : vector<16x4096xi1>
    %eq3A_2423 = arith.xori %eq3A_2421, %eq3A_2422 : vector<16x4096xi1>
    %select_n3A_2424 = arith.select %eq3A_2423, %select_n3A_2385, %select_n3A_2405 : vector<16x4096xi1>, vector<16x4096xf32>
    %select_n3A_2425 = arith.select %eq3A_2423, %select_n3A_2386, %select_n3A_2406 : vector<16x4096xi1>, vector<16x4096xi32>
    %slice3A_2426 = vector.extract_strided_slice %select_n3A_2424 {offsets = [0, 16], sizes = [16, 4080], strides = [1, 1]} : vector<16x4096xf32> to vector<16x4080xf32>
    %slice3A_2427 = vector.extract_strided_slice %select_n3A_2424 {offsets = [0, 0], sizes = [16, 16], strides = [1, 1]} : vector<16x4096xf32> to vector<16x16xf32>
    %concatenate3A_2428 = tpu.concatenate %slice3A_2426, %slice3A_2427 in 1 : vector<16x4080xf32>, vector<16x16xf32> -> vector<16x4096xf32>
    %slice3A_2429 = vector.extract_strided_slice %select_n3A_2424 {offsets = [0, 4080], sizes = [16, 16], strides = [1, 1]} : vector<16x4096xf32> to vector<16x16xf32>
    %slice3A_2430 = vector.extract_strided_slice %select_n3A_2424 {offsets = [0, 0], sizes = [16, 4080], strides = [1, 1]} : vector<16x4096xf32> to vector<16x4080xf32>
    %concatenate3A_2431 = tpu.concatenate %slice3A_2429, %slice3A_2430 in 1 : vector<16x16xf32>, vector<16x4080xf32> -> vector<16x4096xf32>
    %slice3A_2432 = vector.extract_strided_slice %select_n3A_2425 {offsets = [0, 16], sizes = [16, 4080], strides = [1, 1]} : vector<16x4096xi32> to vector<16x4080xi32>
    %slice3A_2433 = vector.extract_strided_slice %select_n3A_2425 {offsets = [0, 0], sizes = [16, 16], strides = [1, 1]} : vector<16x4096xi32> to vector<16x16xi32>
    %concatenate3A_2434 = tpu.concatenate %slice3A_2432, %slice3A_2433 in 1 : vector<16x4080xi32>, vector<16x16xi32> -> vector<16x4096xi32>
    %slice3A_2435 = vector.extract_strided_slice %select_n3A_2425 {offsets = [0, 4080], sizes = [16, 16], strides = [1, 1]} : vector<16x4096xi32> to vector<16x16xi32>
    %slice3A_2436 = vector.extract_strided_slice %select_n3A_2425 {offsets = [0, 0], sizes = [16, 4080], strides = [1, 1]} : vector<16x4096xi32> to vector<16x4080xi32>
    %concatenate3A_2437 = tpu.concatenate %slice3A_2435, %slice3A_2436 in 1 : vector<16x16xi32>, vector<16x4080xi32> -> vector<16x4096xi32>
    %and3A_2438 = arith.constant 16 : i32
    %and3A_2439 = vector.broadcast %and3A_2438 : i32 to vector<16x4096xi32>
    %and3A_2440 = arith.andi %iota3A, %and3A_2439 : vector<16x4096xi32>
    %eq3A_2441 = arith.constant 0 : i32
    %eq3A_2442 = vector.broadcast %eq3A_2441 : i32 to vector<16x4096xi32>
    %eq3A_2443 = arith.cmpi eq, %and3A_2440, %eq3A_2442 : vector<16x4096xi32>
    %select_n3A_2444 = arith.select %eq3A_2443, %concatenate3A_2428, %concatenate3A_2431 : vector<16x4096xi1>, vector<16x4096xf32>
    %select_n3A_2445 = arith.select %eq3A_2443, %concatenate3A_2434, %concatenate3A_2437 : vector<16x4096xi1>, vector<16x4096xi32>
    %and3A_2446 = arith.constant 2048 : i32
    %and3A_2447 = vector.broadcast %and3A_2446 : i32 to vector<16x4096xi32>
    %and3A_2448 = arith.andi %iota3A, %and3A_2447 : vector<16x4096xi32>
    %eq3A_2449 = arith.constant 0 : i32
    %eq3A_2450 = vector.broadcast %eq3A_2449 : i32 to vector<16x4096xi32>
    %eq3A_2451 = arith.cmpi eq, %and3A_2448, %eq3A_2450 : vector<16x4096xi32>
    %gt3A_2452 = arith.cmpf ogt, %select_n3A_2424, %select_n3A_2444 : vector<16x4096xf32>
    %eq3A_2453 = arith.cmpf oeq, %select_n3A_2424, %select_n3A_2444 : vector<16x4096xf32>
    %lt3A_2454 = arith.cmpi slt, %select_n3A_2425, %select_n3A_2445 : vector<16x4096xi32>
    %and3A_2455 = arith.andi %eq3A_2453, %lt3A_2454 : vector<16x4096xi1>
    %or3A_2456 = arith.ori %gt3A_2452, %and3A_2455 : vector<16x4096xi1>
    %eq3A_2457 = arith.xori %eq3A_2451, %eq3A_2443 : vector<16x4096xi1>
    %eq3A_2458 = arith.constant dense<true> : vector<16x4096xi1>
    %eq3A_2459 = arith.xori %eq3A_2457, %eq3A_2458 : vector<16x4096xi1>
    %eq3A_2460 = arith.xori %or3A_2456, %eq3A_2459 : vector<16x4096xi1>
    %eq3A_2461 = arith.constant dense<true> : vector<16x4096xi1>
    %eq3A_2462 = arith.xori %eq3A_2460, %eq3A_2461 : vector<16x4096xi1>
    %select_n3A_2463 = arith.select %eq3A_2462, %select_n3A_2424, %select_n3A_2444 : vector<16x4096xi1>, vector<16x4096xf32>
    %select_n3A_2464 = arith.select %eq3A_2462, %select_n3A_2425, %select_n3A_2445 : vector<16x4096xi1>, vector<16x4096xi32>
    %slice3A_2465 = vector.extract_strided_slice %select_n3A_2463 {offsets = [0, 8], sizes = [16, 4088], strides = [1, 1]} : vector<16x4096xf32> to vector<16x4088xf32>
    %slice3A_2466 = vector.extract_strided_slice %select_n3A_2463 {offsets = [0, 0], sizes = [16, 8], strides = [1, 1]} : vector<16x4096xf32> to vector<16x8xf32>
    %concatenate3A_2467 = tpu.concatenate %slice3A_2465, %slice3A_2466 in 1 : vector<16x4088xf32>, vector<16x8xf32> -> vector<16x4096xf32>
    %slice3A_2468 = vector.extract_strided_slice %select_n3A_2463 {offsets = [0, 4088], sizes = [16, 8], strides = [1, 1]} : vector<16x4096xf32> to vector<16x8xf32>
    %slice3A_2469 = vector.extract_strided_slice %select_n3A_2463 {offsets = [0, 0], sizes = [16, 4088], strides = [1, 1]} : vector<16x4096xf32> to vector<16x4088xf32>
    %concatenate3A_2470 = tpu.concatenate %slice3A_2468, %slice3A_2469 in 1 : vector<16x8xf32>, vector<16x4088xf32> -> vector<16x4096xf32>
    %slice3A_2471 = vector.extract_strided_slice %select_n3A_2464 {offsets = [0, 8], sizes = [16, 4088], strides = [1, 1]} : vector<16x4096xi32> to vector<16x4088xi32>
    %slice3A_2472 = vector.extract_strided_slice %select_n3A_2464 {offsets = [0, 0], sizes = [16, 8], strides = [1, 1]} : vector<16x4096xi32> to vector<16x8xi32>
    %concatenate3A_2473 = tpu.concatenate %slice3A_2471, %slice3A_2472 in 1 : vector<16x4088xi32>, vector<16x8xi32> -> vector<16x4096xi32>
    %slice3A_2474 = vector.extract_strided_slice %select_n3A_2464 {offsets = [0, 4088], sizes = [16, 8], strides = [1, 1]} : vector<16x4096xi32> to vector<16x8xi32>
    %slice3A_2475 = vector.extract_strided_slice %select_n3A_2464 {offsets = [0, 0], sizes = [16, 4088], strides = [1, 1]} : vector<16x4096xi32> to vector<16x4088xi32>
    %concatenate3A_2476 = tpu.concatenate %slice3A_2474, %slice3A_2475 in 1 : vector<16x8xi32>, vector<16x4088xi32> -> vector<16x4096xi32>
    %and3A_2477 = arith.constant 8 : i32
    %and3A_2478 = vector.broadcast %and3A_2477 : i32 to vector<16x4096xi32>
    %and3A_2479 = arith.andi %iota3A, %and3A_2478 : vector<16x4096xi32>
    %eq3A_2480 = arith.constant 0 : i32
    %eq3A_2481 = vector.broadcast %eq3A_2480 : i32 to vector<16x4096xi32>
    %eq3A_2482 = arith.cmpi eq, %and3A_2479, %eq3A_2481 : vector<16x4096xi32>
    %select_n3A_2483 = arith.select %eq3A_2482, %concatenate3A_2467, %concatenate3A_2470 : vector<16x4096xi1>, vector<16x4096xf32>
    %select_n3A_2484 = arith.select %eq3A_2482, %concatenate3A_2473, %concatenate3A_2476 : vector<16x4096xi1>, vector<16x4096xi32>
    %and3A_2485 = arith.constant 2048 : i32
    %and3A_2486 = vector.broadcast %and3A_2485 : i32 to vector<16x4096xi32>
    %and3A_2487 = arith.andi %iota3A, %and3A_2486 : vector<16x4096xi32>
    %eq3A_2488 = arith.constant 0 : i32
    %eq3A_2489 = vector.broadcast %eq3A_2488 : i32 to vector<16x4096xi32>
    %eq3A_2490 = arith.cmpi eq, %and3A_2487, %eq3A_2489 : vector<16x4096xi32>
    %gt3A_2491 = arith.cmpf ogt, %select_n3A_2463, %select_n3A_2483 : vector<16x4096xf32>
    %eq3A_2492 = arith.cmpf oeq, %select_n3A_2463, %select_n3A_2483 : vector<16x4096xf32>
    %lt3A_2493 = arith.cmpi slt, %select_n3A_2464, %select_n3A_2484 : vector<16x4096xi32>
    %and3A_2494 = arith.andi %eq3A_2492, %lt3A_2493 : vector<16x4096xi1>
    %or3A_2495 = arith.ori %gt3A_2491, %and3A_2494 : vector<16x4096xi1>
    %eq3A_2496 = arith.xori %eq3A_2490, %eq3A_2482 : vector<16x4096xi1>
    %eq3A_2497 = arith.constant dense<true> : vector<16x4096xi1>
    %eq3A_2498 = arith.xori %eq3A_2496, %eq3A_2497 : vector<16x4096xi1>
    %eq3A_2499 = arith.xori %or3A_2495, %eq3A_2498 : vector<16x4096xi1>
    %eq3A_2500 = arith.constant dense<true> : vector<16x4096xi1>
    %eq3A_2501 = arith.xori %eq3A_2499, %eq3A_2500 : vector<16x4096xi1>
    %select_n3A_2502 = arith.select %eq3A_2501, %select_n3A_2463, %select_n3A_2483 : vector<16x4096xi1>, vector<16x4096xf32>
    %select_n3A_2503 = arith.select %eq3A_2501, %select_n3A_2464, %select_n3A_2484 : vector<16x4096xi1>, vector<16x4096xi32>
    %slice3A_2504 = vector.extract_strided_slice %select_n3A_2502 {offsets = [0, 4], sizes = [16, 4092], strides = [1, 1]} : vector<16x4096xf32> to vector<16x4092xf32>
    %slice3A_2505 = vector.extract_strided_slice %select_n3A_2502 {offsets = [0, 0], sizes = [16, 4], strides = [1, 1]} : vector<16x4096xf32> to vector<16x4xf32>
    %concatenate3A_2506 = tpu.concatenate %slice3A_2504, %slice3A_2505 in 1 : vector<16x4092xf32>, vector<16x4xf32> -> vector<16x4096xf32>
    %slice3A_2507 = vector.extract_strided_slice %select_n3A_2502 {offsets = [0, 4092], sizes = [16, 4], strides = [1, 1]} : vector<16x4096xf32> to vector<16x4xf32>
    %slice3A_2508 = vector.extract_strided_slice %select_n3A_2502 {offsets = [0, 0], sizes = [16, 4092], strides = [1, 1]} : vector<16x4096xf32> to vector<16x4092xf32>
    %concatenate3A_2509 = tpu.concatenate %slice3A_2507, %slice3A_2508 in 1 : vector<16x4xf32>, vector<16x4092xf32> -> vector<16x4096xf32>
    %slice3A_2510 = vector.extract_strided_slice %select_n3A_2503 {offsets = [0, 4], sizes = [16, 4092], strides = [1, 1]} : vector<16x4096xi32> to vector<16x4092xi32>
    %slice3A_2511 = vector.extract_strided_slice %select_n3A_2503 {offsets = [0, 0], sizes = [16, 4], strides = [1, 1]} : vector<16x4096xi32> to vector<16x4xi32>
    %concatenate3A_2512 = tpu.concatenate %slice3A_2510, %slice3A_2511 in 1 : vector<16x4092xi32>, vector<16x4xi32> -> vector<16x4096xi32>
    %slice3A_2513 = vector.extract_strided_slice %select_n3A_2503 {offsets = [0, 4092], sizes = [16, 4], strides = [1, 1]} : vector<16x4096xi32> to vector<16x4xi32>
    %slice3A_2514 = vector.extract_strided_slice %select_n3A_2503 {offsets = [0, 0], sizes = [16, 4092], strides = [1, 1]} : vector<16x4096xi32> to vector<16x4092xi32>
    %concatenate3A_2515 = tpu.concatenate %slice3A_2513, %slice3A_2514 in 1 : vector<16x4xi32>, vector<16x4092xi32> -> vector<16x4096xi32>
    %and3A_2516 = arith.constant 4 : i32
    %and3A_2517 = vector.broadcast %and3A_2516 : i32 to vector<16x4096xi32>
    %and3A_2518 = arith.andi %iota3A, %and3A_2517 : vector<16x4096xi32>
    %eq3A_2519 = arith.constant 0 : i32
    %eq3A_2520 = vector.broadcast %eq3A_2519 : i32 to vector<16x4096xi32>
    %eq3A_2521 = arith.cmpi eq, %and3A_2518, %eq3A_2520 : vector<16x4096xi32>
    %select_n3A_2522 = arith.select %eq3A_2521, %concatenate3A_2506, %concatenate3A_2509 : vector<16x4096xi1>, vector<16x4096xf32>
    %select_n3A_2523 = arith.select %eq3A_2521, %concatenate3A_2512, %concatenate3A_2515 : vector<16x4096xi1>, vector<16x4096xi32>
    %and3A_2524 = arith.constant 2048 : i32
    %and3A_2525 = vector.broadcast %and3A_2524 : i32 to vector<16x4096xi32>
    %and3A_2526 = arith.andi %iota3A, %and3A_2525 : vector<16x4096xi32>
    %eq3A_2527 = arith.constant 0 : i32
    %eq3A_2528 = vector.broadcast %eq3A_2527 : i32 to vector<16x4096xi32>
    %eq3A_2529 = arith.cmpi eq, %and3A_2526, %eq3A_2528 : vector<16x4096xi32>
    %gt3A_2530 = arith.cmpf ogt, %select_n3A_2502, %select_n3A_2522 : vector<16x4096xf32>
    %eq3A_2531 = arith.cmpf oeq, %select_n3A_2502, %select_n3A_2522 : vector<16x4096xf32>
    %lt3A_2532 = arith.cmpi slt, %select_n3A_2503, %select_n3A_2523 : vector<16x4096xi32>
    %and3A_2533 = arith.andi %eq3A_2531, %lt3A_2532 : vector<16x4096xi1>
    %or3A_2534 = arith.ori %gt3A_2530, %and3A_2533 : vector<16x4096xi1>
    %eq3A_2535 = arith.xori %eq3A_2529, %eq3A_2521 : vector<16x4096xi1>
    %eq3A_2536 = arith.constant dense<true> : vector<16x4096xi1>
    %eq3A_2537 = arith.xori %eq3A_2535, %eq3A_2536 : vector<16x4096xi1>
    %eq3A_2538 = arith.xori %or3A_2534, %eq3A_2537 : vector<16x4096xi1>
    %eq3A_2539 = arith.constant dense<true> : vector<16x4096xi1>
    %eq3A_2540 = arith.xori %eq3A_2538, %eq3A_2539 : vector<16x4096xi1>
    %select_n3A_2541 = arith.select %eq3A_2540, %select_n3A_2502, %select_n3A_2522 : vector<16x4096xi1>, vector<16x4096xf32>
    %select_n3A_2542 = arith.select %eq3A_2540, %select_n3A_2503, %select_n3A_2523 : vector<16x4096xi1>, vector<16x4096xi32>
    %slice3A_2543 = vector.extract_strided_slice %select_n3A_2541 {offsets = [0, 2], sizes = [16, 4094], strides = [1, 1]} : vector<16x4096xf32> to vector<16x4094xf32>
    %slice3A_2544 = vector.extract_strided_slice %select_n3A_2541 {offsets = [0, 0], sizes = [16, 2], strides = [1, 1]} : vector<16x4096xf32> to vector<16x2xf32>
    %concatenate3A_2545 = tpu.concatenate %slice3A_2543, %slice3A_2544 in 1 : vector<16x4094xf32>, vector<16x2xf32> -> vector<16x4096xf32>
    %slice3A_2546 = vector.extract_strided_slice %select_n3A_2541 {offsets = [0, 4094], sizes = [16, 2], strides = [1, 1]} : vector<16x4096xf32> to vector<16x2xf32>
    %slice3A_2547 = vector.extract_strided_slice %select_n3A_2541 {offsets = [0, 0], sizes = [16, 4094], strides = [1, 1]} : vector<16x4096xf32> to vector<16x4094xf32>
    %concatenate3A_2548 = tpu.concatenate %slice3A_2546, %slice3A_2547 in 1 : vector<16x2xf32>, vector<16x4094xf32> -> vector<16x4096xf32>
    %slice3A_2549 = vector.extract_strided_slice %select_n3A_2542 {offsets = [0, 2], sizes = [16, 4094], strides = [1, 1]} : vector<16x4096xi32> to vector<16x4094xi32>
    %slice3A_2550 = vector.extract_strided_slice %select_n3A_2542 {offsets = [0, 0], sizes = [16, 2], strides = [1, 1]} : vector<16x4096xi32> to vector<16x2xi32>
    %concatenate3A_2551 = tpu.concatenate %slice3A_2549, %slice3A_2550 in 1 : vector<16x4094xi32>, vector<16x2xi32> -> vector<16x4096xi32>
    %slice3A_2552 = vector.extract_strided_slice %select_n3A_2542 {offsets = [0, 4094], sizes = [16, 2], strides = [1, 1]} : vector<16x4096xi32> to vector<16x2xi32>
    %slice3A_2553 = vector.extract_strided_slice %select_n3A_2542 {offsets = [0, 0], sizes = [16, 4094], strides = [1, 1]} : vector<16x4096xi32> to vector<16x4094xi32>
    %concatenate3A_2554 = tpu.concatenate %slice3A_2552, %slice3A_2553 in 1 : vector<16x2xi32>, vector<16x4094xi32> -> vector<16x4096xi32>
    %and3A_2555 = arith.constant 2 : i32
    %and3A_2556 = vector.broadcast %and3A_2555 : i32 to vector<16x4096xi32>
    %and3A_2557 = arith.andi %iota3A, %and3A_2556 : vector<16x4096xi32>
    %eq3A_2558 = arith.constant 0 : i32
    %eq3A_2559 = vector.broadcast %eq3A_2558 : i32 to vector<16x4096xi32>
    %eq3A_2560 = arith.cmpi eq, %and3A_2557, %eq3A_2559 : vector<16x4096xi32>
    %select_n3A_2561 = arith.select %eq3A_2560, %concatenate3A_2545, %concatenate3A_2548 : vector<16x4096xi1>, vector<16x4096xf32>
    %select_n3A_2562 = arith.select %eq3A_2560, %concatenate3A_2551, %concatenate3A_2554 : vector<16x4096xi1>, vector<16x4096xi32>
    %and3A_2563 = arith.constant 2048 : i32
    %and3A_2564 = vector.broadcast %and3A_2563 : i32 to vector<16x4096xi32>
    %and3A_2565 = arith.andi %iota3A, %and3A_2564 : vector<16x4096xi32>
    %eq3A_2566 = arith.constant 0 : i32
    %eq3A_2567 = vector.broadcast %eq3A_2566 : i32 to vector<16x4096xi32>
    %eq3A_2568 = arith.cmpi eq, %and3A_2565, %eq3A_2567 : vector<16x4096xi32>
    %gt3A_2569 = arith.cmpf ogt, %select_n3A_2541, %select_n3A_2561 : vector<16x4096xf32>
    %eq3A_2570 = arith.cmpf oeq, %select_n3A_2541, %select_n3A_2561 : vector<16x4096xf32>
    %lt3A_2571 = arith.cmpi slt, %select_n3A_2542, %select_n3A_2562 : vector<16x4096xi32>
    %and3A_2572 = arith.andi %eq3A_2570, %lt3A_2571 : vector<16x4096xi1>
    %or3A_2573 = arith.ori %gt3A_2569, %and3A_2572 : vector<16x4096xi1>
    %eq3A_2574 = arith.xori %eq3A_2568, %eq3A_2560 : vector<16x4096xi1>
    %eq3A_2575 = arith.constant dense<true> : vector<16x4096xi1>
    %eq3A_2576 = arith.xori %eq3A_2574, %eq3A_2575 : vector<16x4096xi1>
    %eq3A_2577 = arith.xori %or3A_2573, %eq3A_2576 : vector<16x4096xi1>
    %eq3A_2578 = arith.constant dense<true> : vector<16x4096xi1>
    %eq3A_2579 = arith.xori %eq3A_2577, %eq3A_2578 : vector<16x4096xi1>
    %select_n3A_2580 = arith.select %eq3A_2579, %select_n3A_2541, %select_n3A_2561 : vector<16x4096xi1>, vector<16x4096xf32>
    %select_n3A_2581 = arith.select %eq3A_2579, %select_n3A_2542, %select_n3A_2562 : vector<16x4096xi1>, vector<16x4096xi32>
    %slice3A_2582 = vector.extract_strided_slice %select_n3A_2580 {offsets = [0, 1], sizes = [16, 4095], strides = [1, 1]} : vector<16x4096xf32> to vector<16x4095xf32>
    %slice3A_2583 = vector.extract_strided_slice %select_n3A_2580 {offsets = [0, 0], sizes = [16, 1], strides = [1, 1]} : vector<16x4096xf32> to vector<16x1xf32>
    %concatenate3A_2584 = tpu.concatenate %slice3A_2582, %slice3A_2583 in 1 : vector<16x4095xf32>, vector<16x1xf32> -> vector<16x4096xf32>
    %slice3A_2585 = vector.extract_strided_slice %select_n3A_2580 {offsets = [0, 4095], sizes = [16, 1], strides = [1, 1]} : vector<16x4096xf32> to vector<16x1xf32>
    %slice3A_2586 = vector.extract_strided_slice %select_n3A_2580 {offsets = [0, 0], sizes = [16, 4095], strides = [1, 1]} : vector<16x4096xf32> to vector<16x4095xf32>
    %concatenate3A_2587 = tpu.concatenate %slice3A_2585, %slice3A_2586 in 1 : vector<16x1xf32>, vector<16x4095xf32> -> vector<16x4096xf32>
    %slice3A_2588 = vector.extract_strided_slice %select_n3A_2581 {offsets = [0, 1], sizes = [16, 4095], strides = [1, 1]} : vector<16x4096xi32> to vector<16x4095xi32>
    %slice3A_2589 = vector.extract_strided_slice %select_n3A_2581 {offsets = [0, 0], sizes = [16, 1], strides = [1, 1]} : vector<16x4096xi32> to vector<16x1xi32>
    %concatenate3A_2590 = tpu.concatenate %slice3A_2588, %slice3A_2589 in 1 : vector<16x4095xi32>, vector<16x1xi32> -> vector<16x4096xi32>
    %slice3A_2591 = vector.extract_strided_slice %select_n3A_2581 {offsets = [0, 4095], sizes = [16, 1], strides = [1, 1]} : vector<16x4096xi32> to vector<16x1xi32>
    %slice3A_2592 = vector.extract_strided_slice %select_n3A_2581 {offsets = [0, 0], sizes = [16, 4095], strides = [1, 1]} : vector<16x4096xi32> to vector<16x4095xi32>
    %concatenate3A_2593 = tpu.concatenate %slice3A_2591, %slice3A_2592 in 1 : vector<16x1xi32>, vector<16x4095xi32> -> vector<16x4096xi32>
    %and3A_2594 = arith.constant 1 : i32
    %and3A_2595 = vector.broadcast %and3A_2594 : i32 to vector<16x4096xi32>
    %and3A_2596 = arith.andi %iota3A, %and3A_2595 : vector<16x4096xi32>
    %eq3A_2597 = arith.constant 0 : i32
    %eq3A_2598 = vector.broadcast %eq3A_2597 : i32 to vector<16x4096xi32>
    %eq3A_2599 = arith.cmpi eq, %and3A_2596, %eq3A_2598 : vector<16x4096xi32>
    %select_n3A_2600 = arith.select %eq3A_2599, %concatenate3A_2584, %concatenate3A_2587 : vector<16x4096xi1>, vector<16x4096xf32>
    %select_n3A_2601 = arith.select %eq3A_2599, %concatenate3A_2590, %concatenate3A_2593 : vector<16x4096xi1>, vector<16x4096xi32>
    %and3A_2602 = arith.constant 2048 : i32
    %and3A_2603 = vector.broadcast %and3A_2602 : i32 to vector<16x4096xi32>
    %and3A_2604 = arith.andi %iota3A, %and3A_2603 : vector<16x4096xi32>
    %eq3A_2605 = arith.constant 0 : i32
    %eq3A_2606 = vector.broadcast %eq3A_2605 : i32 to vector<16x4096xi32>
    %eq3A_2607 = arith.cmpi eq, %and3A_2604, %eq3A_2606 : vector<16x4096xi32>
    %gt3A_2608 = arith.cmpf ogt, %select_n3A_2580, %select_n3A_2600 : vector<16x4096xf32>
    %eq3A_2609 = arith.cmpf oeq, %select_n3A_2580, %select_n3A_2600 : vector<16x4096xf32>
    %lt3A_2610 = arith.cmpi slt, %select_n3A_2581, %select_n3A_2601 : vector<16x4096xi32>
    %and3A_2611 = arith.andi %eq3A_2609, %lt3A_2610 : vector<16x4096xi1>
    %or3A_2612 = arith.ori %gt3A_2608, %and3A_2611 : vector<16x4096xi1>
    %eq3A_2613 = arith.xori %eq3A_2607, %eq3A_2599 : vector<16x4096xi1>
    %eq3A_2614 = arith.constant dense<true> : vector<16x4096xi1>
    %eq3A_2615 = arith.xori %eq3A_2613, %eq3A_2614 : vector<16x4096xi1>
    %eq3A_2616 = arith.xori %or3A_2612, %eq3A_2615 : vector<16x4096xi1>
    %eq3A_2617 = arith.constant dense<true> : vector<16x4096xi1>
    %eq3A_2618 = arith.xori %eq3A_2616, %eq3A_2617 : vector<16x4096xi1>
    %select_n3A_2619 = arith.select %eq3A_2618, %select_n3A_2580, %select_n3A_2600 : vector<16x4096xi1>, vector<16x4096xf32>
    %select_n3A_2620 = arith.select %eq3A_2618, %select_n3A_2581, %select_n3A_2601 : vector<16x4096xi1>, vector<16x4096xi32>
    %slice3A_2621 = vector.extract_strided_slice %select_n3A_2619 {offsets = [0, 2048], sizes = [16, 2048], strides = [1, 1]} : vector<16x4096xf32> to vector<16x2048xf32>
    %slice3A_2622 = vector.extract_strided_slice %select_n3A_2619 {offsets = [0, 0], sizes = [16, 2048], strides = [1, 1]} : vector<16x4096xf32> to vector<16x2048xf32>
    %concatenate3A_2623 = tpu.concatenate %slice3A_2621, %slice3A_2622 in 1 : vector<16x2048xf32>, vector<16x2048xf32> -> vector<16x4096xf32>
    %slice3A_2624 = vector.extract_strided_slice %select_n3A_2619 {offsets = [0, 2048], sizes = [16, 2048], strides = [1, 1]} : vector<16x4096xf32> to vector<16x2048xf32>
    %slice3A_2625 = vector.extract_strided_slice %select_n3A_2619 {offsets = [0, 0], sizes = [16, 2048], strides = [1, 1]} : vector<16x4096xf32> to vector<16x2048xf32>
    %concatenate3A_2626 = tpu.concatenate %slice3A_2624, %slice3A_2625 in 1 : vector<16x2048xf32>, vector<16x2048xf32> -> vector<16x4096xf32>
    %slice3A_2627 = vector.extract_strided_slice %select_n3A_2620 {offsets = [0, 2048], sizes = [16, 2048], strides = [1, 1]} : vector<16x4096xi32> to vector<16x2048xi32>
    %slice3A_2628 = vector.extract_strided_slice %select_n3A_2620 {offsets = [0, 0], sizes = [16, 2048], strides = [1, 1]} : vector<16x4096xi32> to vector<16x2048xi32>
    %concatenate3A_2629 = tpu.concatenate %slice3A_2627, %slice3A_2628 in 1 : vector<16x2048xi32>, vector<16x2048xi32> -> vector<16x4096xi32>
    %slice3A_2630 = vector.extract_strided_slice %select_n3A_2620 {offsets = [0, 2048], sizes = [16, 2048], strides = [1, 1]} : vector<16x4096xi32> to vector<16x2048xi32>
    %slice3A_2631 = vector.extract_strided_slice %select_n3A_2620 {offsets = [0, 0], sizes = [16, 2048], strides = [1, 1]} : vector<16x4096xi32> to vector<16x2048xi32>
    %concatenate3A_2632 = tpu.concatenate %slice3A_2630, %slice3A_2631 in 1 : vector<16x2048xi32>, vector<16x2048xi32> -> vector<16x4096xi32>
    %and3A_2633 = arith.constant 2048 : i32
    %and3A_2634 = vector.broadcast %and3A_2633 : i32 to vector<16x4096xi32>
    %and3A_2635 = arith.andi %iota3A, %and3A_2634 : vector<16x4096xi32>
    %eq3A_2636 = arith.constant 0 : i32
    %eq3A_2637 = vector.broadcast %eq3A_2636 : i32 to vector<16x4096xi32>
    %eq3A_2638 = arith.cmpi eq, %and3A_2635, %eq3A_2637 : vector<16x4096xi32>
    %select_n3A_2639 = arith.select %eq3A_2638, %concatenate3A_2623, %concatenate3A_2626 : vector<16x4096xi1>, vector<16x4096xf32>
    %select_n3A_2640 = arith.select %eq3A_2638, %concatenate3A_2629, %concatenate3A_2632 : vector<16x4096xi1>, vector<16x4096xi32>
    %and3A_2641 = arith.constant 4096 : i32
    %and3A_2642 = vector.broadcast %and3A_2641 : i32 to vector<16x4096xi32>
    %and3A_2643 = arith.andi %iota3A, %and3A_2642 : vector<16x4096xi32>
    %eq3A_2644 = arith.constant 0 : i32
    %eq3A_2645 = vector.broadcast %eq3A_2644 : i32 to vector<16x4096xi32>
    %eq3A_2646 = arith.cmpi eq, %and3A_2643, %eq3A_2645 : vector<16x4096xi32>
    %gt3A_2647 = arith.cmpf ogt, %select_n3A_2619, %select_n3A_2639 : vector<16x4096xf32>
    %eq3A_2648 = arith.cmpf oeq, %select_n3A_2619, %select_n3A_2639 : vector<16x4096xf32>
    %lt3A_2649 = arith.cmpi slt, %select_n3A_2620, %select_n3A_2640 : vector<16x4096xi32>
    %and3A_2650 = arith.andi %eq3A_2648, %lt3A_2649 : vector<16x4096xi1>
    %or3A_2651 = arith.ori %gt3A_2647, %and3A_2650 : vector<16x4096xi1>
    %eq3A_2652 = arith.xori %eq3A_2646, %eq3A_2638 : vector<16x4096xi1>
    %eq3A_2653 = arith.constant dense<true> : vector<16x4096xi1>
    %eq3A_2654 = arith.xori %eq3A_2652, %eq3A_2653 : vector<16x4096xi1>
    %eq3A_2655 = arith.xori %or3A_2651, %eq3A_2654 : vector<16x4096xi1>
    %eq3A_2656 = arith.constant dense<true> : vector<16x4096xi1>
    %eq3A_2657 = arith.xori %eq3A_2655, %eq3A_2656 : vector<16x4096xi1>
    %select_n3A_2658 = arith.select %eq3A_2657, %select_n3A_2619, %select_n3A_2639 : vector<16x4096xi1>, vector<16x4096xf32>
    %select_n3A_2659 = arith.select %eq3A_2657, %select_n3A_2620, %select_n3A_2640 : vector<16x4096xi1>, vector<16x4096xi32>
    %slice3A_2660 = vector.extract_strided_slice %select_n3A_2658 {offsets = [0, 1024], sizes = [16, 3072], strides = [1, 1]} : vector<16x4096xf32> to vector<16x3072xf32>
    %slice3A_2661 = vector.extract_strided_slice %select_n3A_2658 {offsets = [0, 0], sizes = [16, 1024], strides = [1, 1]} : vector<16x4096xf32> to vector<16x1024xf32>
    %concatenate3A_2662 = tpu.concatenate %slice3A_2660, %slice3A_2661 in 1 : vector<16x3072xf32>, vector<16x1024xf32> -> vector<16x4096xf32>
    %slice3A_2663 = vector.extract_strided_slice %select_n3A_2658 {offsets = [0, 3072], sizes = [16, 1024], strides = [1, 1]} : vector<16x4096xf32> to vector<16x1024xf32>
    %slice3A_2664 = vector.extract_strided_slice %select_n3A_2658 {offsets = [0, 0], sizes = [16, 3072], strides = [1, 1]} : vector<16x4096xf32> to vector<16x3072xf32>
    %concatenate3A_2665 = tpu.concatenate %slice3A_2663, %slice3A_2664 in 1 : vector<16x1024xf32>, vector<16x3072xf32> -> vector<16x4096xf32>
    %slice3A_2666 = vector.extract_strided_slice %select_n3A_2659 {offsets = [0, 1024], sizes = [16, 3072], strides = [1, 1]} : vector<16x4096xi32> to vector<16x3072xi32>
    %slice3A_2667 = vector.extract_strided_slice %select_n3A_2659 {offsets = [0, 0], sizes = [16, 1024], strides = [1, 1]} : vector<16x4096xi32> to vector<16x1024xi32>
    %concatenate3A_2668 = tpu.concatenate %slice3A_2666, %slice3A_2667 in 1 : vector<16x3072xi32>, vector<16x1024xi32> -> vector<16x4096xi32>
    %slice3A_2669 = vector.extract_strided_slice %select_n3A_2659 {offsets = [0, 3072], sizes = [16, 1024], strides = [1, 1]} : vector<16x4096xi32> to vector<16x1024xi32>
    %slice3A_2670 = vector.extract_strided_slice %select_n3A_2659 {offsets = [0, 0], sizes = [16, 3072], strides = [1, 1]} : vector<16x4096xi32> to vector<16x3072xi32>
    %concatenate3A_2671 = tpu.concatenate %slice3A_2669, %slice3A_2670 in 1 : vector<16x1024xi32>, vector<16x3072xi32> -> vector<16x4096xi32>
    %and3A_2672 = arith.constant 1024 : i32
    %and3A_2673 = vector.broadcast %and3A_2672 : i32 to vector<16x4096xi32>
    %and3A_2674 = arith.andi %iota3A, %and3A_2673 : vector<16x4096xi32>
    %eq3A_2675 = arith.constant 0 : i32
    %eq3A_2676 = vector.broadcast %eq3A_2675 : i32 to vector<16x4096xi32>
    %eq3A_2677 = arith.cmpi eq, %and3A_2674, %eq3A_2676 : vector<16x4096xi32>
    %select_n3A_2678 = arith.select %eq3A_2677, %concatenate3A_2662, %concatenate3A_2665 : vector<16x4096xi1>, vector<16x4096xf32>
    %select_n3A_2679 = arith.select %eq3A_2677, %concatenate3A_2668, %concatenate3A_2671 : vector<16x4096xi1>, vector<16x4096xi32>
    %and3A_2680 = arith.constant 4096 : i32
    %and3A_2681 = vector.broadcast %and3A_2680 : i32 to vector<16x4096xi32>
    %and3A_2682 = arith.andi %iota3A, %and3A_2681 : vector<16x4096xi32>
    %eq3A_2683 = arith.constant 0 : i32
    %eq3A_2684 = vector.broadcast %eq3A_2683 : i32 to vector<16x4096xi32>
    %eq3A_2685 = arith.cmpi eq, %and3A_2682, %eq3A_2684 : vector<16x4096xi32>
    %gt3A_2686 = arith.cmpf ogt, %select_n3A_2658, %select_n3A_2678 : vector<16x4096xf32>
    %eq3A_2687 = arith.cmpf oeq, %select_n3A_2658, %select_n3A_2678 : vector<16x4096xf32>
    %lt3A_2688 = arith.cmpi slt, %select_n3A_2659, %select_n3A_2679 : vector<16x4096xi32>
    %and3A_2689 = arith.andi %eq3A_2687, %lt3A_2688 : vector<16x4096xi1>
    %or3A_2690 = arith.ori %gt3A_2686, %and3A_2689 : vector<16x4096xi1>
    %eq3A_2691 = arith.xori %eq3A_2685, %eq3A_2677 : vector<16x4096xi1>
    %eq3A_2692 = arith.constant dense<true> : vector<16x4096xi1>
    %eq3A_2693 = arith.xori %eq3A_2691, %eq3A_2692 : vector<16x4096xi1>
    %eq3A_2694 = arith.xori %or3A_2690, %eq3A_2693 : vector<16x4096xi1>
    %eq3A_2695 = arith.constant dense<true> : vector<16x4096xi1>
    %eq3A_2696 = arith.xori %eq3A_2694, %eq3A_2695 : vector<16x4096xi1>
    %select_n3A_2697 = arith.select %eq3A_2696, %select_n3A_2658, %select_n3A_2678 : vector<16x4096xi1>, vector<16x4096xf32>
    %select_n3A_2698 = arith.select %eq3A_2696, %select_n3A_2659, %select_n3A_2679 : vector<16x4096xi1>, vector<16x4096xi32>
    %slice3A_2699 = vector.extract_strided_slice %select_n3A_2697 {offsets = [0, 512], sizes = [16, 3584], strides = [1, 1]} : vector<16x4096xf32> to vector<16x3584xf32>
    %slice3A_2700 = vector.extract_strided_slice %select_n3A_2697 {offsets = [0, 0], sizes = [16, 512], strides = [1, 1]} : vector<16x4096xf32> to vector<16x512xf32>
    %concatenate3A_2701 = tpu.concatenate %slice3A_2699, %slice3A_2700 in 1 : vector<16x3584xf32>, vector<16x512xf32> -> vector<16x4096xf32>
    %slice3A_2702 = vector.extract_strided_slice %select_n3A_2697 {offsets = [0, 3584], sizes = [16, 512], strides = [1, 1]} : vector<16x4096xf32> to vector<16x512xf32>
    %slice3A_2703 = vector.extract_strided_slice %select_n3A_2697 {offsets = [0, 0], sizes = [16, 3584], strides = [1, 1]} : vector<16x4096xf32> to vector<16x3584xf32>
    %concatenate3A_2704 = tpu.concatenate %slice3A_2702, %slice3A_2703 in 1 : vector<16x512xf32>, vector<16x3584xf32> -> vector<16x4096xf32>
    %slice3A_2705 = vector.extract_strided_slice %select_n3A_2698 {offsets = [0, 512], sizes = [16, 3584], strides = [1, 1]} : vector<16x4096xi32> to vector<16x3584xi32>
    %slice3A_2706 = vector.extract_strided_slice %select_n3A_2698 {offsets = [0, 0], sizes = [16, 512], strides = [1, 1]} : vector<16x4096xi32> to vector<16x512xi32>
    %concatenate3A_2707 = tpu.concatenate %slice3A_2705, %slice3A_2706 in 1 : vector<16x3584xi32>, vector<16x512xi32> -> vector<16x4096xi32>
    %slice3A_2708 = vector.extract_strided_slice %select_n3A_2698 {offsets = [0, 3584], sizes = [16, 512], strides = [1, 1]} : vector<16x4096xi32> to vector<16x512xi32>
    %slice3A_2709 = vector.extract_strided_slice %select_n3A_2698 {offsets = [0, 0], sizes = [16, 3584], strides = [1, 1]} : vector<16x4096xi32> to vector<16x3584xi32>
    %concatenate3A_2710 = tpu.concatenate %slice3A_2708, %slice3A_2709 in 1 : vector<16x512xi32>, vector<16x3584xi32> -> vector<16x4096xi32>
    %and3A_2711 = arith.constant 512 : i32
    %and3A_2712 = vector.broadcast %and3A_2711 : i32 to vector<16x4096xi32>
    %and3A_2713 = arith.andi %iota3A, %and3A_2712 : vector<16x4096xi32>
    %eq3A_2714 = arith.constant 0 : i32
    %eq3A_2715 = vector.broadcast %eq3A_2714 : i32 to vector<16x4096xi32>
    %eq3A_2716 = arith.cmpi eq, %and3A_2713, %eq3A_2715 : vector<16x4096xi32>
    %select_n3A_2717 = arith.select %eq3A_2716, %concatenate3A_2701, %concatenate3A_2704 : vector<16x4096xi1>, vector<16x4096xf32>
    %select_n3A_2718 = arith.select %eq3A_2716, %concatenate3A_2707, %concatenate3A_2710 : vector<16x4096xi1>, vector<16x4096xi32>
    %and3A_2719 = arith.constant 4096 : i32
    %and3A_2720 = vector.broadcast %and3A_2719 : i32 to vector<16x4096xi32>
    %and3A_2721 = arith.andi %iota3A, %and3A_2720 : vector<16x4096xi32>
    %eq3A_2722 = arith.constant 0 : i32
    %eq3A_2723 = vector.broadcast %eq3A_2722 : i32 to vector<16x4096xi32>
    %eq3A_2724 = arith.cmpi eq, %and3A_2721, %eq3A_2723 : vector<16x4096xi32>
    %gt3A_2725 = arith.cmpf ogt, %select_n3A_2697, %select_n3A_2717 : vector<16x4096xf32>
    %eq3A_2726 = arith.cmpf oeq, %select_n3A_2697, %select_n3A_2717 : vector<16x4096xf32>
    %lt3A_2727 = arith.cmpi slt, %select_n3A_2698, %select_n3A_2718 : vector<16x4096xi32>
    %and3A_2728 = arith.andi %eq3A_2726, %lt3A_2727 : vector<16x4096xi1>
    %or3A_2729 = arith.ori %gt3A_2725, %and3A_2728 : vector<16x4096xi1>
    %eq3A_2730 = arith.xori %eq3A_2724, %eq3A_2716 : vector<16x4096xi1>
    %eq3A_2731 = arith.constant dense<true> : vector<16x4096xi1>
    %eq3A_2732 = arith.xori %eq3A_2730, %eq3A_2731 : vector<16x4096xi1>
    %eq3A_2733 = arith.xori %or3A_2729, %eq3A_2732 : vector<16x4096xi1>
    %eq3A_2734 = arith.constant dense<true> : vector<16x4096xi1>
    %eq3A_2735 = arith.xori %eq3A_2733, %eq3A_2734 : vector<16x4096xi1>
    %select_n3A_2736 = arith.select %eq3A_2735, %select_n3A_2697, %select_n3A_2717 : vector<16x4096xi1>, vector<16x4096xf32>
    %select_n3A_2737 = arith.select %eq3A_2735, %select_n3A_2698, %select_n3A_2718 : vector<16x4096xi1>, vector<16x4096xi32>
    %slice3A_2738 = vector.extract_strided_slice %select_n3A_2736 {offsets = [0, 256], sizes = [16, 3840], strides = [1, 1]} : vector<16x4096xf32> to vector<16x3840xf32>
    %slice3A_2739 = vector.extract_strided_slice %select_n3A_2736 {offsets = [0, 0], sizes = [16, 256], strides = [1, 1]} : vector<16x4096xf32> to vector<16x256xf32>
    %concatenate3A_2740 = tpu.concatenate %slice3A_2738, %slice3A_2739 in 1 : vector<16x3840xf32>, vector<16x256xf32> -> vector<16x4096xf32>
    %slice3A_2741 = vector.extract_strided_slice %select_n3A_2736 {offsets = [0, 3840], sizes = [16, 256], strides = [1, 1]} : vector<16x4096xf32> to vector<16x256xf32>
    %slice3A_2742 = vector.extract_strided_slice %select_n3A_2736 {offsets = [0, 0], sizes = [16, 3840], strides = [1, 1]} : vector<16x4096xf32> to vector<16x3840xf32>
    %concatenate3A_2743 = tpu.concatenate %slice3A_2741, %slice3A_2742 in 1 : vector<16x256xf32>, vector<16x3840xf32> -> vector<16x4096xf32>
    %slice3A_2744 = vector.extract_strided_slice %select_n3A_2737 {offsets = [0, 256], sizes = [16, 3840], strides = [1, 1]} : vector<16x4096xi32> to vector<16x3840xi32>
    %slice3A_2745 = vector.extract_strided_slice %select_n3A_2737 {offsets = [0, 0], sizes = [16, 256], strides = [1, 1]} : vector<16x4096xi32> to vector<16x256xi32>
    %concatenate3A_2746 = tpu.concatenate %slice3A_2744, %slice3A_2745 in 1 : vector<16x3840xi32>, vector<16x256xi32> -> vector<16x4096xi32>
    %slice3A_2747 = vector.extract_strided_slice %select_n3A_2737 {offsets = [0, 3840], sizes = [16, 256], strides = [1, 1]} : vector<16x4096xi32> to vector<16x256xi32>
    %slice3A_2748 = vector.extract_strided_slice %select_n3A_2737 {offsets = [0, 0], sizes = [16, 3840], strides = [1, 1]} : vector<16x4096xi32> to vector<16x3840xi32>
    %concatenate3A_2749 = tpu.concatenate %slice3A_2747, %slice3A_2748 in 1 : vector<16x256xi32>, vector<16x3840xi32> -> vector<16x4096xi32>
    %and3A_2750 = arith.constant 256 : i32
    %and3A_2751 = vector.broadcast %and3A_2750 : i32 to vector<16x4096xi32>
    %and3A_2752 = arith.andi %iota3A, %and3A_2751 : vector<16x4096xi32>
    %eq3A_2753 = arith.constant 0 : i32
    %eq3A_2754 = vector.broadcast %eq3A_2753 : i32 to vector<16x4096xi32>
    %eq3A_2755 = arith.cmpi eq, %and3A_2752, %eq3A_2754 : vector<16x4096xi32>
    %select_n3A_2756 = arith.select %eq3A_2755, %concatenate3A_2740, %concatenate3A_2743 : vector<16x4096xi1>, vector<16x4096xf32>
    %select_n3A_2757 = arith.select %eq3A_2755, %concatenate3A_2746, %concatenate3A_2749 : vector<16x4096xi1>, vector<16x4096xi32>
    %and3A_2758 = arith.constant 4096 : i32
    %and3A_2759 = vector.broadcast %and3A_2758 : i32 to vector<16x4096xi32>
    %and3A_2760 = arith.andi %iota3A, %and3A_2759 : vector<16x4096xi32>
    %eq3A_2761 = arith.constant 0 : i32
    %eq3A_2762 = vector.broadcast %eq3A_2761 : i32 to vector<16x4096xi32>
    %eq3A_2763 = arith.cmpi eq, %and3A_2760, %eq3A_2762 : vector<16x4096xi32>
    %gt3A_2764 = arith.cmpf ogt, %select_n3A_2736, %select_n3A_2756 : vector<16x4096xf32>
    %eq3A_2765 = arith.cmpf oeq, %select_n3A_2736, %select_n3A_2756 : vector<16x4096xf32>
    %lt3A_2766 = arith.cmpi slt, %select_n3A_2737, %select_n3A_2757 : vector<16x4096xi32>
    %and3A_2767 = arith.andi %eq3A_2765, %lt3A_2766 : vector<16x4096xi1>
    %or3A_2768 = arith.ori %gt3A_2764, %and3A_2767 : vector<16x4096xi1>
    %eq3A_2769 = arith.xori %eq3A_2763, %eq3A_2755 : vector<16x4096xi1>
    %eq3A_2770 = arith.constant dense<true> : vector<16x4096xi1>
    %eq3A_2771 = arith.xori %eq3A_2769, %eq3A_2770 : vector<16x4096xi1>
    %eq3A_2772 = arith.xori %or3A_2768, %eq3A_2771 : vector<16x4096xi1>
    %eq3A_2773 = arith.constant dense<true> : vector<16x4096xi1>
    %eq3A_2774 = arith.xori %eq3A_2772, %eq3A_2773 : vector<16x4096xi1>
    %select_n3A_2775 = arith.select %eq3A_2774, %select_n3A_2736, %select_n3A_2756 : vector<16x4096xi1>, vector<16x4096xf32>
    %select_n3A_2776 = arith.select %eq3A_2774, %select_n3A_2737, %select_n3A_2757 : vector<16x4096xi1>, vector<16x4096xi32>
    %slice3A_2777 = vector.extract_strided_slice %select_n3A_2775 {offsets = [0, 128], sizes = [16, 3968], strides = [1, 1]} : vector<16x4096xf32> to vector<16x3968xf32>
    %slice3A_2778 = vector.extract_strided_slice %select_n3A_2775 {offsets = [0, 0], sizes = [16, 128], strides = [1, 1]} : vector<16x4096xf32> to vector<16x128xf32>
    %concatenate3A_2779 = tpu.concatenate %slice3A_2777, %slice3A_2778 in 1 : vector<16x3968xf32>, vector<16x128xf32> -> vector<16x4096xf32>
    %slice3A_2780 = vector.extract_strided_slice %select_n3A_2775 {offsets = [0, 3968], sizes = [16, 128], strides = [1, 1]} : vector<16x4096xf32> to vector<16x128xf32>
    %slice3A_2781 = vector.extract_strided_slice %select_n3A_2775 {offsets = [0, 0], sizes = [16, 3968], strides = [1, 1]} : vector<16x4096xf32> to vector<16x3968xf32>
    %concatenate3A_2782 = tpu.concatenate %slice3A_2780, %slice3A_2781 in 1 : vector<16x128xf32>, vector<16x3968xf32> -> vector<16x4096xf32>
    %slice3A_2783 = vector.extract_strided_slice %select_n3A_2776 {offsets = [0, 128], sizes = [16, 3968], strides = [1, 1]} : vector<16x4096xi32> to vector<16x3968xi32>
    %slice3A_2784 = vector.extract_strided_slice %select_n3A_2776 {offsets = [0, 0], sizes = [16, 128], strides = [1, 1]} : vector<16x4096xi32> to vector<16x128xi32>
    %concatenate3A_2785 = tpu.concatenate %slice3A_2783, %slice3A_2784 in 1 : vector<16x3968xi32>, vector<16x128xi32> -> vector<16x4096xi32>
    %slice3A_2786 = vector.extract_strided_slice %select_n3A_2776 {offsets = [0, 3968], sizes = [16, 128], strides = [1, 1]} : vector<16x4096xi32> to vector<16x128xi32>
    %slice3A_2787 = vector.extract_strided_slice %select_n3A_2776 {offsets = [0, 0], sizes = [16, 3968], strides = [1, 1]} : vector<16x4096xi32> to vector<16x3968xi32>
    %concatenate3A_2788 = tpu.concatenate %slice3A_2786, %slice3A_2787 in 1 : vector<16x128xi32>, vector<16x3968xi32> -> vector<16x4096xi32>
    %and3A_2789 = arith.constant 128 : i32
    %and3A_2790 = vector.broadcast %and3A_2789 : i32 to vector<16x4096xi32>
    %and3A_2791 = arith.andi %iota3A, %and3A_2790 : vector<16x4096xi32>
    %eq3A_2792 = arith.constant 0 : i32
    %eq3A_2793 = vector.broadcast %eq3A_2792 : i32 to vector<16x4096xi32>
    %eq3A_2794 = arith.cmpi eq, %and3A_2791, %eq3A_2793 : vector<16x4096xi32>
    %select_n3A_2795 = arith.select %eq3A_2794, %concatenate3A_2779, %concatenate3A_2782 : vector<16x4096xi1>, vector<16x4096xf32>
    %select_n3A_2796 = arith.select %eq3A_2794, %concatenate3A_2785, %concatenate3A_2788 : vector<16x4096xi1>, vector<16x4096xi32>
    %and3A_2797 = arith.constant 4096 : i32
    %and3A_2798 = vector.broadcast %and3A_2797 : i32 to vector<16x4096xi32>
    %and3A_2799 = arith.andi %iota3A, %and3A_2798 : vector<16x4096xi32>
    %eq3A_2800 = arith.constant 0 : i32
    %eq3A_2801 = vector.broadcast %eq3A_2800 : i32 to vector<16x4096xi32>
    %eq3A_2802 = arith.cmpi eq, %and3A_2799, %eq3A_2801 : vector<16x4096xi32>
    %gt3A_2803 = arith.cmpf ogt, %select_n3A_2775, %select_n3A_2795 : vector<16x4096xf32>
    %eq3A_2804 = arith.cmpf oeq, %select_n3A_2775, %select_n3A_2795 : vector<16x4096xf32>
    %lt3A_2805 = arith.cmpi slt, %select_n3A_2776, %select_n3A_2796 : vector<16x4096xi32>
    %and3A_2806 = arith.andi %eq3A_2804, %lt3A_2805 : vector<16x4096xi1>
    %or3A_2807 = arith.ori %gt3A_2803, %and3A_2806 : vector<16x4096xi1>
    %eq3A_2808 = arith.xori %eq3A_2802, %eq3A_2794 : vector<16x4096xi1>
    %eq3A_2809 = arith.constant dense<true> : vector<16x4096xi1>
    %eq3A_2810 = arith.xori %eq3A_2808, %eq3A_2809 : vector<16x4096xi1>
    %eq3A_2811 = arith.xori %or3A_2807, %eq3A_2810 : vector<16x4096xi1>
    %eq3A_2812 = arith.constant dense<true> : vector<16x4096xi1>
    %eq3A_2813 = arith.xori %eq3A_2811, %eq3A_2812 : vector<16x4096xi1>
    %select_n3A_2814 = arith.select %eq3A_2813, %select_n3A_2775, %select_n3A_2795 : vector<16x4096xi1>, vector<16x4096xf32>
    %select_n3A_2815 = arith.select %eq3A_2813, %select_n3A_2776, %select_n3A_2796 : vector<16x4096xi1>, vector<16x4096xi32>
    %slice3A_2816 = vector.extract_strided_slice %select_n3A_2814 {offsets = [0, 64], sizes = [16, 4032], strides = [1, 1]} : vector<16x4096xf32> to vector<16x4032xf32>
    %slice3A_2817 = vector.extract_strided_slice %select_n3A_2814 {offsets = [0, 0], sizes = [16, 64], strides = [1, 1]} : vector<16x4096xf32> to vector<16x64xf32>
    %concatenate3A_2818 = tpu.concatenate %slice3A_2816, %slice3A_2817 in 1 : vector<16x4032xf32>, vector<16x64xf32> -> vector<16x4096xf32>
    %slice3A_2819 = vector.extract_strided_slice %select_n3A_2814 {offsets = [0, 4032], sizes = [16, 64], strides = [1, 1]} : vector<16x4096xf32> to vector<16x64xf32>
    %slice3A_2820 = vector.extract_strided_slice %select_n3A_2814 {offsets = [0, 0], sizes = [16, 4032], strides = [1, 1]} : vector<16x4096xf32> to vector<16x4032xf32>
    %concatenate3A_2821 = tpu.concatenate %slice3A_2819, %slice3A_2820 in 1 : vector<16x64xf32>, vector<16x4032xf32> -> vector<16x4096xf32>
    %slice3A_2822 = vector.extract_strided_slice %select_n3A_2815 {offsets = [0, 64], sizes = [16, 4032], strides = [1, 1]} : vector<16x4096xi32> to vector<16x4032xi32>
    %slice3A_2823 = vector.extract_strided_slice %select_n3A_2815 {offsets = [0, 0], sizes = [16, 64], strides = [1, 1]} : vector<16x4096xi32> to vector<16x64xi32>
    %concatenate3A_2824 = tpu.concatenate %slice3A_2822, %slice3A_2823 in 1 : vector<16x4032xi32>, vector<16x64xi32> -> vector<16x4096xi32>
    %slice3A_2825 = vector.extract_strided_slice %select_n3A_2815 {offsets = [0, 4032], sizes = [16, 64], strides = [1, 1]} : vector<16x4096xi32> to vector<16x64xi32>
    %slice3A_2826 = vector.extract_strided_slice %select_n3A_2815 {offsets = [0, 0], sizes = [16, 4032], strides = [1, 1]} : vector<16x4096xi32> to vector<16x4032xi32>
    %concatenate3A_2827 = tpu.concatenate %slice3A_2825, %slice3A_2826 in 1 : vector<16x64xi32>, vector<16x4032xi32> -> vector<16x4096xi32>
    %and3A_2828 = arith.constant 64 : i32
    %and3A_2829 = vector.broadcast %and3A_2828 : i32 to vector<16x4096xi32>
    %and3A_2830 = arith.andi %iota3A, %and3A_2829 : vector<16x4096xi32>
    %eq3A_2831 = arith.constant 0 : i32
    %eq3A_2832 = vector.broadcast %eq3A_2831 : i32 to vector<16x4096xi32>
    %eq3A_2833 = arith.cmpi eq, %and3A_2830, %eq3A_2832 : vector<16x4096xi32>
    %select_n3A_2834 = arith.select %eq3A_2833, %concatenate3A_2818, %concatenate3A_2821 : vector<16x4096xi1>, vector<16x4096xf32>
    %select_n3A_2835 = arith.select %eq3A_2833, %concatenate3A_2824, %concatenate3A_2827 : vector<16x4096xi1>, vector<16x4096xi32>
    %and3A_2836 = arith.constant 4096 : i32
    %and3A_2837 = vector.broadcast %and3A_2836 : i32 to vector<16x4096xi32>
    %and3A_2838 = arith.andi %iota3A, %and3A_2837 : vector<16x4096xi32>
    %eq3A_2839 = arith.constant 0 : i32
    %eq3A_2840 = vector.broadcast %eq3A_2839 : i32 to vector<16x4096xi32>
    %eq3A_2841 = arith.cmpi eq, %and3A_2838, %eq3A_2840 : vector<16x4096xi32>
    %gt3A_2842 = arith.cmpf ogt, %select_n3A_2814, %select_n3A_2834 : vector<16x4096xf32>
    %eq3A_2843 = arith.cmpf oeq, %select_n3A_2814, %select_n3A_2834 : vector<16x4096xf32>
    %lt3A_2844 = arith.cmpi slt, %select_n3A_2815, %select_n3A_2835 : vector<16x4096xi32>
    %and3A_2845 = arith.andi %eq3A_2843, %lt3A_2844 : vector<16x4096xi1>
    %or3A_2846 = arith.ori %gt3A_2842, %and3A_2845 : vector<16x4096xi1>
    %eq3A_2847 = arith.xori %eq3A_2841, %eq3A_2833 : vector<16x4096xi1>
    %eq3A_2848 = arith.constant dense<true> : vector<16x4096xi1>
    %eq3A_2849 = arith.xori %eq3A_2847, %eq3A_2848 : vector<16x4096xi1>
    %eq3A_2850 = arith.xori %or3A_2846, %eq3A_2849 : vector<16x4096xi1>
    %eq3A_2851 = arith.constant dense<true> : vector<16x4096xi1>
    %eq3A_2852 = arith.xori %eq3A_2850, %eq3A_2851 : vector<16x4096xi1>
    %select_n3A_2853 = arith.select %eq3A_2852, %select_n3A_2814, %select_n3A_2834 : vector<16x4096xi1>, vector<16x4096xf32>
    %select_n3A_2854 = arith.select %eq3A_2852, %select_n3A_2815, %select_n3A_2835 : vector<16x4096xi1>, vector<16x4096xi32>
    %slice3A_2855 = vector.extract_strided_slice %select_n3A_2853 {offsets = [0, 32], sizes = [16, 4064], strides = [1, 1]} : vector<16x4096xf32> to vector<16x4064xf32>
    %slice3A_2856 = vector.extract_strided_slice %select_n3A_2853 {offsets = [0, 0], sizes = [16, 32], strides = [1, 1]} : vector<16x4096xf32> to vector<16x32xf32>
    %concatenate3A_2857 = tpu.concatenate %slice3A_2855, %slice3A_2856 in 1 : vector<16x4064xf32>, vector<16x32xf32> -> vector<16x4096xf32>
    %slice3A_2858 = vector.extract_strided_slice %select_n3A_2853 {offsets = [0, 4064], sizes = [16, 32], strides = [1, 1]} : vector<16x4096xf32> to vector<16x32xf32>
    %slice3A_2859 = vector.extract_strided_slice %select_n3A_2853 {offsets = [0, 0], sizes = [16, 4064], strides = [1, 1]} : vector<16x4096xf32> to vector<16x4064xf32>
    %concatenate3A_2860 = tpu.concatenate %slice3A_2858, %slice3A_2859 in 1 : vector<16x32xf32>, vector<16x4064xf32> -> vector<16x4096xf32>
    %slice3A_2861 = vector.extract_strided_slice %select_n3A_2854 {offsets = [0, 32], sizes = [16, 4064], strides = [1, 1]} : vector<16x4096xi32> to vector<16x4064xi32>
    %slice3A_2862 = vector.extract_strided_slice %select_n3A_2854 {offsets = [0, 0], sizes = [16, 32], strides = [1, 1]} : vector<16x4096xi32> to vector<16x32xi32>
    %concatenate3A_2863 = tpu.concatenate %slice3A_2861, %slice3A_2862 in 1 : vector<16x4064xi32>, vector<16x32xi32> -> vector<16x4096xi32>
    %slice3A_2864 = vector.extract_strided_slice %select_n3A_2854 {offsets = [0, 4064], sizes = [16, 32], strides = [1, 1]} : vector<16x4096xi32> to vector<16x32xi32>
    %slice3A_2865 = vector.extract_strided_slice %select_n3A_2854 {offsets = [0, 0], sizes = [16, 4064], strides = [1, 1]} : vector<16x4096xi32> to vector<16x4064xi32>
    %concatenate3A_2866 = tpu.concatenate %slice3A_2864, %slice3A_2865 in 1 : vector<16x32xi32>, vector<16x4064xi32> -> vector<16x4096xi32>
    %and3A_2867 = arith.constant 32 : i32
    %and3A_2868 = vector.broadcast %and3A_2867 : i32 to vector<16x4096xi32>
    %and3A_2869 = arith.andi %iota3A, %and3A_2868 : vector<16x4096xi32>
    %eq3A_2870 = arith.constant 0 : i32
    %eq3A_2871 = vector.broadcast %eq3A_2870 : i32 to vector<16x4096xi32>
    %eq3A_2872 = arith.cmpi eq, %and3A_2869, %eq3A_2871 : vector<16x4096xi32>
    %select_n3A_2873 = arith.select %eq3A_2872, %concatenate3A_2857, %concatenate3A_2860 : vector<16x4096xi1>, vector<16x4096xf32>
    %select_n3A_2874 = arith.select %eq3A_2872, %concatenate3A_2863, %concatenate3A_2866 : vector<16x4096xi1>, vector<16x4096xi32>
    %and3A_2875 = arith.constant 4096 : i32
    %and3A_2876 = vector.broadcast %and3A_2875 : i32 to vector<16x4096xi32>
    %and3A_2877 = arith.andi %iota3A, %and3A_2876 : vector<16x4096xi32>
    %eq3A_2878 = arith.constant 0 : i32
    %eq3A_2879 = vector.broadcast %eq3A_2878 : i32 to vector<16x4096xi32>
    %eq3A_2880 = arith.cmpi eq, %and3A_2877, %eq3A_2879 : vector<16x4096xi32>
    %gt3A_2881 = arith.cmpf ogt, %select_n3A_2853, %select_n3A_2873 : vector<16x4096xf32>
    %eq3A_2882 = arith.cmpf oeq, %select_n3A_2853, %select_n3A_2873 : vector<16x4096xf32>
    %lt3A_2883 = arith.cmpi slt, %select_n3A_2854, %select_n3A_2874 : vector<16x4096xi32>
    %and3A_2884 = arith.andi %eq3A_2882, %lt3A_2883 : vector<16x4096xi1>
    %or3A_2885 = arith.ori %gt3A_2881, %and3A_2884 : vector<16x4096xi1>
    %eq3A_2886 = arith.xori %eq3A_2880, %eq3A_2872 : vector<16x4096xi1>
    %eq3A_2887 = arith.constant dense<true> : vector<16x4096xi1>
    %eq3A_2888 = arith.xori %eq3A_2886, %eq3A_2887 : vector<16x4096xi1>
    %eq3A_2889 = arith.xori %or3A_2885, %eq3A_2888 : vector<16x4096xi1>
    %eq3A_2890 = arith.constant dense<true> : vector<16x4096xi1>
    %eq3A_2891 = arith.xori %eq3A_2889, %eq3A_2890 : vector<16x4096xi1>
    %select_n3A_2892 = arith.select %eq3A_2891, %select_n3A_2853, %select_n3A_2873 : vector<16x4096xi1>, vector<16x4096xf32>
    %select_n3A_2893 = arith.select %eq3A_2891, %select_n3A_2854, %select_n3A_2874 : vector<16x4096xi1>, vector<16x4096xi32>
    %slice3A_2894 = vector.extract_strided_slice %select_n3A_2892 {offsets = [0, 16], sizes = [16, 4080], strides = [1, 1]} : vector<16x4096xf32> to vector<16x4080xf32>
    %slice3A_2895 = vector.extract_strided_slice %select_n3A_2892 {offsets = [0, 0], sizes = [16, 16], strides = [1, 1]} : vector<16x4096xf32> to vector<16x16xf32>
    %concatenate3A_2896 = tpu.concatenate %slice3A_2894, %slice3A_2895 in 1 : vector<16x4080xf32>, vector<16x16xf32> -> vector<16x4096xf32>
    %slice3A_2897 = vector.extract_strided_slice %select_n3A_2892 {offsets = [0, 4080], sizes = [16, 16], strides = [1, 1]} : vector<16x4096xf32> to vector<16x16xf32>
    %slice3A_2898 = vector.extract_strided_slice %select_n3A_2892 {offsets = [0, 0], sizes = [16, 4080], strides = [1, 1]} : vector<16x4096xf32> to vector<16x4080xf32>
    %concatenate3A_2899 = tpu.concatenate %slice3A_2897, %slice3A_2898 in 1 : vector<16x16xf32>, vector<16x4080xf32> -> vector<16x4096xf32>
    %slice3A_2900 = vector.extract_strided_slice %select_n3A_2893 {offsets = [0, 16], sizes = [16, 4080], strides = [1, 1]} : vector<16x4096xi32> to vector<16x4080xi32>
    %slice3A_2901 = vector.extract_strided_slice %select_n3A_2893 {offsets = [0, 0], sizes = [16, 16], strides = [1, 1]} : vector<16x4096xi32> to vector<16x16xi32>
    %concatenate3A_2902 = tpu.concatenate %slice3A_2900, %slice3A_2901 in 1 : vector<16x4080xi32>, vector<16x16xi32> -> vector<16x4096xi32>
    %slice3A_2903 = vector.extract_strided_slice %select_n3A_2893 {offsets = [0, 4080], sizes = [16, 16], strides = [1, 1]} : vector<16x4096xi32> to vector<16x16xi32>
    %slice3A_2904 = vector.extract_strided_slice %select_n3A_2893 {offsets = [0, 0], sizes = [16, 4080], strides = [1, 1]} : vector<16x4096xi32> to vector<16x4080xi32>
    %concatenate3A_2905 = tpu.concatenate %slice3A_2903, %slice3A_2904 in 1 : vector<16x16xi32>, vector<16x4080xi32> -> vector<16x4096xi32>
    %and3A_2906 = arith.constant 16 : i32
    %and3A_2907 = vector.broadcast %and3A_2906 : i32 to vector<16x4096xi32>
    %and3A_2908 = arith.andi %iota3A, %and3A_2907 : vector<16x4096xi32>
    %eq3A_2909 = arith.constant 0 : i32
    %eq3A_2910 = vector.broadcast %eq3A_2909 : i32 to vector<16x4096xi32>
    %eq3A_2911 = arith.cmpi eq, %and3A_2908, %eq3A_2910 : vector<16x4096xi32>
    %select_n3A_2912 = arith.select %eq3A_2911, %concatenate3A_2896, %concatenate3A_2899 : vector<16x4096xi1>, vector<16x4096xf32>
    %select_n3A_2913 = arith.select %eq3A_2911, %concatenate3A_2902, %concatenate3A_2905 : vector<16x4096xi1>, vector<16x4096xi32>
    %and3A_2914 = arith.constant 4096 : i32
    %and3A_2915 = vector.broadcast %and3A_2914 : i32 to vector<16x4096xi32>
    %and3A_2916 = arith.andi %iota3A, %and3A_2915 : vector<16x4096xi32>
    %eq3A_2917 = arith.constant 0 : i32
    %eq3A_2918 = vector.broadcast %eq3A_2917 : i32 to vector<16x4096xi32>
    %eq3A_2919 = arith.cmpi eq, %and3A_2916, %eq3A_2918 : vector<16x4096xi32>
    %gt3A_2920 = arith.cmpf ogt, %select_n3A_2892, %select_n3A_2912 : vector<16x4096xf32>
    %eq3A_2921 = arith.cmpf oeq, %select_n3A_2892, %select_n3A_2912 : vector<16x4096xf32>
    %lt3A_2922 = arith.cmpi slt, %select_n3A_2893, %select_n3A_2913 : vector<16x4096xi32>
    %and3A_2923 = arith.andi %eq3A_2921, %lt3A_2922 : vector<16x4096xi1>
    %or3A_2924 = arith.ori %gt3A_2920, %and3A_2923 : vector<16x4096xi1>
    %eq3A_2925 = arith.xori %eq3A_2919, %eq3A_2911 : vector<16x4096xi1>
    %eq3A_2926 = arith.constant dense<true> : vector<16x4096xi1>
    %eq3A_2927 = arith.xori %eq3A_2925, %eq3A_2926 : vector<16x4096xi1>
    %eq3A_2928 = arith.xori %or3A_2924, %eq3A_2927 : vector<16x4096xi1>
    %eq3A_2929 = arith.constant dense<true> : vector<16x4096xi1>
    %eq3A_2930 = arith.xori %eq3A_2928, %eq3A_2929 : vector<16x4096xi1>
    %select_n3A_2931 = arith.select %eq3A_2930, %select_n3A_2892, %select_n3A_2912 : vector<16x4096xi1>, vector<16x4096xf32>
    %select_n3A_2932 = arith.select %eq3A_2930, %select_n3A_2893, %select_n3A_2913 : vector<16x4096xi1>, vector<16x4096xi32>
    %slice3A_2933 = vector.extract_strided_slice %select_n3A_2931 {offsets = [0, 8], sizes = [16, 4088], strides = [1, 1]} : vector<16x4096xf32> to vector<16x4088xf32>
    %slice3A_2934 = vector.extract_strided_slice %select_n3A_2931 {offsets = [0, 0], sizes = [16, 8], strides = [1, 1]} : vector<16x4096xf32> to vector<16x8xf32>
    %concatenate3A_2935 = tpu.concatenate %slice3A_2933, %slice3A_2934 in 1 : vector<16x4088xf32>, vector<16x8xf32> -> vector<16x4096xf32>
    %slice3A_2936 = vector.extract_strided_slice %select_n3A_2931 {offsets = [0, 4088], sizes = [16, 8], strides = [1, 1]} : vector<16x4096xf32> to vector<16x8xf32>
    %slice3A_2937 = vector.extract_strided_slice %select_n3A_2931 {offsets = [0, 0], sizes = [16, 4088], strides = [1, 1]} : vector<16x4096xf32> to vector<16x4088xf32>
    %concatenate3A_2938 = tpu.concatenate %slice3A_2936, %slice3A_2937 in 1 : vector<16x8xf32>, vector<16x4088xf32> -> vector<16x4096xf32>
    %slice3A_2939 = vector.extract_strided_slice %select_n3A_2932 {offsets = [0, 8], sizes = [16, 4088], strides = [1, 1]} : vector<16x4096xi32> to vector<16x4088xi32>
    %slice3A_2940 = vector.extract_strided_slice %select_n3A_2932 {offsets = [0, 0], sizes = [16, 8], strides = [1, 1]} : vector<16x4096xi32> to vector<16x8xi32>
    %concatenate3A_2941 = tpu.concatenate %slice3A_2939, %slice3A_2940 in 1 : vector<16x4088xi32>, vector<16x8xi32> -> vector<16x4096xi32>
    %slice3A_2942 = vector.extract_strided_slice %select_n3A_2932 {offsets = [0, 4088], sizes = [16, 8], strides = [1, 1]} : vector<16x4096xi32> to vector<16x8xi32>
    %slice3A_2943 = vector.extract_strided_slice %select_n3A_2932 {offsets = [0, 0], sizes = [16, 4088], strides = [1, 1]} : vector<16x4096xi32> to vector<16x4088xi32>
    %concatenate3A_2944 = tpu.concatenate %slice3A_2942, %slice3A_2943 in 1 : vector<16x8xi32>, vector<16x4088xi32> -> vector<16x4096xi32>
    %and3A_2945 = arith.constant 8 : i32
    %and3A_2946 = vector.broadcast %and3A_2945 : i32 to vector<16x4096xi32>
    %and3A_2947 = arith.andi %iota3A, %and3A_2946 : vector<16x4096xi32>
    %eq3A_2948 = arith.constant 0 : i32
    %eq3A_2949 = vector.broadcast %eq3A_2948 : i32 to vector<16x4096xi32>
    %eq3A_2950 = arith.cmpi eq, %and3A_2947, %eq3A_2949 : vector<16x4096xi32>
    %select_n3A_2951 = arith.select %eq3A_2950, %concatenate3A_2935, %concatenate3A_2938 : vector<16x4096xi1>, vector<16x4096xf32>
    %select_n3A_2952 = arith.select %eq3A_2950, %concatenate3A_2941, %concatenate3A_2944 : vector<16x4096xi1>, vector<16x4096xi32>
    %and3A_2953 = arith.constant 4096 : i32
    %and3A_2954 = vector.broadcast %and3A_2953 : i32 to vector<16x4096xi32>
    %and3A_2955 = arith.andi %iota3A, %and3A_2954 : vector<16x4096xi32>
    %eq3A_2956 = arith.constant 0 : i32
    %eq3A_2957 = vector.broadcast %eq3A_2956 : i32 to vector<16x4096xi32>
    %eq3A_2958 = arith.cmpi eq, %and3A_2955, %eq3A_2957 : vector<16x4096xi32>
    %gt3A_2959 = arith.cmpf ogt, %select_n3A_2931, %select_n3A_2951 : vector<16x4096xf32>
    %eq3A_2960 = arith.cmpf oeq, %select_n3A_2931, %select_n3A_2951 : vector<16x4096xf32>
    %lt3A_2961 = arith.cmpi slt, %select_n3A_2932, %select_n3A_2952 : vector<16x4096xi32>
    %and3A_2962 = arith.andi %eq3A_2960, %lt3A_2961 : vector<16x4096xi1>
    %or3A_2963 = arith.ori %gt3A_2959, %and3A_2962 : vector<16x4096xi1>
    %eq3A_2964 = arith.xori %eq3A_2958, %eq3A_2950 : vector<16x4096xi1>
    %eq3A_2965 = arith.constant dense<true> : vector<16x4096xi1>
    %eq3A_2966 = arith.xori %eq3A_2964, %eq3A_2965 : vector<16x4096xi1>
    %eq3A_2967 = arith.xori %or3A_2963, %eq3A_2966 : vector<16x4096xi1>
    %eq3A_2968 = arith.constant dense<true> : vector<16x4096xi1>
    %eq3A_2969 = arith.xori %eq3A_2967, %eq3A_2968 : vector<16x4096xi1>
    %select_n3A_2970 = arith.select %eq3A_2969, %select_n3A_2931, %select_n3A_2951 : vector<16x4096xi1>, vector<16x4096xf32>
    %select_n3A_2971 = arith.select %eq3A_2969, %select_n3A_2932, %select_n3A_2952 : vector<16x4096xi1>, vector<16x4096xi32>
    %slice3A_2972 = vector.extract_strided_slice %select_n3A_2970 {offsets = [0, 4], sizes = [16, 4092], strides = [1, 1]} : vector<16x4096xf32> to vector<16x4092xf32>
    %slice3A_2973 = vector.extract_strided_slice %select_n3A_2970 {offsets = [0, 0], sizes = [16, 4], strides = [1, 1]} : vector<16x4096xf32> to vector<16x4xf32>
    %concatenate3A_2974 = tpu.concatenate %slice3A_2972, %slice3A_2973 in 1 : vector<16x4092xf32>, vector<16x4xf32> -> vector<16x4096xf32>
    %slice3A_2975 = vector.extract_strided_slice %select_n3A_2970 {offsets = [0, 4092], sizes = [16, 4], strides = [1, 1]} : vector<16x4096xf32> to vector<16x4xf32>
    %slice3A_2976 = vector.extract_strided_slice %select_n3A_2970 {offsets = [0, 0], sizes = [16, 4092], strides = [1, 1]} : vector<16x4096xf32> to vector<16x4092xf32>
    %concatenate3A_2977 = tpu.concatenate %slice3A_2975, %slice3A_2976 in 1 : vector<16x4xf32>, vector<16x4092xf32> -> vector<16x4096xf32>
    %slice3A_2978 = vector.extract_strided_slice %select_n3A_2971 {offsets = [0, 4], sizes = [16, 4092], strides = [1, 1]} : vector<16x4096xi32> to vector<16x4092xi32>
    %slice3A_2979 = vector.extract_strided_slice %select_n3A_2971 {offsets = [0, 0], sizes = [16, 4], strides = [1, 1]} : vector<16x4096xi32> to vector<16x4xi32>
    %concatenate3A_2980 = tpu.concatenate %slice3A_2978, %slice3A_2979 in 1 : vector<16x4092xi32>, vector<16x4xi32> -> vector<16x4096xi32>
    %slice3A_2981 = vector.extract_strided_slice %select_n3A_2971 {offsets = [0, 4092], sizes = [16, 4], strides = [1, 1]} : vector<16x4096xi32> to vector<16x4xi32>
    %slice3A_2982 = vector.extract_strided_slice %select_n3A_2971 {offsets = [0, 0], sizes = [16, 4092], strides = [1, 1]} : vector<16x4096xi32> to vector<16x4092xi32>
    %concatenate3A_2983 = tpu.concatenate %slice3A_2981, %slice3A_2982 in 1 : vector<16x4xi32>, vector<16x4092xi32> -> vector<16x4096xi32>
    %and3A_2984 = arith.constant 4 : i32
    %and3A_2985 = vector.broadcast %and3A_2984 : i32 to vector<16x4096xi32>
    %and3A_2986 = arith.andi %iota3A, %and3A_2985 : vector<16x4096xi32>
    %eq3A_2987 = arith.constant 0 : i32
    %eq3A_2988 = vector.broadcast %eq3A_2987 : i32 to vector<16x4096xi32>
    %eq3A_2989 = arith.cmpi eq, %and3A_2986, %eq3A_2988 : vector<16x4096xi32>
    %select_n3A_2990 = arith.select %eq3A_2989, %concatenate3A_2974, %concatenate3A_2977 : vector<16x4096xi1>, vector<16x4096xf32>
    %select_n3A_2991 = arith.select %eq3A_2989, %concatenate3A_2980, %concatenate3A_2983 : vector<16x4096xi1>, vector<16x4096xi32>
    %and3A_2992 = arith.constant 4096 : i32
    %and3A_2993 = vector.broadcast %and3A_2992 : i32 to vector<16x4096xi32>
    %and3A_2994 = arith.andi %iota3A, %and3A_2993 : vector<16x4096xi32>
    %eq3A_2995 = arith.constant 0 : i32
    %eq3A_2996 = vector.broadcast %eq3A_2995 : i32 to vector<16x4096xi32>
    %eq3A_2997 = arith.cmpi eq, %and3A_2994, %eq3A_2996 : vector<16x4096xi32>
    %gt3A_2998 = arith.cmpf ogt, %select_n3A_2970, %select_n3A_2990 : vector<16x4096xf32>
    %eq3A_2999 = arith.cmpf oeq, %select_n3A_2970, %select_n3A_2990 : vector<16x4096xf32>
    %lt3A_3000 = arith.cmpi slt, %select_n3A_2971, %select_n3A_2991 : vector<16x4096xi32>
    %and3A_3001 = arith.andi %eq3A_2999, %lt3A_3000 : vector<16x4096xi1>
    %or3A_3002 = arith.ori %gt3A_2998, %and3A_3001 : vector<16x4096xi1>
    %eq3A_3003 = arith.xori %eq3A_2997, %eq3A_2989 : vector<16x4096xi1>
    %eq3A_3004 = arith.constant dense<true> : vector<16x4096xi1>
    %eq3A_3005 = arith.xori %eq3A_3003, %eq3A_3004 : vector<16x4096xi1>
    %eq3A_3006 = arith.xori %or3A_3002, %eq3A_3005 : vector<16x4096xi1>
    %eq3A_3007 = arith.constant dense<true> : vector<16x4096xi1>
    %eq3A_3008 = arith.xori %eq3A_3006, %eq3A_3007 : vector<16x4096xi1>
    %select_n3A_3009 = arith.select %eq3A_3008, %select_n3A_2970, %select_n3A_2990 : vector<16x4096xi1>, vector<16x4096xf32>
    %select_n3A_3010 = arith.select %eq3A_3008, %select_n3A_2971, %select_n3A_2991 : vector<16x4096xi1>, vector<16x4096xi32>
    %slice3A_3011 = vector.extract_strided_slice %select_n3A_3009 {offsets = [0, 2], sizes = [16, 4094], strides = [1, 1]} : vector<16x4096xf32> to vector<16x4094xf32>
    %slice3A_3012 = vector.extract_strided_slice %select_n3A_3009 {offsets = [0, 0], sizes = [16, 2], strides = [1, 1]} : vector<16x4096xf32> to vector<16x2xf32>
    %concatenate3A_3013 = tpu.concatenate %slice3A_3011, %slice3A_3012 in 1 : vector<16x4094xf32>, vector<16x2xf32> -> vector<16x4096xf32>
    %slice3A_3014 = vector.extract_strided_slice %select_n3A_3009 {offsets = [0, 4094], sizes = [16, 2], strides = [1, 1]} : vector<16x4096xf32> to vector<16x2xf32>
    %slice3A_3015 = vector.extract_strided_slice %select_n3A_3009 {offsets = [0, 0], sizes = [16, 4094], strides = [1, 1]} : vector<16x4096xf32> to vector<16x4094xf32>
    %concatenate3A_3016 = tpu.concatenate %slice3A_3014, %slice3A_3015 in 1 : vector<16x2xf32>, vector<16x4094xf32> -> vector<16x4096xf32>
    %slice3A_3017 = vector.extract_strided_slice %select_n3A_3010 {offsets = [0, 2], sizes = [16, 4094], strides = [1, 1]} : vector<16x4096xi32> to vector<16x4094xi32>
    %slice3A_3018 = vector.extract_strided_slice %select_n3A_3010 {offsets = [0, 0], sizes = [16, 2], strides = [1, 1]} : vector<16x4096xi32> to vector<16x2xi32>
    %concatenate3A_3019 = tpu.concatenate %slice3A_3017, %slice3A_3018 in 1 : vector<16x4094xi32>, vector<16x2xi32> -> vector<16x4096xi32>
    %slice3A_3020 = vector.extract_strided_slice %select_n3A_3010 {offsets = [0, 4094], sizes = [16, 2], strides = [1, 1]} : vector<16x4096xi32> to vector<16x2xi32>
    %slice3A_3021 = vector.extract_strided_slice %select_n3A_3010 {offsets = [0, 0], sizes = [16, 4094], strides = [1, 1]} : vector<16x4096xi32> to vector<16x4094xi32>
    %concatenate3A_3022 = tpu.concatenate %slice3A_3020, %slice3A_3021 in 1 : vector<16x2xi32>, vector<16x4094xi32> -> vector<16x4096xi32>
    %and3A_3023 = arith.constant 2 : i32
    %and3A_3024 = vector.broadcast %and3A_3023 : i32 to vector<16x4096xi32>
    %and3A_3025 = arith.andi %iota3A, %and3A_3024 : vector<16x4096xi32>
    %eq3A_3026 = arith.constant 0 : i32
    %eq3A_3027 = vector.broadcast %eq3A_3026 : i32 to vector<16x4096xi32>
    %eq3A_3028 = arith.cmpi eq, %and3A_3025, %eq3A_3027 : vector<16x4096xi32>
    %select_n3A_3029 = arith.select %eq3A_3028, %concatenate3A_3013, %concatenate3A_3016 : vector<16x4096xi1>, vector<16x4096xf32>
    %select_n3A_3030 = arith.select %eq3A_3028, %concatenate3A_3019, %concatenate3A_3022 : vector<16x4096xi1>, vector<16x4096xi32>
    %and3A_3031 = arith.constant 4096 : i32
    %and3A_3032 = vector.broadcast %and3A_3031 : i32 to vector<16x4096xi32>
    %and3A_3033 = arith.andi %iota3A, %and3A_3032 : vector<16x4096xi32>
    %eq3A_3034 = arith.constant 0 : i32
    %eq3A_3035 = vector.broadcast %eq3A_3034 : i32 to vector<16x4096xi32>
    %eq3A_3036 = arith.cmpi eq, %and3A_3033, %eq3A_3035 : vector<16x4096xi32>
    %gt3A_3037 = arith.cmpf ogt, %select_n3A_3009, %select_n3A_3029 : vector<16x4096xf32>
    %eq3A_3038 = arith.cmpf oeq, %select_n3A_3009, %select_n3A_3029 : vector<16x4096xf32>
    %lt3A_3039 = arith.cmpi slt, %select_n3A_3010, %select_n3A_3030 : vector<16x4096xi32>
    %and3A_3040 = arith.andi %eq3A_3038, %lt3A_3039 : vector<16x4096xi1>
    %or3A_3041 = arith.ori %gt3A_3037, %and3A_3040 : vector<16x4096xi1>
    %eq3A_3042 = arith.xori %eq3A_3036, %eq3A_3028 : vector<16x4096xi1>
    %eq3A_3043 = arith.constant dense<true> : vector<16x4096xi1>
    %eq3A_3044 = arith.xori %eq3A_3042, %eq3A_3043 : vector<16x4096xi1>
    %eq3A_3045 = arith.xori %or3A_3041, %eq3A_3044 : vector<16x4096xi1>
    %eq3A_3046 = arith.constant dense<true> : vector<16x4096xi1>
    %eq3A_3047 = arith.xori %eq3A_3045, %eq3A_3046 : vector<16x4096xi1>
    %select_n3A_3048 = arith.select %eq3A_3047, %select_n3A_3009, %select_n3A_3029 : vector<16x4096xi1>, vector<16x4096xf32>
    %select_n3A_3049 = arith.select %eq3A_3047, %select_n3A_3010, %select_n3A_3030 : vector<16x4096xi1>, vector<16x4096xi32>
    %slice3A_3050 = vector.extract_strided_slice %select_n3A_3048 {offsets = [0, 1], sizes = [16, 4095], strides = [1, 1]} : vector<16x4096xf32> to vector<16x4095xf32>
    %slice3A_3051 = vector.extract_strided_slice %select_n3A_3048 {offsets = [0, 0], sizes = [16, 1], strides = [1, 1]} : vector<16x4096xf32> to vector<16x1xf32>
    %concatenate3A_3052 = tpu.concatenate %slice3A_3050, %slice3A_3051 in 1 : vector<16x4095xf32>, vector<16x1xf32> -> vector<16x4096xf32>
    %slice3A_3053 = vector.extract_strided_slice %select_n3A_3048 {offsets = [0, 4095], sizes = [16, 1], strides = [1, 1]} : vector<16x4096xf32> to vector<16x1xf32>
    %slice3A_3054 = vector.extract_strided_slice %select_n3A_3048 {offsets = [0, 0], sizes = [16, 4095], strides = [1, 1]} : vector<16x4096xf32> to vector<16x4095xf32>
    %concatenate3A_3055 = tpu.concatenate %slice3A_3053, %slice3A_3054 in 1 : vector<16x1xf32>, vector<16x4095xf32> -> vector<16x4096xf32>
    %slice3A_3056 = vector.extract_strided_slice %select_n3A_3049 {offsets = [0, 1], sizes = [16, 4095], strides = [1, 1]} : vector<16x4096xi32> to vector<16x4095xi32>
    %slice3A_3057 = vector.extract_strided_slice %select_n3A_3049 {offsets = [0, 0], sizes = [16, 1], strides = [1, 1]} : vector<16x4096xi32> to vector<16x1xi32>
    %concatenate3A_3058 = tpu.concatenate %slice3A_3056, %slice3A_3057 in 1 : vector<16x4095xi32>, vector<16x1xi32> -> vector<16x4096xi32>
    %slice3A_3059 = vector.extract_strided_slice %select_n3A_3049 {offsets = [0, 4095], sizes = [16, 1], strides = [1, 1]} : vector<16x4096xi32> to vector<16x1xi32>
    %slice3A_3060 = vector.extract_strided_slice %select_n3A_3049 {offsets = [0, 0], sizes = [16, 4095], strides = [1, 1]} : vector<16x4096xi32> to vector<16x4095xi32>
    %concatenate3A_3061 = tpu.concatenate %slice3A_3059, %slice3A_3060 in 1 : vector<16x1xi32>, vector<16x4095xi32> -> vector<16x4096xi32>
    %and3A_3062 = arith.constant 1 : i32
    %and3A_3063 = vector.broadcast %and3A_3062 : i32 to vector<16x4096xi32>
    %and3A_3064 = arith.andi %iota3A, %and3A_3063 : vector<16x4096xi32>
    %eq3A_3065 = arith.constant 0 : i32
    %eq3A_3066 = vector.broadcast %eq3A_3065 : i32 to vector<16x4096xi32>
    %eq3A_3067 = arith.cmpi eq, %and3A_3064, %eq3A_3066 : vector<16x4096xi32>
    %select_n3A_3068 = arith.select %eq3A_3067, %concatenate3A_3052, %concatenate3A_3055 : vector<16x4096xi1>, vector<16x4096xf32>
    %select_n3A_3069 = arith.select %eq3A_3067, %concatenate3A_3058, %concatenate3A_3061 : vector<16x4096xi1>, vector<16x4096xi32>
    %and3A_3070 = arith.constant 4096 : i32
    %and3A_3071 = vector.broadcast %and3A_3070 : i32 to vector<16x4096xi32>
    %and3A_3072 = arith.andi %iota3A, %and3A_3071 : vector<16x4096xi32>
    %eq3A_3073 = arith.constant 0 : i32
    %eq3A_3074 = vector.broadcast %eq3A_3073 : i32 to vector<16x4096xi32>
    %eq3A_3075 = arith.cmpi eq, %and3A_3072, %eq3A_3074 : vector<16x4096xi32>
    %gt3A_3076 = arith.cmpf ogt, %select_n3A_3048, %select_n3A_3068 : vector<16x4096xf32>
    %eq3A_3077 = arith.cmpf oeq, %select_n3A_3048, %select_n3A_3068 : vector<16x4096xf32>
    %lt3A_3078 = arith.cmpi slt, %select_n3A_3049, %select_n3A_3069 : vector<16x4096xi32>
    %and3A_3079 = arith.andi %eq3A_3077, %lt3A_3078 : vector<16x4096xi1>
    %or3A_3080 = arith.ori %gt3A_3076, %and3A_3079 : vector<16x4096xi1>
    %eq3A_3081 = arith.xori %eq3A_3075, %eq3A_3067 : vector<16x4096xi1>
    %eq3A_3082 = arith.constant dense<true> : vector<16x4096xi1>
    %eq3A_3083 = arith.xori %eq3A_3081, %eq3A_3082 : vector<16x4096xi1>
    %eq3A_3084 = arith.xori %or3A_3080, %eq3A_3083 : vector<16x4096xi1>
    %eq3A_3085 = arith.constant dense<true> : vector<16x4096xi1>
    %eq3A_3086 = arith.xori %eq3A_3084, %eq3A_3085 : vector<16x4096xi1>
    %select_n3A_3087 = arith.select %eq3A_3086, %select_n3A_3048, %select_n3A_3068 : vector<16x4096xi1>, vector<16x4096xf32>
    %select_n3A_3088 = arith.select %eq3A_3086, %select_n3A_3049, %select_n3A_3069 : vector<16x4096xi1>, vector<16x4096xi32>
    %get3A_3089 = arith.constant 0 : index
    %get3A_3090 = arith.constant 0 : index
    %get3A_3091 = memref.load %arg1[%get3A_3089, %get3A_3090] : memref<1x1xi32, #tpu.memory_space<smem>>
    %slice3A_3092 = vector.extract_strided_slice %select_n3A_3087 {offsets = [0, 0], sizes = [16, 1024], strides = [1, 1]} : vector<16x4096xf32> to vector<16x1024xf32>
    %swap3A = arith.constant 0 : index
    %swap3A_3093 = arith.constant 0 : index
    %swap3A_3094 = vector.load %arg2[%swap3A, %swap3A_3093] : memref<16x1024xf32, #tpu.memory_space<vmem>>, vector<16x1024xf32>
    tpu.vector_store %arg2[%swap3A, %swap3A_3093], %slice3A_3092 {strides = array<i32>} : memref<16x1024xf32, #tpu.memory_space<vmem>>, vector<16x1024xf32>,
    %slice3A_3095 = vector.extract_strided_slice %select_n3A_3088 {offsets = [0, 0], sizes = [16, 1024], strides = [1, 1]} : vector<16x4096xi32> to vector<16x1024xi32>
    %add3A = vector.broadcast %get3A_3091 : i32 to vector<16x1024xi32>
    %add3A_3096 = arith.addi %slice3A_3095, %add3A : vector<16x1024xi32>
    %jit3A_3097 = arith.constant 64 : i32
    %div3A = vector.broadcast %jit3A_3097 : i32 to vector<16x1024xi32>
    %div3A_3098 = arith.divsi %add3A_3096, %div3A : vector<16x1024xi32>
    %sign3A = arith.constant 0 : i32
    %sign3A_3099 = vector.broadcast %sign3A : i32 to vector<16x1024xi32>
    %sign3A_3100 = arith.cmpi sgt, %add3A_3096, %sign3A_3099 : vector<16x1024xi32>
    %sign3A_3101 = arith.extui %sign3A_3100 : vector<16x1024xi1> to vector<16x1024xi32>
    %sign3A_3102 = arith.constant 0 : i32
    %sign3A_3103 = vector.broadcast %sign3A_3102 : i32 to vector<16x1024xi32>
    %sign3A_3104 = arith.cmpi slt, %add3A_3096, %sign3A_3103 : vector<16x1024xi32>
    %sign3A_3105 = arith.extui %sign3A_3104 : vector<16x1024xi1> to vector<16x1024xi32>
    %sign3A_3106 = arith.subi %sign3A_3101, %sign3A_3105 : vector<16x1024xi32>
    %sign3A_3107 = arith.constant 0 : i32
    %sign3A_3108 = arith.cmpi sgt, %jit3A_3097, %sign3A_3107 : i32
    %sign3A_3109 = arith.extui %sign3A_3108 : i1 to i32
    %sign3A_3110 = arith.constant 0 : i32
    %sign3A_3111 = arith.cmpi slt, %jit3A_3097, %sign3A_3110 : i32
    %sign3A_3112 = arith.extui %sign3A_3111 : i1 to i32
    %sign3A_3113 = arith.subi %sign3A_3109, %sign3A_3112 : i32
    %ne3A = vector.broadcast %sign3A_3113 : i32 to vector<16x1024xi32>
    %ne3A_3114 = arith.cmpi ne, %sign3A_3106, %ne3A : vector<16x1024xi32>
    %rem3A = vector.broadcast %jit3A_3097 : i32 to vector<16x1024xi32>
    %rem3A_3115 = arith.remsi %add3A_3096, %rem3A : vector<16x1024xi32>
    %ne3A_3116 = arith.constant 0 : i32
    %ne3A_3117 = vector.broadcast %ne3A_3116 : i32 to vector<16x1024xi32>
    %ne3A_3118 = arith.cmpi ne, %rem3A_3115, %ne3A_3117 : vector<16x1024xi32>
    %and3A_3119 = arith.andi %ne3A_3114, %ne3A_3118 : vector<16x1024xi1>
    %sub3A_3120 = arith.constant 1 : i32
    %sub3A_3121 = vector.broadcast %sub3A_3120 : i32 to vector<16x1024xi32>
    %sub3A_3122 = arith.subi %div3A_3098, %sub3A_3121 : vector<16x1024xi32>
    %select_n3A_3123 = arith.select %and3A_3119, %sub3A_3122, %div3A_3098 : vector<16x1024xi1>, vector<16x1024xi32>
    %swap3A_3124 = arith.constant 0 : index
    %swap3A_3125 = arith.constant 0 : index
    %swap3A_3126 = vector.load %arg4[%swap3A_3124, %swap3A_3125] : memref<16x1024xi32, #tpu.memory_space<vmem>>, vector<16x1024xi32>
    tpu.vector_store %arg4[%swap3A_3124, %swap3A_3125], %select_n3A_3123 {strides = array<i32>} : memref<16x1024xi32, #tpu.memory_space<vmem>>, vector<16x1024xi32>,
    %jit3A_3127 = arith.constant 64 : i32
    %eq3A_3128 = arith.constant 0 : i32
    %eq3A_3129 = arith.cmpi eq, %jit3A_3127, %eq3A_3128 : i32
    %jit3A_3130 = arith.constant 1 : i32
    %select_n3A_3131 = arith.select %eq3A_3129, %jit3A_3130, %jit3A_3127 : i32
    %rem3A_3132 = vector.broadcast %select_n3A_3131 : i32 to vector<16x1024xi32>
    %rem3A_3133 = arith.remsi %add3A_3096, %rem3A_3132 : vector<16x1024xi32>
    %ne3A_3134 = arith.constant 0 : i32
    %ne3A_3135 = vector.broadcast %ne3A_3134 : i32 to vector<16x1024xi32>
    %ne3A_3136 = arith.cmpi ne, %rem3A_3133, %ne3A_3135 : vector<16x1024xi32>
    %lt3A_3137 = arith.constant 0 : i32
    %lt3A_3138 = vector.broadcast %lt3A_3137 : i32 to vector<16x1024xi32>
    %lt3A_3139 = arith.cmpi slt, %rem3A_3133, %lt3A_3138 : vector<16x1024xi32>
    %lt3A_3140 = arith.constant 0 : i32
    %lt3A_3141 = arith.cmpi slt, %select_n3A_3131, %lt3A_3140 : i32
    %ne3A_3142 = vector.broadcast %lt3A_3141 : i1 to vector<16x1024xi1>
    %ne3A_3143 = vector.broadcast %ne3A_3142 : vector<16x1024xi1> to vector<16x1024xi1>
    %ne3A_3144 = arith.xori %lt3A_3139, %ne3A_3143 : vector<16x1024xi1>
    %and3A_3145 = arith.andi %ne3A_3144, %ne3A_3136 : vector<16x1024xi1>
    %add3A_3146 = vector.broadcast %select_n3A_3131 : i32 to vector<16x1024xi32>
    %add3A_3147 = arith.addi %rem3A_3133, %add3A_3146 : vector<16x1024xi32>
    %select_n3A_3148 = arith.select %and3A_3145, %add3A_3147, %rem3A_3133 : vector<16x1024xi1>, vector<16x1024xi32>
    %swap3A_3149 = arith.constant 0 : index
    %swap3A_3150 = arith.constant 0 : index
    %swap3A_3151 = vector.load %arg3[%swap3A_3149, %swap3A_3150] : memref<16x1024xi32, #tpu.memory_space<vmem>>, vector<16x1024xi32>
    tpu.vector_store %arg3[%swap3A_3149, %swap3A_3150], %select_n3A_3148 {strides = array<i32>} : memref<16x1024xi32, #tpu.memory_space<vmem>>, vector<16x1024xi32>,
    %lt3A_3152 = arith.constant 0 : i32
    %lt3A_3153 = vector.broadcast %lt3A_3152 : i32 to vector<16x1024xi32>
    %lt3A_3154 = arith.cmpi slt, %add3A_3096, %lt3A_3153 : vector<16x1024xi32>
    %add3A_3155 = arith.constant 4096 : i32
    %add3A_3156 = vector.broadcast %add3A_3155 : i32 to vector<16x1024xi32>
    %add3A_3157 = arith.addi %add3A_3096, %add3A_3156 : vector<16x1024xi32>
    %select_n3A_3158 = arith.select %lt3A_3154, %add3A_3157, %add3A_3096 : vector<16x1024xi1>, vector<16x1024xi32>
    %jit3A_3159 = arith.constant 0 : i32
    %jit3A_3160 = arith.constant 4095 : i32
    %max3A = vector.broadcast %jit3A_3159 : i32 to vector<16x1024xi32>
    %max3A_3161 = arith.maxsi %max3A, %select_n3A_3158 : vector<16x1024xi32>
    %min3A_3162 = vector.broadcast %jit3A_3160 : i32 to vector<16x1024xi32>
    %min3A_3163 = arith.minsi %min3A_3162, %max3A_3161 : vector<16x1024xi32>
    %iota3A_3164 = tpu.iota {dimensions = array<i32: 0>} : vector<16x1024xi32>
    %mul3A = arith.constant 4096 : i32
    %mul3A_3165 = vector.broadcast %mul3A : i32 to vector<16x1024xi32>
    %mul3A_3166 = arith.muli %iota3A_3164, %mul3A_3165 : vector<16x1024xi32>
    %add3A_3167 = arith.addi %min3A_3163, %mul3A_3166 : vector<16x1024xi32>
    %swap3A_3168 = arith.constant 0 : index
    %swap3A_3169 = arith.constant 0 : index
    %swap3A_3170 = vector.load %arg5[%swap3A_3168, %swap3A_3169] : memref<16x1024xi32, #tpu.memory_space<vmem>>, vector<16x1024xi32>
    tpu.vector_store %arg5[%swap3A_3168, %swap3A_3169], %add3A_3167 {strides = array<i32>} : memref<16x1024xi32, #tpu.memory_space<vmem>>, vector<16x1024xi32>,
    return
  }
}

</mosaic_0001>

<sc_bundles>
// kernel: kernel.5.cloned.1.call-start
scs
__scs_entry_jumppad:
0x0: {  	(pc) =	sbr.rel $0x88, $3  }
0x1: {  	(tag) =	ssettag $0x0;
	lr =	simm.s32 $0x1  }
0x2: {  	[smem:$0x3F9F] =	sst lr;
	_ =	strace $0xD0000000  }
0x3: {  	_ = 	snop  }
0x4: {  	_ = 	snop  }
0x5: {  	_ = 	snop  }
0x6: {  	_ = 	snop  }
0x7: {  	_ = 	snop  }
__scs_overlays_trampoline_lowered:
0x8: {  	[smem:$0x3FAE] =	sst s0  }
0x9: {  	[smem:$0x3FAF] =	sst s1  }
0xa: {  	[smem:$0x3FB0] =	sst s2  }
0xb: {  	[smem:$0x3FB1] =	sst s3  }
0xc: {  	[smem:$0x3FB2] =	sst s4  }
0xd: {  	[smem:$0x3FB3] =	sst s5  }
0xe: {  	[smem:$0x3FB4] =	sst s6  }
0xf: {  	[smem:$0x3FB5] =	sst s7  }
0x10: {  	[smem:$0x3FB6] =	sst s8  }
0x11: {  	[smem:$0x3FB7] =	sst s9;
	s0 =	simm.s32 @!p0 $0x0  }
0x12: {  	s1 =	sld [smem:$0x3F9D];
	s0 =	simm.s32 @p0 $0x1  }
0x13: {  	[smem:$0x3FB8] =	sst s0;
	s0 =	simm.s32 @!p1 $0x0  }
0x14: {  	s2 =	sld [smem:$0x3F9C];
	s0 =	simm.s32 @p1 $0x1  }
0x15: {  	[smem:$0x3FB9] =	sst s0;
	s0 =	simm.s32 @!p2 $0x0  }
0x16: {  	s3 =	sld [smem:$0x3FDB];
	s0 =	simm.s32 @p2 $0x1  }
0x17: {  	s4 =	simm.s32 $0x1BF5;
	[smem:$0x3FBB] =	sst s0  }
0x18: {  	s0 =	sld [smem:$0x3F9E];
	_ =	swait.ge [sflag:s4], $0x0  }
0x19: {  	s7 =	sld [smem:$0x3F9F]  }
0x1a: {  	s8 =	sadd.s32 $0xFFFFE003, lr  }
0x1b: {  	s9 =	sadd.s32 $0xFFFFFEF7, lr;
	s5 =	simm.s32 $0xFFFFFFFF;
	p2 =	slt.u32 s8, $0xFFFFF086  }
0x1c: {  	p1 =	slt.u32 s9, $0xF7A;
	s5 =	simm.s32 @!p2 $0x0  }
0x1d: {  	s5 =	simm.s32 @p1 $0x1;
	p0 =	seq.s32 s7, s2  }
0x1e: {  	s7 =	smul.u32 @!p0 $0xF7A, s2;
	p2 =	seq.s32 @!p0 s5, $0x0  }
0x1f: {  	s9 =	smul.u32 $0xF7A, s1;
	s8 =	simm.s32 @!p0 $0x1BF5;
	p2 =	por !p2, p0  }
0x20: {  	[sflag:s8] =	ssyncset.s32 @!p0 $0xFFFFF086;
	s6 =	sadd.s32 @!p0 s3, s7;
	s7 =	simm.s32 @!p0 $0x108  }
0x21: {  	s3 =	sadd.s32 s3, s9;
	s6 =	sadd.s32 @!p0 $0x88, s6;
	s7 =	simm.s32 @p2 $0x1082  }
0x22: {  	[simem:s7], [sflag:s8] =	dma.local @!p0 [hbm:s6], $0xF7A  }
0x23: {  	s9 =	sor.u32 $0xD0000000, s2;
	s6 =	simm.s32 $0x108;
	_ =	swait.ge @!p0 [sflag:s8], $0x0  }
0x24: {  	s3 =	sadd.s32 $0x88, s3;
	s6 =	simm.s32 @!p1 $0x1082;
	[sflag:s4] =	ssyncset.s32 $0xFFFFF086  }
0x25: {  	[simem:s6], [sflag:s4] =	dma.local [hbm:s3], $0xF7A  }
0x26: {  	[smem:$0x3F9F] =	sst s1;
	(tag) =	ssettag s2;
	_ =	strace s9  }
0x27: {  	s1 =	sld [smem:$0x3FAF]  }
0x28: {  	s2 =	sld [smem:$0x3FB0]  }
0x29: {  	s4 =	sld [smem:$0x3FB2]  }
0x2a: {  	p0 =	seq.s32 s5, $0x0;
	s5 =	sld [smem:$0x3FB3]  }
0x2b: {  	s6 =	sld [smem:$0x3FB4]  }
0x2c: {  	s7 =	sld [smem:$0x3FB5]  }
0x2d: {  	s3 =	simm.s32 $0x108;
	s8 =	sld [smem:$0x3FB6]  }
0x2e: {  	s3 =	simm.s32 @!p0 $0x1082;
	s9 =	sld [smem:$0x3FB7]  }
0x2f: {  	lr =	sadd.s32 s0, s3;
	s0 =	sld [smem:$0x3FAE]  }
0x30: {  	s3 =	sld [smem:$0x3FB1]  }
0x31: {  	[smem:$0x3FBA] =	sst s10  }
0x32: {  	s10 =	sld [smem:$0x3FB8];
	_ =	sdelay $0x3  }
0x33: {  	p0 =	seq.s32 s10, $0x1;
	s10 =	sld [smem:$0x3FBA];
	_ =	sdelay $0x3  }
0x34: {  	[smem:$0x3FBA] =	sst s10  }
0x35: {  	s10 =	sld [smem:$0x3FB9];
	_ =	sdelay $0x3  }
0x36: {  	p1 =	seq.s32 s10, $0x1;
	s10 =	sld [smem:$0x3FBA];
	_ =	sdelay $0x3  }
0x37: {  	[smem:$0x3FBA] =	sst s10  }
0x38: {  	s10 =	sld [smem:$0x3FBB]  }
0x39: {  	_ = 	snop;
	(pc) =	sbr.ind lr, $3  }
0x3a: {  	_ = 	snop  }
0x3b: {  	_ = 	snop  }
0x3c: {  	p2 =	seq.s32 s10, $0x1;
	s10 =	sld [smem:$0x3FBA]  }
0x3d: {  	_ =	shalt  }
0x3e: {  	_ =	shalt  }
0x3f: {  	_ =	shalt  }
0x40: {  	_ =	shalt  }
0x41: {  	_ =	shalt  }
0x42: {  	_ =	shalt  }
0x43: {  	_ =	shalt  }
0x44: {  	_ =	shalt  }
0x45: {  	_ =	shalt  }
0x46: {  	_ =	shalt  }
0x47: {  	_ =	shalt  }
0x48: {  	_ =	shalt  }
0x49: {  	_ =	shalt  }
0x4a: {  	_ =	shalt  }
0x4b: {  	_ =	shalt  }
0x4c: {  	_ =	shalt  }
0x4d: {  	_ =	shalt  }
0x4e: {  	_ =	shalt  }
0x4f: {  	_ =	shalt  }
0x50: {  	_ =	shalt  }
0x51: {  	_ =	shalt  }
0x52: {  	_ =	shalt  }
0x53: {  	_ =	shalt  }
0x54: {  	_ =	shalt  }
0x55: {  	_ =	shalt  }
0x56: {  	_ =	shalt  }
0x57: {  	_ =	shalt  }
0x58: {  	_ =	shalt  }
0x59: {  	_ =	shalt  }
0x5a: {  	_ =	shalt  }
0x5b: {  	_ =	shalt  }
0x5c: {  	_ =	shalt  }
0x5d: {  	_ =	shalt  }
0x5e: {  	_ =	shalt  }
0x5f: {  	_ =	shalt  }
0x60: {  	_ =	shalt  }
0x61: {  	_ =	shalt  }
0x62: {  	_ =	shalt  }
0x63: {  	_ =	shalt  }
0x64: {  	_ =	shalt  }
0x65: {  	_ =	shalt  }
0x66: {  	_ =	shalt  }
0x67: {  	_ =	shalt  }
0x68: {  	_ =	shalt  }
0x69: {  	_ =	shalt  }
0x6a: {  	_ =	shalt  }
0x6b: {  	_ =	shalt  }
0x6c: {  	_ =	shalt  }
0x6d: {  	_ =	shalt  }
0x6e: {  	_ =	shalt  }
0x6f: {  	_ =	shalt  }
0x70: {  	_ =	shalt  }
0x71: {  	_ =	shalt  }
0x72: {  	_ =	shalt  }
0x73: {  	_ =	shalt  }
0x74: {  	_ =	shalt  }
0x75: {  	_ =	shalt  }
0x76: {  	_ =	shalt  }
0x77: {  	_ =	shalt  }
0x78: {  	_ =	shalt  }
0x79: {  	_ =	shalt  }
0x7a: {  	_ =	shalt  }
0x7b: {  	_ =	shalt  }
0x7c: {  	_ =	shalt  }
0x7d: {  	_ =	shalt  }
0x7e: {  	_ =	shalt  }
0x7f: {  	_ =	shalt  }
0x80: {  	_ =	shalt  }
0x81: {  	_ =	shalt  }
0x82: {  	_ =	shalt  }
0x83: {  	_ =	shalt  }
0x84: {  	_ =	shalt  }
0x85: {  	_ =	shalt  }
0x86: {  	_ =	shalt  }
0x87: {  	_ =	shalt  }
.Lfunc_end0:
.L_simem_size_0:
called_computation_lowered:
.L_overlay_start_0:
0x88: {  	s2 =	sld [smem:$0x3FD9]  }
0x89: {  	s3 =	sld [smem:$0x3FFE];
	_ =	sdelay $0x1  }
0x8a: {  	s1 =	srdreg.scid  }
0x8b: {  	s0 =	sand.u32 $0x1, s1  }
0x8c: {  	s14 =	sshll.u32 s0, $0xA;
	s2 =	sadd.s32 s3, s2  }
0x8d: {  	s2 =	sadd.s32 s2, s14  }
0x8e: {  	[smem:$0x3FC6] =	sst s2  }
0x8f: {  	_ = 	snop  }
0x90: {  	s2 =	sld [smem:$0x3FD0];
	_ =	sdelay $0x2  }
0x91: {  	s4 =	simm.s32 $0xA;
	s5 =	simm.s32 $0x10;
	s15 =	sld [smem:$0x3FC9]  }
0x92: {  	[smem:s5], [sflag:s4] =	dma.local [hbm:s2], $0x1  }
0x93: {  	_ =	swait.eq [sflag:s4], $0x1  }
0x94: {  	[sflag:s4] =	ssyncset.done $0x0  }
0x95: {  	[sflag:s4] =	ssyncadd.s32 $0xFFFFFFFF  }
0x96: {  	s16 =	sld [smem:$0x10];
	(tm) =	ssettm $0x1  }
0x97: {  	s17 =	sld [smem:$0x3FFB];
	_ =	sdelay $0x3  }
0x98: {  	_ =	strace s17  }
0x99: {  	s4 =	sld [smem:$0x3FFC];
	_ =	sdelay $0x3  }
0x9a: {  	_ =	strace s4  }
0x9b: {  	s4 =	sld [smem:$0x3FFD];
	_ =	sdelay $0x3  }
0x9c: {  	_ =	strace s4  }
0x9d: {  	_ =	strace $0x8FFFFFFF  }
0x9e: {  	s18 =	sld [smem:$0x3FDB];
	_ =	sdelay $0x1  }
0x9f: {  	s19 =	simm.s32 $_scs_section_size  }
0xa0: {  	s6 =	simm.s32 $_size__tile_overlayer_lowered;
	s7 =	simm.s32 $_tile_overlayer_lowered  }
0xa1: {  	s22 =	simm.s32 $0x1BFF;
	s21 =	sshll.u32 s7, $0x1;
	s4 =	sadd.s32 s19, s18  }
0xa2: {  	s8 =	simm.s32 $0x0;
	s20 =	sshll.u32 s6, $0x1;
	s6 =	sadd.s32 s21, s4  }
0xa3: {  	[timem:s8], [sflag:s22] =	dma.local [hbm:s6], s20  }
0xa4: {  	_ =	swait.ge [sflag:s22], s20  }
0xa5: {  	s5 =	ssub.s32 $0x0, s20;
	[sflag:s22] =	ssyncset.done $0x0  }
0xa6: {  	[sflag:s22] =	ssyncadd.s32 s5;
	_ =	sdelay $0x1  }
0xa7: {  	s23 =	simm.s32 $0x1B8B  }
0xa8: {  	_ =	swait.ge [sflag:s23], $0x1  }
0xa9: {  	[sflag:s23] =	ssyncset.done $0x0  }
0xaa: {  	s25 =	simm.s32 $0x1B8E;
	s24 =	sld [smem:$0x3FFE];
	[sflag:s23] =	ssyncadd.s32 $0xFFFFFFFF  }
0xab: {  	s26 =	simm.s32 $execute0_lowered;
	[smem:$0x3FD2] =	sst s25  }
0xac: {  	s6 =	sshll.u32 s26, $0x1;
	_ =	strace $0x80000046;
	[dreg:$0x1] =	wrdreg $0xFFFFFFFF  }
0xad: {  	s28 =	simm.s32 $_size_execute0_lowered;
	s4 =	sadd.s32 s4, s6;
	[dreg:$0x0] =	wrdreg $0x0  }
0xae: {  	s6 =	sshll.u32 s28, $0x1;
	[dreg:$0x2] =	wrdreg s4  }
0xaf: {  	[dreg:$0x3] =	wrdreg s6  }
0xb0: {  	[dreg:$0x4] =	wrdreg $0xC0  }
0xb1: {  	_ =	task [dreg:s8], $0x5FFFF  }
0xb2: {  	[dreg:$0x1] =	wrdreg $0xFFFFFFFF  }
0xb3: {  	[dreg:$0x0] =	wrdreg $0x60  }
0xb4: {  	[dreg:$0x2] =	wrdreg s15  }
0xb5: {  	[dreg:$0x3] =	wrdreg s24  }
0xb6: {  	[dreg:$0x4] =	wrdreg s16  }
0xb7: {  	[dreg:$0x5] =	wrdreg $0x9  }
0xb8: {  	_ =	task.clear_ibuf [dreg:s8], $0x6FFFF;
	_ =	strace $0x90000046  }
0xb9: {  	s29 =	simm.s32 $0x9;
	_ =	strace $0x80000048  }
0xba: {  	_ =	swait.ge [sflag:s29], $0x1  }
0xbb: {  	[sflag:s29] =	ssyncadd.s32 $0xFFFFFFFF  }
0xbc: {  	_ =	strace $0x90000048  }
0xbd: {  	_ =	sfence  }
0xbe: {  	s30 =	sld [smem:$0x0];
	_ =	sdelay $0x2  }
0xbf: {  	s31 =	sshll.u32 s1, $0xD;
	s1 =	sshrl.u32 s1, $0x2  }
0xc0: {  	s3 =	sand.u32 $0x4000, s31;
	s1 =	sadd.s32 s1, s30  }
0xc1: {  	s0 =	sor.u32 s3, s0;
	s1 =	sshll.u32 s1, $0x11  }
0xc2: {  	s0 =	sor.u32 s1, s0  }
0xc3: {  	s0 =	sadd.s32 $0x8F2B, s0  }
0xc4: {  	[sflag:s0] =	ssyncadd.remote.s32 $0x1  }
0xc5: {  	_ =	sfence.sel $0xFFFF  }
0xc6: {  	[dreg:$0x0] =	wrdreg $0xFFFFFFFF;
	(pc) =	sbr.abs _section_cstart, $3  }
0xc7: {  	[dreg:$0x1] =	wrdreg $0xFFFFFFFF  }
0xc8: {  	_ =	task.clear_ibuf [dreg:s8], $0x2FFFF;
	_ =	strace $0x9FFFFFFF  }
0xc9: {  	(tm) =	ssettm $0x7FFFFFFF  }
tec
execute0_lowered:
.L_overlay_start_1:
0x0: {  	(tag) =	ssettag $0x1  }
0x1: {  	s1 =	rddreg [dreg:$0x0]  }
0x2: {  	s0 =	rddreg [dreg:$0x1]  }
0x3: {  	s2 =	rddreg [dreg:$0x2];
	s4 =	srdreg.scid;
	s3 =	simm.s32 $0x0  }
0x4: {  	s5 =	stileid.u32;
	s4 =	sand.u32 $0x1, s4;
	[smem:$0x7FF] =	sst s3  }
0x5: {  	s5 =	sshll.u32 s5, $0x7;
	s0 =	sadd.s32 $0xE00, s0;
	s6 =	sshll.u32 s4, $0x6  }
0x6: {  	_ =	strace $0x80000047;
	s4 =	ssub.s32 $0x2, s4;
	s5 =	sor.u32 s6, s5  }
0x7: {  	s9 =	sshrl.u32 s4, $0x1;
	s6 =	sadd.s32 s0, s5;
	s7 =	sor.u32 $0x8, s5  }
0x8: {  	s8 =	smul.u32 $0x300, s5;
	s12 =	sor.u32 $0x10, s5;
	s15 =	sor.u32 $0x18, s5  }
0x9: {  	s18 =	sor.u32 $0x20, s5;
	s21 =	sor.u32 $0x28, s5;
	s24 =	sor.u32 $0x30, s5  }
0xa: {  	s5 =	sor.u32 $0x38, s5;
	[dreg:$0x4] =	wrdreg s6;
	s10 =	sadd.s32 s0, s7  }
0xb: {  	s29 =	ssub.s32 s4, s9;
	s13 =	sadd.s32 s0, s12;
	[dreg:$0x5] =	wrdreg s10  }
0xc: {  	s4 =	sadd.s32 $0x100, s1;
	s16 =	sadd.s32 s0, s15;
	[dreg:$0x7] =	wrdreg s13  }
0xd: {  	s7 =	smul.u32 $0x300, s7;
	s19 =	sadd.s32 s0, s18;
	[dreg:$0x9] =	wrdreg s16  }
0xe: {  	s22 =	sadd.s32 s0, s21;
	s25 =	sadd.s32 s0, s24;
	[dreg:$0xb] =	wrdreg s19  }
0xf: {  	s28 =	smul.u32 $0x300, s24;
	s0 =	sadd.s32 s0, s5;
	[dreg:$0xd] =	wrdreg s22  }
0x10: {  	s5 =	smul.u32 $0x300, s5;
	s6 =	smax.u32 s29, $0x1;
	[dreg:$0xf] =	wrdreg s25  }
0x11: {  	s11 =	sadd.s32 s2, s8;
	s8 =	smul.u32 $0x300, s12;
	[dreg:$0x11] =	wrdreg s0  }
0x12: {  	s10 =	simm.s32 $0x1;
	[dreg:$0x6] =	wrdreg s11;
	s14 =	sadd.s32 s2, s7  }
0x13: {  	s12 =	simm.s32 $0x2;
	s30 =	sadd.s32 s2, s28;
	[dreg:$0x8] =	wrdreg s14  }
0x14: {  	s7 =	smul.u32 $0x300, s15;
	s31 =	sadd.s32 s2, s5;
	[dreg:$0x12] =	wrdreg s30  }
0x15: {  	s17 =	sadd.s32 s2, s8;
	s8 =	smul.u32 $0x300, s18;
	[dreg:$0x13] =	wrdreg s31  }
0x16: {  	[dreg:$0xa] =	wrdreg s17;
	s20 =	sadd.s32 s2, s7;
	s7 =	smul.u32 $0x300, s21  }
0x17: {  	v2 =	vlaneseq.u32;
	s13 =	simm.s32 $0x4;
	[dreg:$0xc] =	wrdreg s20;
	s23 =	sadd.s32 s2, s8  }
0x18: {  	vm0 =	vmmov $0xffff;
	v1 =	vshrl.u32 v2, $0x3;
	s5 =	sadd.s32 $0x200, s1;
	[dreg:$0xe] =	wrdreg s23;
	s26 =	sadd.s32 s2, s7  }
0x19: {  	v0 =	vand.u32 $0x7, v2;
	v2 =	vor.u32 $0x8, v2;
	v1 =	vmul.u32 $0x8, v1;
	s11 =	simm.s32 $0x3;
	s7 =	simm.s32 $0x5;
	[dreg:$0x10] =	wrdreg s26  }
.LBB2_1:
0x1a: {  	s14 =	rddreg [dreg:$0x4]  }
0x1b: {  	[tilespmem:s3], [sflag:$0x5] =	stream.linear.gather [hbm4b:s14+s3], $0x40, $0x38;
	[tilespmem:$0x18100] =	vst v63  }
0x1c: {  	_ =	swait.ge [sflag:s7], $0x40  }
0x1d: {  	[sflag:s7] =	ssyncset.done $0x0  }
0x1e: {  	[sflag:s7] =	ssyncadd.s32 $0xFFFFFFC0  }
0x1f: {  	v3 =	vld [tilespmem:$0x0];
	_ =	sdelay $0x4  }
0x20: {  	v4 =	vshrl.u32 v3, $0x3  }
0x21: {  	v4 =	vmul.u32 $0x30, v4  }
0x22: {  	v3 =	vand.u32 $0x7, v3  }
0x23: {  	v3 =	vor.u32 v3, v4  }
0x24: {  	v4 =	vperm.xlane v3, v0;
	_ =	sdelay $0x1  }
0x25: {  	v4 =	vadd.s32 v1, v4;
	_ =	sdelay $0x3  }
0x26: {  	s0 =	simm.s32 $0x100;
	v3 =	vperm.xlane v3, v2  }
0x27: {  	[tilespmem:s0], [sflag:$0x1] =	stream.indirect_vreg.gather [hbm4b:s1+s3], $0x80, v4, vm0, $0xb8;
	[tilespmem:$0x18100] =	vst v63  }
0x28: {  	s29 =	simm.s32 $0x900;
	v3 =	vadd.s32 v1, v3  }
0x29: {  	[tilespmem:s29], [sflag:$0x1] =	stream.indirect_vreg.gather [hbm4b:s4+s3], $0x80, v4, vm0, $0xb8;
	[tilespmem:$0x18100] =	vst v63  }
0x2a: {  	s30 =	simm.s32 $0x1100  }
0x2b: {  	[tilespmem:s30], [sflag:$0x1] =	stream.indirect_vreg.gather [hbm4b:s5+s3], $0x80, v4, vm0, $0xb8;
	[tilespmem:$0x18100] =	vst v63  }
0x2c: {  	s31 =	simm.s32 $0x1900  }
0x2d: {  	[tilespmem:s31], [sflag:$0x1] =	stream.indirect_vreg.gather [hbm4b:s1+s3], $0x80, v3, vm0, $0xb8;
	[tilespmem:$0x18100] =	vst v63  }
0x2e: {  	s2 =	simm.s32 $0x2100  }
0x2f: {  	[tilespmem:s2], [sflag:$0x1] =	stream.indirect_vreg.gather [hbm4b:s4+s3], $0x80, v3, vm0, $0xb8;
	[tilespmem:$0x18100] =	vst v63  }
0x30: {  	s8 =	simm.s32 $0x2900  }
0x31: {  	[tilespmem:s8], [sflag:$0x1] =	stream.indirect_vreg.gather [hbm4b:s5+s3], $0x80, v3, vm0, $0xb8;
	[tilespmem:$0x18100] =	vst v63  }
0x32: {  	v3 =	vld [tilespmem:$0x10];
	_ =	sdelay $0x4  }
0x33: {  	v33 =	vshrl.u32 v3, $0x3  }
0x34: {  	v4 =	vmul.u32 $0x30, v33  }
0x35: {  	v3 =	vand.u32 $0x7, v3  }
0x36: {  	v3 =	vor.u32 v3, v4  }
0x37: {  	v4 =	vperm.xlane v3, v0;
	_ =	sdelay $0x1  }
0x38: {  	v4 =	vadd.s32 v1, v4;
	_ =	sdelay $0x3  }
0x39: {  	s9 =	simm.s32 $0x3100;
	v3 =	vperm.xlane v3, v2  }
0x3a: {  	[tilespmem:s9], [sflag:$0x1] =	stream.indirect_vreg.gather [hbm4b:s1+s3], $0x80, v4, vm0, $0xb8;
	[tilespmem:$0x18100] =	vst v63  }
0x3b: {  	s14 =	simm.s32 $0x3900;
	v3 =	vadd.s32 v1, v3  }
0x3c: {  	[tilespmem:s14], [sflag:$0x1] =	stream.indirect_vreg.gather [hbm4b:s4+s3], $0x80, v4, vm0, $0xb8;
	[tilespmem:$0x18100] =	vst v63  }
0x3d: {  	s17 =	simm.s32 $0x4100  }
0x3e: {  	[tilespmem:s17], [sflag:$0x1] =	stream.indirect_vreg.gather [hbm4b:s5+s3], $0x80, v4, vm0, $0xb8;
	[tilespmem:$0x18100] =	vst v63  }
0x3f: {  	s18 =	simm.s32 $0x4900  }
0x40: {  	[tilespmem:s18], [sflag:$0x1] =	stream.indirect_vreg.gather [hbm4b:s1+s3], $0x80, v3, vm0, $0xb8;
	[tilespmem:$0x18100] =	vst v63  }
0x41: {  	s19 =	simm.s32 $0x5100  }
0x42: {  	[tilespmem:s19], [sflag:$0x1] =	stream.indirect_vreg.gather [hbm4b:s4+s3], $0x80, v3, vm0, $0xb8;
	[tilespmem:$0x18100] =	vst v63  }
0x43: {  	s20 =	simm.s32 $0x5900  }
0x44: {  	[tilespmem:s20], [sflag:$0x1] =	stream.indirect_vreg.gather [hbm4b:s5+s3], $0x80, v3, vm0, $0xb8;
	[tilespmem:$0x18100] =	vst v63  }
0x45: {  	v3 =	vld [tilespmem:$0x20];
	_ =	sdelay $0x4  }
0x46: {  	v34 =	vshrl.u32 v3, $0x3  }
0x47: {  	v4 =	vmul.u32 $0x30, v34  }
0x48: {  	v3 =	vand.u32 $0x7, v3  }
0x49: {  	v3 =	vor.u32 v3, v4  }
0x4a: {  	v4 =	vperm.xlane v3, v0;
	_ =	sdelay $0x1  }
0x4b: {  	v4 =	vadd.s32 v1, v4;
	_ =	sdelay $0x3  }
0x4c: {  	s21 =	simm.s32 $0x6100;
	v3 =	vperm.xlane v3, v2  }
0x4d: {  	[tilespmem:s21], [sflag:$0x1] =	stream.indirect_vreg.gather [hbm4b:s1+s3], $0x80, v4, vm0, $0xb8;
	[tilespmem:$0x18100] =	vst v63  }
0x4e: {  	s22 =	simm.s32 $0x6900;
	v3 =	vadd.s32 v1, v3  }
0x4f: {  	[tilespmem:s22], [sflag:$0x1] =	stream.indirect_vreg.gather [hbm4b:s4+s3], $0x80, v4, vm0, $0xb8;
	[tilespmem:$0x18100] =	vst v63  }
0x50: {  	s23 =	simm.s32 $0x7100  }
0x51: {  	[tilespmem:s23], [sflag:$0x1] =	stream.indirect_vreg.gather [hbm4b:s5+s3], $0x80, v4, vm0, $0xb8;
	[tilespmem:$0x18100] =	vst v63  }
0x52: {  	s24 =	simm.s32 $0x7900  }
0x53: {  	[tilespmem:s24], [sflag:$0x1] =	stream.indirect_vreg.gather [hbm4b:s1+s3], $0x80, v3, vm0, $0xb8;
	[tilespmem:$0x18100] =	vst v63  }
0x54: {  	s25 =	simm.s32 $0x8100  }
0x55: {  	[tilespmem:s25], [sflag:$0x1] =	stream.indirect_vreg.gather [hbm4b:s4+s3], $0x80, v3, vm0, $0xb8;
	[tilespmem:$0x18100] =	vst v63  }
0x56: {  	s26 =	simm.s32 $0x8900  }
0x57: {  	[tilespmem:s26], [sflag:$0x1] =	stream.indirect_vreg.gather [hbm4b:s5+s3], $0x80, v3, vm0, $0xb8;
	[tilespmem:$0x18100] =	vst v63  }
0x58: {  	v3 =	vld [tilespmem:$0x30];
	_ =	sdelay $0x4  }
0x59: {  	v35 =	vshrl.u32 v3, $0x3  }
0x5a: {  	v4 =	vmul.u32 $0x30, v35  }
0x5b: {  	v3 =	vand.u32 $0x7, v3  }
0x5c: {  	v3 =	vor.u32 v3, v4  }
0x5d: {  	v4 =	vperm.xlane v3, v0;
	_ =	sdelay $0x1  }
0x5e: {  	v4 =	vadd.s32 v1, v4;
	_ =	sdelay $0x3  }
0x5f: {  	s28 =	simm.s32 $0x9100;
	v3 =	vperm.xlane v3, v2  }
0x60: {  	[tilespmem:s28], [sflag:$0x1] =	stream.indirect_vreg.gather [hbm4b:s1+s3], $0x80, v4, vm0, $0xb8;
	[tilespmem:$0x18100] =	vst v63  }
0x61: {  	s29 =	simm.s32 $0x9900;
	v3 =	vadd.s32 v1, v3  }
0x62: {  	[tilespmem:s29], [sflag:$0x1] =	stream.indirect_vreg.gather [hbm4b:s4+s3], $0x80, v4, vm0, $0xb8;
	[tilespmem:$0x18100] =	vst v63  }
0x63: {  	s30 =	simm.s32 $0xA100  }
0x64: {  	[tilespmem:s30], [sflag:$0x1] =	stream.indirect_vreg.gather [hbm4b:s5+s3], $0x80, v4, vm0, $0xb8;
	[tilespmem:$0x18100] =	vst v63  }
0x65: {  	s31 =	simm.s32 $0xA900  }
0x66: {  	[tilespmem:s31], [sflag:$0x1] =	stream.indirect_vreg.gather [hbm4b:s1+s3], $0x80, v3, vm0, $0xb8;
	[tilespmem:$0x18100] =	vst v63  }
0x67: {  	s2 =	simm.s32 $0xB100  }
0x68: {  	[tilespmem:s2], [sflag:$0x1] =	stream.indirect_vreg.gather [hbm4b:s4+s3], $0x80, v3, vm0, $0xb8;
	[tilespmem:$0x18100] =	vst v63  }
0x69: {  	s9 =	simm.s32 $0xB900  }
0x6a: {  	[tilespmem:s9], [sflag:$0x1] =	stream.indirect_vreg.gather [hbm4b:s5+s3], $0x80, v3, vm0, $0xb8;
	[tilespmem:$0x18100] =	vst v63  }
0x6b: {  	s8 =	rddreg [dreg:$0x5];
	s2 =	simm.s32 $0x80  }
0x6c: {  	[tilespmem:s2], [sflag:$0x5] =	stream.linear.gather [hbm4b:s8+s3], $0x40, $0x38;
	[tilespmem:$0x18100] =	vst v63  }
0x6d: {  	_ =	swait.ge [sflag:s7], $0x40  }
0x6e: {  	[sflag:s7] =	ssyncset.done $0x0  }
0x6f: {  	[sflag:s7] =	ssyncadd.s32 $0xFFFFFFC0  }
0x70: {  	v3 =	vld [tilespmem:$0x80];
	_ =	sdelay $0x4  }
0x71: {  	v36 =	vshrl.u32 v3, $0x3  }
0x72: {  	v4 =	vmul.u32 $0x30, v36  }
0x73: {  	v3 =	vand.u32 $0x7, v3  }
0x74: {  	v3 =	vor.u32 v3, v4  }
0x75: {  	v4 =	vperm.xlane v3, v0;
	_ =	sdelay $0x1  }
0x76: {  	v4 =	vadd.s32 v1, v4;
	_ =	sdelay $0x3  }
0x77: {  	s19 =	simm.s32 $0xC100;
	v3 =	vperm.xlane v3, v2  }
0x78: {  	[tilespmem:s19], [sflag:$0x2] =	stream.indirect_vreg.gather [hbm4b:s1+s3], $0x80, v4, vm0, $0xb8;
	[tilespmem:$0x18100] =	vst v63  }
0x79: {  	s20 =	simm.s32 $0xC900;
	v3 =	vadd.s32 v1, v3  }
0x7a: {  	[tilespmem:s20], [sflag:$0x2] =	stream.indirect_vreg.gather [hbm4b:s4+s3], $0x80, v4, vm0, $0xb8;
	[tilespmem:$0x18100] =	vst v63  }
0x7b: {  	s21 =	simm.s32 $0xD100  }
0x7c: {  	[tilespmem:s21], [sflag:$0x2] =	stream.indirect_vreg.gather [hbm4b:s5+s3], $0x80, v4, vm0, $0xb8;
	[tilespmem:$0x18100] =	vst v63  }
0x7d: {  	s22 =	simm.s32 $0xD900  }
0x7e: {  	[tilespmem:s22], [sflag:$0x2] =	stream.indirect_vreg.gather [hbm4b:s1+s3], $0x80, v3, vm0, $0xb8;
	[tilespmem:$0x18100] =	vst v63  }
0x7f: {  	s23 =	simm.s32 $0xE100  }
0x80: {  	[tilespmem:s23], [sflag:$0x2] =	stream.indirect_vreg.gather [hbm4b:s4+s3], $0x80, v3, vm0, $0xb8;
	[tilespmem:$0x18100] =	vst v63  }
0x81: {  	s24 =	simm.s32 $0xE900  }
0x82: {  	[tilespmem:s24], [sflag:$0x2] =	stream.indirect_vreg.gather [hbm4b:s5+s3], $0x80, v3, vm0, $0xb8;
	[tilespmem:$0x18100] =	vst v63  }
0x83: {  	v3 =	vld [tilespmem:$0x90];
	_ =	sdelay $0x4  }
0x84: {  	v37 =	vshrl.u32 v3, $0x3  }
0x85: {  	v4 =	vmul.u32 $0x30, v37  }
0x86: {  	v3 =	vand.u32 $0x7, v3  }
0x87: {  	v3 =	vor.u32 v3, v4  }
0x88: {  	v4 =	vperm.xlane v3, v0;
	_ =	sdelay $0x1  }
0x89: {  	v4 =	vadd.s32 v1, v4;
	_ =	sdelay $0x3  }
0x8a: {  	s25 =	simm.s32 $0xF100;
	v3 =	vperm.xlane v3, v2  }
0x8b: {  	[tilespmem:s25], [sflag:$0x2] =	stream.indirect_vreg.gather [hbm4b:s1+s3], $0x80, v4, vm0, $0xb8;
	[tilespmem:$0x18100] =	vst v63  }
0x8c: {  	s26 =	simm.s32 $0xF900;
	v3 =	vadd.s32 v1, v3  }
0x8d: {  	[tilespmem:s26], [sflag:$0x2] =	stream.indirect_vreg.gather [hbm4b:s4+s3], $0x80, v4, vm0, $0xb8;
	[tilespmem:$0x18100] =	vst v63  }
0x8e: {  	s28 =	simm.s32 $0x10100  }
0x8f: {  	[tilespmem:s28], [sflag:$0x2] =	stream.indirect_vreg.gather [hbm4b:s5+s3], $0x80, v4, vm0, $0xb8;
	[tilespmem:$0x18100] =	vst v63  }
0x90: {  	s29 =	simm.s32 $0x10900  }
0x91: {  	[tilespmem:s29], [sflag:$0x2] =	stream.indirect_vreg.gather [hbm4b:s1+s3], $0x80, v3, vm0, $0xb8;
	[tilespmem:$0x18100] =	vst v63  }
0x92: {  	s30 =	simm.s32 $0x11100  }
0x93: {  	[tilespmem:s30], [sflag:$0x2] =	stream.indirect_vreg.gather [hbm4b:s4+s3], $0x80, v3, vm0, $0xb8;
	[tilespmem:$0x18100] =	vst v63  }
0x94: {  	s31 =	simm.s32 $0x11900  }
0x95: {  	[tilespmem:s31], [sflag:$0x2] =	stream.indirect_vreg.gather [hbm4b:s5+s3], $0x80, v3, vm0, $0xb8;
	[tilespmem:$0x18100] =	vst v63  }
0x96: {  	v3 =	vld [tilespmem:$0xA0];
	_ =	sdelay $0x4  }
0x97: {  	v38 =	vshrl.u32 v3, $0x3  }
0x98: {  	v4 =	vmul.u32 $0x30, v38  }
0x99: {  	v3 =	vand.u32 $0x7, v3  }
0x9a: {  	v3 =	vor.u32 v3, v4  }
0x9b: {  	v4 =	vperm.xlane v3, v0;
	_ =	sdelay $0x1  }
0x9c: {  	v4 =	vadd.s32 v1, v4;
	_ =	sdelay $0x3  }
0x9d: {  	s0 =	simm.s32 $0x12100;
	v3 =	vperm.xlane v3, v2  }
0x9e: {  	[tilespmem:s0], [sflag:$0x2] =	stream.indirect_vreg.gather [hbm4b:s1+s3], $0x80, v4, vm0, $0xb8;
	[tilespmem:$0x18100] =	vst v63  }
0x9f: {  	s2 =	simm.s32 $0x12900;
	v3 =	vadd.s32 v1, v3  }
0xa0: {  	[tilespmem:s2], [sflag:$0x2] =	stream.indirect_vreg.gather [hbm4b:s4+s3], $0x80, v4, vm0, $0xb8;
	[tilespmem:$0x18100] =	vst v63  }
0xa1: {  	s8 =	simm.s32 $0x13100  }
0xa2: {  	[tilespmem:s8], [sflag:$0x2] =	stream.indirect_vreg.gather [hbm4b:s5+s3], $0x80, v4, vm0, $0xb8;
	[tilespmem:$0x18100] =	vst v63  }
0xa3: {  	s9 =	simm.s32 $0x13900  }
0xa4: {  	[tilespmem:s9], [sflag:$0x2] =	stream.indirect_vreg.gather [hbm4b:s1+s3], $0x80, v3, vm0, $0xb8;
	[tilespmem:$0x18100] =	vst v63  }
0xa5: {  	s19 =	simm.s32 $0x14100  }
0xa6: {  	[tilespmem:s19], [sflag:$0x2] =	stream.indirect_vreg.gather [hbm4b:s4+s3], $0x80, v3, vm0, $0xb8;
	[tilespmem:$0x18100] =	vst v63  }
0xa7: {  	s20 =	simm.s32 $0x14900  }
0xa8: {  	[tilespmem:s20], [sflag:$0x2] =	stream.indirect_vreg.gather [hbm4b:s5+s3], $0x80, v3, vm0, $0xb8;
	[tilespmem:$0x18100] =	vst v63  }
0xa9: {  	v3 =	vld [tilespmem:$0xB0];
	_ =	sdelay $0x4  }
0xaa: {  	v39 =	vshrl.u32 v3, $0x3  }
0xab: {  	v4 =	vmul.u32 $0x30, v39  }
0xac: {  	v3 =	vand.u32 $0x7, v3  }
0xad: {  	v3 =	vor.u32 v3, v4  }
0xae: {  	v4 =	vperm.xlane v3, v0;
	_ =	sdelay $0x1  }
0xaf: {  	v4 =	vadd.s32 v1, v4;
	_ =	sdelay $0x3  }
0xb0: {  	s21 =	simm.s32 $0x15100;
	v3 =	vperm.xlane v3, v2  }
0xb1: {  	[tilespmem:s21], [sflag:$0x2] =	stream.indirect_vreg.gather [hbm4b:s1+s3], $0x80, v4, vm0, $0xb8;
	[tilespmem:$0x18100] =	vst v63  }
0xb2: {  	s22 =	simm.s32 $0x15900;
	v3 =	vadd.s32 v1, v3  }
0xb3: {  	[tilespmem:s22], [sflag:$0x2] =	stream.indirect_vreg.gather [hbm4b:s4+s3], $0x80, v4, vm0, $0xb8;
	[tilespmem:$0x18100] =	vst v63  }
0xb4: {  	s23 =	simm.s32 $0x16100  }
0xb5: {  	[tilespmem:s23], [sflag:$0x2] =	stream.indirect_vreg.gather [hbm4b:s5+s3], $0x80, v4, vm0, $0xb8;
	[tilespmem:$0x18100] =	vst v63  }
0xb6: {  	s24 =	simm.s32 $0x16900  }
0xb7: {  	[tilespmem:s24], [sflag:$0x2] =	stream.indirect_vreg.gather [hbm4b:s1+s3], $0x80, v3, vm0, $0xb8;
	[tilespmem:$0x18100] =	vst v63  }
0xb8: {  	s25 =	simm.s32 $0x17100  }
0xb9: {  	[tilespmem:s25], [sflag:$0x2] =	stream.indirect_vreg.gather [hbm4b:s4+s3], $0x80, v3, vm0, $0xb8;
	[tilespmem:$0x18100] =	vst v63  }
0xba: {  	s26 =	simm.s32 $0x17900  }
0xbb: {  	[tilespmem:s26], [sflag:$0x2] =	stream.indirect_vreg.gather [hbm4b:s5+s3], $0x80, v3, vm0, $0xb8;
	[tilespmem:$0x18100] =	vst v63  }
0xbc: {  	_ =	swait.ge [sflag:s10], $0xC000  }
0xbd: {  	[sflag:s10] =	ssyncset.done $0x0  }
0xbe: {  	s29 =	simm.s32 $0x100;
	s28 =	rddreg [dreg:$0x6];
	[sflag:s10] =	ssyncadd.s32 $0xFFFF4000  }
0xbf: {  	[hbm4b:s28+s3] =	stream.linear.scatter [tilespmem:s29], [sflag:$0x3], $0xC000, $0x38;
	[tilespmem:$0x18100] =	vst v63  }
0xc0: {  	_ =	swait.ge [sflag:s11], $0xC000  }
0xc1: {  	[sflag:s11] =	ssyncset.done $0x0  }
0xc2: {  	s30 =	rddreg [dreg:$0x7];
	[sflag:s11] =	ssyncadd.s32 $0xFFFF4000  }
0xc3: {  	[tilespmem:s3], [sflag:$0x5] =	stream.linear.gather [hbm4b:s30+s3], $0x40, $0x38;
	[tilespmem:$0x18100] =	vst v63  }
0xc4: {  	_ =	swait.ge [sflag:s7], $0x40  }
0xc5: {  	[sflag:s7] =	ssyncset.done $0x0  }
0xc6: {  	[sflag:s7] =	ssyncadd.s32 $0xFFFFFFC0  }
0xc7: {  	v3 =	vld [tilespmem:$0x0];
	_ =	sdelay $0x4  }
0xc8: {  	v40 =	vshrl.u32 v3, $0x3  }
0xc9: {  	v4 =	vmul.u32 $0x30, v40  }
0xca: {  	v3 =	vand.u32 $0x7, v3  }
0xcb: {  	v3 =	vor.u32 v3, v4  }
0xcc: {  	v4 =	vperm.xlane v3, v0;
	_ =	sdelay $0x1  }
0xcd: {  	v4 =	vadd.s32 v1, v4;
	_ =	sdelay $0x3  }
0xce: {  	v3 =	vperm.xlane v3, v2  }
0xcf: {  	[tilespmem:s29], [sflag:$0x1] =	stream.indirect_vreg.gather [hbm4b:s1+s3], $0x80, v4, vm0, $0xb8;
	[tilespmem:$0x18100] =	vst v63  }
0xd0: {  	s31 =	simm.s32 $0x900;
	v3 =	vadd.s32 v1, v3  }
0xd1: {  	[tilespmem:s31], [sflag:$0x1] =	stream.indirect_vreg.gather [hbm4b:s4+s3], $0x80, v4, vm0, $0xb8;
	[tilespmem:$0x18100] =	vst v63  }
0xd2: {  	s8 =	simm.s32 $0x1100  }
0xd3: {  	[tilespmem:s8], [sflag:$0x1] =	stream.indirect_vreg.gather [hbm4b:s5+s3], $0x80, v4, vm0, $0xb8;
	[tilespmem:$0x18100] =	vst v63  }
0xd4: {  	s22 =	simm.s32 $0x1900  }
0xd5: {  	[tilespmem:s22], [sflag:$0x1] =	stream.indirect_vreg.gather [hbm4b:s1+s3], $0x80, v3, vm0, $0xb8;
	[tilespmem:$0x18100] =	vst v63  }
0xd6: {  	s23 =	simm.s32 $0x2100  }
0xd7: {  	[tilespmem:s23], [sflag:$0x1] =	stream.indirect_vreg.gather [hbm4b:s4+s3], $0x80, v3, vm0, $0xb8;
	[tilespmem:$0x18100] =	vst v63  }
0xd8: {  	s15 =	simm.s32 $0x2900  }
0xd9: {  	[tilespmem:s15], [sflag:$0x1] =	stream.indirect_vreg.gather [hbm4b:s5+s3], $0x80, v3, vm0, $0xb8;
	[tilespmem:$0x18100] =	vst v63  }
0xda: {  	v3 =	vld [tilespmem:$0x10];
	_ =	sdelay $0x4  }
0xdb: {  	v41 =	vshrl.u32 v3, $0x3  }
0xdc: {  	v4 =	vmul.u32 $0x30, v41  }
0xdd: {  	v3 =	vand.u32 $0x7, v3  }
0xde: {  	v3 =	vor.u32 v3, v4  }
0xdf: {  	v4 =	vperm.xlane v3, v0;
	_ =	sdelay $0x1  }
0xe0: {  	v4 =	vadd.s32 v1, v4;
	_ =	sdelay $0x3  }
0xe1: {  	s16 =	simm.s32 $0x3100;
	v3 =	vperm.xlane v3, v2  }
0xe2: {  	[tilespmem:s16], [sflag:$0x1] =	stream.indirect_vreg.gather [hbm4b:s1+s3], $0x80, v4, vm0, $0xb8;
	[tilespmem:$0x18100] =	vst v63  }
0xe3: {  	s24 =	simm.s32 $0x3900;
	v3 =	vadd.s32 v1, v3  }
0xe4: {  	[tilespmem:s24], [sflag:$0x1] =	stream.indirect_vreg.gather [hbm4b:s4+s3], $0x80, v4, vm0, $0xb8;
	[tilespmem:$0x18100] =	vst v63  }
0xe5: {  	s25 =	simm.s32 $0x4100  }
0xe6: {  	[tilespmem:s25], [sflag:$0x1] =	stream.indirect_vreg.gather [hbm4b:s5+s3], $0x80, v4, vm0, $0xb8;
	[tilespmem:$0x18100] =	vst v63  }
0xe7: {  	s26 =	simm.s32 $0x4900  }
0xe8: {  	[tilespmem:s26], [sflag:$0x1] =	stream.indirect_vreg.gather [hbm4b:s1+s3], $0x80, v3, vm0, $0xb8;
	[tilespmem:$0x18100] =	vst v63  }
0xe9: {  	s28 =	simm.s32 $0x5100  }
0xea: {  	[tilespmem:s28], [sflag:$0x1] =	stream.indirect_vreg.gather [hbm4b:s4+s3], $0x80, v3, vm0, $0xb8;
	[tilespmem:$0x18100] =	vst v63  }
0xeb: {  	s17 =	simm.s32 $0x5900  }
0xec: {  	[tilespmem:s17], [sflag:$0x1] =	stream.indirect_vreg.gather [hbm4b:s5+s3], $0x80, v3, vm0, $0xb8;
	[tilespmem:$0x18100] =	vst v63  }
0xed: {  	v3 =	vld [tilespmem:$0x20];
	_ =	sdelay $0x4  }
0xee: {  	v42 =	vshrl.u32 v3, $0x3  }
0xef: {  	v4 =	vmul.u32 $0x30, v42  }
0xf0: {  	v3 =	vand.u32 $0x7, v3  }
0xf1: {  	v3 =	vor.u32 v3, v4  }
0xf2: {  	v4 =	vperm.xlane v3, v0;
	_ =	sdelay $0x1  }
0xf3: {  	v4 =	vadd.s32 v1, v4;
	_ =	sdelay $0x3  }
0xf4: {  	s18 =	simm.s32 $0x6100;
	v3 =	vperm.xlane v3, v2  }
0xf5: {  	[tilespmem:s18], [sflag:$0x1] =	stream.indirect_vreg.gather [hbm4b:s1+s3], $0x80, v4, vm0, $0xb8;
	[tilespmem:$0x18100] =	vst v63  }
0xf6: {  	s29 =	simm.s32 $0x6900;
	v3 =	vadd.s32 v1, v3  }
0xf7: {  	[tilespmem:s29], [sflag:$0x1] =	stream.indirect_vreg.gather [hbm4b:s4+s3], $0x80, v4, vm0, $0xb8;
	[tilespmem:$0x18100] =	vst v63  }
0xf8: {  	s30 =	simm.s32 $0x7100  }
0xf9: {  	[tilespmem:s30], [sflag:$0x1] =	stream.indirect_vreg.gather [hbm4b:s5+s3], $0x80, v4, vm0, $0xb8;
	[tilespmem:$0x18100] =	vst v63  }
0xfa: {  	s31 =	simm.s32 $0x7900  }
0xfb: {  	[tilespmem:s31], [sflag:$0x1] =	stream.indirect_vreg.gather [hbm4b:s1+s3], $0x80, v3, vm0, $0xb8;
	[tilespmem:$0x18100] =	vst v63  }
0xfc: {  	s15 =	simm.s32 $0x8100  }
0xfd: {  	[tilespmem:s15], [sflag:$0x1] =	stream.indirect_vreg.gather [hbm4b:s4+s3], $0x80, v3, vm0, $0xb8;
	[tilespmem:$0x18100] =	vst v63  }
0xfe: {  	s19 =	simm.s32 $0x8900  }
0xff: {  	[tilespmem:s19], [sflag:$0x1] =	stream.indirect_vreg.gather [hbm4b:s5+s3], $0x80, v3, vm0, $0xb8;
	[tilespmem:$0x18100] =	vst v63  }
0x100: {  	v3 =	vld [tilespmem:$0x30];
	_ =	sdelay $0x4  }
0x101: {  	v43 =	vshrl.u32 v3, $0x3  }
0x102: {  	v4 =	vmul.u32 $0x30, v43  }
0x103: {  	v3 =	vand.u32 $0x7, v3  }
0x104: {  	v3 =	vor.u32 v3, v4  }
0x105: {  	v4 =	vperm.xlane v3, v0;
	_ =	sdelay $0x1  }
0x106: {  	v4 =	vadd.s32 v1, v4;
	_ =	sdelay $0x3  }
0x107: {  	s20 =	simm.s32 $0x9100;
	v3 =	vperm.xlane v3, v2  }
0x108: {  	[tilespmem:s20], [sflag:$0x1] =	stream.indirect_vreg.gather [hbm4b:s1+s3], $0x80, v4, vm0, $0xb8;
	[tilespmem:$0x18100] =	vst v63  }
0x109: {  	s16 =	simm.s32 $0x9900;
	v3 =	vadd.s32 v1, v3  }
0x10a: {  	[tilespmem:s16], [sflag:$0x1] =	stream.indirect_vreg.gather [hbm4b:s4+s3], $0x80, v4, vm0, $0xb8;
	[tilespmem:$0x18100] =	vst v63  }
0x10b: {  	s17 =	simm.s32 $0xA100  }
0x10c: {  	[tilespmem:s17], [sflag:$0x1] =	stream.indirect_vreg.gather [hbm4b:s5+s3], $0x80, v4, vm0, $0xb8;
	[tilespmem:$0x18100] =	vst v63  }
0x10d: {  	s18 =	simm.s32 $0xA900  }
0x10e: {  	[tilespmem:s18], [sflag:$0x1] =	stream.indirect_vreg.gather [hbm4b:s1+s3], $0x80, v3, vm0, $0xb8;
	[tilespmem:$0x18100] =	vst v63  }
0x10f: {  	s21 =	simm.s32 $0xB100  }
0x110: {  	[tilespmem:s21], [sflag:$0x1] =	stream.indirect_vreg.gather [hbm4b:s4+s3], $0x80, v3, vm0, $0xb8;
	[tilespmem:$0x18100] =	vst v63  }
0x111: {  	s9 =	simm.s32 $0xB900  }
0x112: {  	[tilespmem:s9], [sflag:$0x1] =	stream.indirect_vreg.gather [hbm4b:s5+s3], $0x80, v3, vm0, $0xb8;
	[tilespmem:$0x18100] =	vst v63  }
0x113: {  	_ =	swait.ge [sflag:s12], $0xC000  }
0x114: {  	[sflag:s12] =	ssyncset.done $0x0  }
0x115: {  	s0 =	simm.s32 $0xC100;
	s2 =	rddreg [dreg:$0x8];
	[sflag:s12] =	ssyncadd.s32 $0xFFFF4000  }
0x116: {  	[hbm4b:s2+s3] =	stream.linear.scatter [tilespmem:s0], [sflag:$0x4], $0xC000, $0x38;
	[tilespmem:$0x18100] =	vst v63  }
0x117: {  	_ =	swait.ge [sflag:s13], $0xC000  }
0x118: {  	[sflag:s13] =	ssyncset.done $0x0  }
0x119: {  	s2 =	simm.s32 $0x80;
	s14 =	rddreg [dreg:$0x9];
	[sflag:s13] =	ssyncadd.s32 $0xFFFF4000  }
0x11a: {  	[tilespmem:s2], [sflag:$0x5] =	stream.linear.gather [hbm4b:s14+s3], $0x40, $0x38;
	[tilespmem:$0x18100] =	vst v63  }
0x11b: {  	_ =	swait.ge [sflag:s7], $0x40  }
0x11c: {  	[sflag:s7] =	ssyncset.done $0x0  }
0x11d: {  	[sflag:s7] =	ssyncadd.s32 $0xFFFFFFC0  }
0x11e: {  	v3 =	vld [tilespmem:$0x80];
	_ =	sdelay $0x4  }
0x11f: {  	v44 =	vshrl.u32 v3, $0x3  }
0x120: {  	v4 =	vmul.u32 $0x30, v44  }
0x121: {  	v3 =	vand.u32 $0x7, v3  }
0x122: {  	v3 =	vor.u32 v3, v4  }
0x123: {  	v4 =	vperm.xlane v3, v0;
	_ =	sdelay $0x1  }
0x124: {  	v4 =	vadd.s32 v1, v4;
	_ =	sdelay $0x3  }
0x125: {  	v3 =	vperm.xlane v3, v2  }
0x126: {  	[tilespmem:s0], [sflag:$0x2] =	stream.indirect_vreg.gather [hbm4b:s1+s3], $0x80, v4, vm0, $0xb8;
	[tilespmem:$0x18100] =	vst v63  }
0x127: {  	s14 =	simm.s32 $0xC900;
	v3 =	vadd.s32 v1, v3  }
0x128: {  	[tilespmem:s14], [sflag:$0x2] =	stream.indirect_vreg.gather [hbm4b:s4+s3], $0x80, v4, vm0, $0xb8;
	[tilespmem:$0x18100] =	vst v63  }
0x129: {  	s14 =	simm.s32 $0xD100  }
0x12a: {  	[tilespmem:s14], [sflag:$0x2] =	stream.indirect_vreg.gather [hbm4b:s5+s3], $0x80, v4, vm0, $0xb8;
	[tilespmem:$0x18100] =	vst v63  }
0x12b: {  	s14 =	simm.s32 $0xD900  }
0x12c: {  	[tilespmem:s14], [sflag:$0x2] =	stream.indirect_vreg.gather [hbm4b:s1+s3], $0x80, v3, vm0, $0xb8;
	[tilespmem:$0x18100] =	vst v63  }
0x12d: {  	s14 =	simm.s32 $0xE100  }
0x12e: {  	[tilespmem:s14], [sflag:$0x2] =	stream.indirect_vreg.gather [hbm4b:s4+s3], $0x80, v3, vm0, $0xb8;
	[tilespmem:$0x18100] =	vst v63  }
0x12f: {  	s14 =	simm.s32 $0xE900  }
0x130: {  	[tilespmem:s14], [sflag:$0x2] =	stream.indirect_vreg.gather [hbm4b:s5+s3], $0x80, v3, vm0, $0xb8;
	[tilespmem:$0x18100] =	vst v63  }
0x131: {  	v3 =	vld [tilespmem:$0x90];
	_ =	sdelay $0x4  }
0x132: {  	v45 =	vshrl.u32 v3, $0x3  }
0x133: {  	v4 =	vmul.u32 $0x30, v45  }
0x134: {  	v3 =	vand.u32 $0x7, v3  }
0x135: {  	v3 =	vor.u32 v3, v4  }
0x136: {  	v4 =	vperm.xlane v3, v0;
	_ =	sdelay $0x1  }
0x137: {  	v4 =	vadd.s32 v1, v4;
	_ =	sdelay $0x3  }
0x138: {  	s14 =	simm.s32 $0xF100;
	v3 =	vperm.xlane v3, v2  }
0x139: {  	[tilespmem:s14], [sflag:$0x2] =	stream.indirect_vreg.gather [hbm4b:s1+s3], $0x80, v4, vm0, $0xb8;
	[tilespmem:$0x18100] =	vst v63  }
0x13a: {  	v3 =	vadd.s32 v1, v3;
	s14 =	simm.s32 $0xF900  }
0x13b: {  	[tilespmem:s14], [sflag:$0x2] =	stream.indirect_vreg.gather [hbm4b:s4+s3], $0x80, v4, vm0, $0xb8;
	[tilespmem:$0x18100] =	vst v63  }
0x13c: {  	s14 =	simm.s32 $0x10100  }
0x13d: {  	[tilespmem:s14], [sflag:$0x2] =	stream.indirect_vreg.gather [hbm4b:s5+s3], $0x80, v4, vm0, $0xb8;
	[tilespmem:$0x18100] =	vst v63  }
0x13e: {  	s14 =	simm.s32 $0x10900  }
0x13f: {  	[tilespmem:s14], [sflag:$0x2] =	stream.indirect_vreg.gather [hbm4b:s1+s3], $0x80, v3, vm0, $0xb8;
	[tilespmem:$0x18100] =	vst v63  }
0x140: {  	s14 =	simm.s32 $0x11100  }
0x141: {  	[tilespmem:s14], [sflag:$0x2] =	stream.indirect_vreg.gather [hbm4b:s4+s3], $0x80, v3, vm0, $0xb8;
	[tilespmem:$0x18100] =	vst v63  }
0x142: {  	s14 =	simm.s32 $0x11900  }
0x143: {  	[tilespmem:s14], [sflag:$0x2] =	stream.indirect_vreg.gather [hbm4b:s5+s3], $0x80, v3, vm0, $0xb8;
	[tilespmem:$0x18100] =	vst v63  }
0x144: {  	v3 =	vld [tilespmem:$0xA0];
	_ =	sdelay $0x4  }
0x145: {  	v46 =	vshrl.u32 v3, $0x3  }
0x146: {  	v4 =	vmul.u32 $0x30, v46  }
0x147: {  	v3 =	vand.u32 $0x7, v3  }
0x148: {  	v3 =	vor.u32 v3, v4  }
0x149: {  	v4 =	vperm.xlane v3, v0;
	_ =	sdelay $0x1  }
0x14a: {  	v4 =	vadd.s32 v1, v4;
	_ =	sdelay $0x3  }
0x14b: {  	s14 =	simm.s32 $0x12100;
	v3 =	vperm.xlane v3, v2  }
0x14c: {  	[tilespmem:s14], [sflag:$0x2] =	stream.indirect_vreg.gather [hbm4b:s1+s3], $0x80, v4, vm0, $0xb8;
	[tilespmem:$0x18100] =	vst v63  }
0x14d: {  	v3 =	vadd.s32 v1, v3;
	s14 =	simm.s32 $0x12900  }
0x14e: {  	[tilespmem:s14], [sflag:$0x2] =	stream.indirect_vreg.gather [hbm4b:s4+s3], $0x80, v4, vm0, $0xb8;
	[tilespmem:$0x18100] =	vst v63  }
0x14f: {  	s14 =	simm.s32 $0x13100  }
0x150: {  	[tilespmem:s14], [sflag:$0x2] =	stream.indirect_vreg.gather [hbm4b:s5+s3], $0x80, v4, vm0, $0xb8;
	[tilespmem:$0x18100] =	vst v63  }
0x151: {  	s14 =	simm.s32 $0x13900  }
0x152: {  	[tilespmem:s14], [sflag:$0x2] =	stream.indirect_vreg.gather [hbm4b:s1+s3], $0x80, v3, vm0, $0xb8;
	[tilespmem:$0x18100] =	vst v63  }
0x153: {  	s14 =	simm.s32 $0x14100  }
0x154: {  	[tilespmem:s14], [sflag:$0x2] =	stream.indirect_vreg.gather [hbm4b:s4+s3], $0x80, v3, vm0, $0xb8;
	[tilespmem:$0x18100] =	vst v63  }
0x155: {  	s14 =	simm.s32 $0x14900  }
0x156: {  	[tilespmem:s14], [sflag:$0x2] =	stream.indirect_vreg.gather [hbm4b:s5+s3], $0x80, v3, vm0, $0xb8;
	[tilespmem:$0x18100] =	vst v63  }
0x157: {  	v3 =	vld [tilespmem:$0xB0];
	_ =	sdelay $0x4  }
0x158: {  	v47 =	vshrl.u32 v3, $0x3  }
0x159: {  	v4 =	vmul.u32 $0x30, v47  }
0x15a: {  	v3 =	vand.u32 $0x7, v3  }
0x15b: {  	v3 =	vor.u32 v3, v4  }
0x15c: {  	v4 =	vperm.xlane v3, v0;
	_ =	sdelay $0x1  }
0x15d: {  	v4 =	vadd.s32 v1, v4;
	_ =	sdelay $0x3  }
0x15e: {  	s14 =	simm.s32 $0x15100;
	v3 =	vperm.xlane v3, v2  }
0x15f: {  	[tilespmem:s14], [sflag:$0x2] =	stream.indirect_vreg.gather [hbm4b:s1+s3], $0x80, v4, vm0, $0xb8;
	[tilespmem:$0x18100] =	vst v63  }
0x160: {  	v3 =	vadd.s32 v1, v3;
	s14 =	simm.s32 $0x15900  }
0x161: {  	[tilespmem:s14], [sflag:$0x2] =	stream.indirect_vreg.gather [hbm4b:s4+s3], $0x80, v4, vm0, $0xb8;
	[tilespmem:$0x18100] =	vst v63  }
0x162: {  	s14 =	simm.s32 $0x16100  }
0x163: {  	[tilespmem:s14], [sflag:$0x2] =	stream.indirect_vreg.gather [hbm4b:s5+s3], $0x80, v4, vm0, $0xb8;
	[tilespmem:$0x18100] =	vst v63  }
0x164: {  	s14 =	simm.s32 $0x16900  }
0x165: {  	[tilespmem:s14], [sflag:$0x2] =	stream.indirect_vreg.gather [hbm4b:s1+s3], $0x80, v3, vm0, $0xb8;
	[tilespmem:$0x18100] =	vst v63  }
0x166: {  	s14 =	simm.s32 $0x17100  }
0x167: {  	[tilespmem:s14], [sflag:$0x2] =	stream.indirect_vreg.gather [hbm4b:s4+s3], $0x80, v3, vm0, $0xb8;
	[tilespmem:$0x18100] =	vst v63  }
0x168: {  	s14 =	simm.s32 $0x17900  }
0x169: {  	[tilespmem:s14], [sflag:$0x2] =	stream.indirect_vreg.gather [hbm4b:s5+s3], $0x80, v3, vm0, $0xb8;
	[tilespmem:$0x18100] =	vst v63  }
0x16a: {  	_ =	swait.ge [sflag:s10], $0xC000  }
0x16b: {  	[sflag:s10] =	ssyncset.done $0x0  }
0x16c: {  	s0 =	simm.s32 $0x100;
	s14 =	rddreg [dreg:$0xa];
	[sflag:s10] =	ssyncadd.s32 $0xFFFF4000  }
0x16d: {  	[hbm4b:s14+s3] =	stream.linear.scatter [tilespmem:s0], [sflag:$0x3], $0xC000, $0x38;
	[tilespmem:$0x18100] =	vst v63  }
0x16e: {  	_ =	swait.ge [sflag:s11], $0xC000  }
0x16f: {  	[sflag:s11] =	ssyncset.done $0x0  }
0x170: {  	s14 =	rddreg [dreg:$0xb];
	[sflag:s11] =	ssyncadd.s32 $0xFFFF4000  }
0x171: {  	[tilespmem:s3], [sflag:$0x5] =	stream.linear.gather [hbm4b:s14+s3], $0x40, $0x38;
	[tilespmem:$0x18100] =	vst v63  }
0x172: {  	_ =	swait.ge [sflag:s7], $0x40  }
0x173: {  	[sflag:s7] =	ssyncset.done $0x0  }
0x174: {  	[sflag:s7] =	ssyncadd.s32 $0xFFFFFFC0  }
0x175: {  	v3 =	vld [tilespmem:$0x0];
	_ =	sdelay $0x4  }
0x176: {  	v48 =	vshrl.u32 v3, $0x3  }
0x177: {  	v4 =	vmul.u32 $0x30, v48  }
0x178: {  	v3 =	vand.u32 $0x7, v3  }
0x179: {  	v3 =	vor.u32 v3, v4  }
0x17a: {  	v4 =	vperm.xlane v3, v0;
	_ =	sdelay $0x1  }
0x17b: {  	v4 =	vadd.s32 v1, v4;
	_ =	sdelay $0x3  }
0x17c: {  	v3 =	vperm.xlane v3, v2  }
0x17d: {  	[tilespmem:s0], [sflag:$0x1] =	stream.indirect_vreg.gather [hbm4b:s1+s3], $0x80, v4, vm0, $0xb8;
	[tilespmem:$0x18100] =	vst v63  }
0x17e: {  	s14 =	simm.s32 $0x900;
	v3 =	vadd.s32 v1, v3  }
0x17f: {  	[tilespmem:s14], [sflag:$0x1] =	stream.indirect_vreg.gather [hbm4b:s4+s3], $0x80, v4, vm0, $0xb8;
	[tilespmem:$0x18100] =	vst v63  }
0x180: {  	_ = 	snop  }
0x181: {  	[tilespmem:s8], [sflag:$0x1] =	stream.indirect_vreg.gather [hbm4b:s5+s3], $0x80, v4, vm0, $0xb8;
	[tilespmem:$0x18100] =	vst v63  }
0x182: {  	_ = 	snop  }
0x183: {  	[tilespmem:s22], [sflag:$0x1] =	stream.indirect_vreg.gather [hbm4b:s1+s3], $0x80, v3, vm0, $0xb8;
	[tilespmem:$0x18100] =	vst v63  }
0x184: {  	_ = 	snop  }
0x185: {  	[tilespmem:s23], [sflag:$0x1] =	stream.indirect_vreg.gather [hbm4b:s4+s3], $0x80, v3, vm0, $0xb8;
	[tilespmem:$0x18100] =	vst v63  }
0x186: {  	s23 =	simm.s32 $0x2900  }
0x187: {  	[tilespmem:s23], [sflag:$0x1] =	stream.indirect_vreg.gather [hbm4b:s5+s3], $0x80, v3, vm0, $0xb8;
	[tilespmem:$0x18100] =	vst v63  }
0x188: {  	v3 =	vld [tilespmem:$0x10];
	_ =	sdelay $0x4  }
0x189: {  	v49 =	vshrl.u32 v3, $0x3  }
0x18a: {  	v4 =	vmul.u32 $0x30, v49  }
0x18b: {  	v3 =	vand.u32 $0x7, v3  }
0x18c: {  	v3 =	vor.u32 v3, v4  }
0x18d: {  	v4 =	vperm.xlane v3, v0;
	_ =	sdelay $0x1  }
0x18e: {  	v4 =	vadd.s32 v1, v4;
	_ =	sdelay $0x3  }
0x18f: {  	s8 =	simm.s32 $0x3100;
	v3 =	vperm.xlane v3, v2  }
0x190: {  	[tilespmem:s8], [sflag:$0x1] =	stream.indirect_vreg.gather [hbm4b:s1+s3], $0x80, v4, vm0, $0xb8;
	[tilespmem:$0x18100] =	vst v63  }
0x191: {  	v3 =	vadd.s32 v1, v3  }
0x192: {  	[tilespmem:s24], [sflag:$0x1] =	stream.indirect_vreg.gather [hbm4b:s4+s3], $0x80, v4, vm0, $0xb8;
	[tilespmem:$0x18100] =	vst v63  }
0x193: {  	_ = 	snop  }
0x194: {  	[tilespmem:s25], [sflag:$0x1] =	stream.indirect_vreg.gather [hbm4b:s5+s3], $0x80, v4, vm0, $0xb8;
	[tilespmem:$0x18100] =	vst v63  }
0x195: {  	_ = 	snop  }
0x196: {  	[tilespmem:s26], [sflag:$0x1] =	stream.indirect_vreg.gather [hbm4b:s1+s3], $0x80, v3, vm0, $0xb8;
	[tilespmem:$0x18100] =	vst v63  }
0x197: {  	_ = 	snop  }
0x198: {  	[tilespmem:s28], [sflag:$0x1] =	stream.indirect_vreg.gather [hbm4b:s4+s3], $0x80, v3, vm0, $0xb8;
	[tilespmem:$0x18100] =	vst v63  }
0x199: {  	s14 =	simm.s32 $0x5900  }
0x19a: {  	[tilespmem:s14], [sflag:$0x1] =	stream.indirect_vreg.gather [hbm4b:s5+s3], $0x80, v3, vm0, $0xb8;
	[tilespmem:$0x18100] =	vst v63  }
0x19b: {  	v3 =	vld [tilespmem:$0x20];
	_ =	sdelay $0x4  }
0x19c: {  	v50 =	vshrl.u32 v3, $0x3  }
0x19d: {  	v4 =	vmul.u32 $0x30, v50  }
0x19e: {  	v3 =	vand.u32 $0x7, v3  }
0x19f: {  	v3 =	vor.u32 v3, v4  }
0x1a0: {  	v4 =	vperm.xlane v3, v0;
	_ =	sdelay $0x1  }
0x1a1: {  	v4 =	vadd.s32 v1, v4;
	_ =	sdelay $0x3  }
0x1a2: {  	s28 =	simm.s32 $0x6100;
	v3 =	vperm.xlane v3, v2  }
0x1a3: {  	[tilespmem:s28], [sflag:$0x1] =	stream.indirect_vreg.gather [hbm4b:s1+s3], $0x80, v4, vm0, $0xb8;
	[tilespmem:$0x18100] =	vst v63  }
0x1a4: {  	v3 =	vadd.s32 v1, v3  }
0x1a5: {  	[tilespmem:s29], [sflag:$0x1] =	stream.indirect_vreg.gather [hbm4b:s4+s3], $0x80, v4, vm0, $0xb8;
	[tilespmem:$0x18100] =	vst v63  }
0x1a6: {  	_ = 	snop  }
0x1a7: {  	[tilespmem:s30], [sflag:$0x1] =	stream.indirect_vreg.gather [hbm4b:s5+s3], $0x80, v4, vm0, $0xb8;
	[tilespmem:$0x18100] =	vst v63  }
0x1a8: {  	_ = 	snop  }
0x1a9: {  	[tilespmem:s31], [sflag:$0x1] =	stream.indirect_vreg.gather [hbm4b:s1+s3], $0x80, v3, vm0, $0xb8;
	[tilespmem:$0x18100] =	vst v63  }
0x1aa: {  	_ = 	snop  }
0x1ab: {  	[tilespmem:s15], [sflag:$0x1] =	stream.indirect_vreg.gather [hbm4b:s4+s3], $0x80, v3, vm0, $0xb8;
	[tilespmem:$0x18100] =	vst v63  }
0x1ac: {  	_ = 	snop  }
0x1ad: {  	[tilespmem:s19], [sflag:$0x1] =	stream.indirect_vreg.gather [hbm4b:s5+s3], $0x80, v3, vm0, $0xb8;
	[tilespmem:$0x18100] =	vst v63  }
0x1ae: {  	v3 =	vld [tilespmem:$0x30];
	_ =	sdelay $0x4  }
0x1af: {  	v51 =	vshrl.u32 v3, $0x3  }
0x1b0: {  	v4 =	vmul.u32 $0x30, v51  }
0x1b1: {  	v3 =	vand.u32 $0x7, v3  }
0x1b2: {  	v3 =	vor.u32 v3, v4  }
0x1b3: {  	v4 =	vperm.xlane v3, v0;
	_ =	sdelay $0x1  }
0x1b4: {  	v4 =	vadd.s32 v1, v4;
	_ =	sdelay $0x3  }
0x1b5: {  	v3 =	vperm.xlane v3, v2  }
0x1b6: {  	[tilespmem:s20], [sflag:$0x1] =	stream.indirect_vreg.gather [hbm4b:s1+s3], $0x80, v4, vm0, $0xb8;
	[tilespmem:$0x18100] =	vst v63  }
0x1b7: {  	v3 =	vadd.s32 v1, v3  }
0x1b8: {  	[tilespmem:s16], [sflag:$0x1] =	stream.indirect_vreg.gather [hbm4b:s4+s3], $0x80, v4, vm0, $0xb8;
	[tilespmem:$0x18100] =	vst v63  }
0x1b9: {  	_ = 	snop  }
0x1ba: {  	[tilespmem:s17], [sflag:$0x1] =	stream.indirect_vreg.gather [hbm4b:s5+s3], $0x80, v4, vm0, $0xb8;
	[tilespmem:$0x18100] =	vst v63  }
0x1bb: {  	_ = 	snop  }
0x1bc: {  	[tilespmem:s18], [sflag:$0x1] =	stream.indirect_vreg.gather [hbm4b:s1+s3], $0x80, v3, vm0, $0xb8;
	[tilespmem:$0x18100] =	vst v63  }
0x1bd: {  	_ = 	snop  }
0x1be: {  	[tilespmem:s21], [sflag:$0x1] =	stream.indirect_vreg.gather [hbm4b:s4+s3], $0x80, v3, vm0, $0xb8;
	[tilespmem:$0x18100] =	vst v63  }
0x1bf: {  	_ = 	snop  }
0x1c0: {  	[tilespmem:s9], [sflag:$0x1] =	stream.indirect_vreg.gather [hbm4b:s5+s3], $0x80, v3, vm0, $0xb8;
	[tilespmem:$0x18100] =	vst v63  }
0x1c1: {  	_ =	swait.ge [sflag:s12], $0xC000  }
0x1c2: {  	[sflag:s12] =	ssyncset.done $0x0  }
0x1c3: {  	s2 =	simm.s32 $0xC100;
	s31 =	rddreg [dreg:$0xc];
	[sflag:s12] =	ssyncadd.s32 $0xFFFF4000  }
0x1c4: {  	[hbm4b:s31+s3] =	stream.linear.scatter [tilespmem:s2], [sflag:$0x4], $0xC000, $0x38;
	[tilespmem:$0x18100] =	vst v63  }
0x1c5: {  	_ =	swait.ge [sflag:s13], $0xC000  }
0x1c6: {  	[sflag:s13] =	ssyncset.done $0x0  }
0x1c7: {  	s8 =	simm.s32 $0x80;
	s0 =	rddreg [dreg:$0xd];
	[sflag:s13] =	ssyncadd.s32 $0xFFFF4000  }
0x1c8: {  	[tilespmem:s8], [sflag:$0x5] =	stream.linear.gather [hbm4b:s0+s3], $0x40, $0x38;
	[tilespmem:$0x18100] =	vst v63  }
0x1c9: {  	_ =	swait.ge [sflag:s7], $0x40  }
0x1ca: {  	[sflag:s7] =	ssyncset.done $0x0  }
0x1cb: {  	[sflag:s7] =	ssyncadd.s32 $0xFFFFFFC0  }
0x1cc: {  	v3 =	vld [tilespmem:$0x80];
	_ =	sdelay $0x4  }
0x1cd: {  	v52 =	vshrl.u32 v3, $0x3  }
0x1ce: {  	v4 =	vmul.u32 $0x30, v52  }
0x1cf: {  	v3 =	vand.u32 $0x7, v3  }
0x1d0: {  	v3 =	vor.u32 v3, v4  }
0x1d1: {  	v4 =	vperm.xlane v3, v0;
	_ =	sdelay $0x1  }
0x1d2: {  	v4 =	vadd.s32 v1, v4;
	_ =	sdelay $0x3  }
0x1d3: {  	v3 =	vperm.xlane v3, v2  }
0x1d4: {  	[tilespmem:s2], [sflag:$0x2] =	stream.indirect_vreg.gather [hbm4b:s1+s3], $0x80, v4, vm0, $0xb8;
	[tilespmem:$0x18100] =	vst v63  }
0x1d5: {  	s31 =	simm.s32 $0xC900;
	v3 =	vadd.s32 v1, v3  }
0x1d6: {  	[tilespmem:s31], [sflag:$0x2] =	stream.indirect_vreg.gather [hbm4b:s4+s3], $0x80, v4, vm0, $0xb8;
	[tilespmem:$0x18100] =	vst v63  }
0x1d7: {  	s8 =	simm.s32 $0xD100  }
0x1d8: {  	[tilespmem:s8], [sflag:$0x2] =	stream.indirect_vreg.gather [hbm4b:s5+s3], $0x80, v4, vm0, $0xb8;
	[tilespmem:$0x18100] =	vst v63  }
0x1d9: {  	s14 =	simm.s32 $0xD900  }
0x1da: {  	[tilespmem:s14], [sflag:$0x2] =	stream.indirect_vreg.gather [hbm4b:s1+s3], $0x80, v3, vm0, $0xb8;
	[tilespmem:$0x18100] =	vst v63  }
0x1db: {  	s8 =	simm.s32 $0xE100  }
0x1dc: {  	[tilespmem:s8], [sflag:$0x2] =	stream.indirect_vreg.gather [hbm4b:s4+s3], $0x80, v3, vm0, $0xb8;
	[tilespmem:$0x18100] =	vst v63  }
0x1dd: {  	s14 =	simm.s32 $0xE900  }
0x1de: {  	[tilespmem:s14], [sflag:$0x2] =	stream.indirect_vreg.gather [hbm4b:s5+s3], $0x80, v3, vm0, $0xb8;
	[tilespmem:$0x18100] =	vst v63  }
0x1df: {  	v3 =	vld [tilespmem:$0x90];
	_ =	sdelay $0x4  }
0x1e0: {  	v53 =	vshrl.u32 v3, $0x3  }
0x1e1: {  	v4 =	vmul.u32 $0x30, v53  }
0x1e2: {  	v3 =	vand.u32 $0x7, v3  }
0x1e3: {  	v3 =	vor.u32 v3, v4  }
0x1e4: {  	v4 =	vperm.xlane v3, v0;
	_ =	sdelay $0x1  }
0x1e5: {  	v4 =	vadd.s32 v1, v4;
	_ =	sdelay $0x3  }
0x1e6: {  	s8 =	simm.s32 $0xF100;
	v3 =	vperm.xlane v3, v2  }
0x1e7: {  	[tilespmem:s8], [sflag:$0x2] =	stream.indirect_vreg.gather [hbm4b:s1+s3], $0x80, v4, vm0, $0xb8;
	[tilespmem:$0x18100] =	vst v63  }
0x1e8: {  	s14 =	simm.s32 $0xF900;
	v3 =	vadd.s32 v1, v3  }
0x1e9: {  	[tilespmem:s14], [sflag:$0x2] =	stream.indirect_vreg.gather [hbm4b:s4+s3], $0x80, v4, vm0, $0xb8;
	[tilespmem:$0x18100] =	vst v63  }
0x1ea: {  	s8 =	simm.s32 $0x10100  }
0x1eb: {  	[tilespmem:s8], [sflag:$0x2] =	stream.indirect_vreg.gather [hbm4b:s5+s3], $0x80, v4, vm0, $0xb8;
	[tilespmem:$0x18100] =	vst v63  }
0x1ec: {  	s14 =	simm.s32 $0x10900  }
0x1ed: {  	[tilespmem:s14], [sflag:$0x2] =	stream.indirect_vreg.gather [hbm4b:s1+s3], $0x80, v3, vm0, $0xb8;
	[tilespmem:$0x18100] =	vst v63  }
0x1ee: {  	s8 =	simm.s32 $0x11100  }
0x1ef: {  	[tilespmem:s8], [sflag:$0x2] =	stream.indirect_vreg.gather [hbm4b:s4+s3], $0x80, v3, vm0, $0xb8;
	[tilespmem:$0x18100] =	vst v63  }
0x1f0: {  	s14 =	simm.s32 $0x11900  }
0x1f1: {  	[tilespmem:s14], [sflag:$0x2] =	stream.indirect_vreg.gather [hbm4b:s5+s3], $0x80, v3, vm0, $0xb8;
	[tilespmem:$0x18100] =	vst v63  }
0x1f2: {  	v3 =	vld [tilespmem:$0xA0];
	_ =	sdelay $0x4  }
0x1f3: {  	v54 =	vshrl.u32 v3, $0x3  }
0x1f4: {  	v4 =	vmul.u32 $0x30, v54  }
0x1f5: {  	v3 =	vand.u32 $0x7, v3  }
0x1f6: {  	v3 =	vor.u32 v3, v4  }
0x1f7: {  	v4 =	vperm.xlane v3, v0;
	_ =	sdelay $0x1  }
0x1f8: {  	v4 =	vadd.s32 v1, v4;
	_ =	sdelay $0x3  }
0x1f9: {  	s8 =	simm.s32 $0x12100;
	v3 =	vperm.xlane v3, v2  }
0x1fa: {  	[tilespmem:s8], [sflag:$0x2] =	stream.indirect_vreg.gather [hbm4b:s1+s3], $0x80, v4, vm0, $0xb8;
	[tilespmem:$0x18100] =	vst v63  }
0x1fb: {  	s14 =	simm.s32 $0x12900;
	v3 =	vadd.s32 v1, v3  }
0x1fc: {  	[tilespmem:s14], [sflag:$0x2] =	stream.indirect_vreg.gather [hbm4b:s4+s3], $0x80, v4, vm0, $0xb8;
	[tilespmem:$0x18100] =	vst v63  }
0x1fd: {  	s8 =	simm.s32 $0x13100  }
0x1fe: {  	[tilespmem:s8], [sflag:$0x2] =	stream.indirect_vreg.gather [hbm4b:s5+s3], $0x80, v4, vm0, $0xb8;
	[tilespmem:$0x18100] =	vst v63  }
0x1ff: {  	s14 =	simm.s32 $0x13900  }
0x200: {  	[tilespmem:s14], [sflag:$0x2] =	stream.indirect_vreg.gather [hbm4b:s1+s3], $0x80, v3, vm0, $0xb8;
	[tilespmem:$0x18100] =	vst v63  }
0x201: {  	s8 =	simm.s32 $0x14100  }
0x202: {  	[tilespmem:s8], [sflag:$0x2] =	stream.indirect_vreg.gather [hbm4b:s4+s3], $0x80, v3, vm0, $0xb8;
	[tilespmem:$0x18100] =	vst v63  }
0x203: {  	s14 =	simm.s32 $0x14900  }
0x204: {  	[tilespmem:s14], [sflag:$0x2] =	stream.indirect_vreg.gather [hbm4b:s5+s3], $0x80, v3, vm0, $0xb8;
	[tilespmem:$0x18100] =	vst v63  }
0x205: {  	v3 =	vld [tilespmem:$0xB0];
	_ =	sdelay $0x4  }
0x206: {  	v55 =	vshrl.u32 v3, $0x3  }
0x207: {  	v4 =	vmul.u32 $0x30, v55  }
0x208: {  	v3 =	vand.u32 $0x7, v3  }
0x209: {  	v3 =	vor.u32 v3, v4  }
0x20a: {  	v4 =	vperm.xlane v3, v0;
	_ =	sdelay $0x1  }
0x20b: {  	v4 =	vadd.s32 v1, v4;
	_ =	sdelay $0x3  }
0x20c: {  	s8 =	simm.s32 $0x15100;
	v3 =	vperm.xlane v3, v2  }
0x20d: {  	[tilespmem:s8], [sflag:$0x2] =	stream.indirect_vreg.gather [hbm4b:s1+s3], $0x80, v4, vm0, $0xb8;
	[tilespmem:$0x18100] =	vst v63  }
0x20e: {  	s14 =	simm.s32 $0x15900;
	v3 =	vadd.s32 v1, v3  }
0x20f: {  	[tilespmem:s14], [sflag:$0x2] =	stream.indirect_vreg.gather [hbm4b:s4+s3], $0x80, v4, vm0, $0xb8;
	[tilespmem:$0x18100] =	vst v63  }
0x210: {  	s8 =	simm.s32 $0x16100  }
0x211: {  	[tilespmem:s8], [sflag:$0x2] =	stream.indirect_vreg.gather [hbm4b:s5+s3], $0x80, v4, vm0, $0xb8;
	[tilespmem:$0x18100] =	vst v63  }
0x212: {  	s14 =	simm.s32 $0x16900  }
0x213: {  	[tilespmem:s14], [sflag:$0x2] =	stream.indirect_vreg.gather [hbm4b:s1+s3], $0x80, v3, vm0, $0xb8;
	[tilespmem:$0x18100] =	vst v63  }
0x214: {  	s8 =	simm.s32 $0x17100  }
0x215: {  	[tilespmem:s8], [sflag:$0x2] =	stream.indirect_vreg.gather [hbm4b:s4+s3], $0x80, v3, vm0, $0xb8;
	[tilespmem:$0x18100] =	vst v63  }
0x216: {  	s14 =	simm.s32 $0x17900  }
0x217: {  	[tilespmem:s14], [sflag:$0x2] =	stream.indirect_vreg.gather [hbm4b:s5+s3], $0x80, v3, vm0, $0xb8;
	[tilespmem:$0x18100] =	vst v63  }
0x218: {  	_ =	swait.ge [sflag:s10], $0xC000  }
0x219: {  	[sflag:s10] =	ssyncset.done $0x0  }
0x21a: {  	s2 =	simm.s32 $0x100;
	s8 =	rddreg [dreg:$0xe];
	[sflag:s10] =	ssyncadd.s32 $0xFFFF4000  }
0x21b: {  	[hbm4b:s8+s3] =	stream.linear.scatter [tilespmem:s2], [sflag:$0x3], $0xC000, $0x38;
	[tilespmem:$0x18100] =	vst v63  }
0x21c: {  	_ =	swait.ge [sflag:s11], $0xC000  }
0x21d: {  	[sflag:s11] =	ssyncset.done $0x0  }
0x21e: {  	s8 =	rddreg [dreg:$0xf];
	[sflag:s11] =	ssyncadd.s32 $0xFFFF4000  }
0x21f: {  	[tilespmem:s3], [sflag:$0x5] =	stream.linear.gather [hbm4b:s8+s3], $0x40, $0x38;
	[tilespmem:$0x18100] =	vst v63  }
0x220: {  	_ =	swait.ge [sflag:s7], $0x40  }
0x221: {  	[sflag:s7] =	ssyncset.done $0x0  }
0x222: {  	[sflag:s7] =	ssyncadd.s32 $0xFFFFFFC0  }
0x223: {  	v3 =	vld [tilespmem:$0x0];
	_ =	sdelay $0x4  }
0x224: {  	v56 =	vshrl.u32 v3, $0x3  }
0x225: {  	v4 =	vmul.u32 $0x30, v56  }
0x226: {  	v3 =	vand.u32 $0x7, v3  }
0x227: {  	v3 =	vor.u32 v3, v4  }
0x228: {  	v4 =	vperm.xlane v3, v0;
	_ =	sdelay $0x1  }
0x229: {  	v4 =	vadd.s32 v1, v4;
	_ =	sdelay $0x3  }
0x22a: {  	v3 =	vperm.xlane v3, v2  }
0x22b: {  	[tilespmem:s2], [sflag:$0x1] =	stream.indirect_vreg.gather [hbm4b:s1+s3], $0x80, v4, vm0, $0xb8;
	[tilespmem:$0x18100] =	vst v63  }
0x22c: {  	s14 =	simm.s32 $0x900;
	v3 =	vadd.s32 v1, v3  }
0x22d: {  	[tilespmem:s14], [sflag:$0x1] =	stream.indirect_vreg.gather [hbm4b:s4+s3], $0x80, v4, vm0, $0xb8;
	[tilespmem:$0x18100] =	vst v63  }
0x22e: {  	s14 =	simm.s32 $0x1100  }
0x22f: {  	[tilespmem:s14], [sflag:$0x1] =	stream.indirect_vreg.gather [hbm4b:s5+s3], $0x80, v4, vm0, $0xb8;
	[tilespmem:$0x18100] =	vst v63  }
0x230: {  	s14 =	simm.s32 $0x1900  }
0x231: {  	[tilespmem:s14], [sflag:$0x1] =	stream.indirect_vreg.gather [hbm4b:s1+s3], $0x80, v3, vm0, $0xb8;
	[tilespmem:$0x18100] =	vst v63  }
0x232: {  	s22 =	simm.s32 $0x2100  }
0x233: {  	[tilespmem:s22], [sflag:$0x1] =	stream.indirect_vreg.gather [hbm4b:s4+s3], $0x80, v3, vm0, $0xb8;
	[tilespmem:$0x18100] =	vst v63  }
0x234: {  	s14 =	simm.s32 $0x2900  }
0x235: {  	[tilespmem:s14], [sflag:$0x1] =	stream.indirect_vreg.gather [hbm4b:s5+s3], $0x80, v3, vm0, $0xb8;
	[tilespmem:$0x18100] =	vst v63  }
0x236: {  	v3 =	vld [tilespmem:$0x10];
	_ =	sdelay $0x4  }
0x237: {  	v57 =	vshrl.u32 v3, $0x3  }
0x238: {  	v4 =	vmul.u32 $0x30, v57  }
0x239: {  	v3 =	vand.u32 $0x7, v3  }
0x23a: {  	v3 =	vor.u32 v3, v4  }
0x23b: {  	v4 =	vperm.xlane v3, v0;
	_ =	sdelay $0x1  }
0x23c: {  	v4 =	vadd.s32 v1, v4;
	_ =	sdelay $0x3  }
0x23d: {  	s22 =	simm.s32 $0x3100;
	v3 =	vperm.xlane v3, v2  }
0x23e: {  	[tilespmem:s22], [sflag:$0x1] =	stream.indirect_vreg.gather [hbm4b:s1+s3], $0x80, v4, vm0, $0xb8;
	[tilespmem:$0x18100] =	vst v63  }
0x23f: {  	s23 =	simm.s32 $0x3900;
	v3 =	vadd.s32 v1, v3  }
0x240: {  	[tilespmem:s23], [sflag:$0x1] =	stream.indirect_vreg.gather [hbm4b:s4+s3], $0x80, v4, vm0, $0xb8;
	[tilespmem:$0x18100] =	vst v63  }
0x241: {  	s24 =	simm.s32 $0x4100  }
0x242: {  	[tilespmem:s24], [sflag:$0x1] =	stream.indirect_vreg.gather [hbm4b:s5+s3], $0x80, v4, vm0, $0xb8;
	[tilespmem:$0x18100] =	vst v63  }
0x243: {  	s25 =	simm.s32 $0x4900  }
0x244: {  	[tilespmem:s25], [sflag:$0x1] =	stream.indirect_vreg.gather [hbm4b:s1+s3], $0x80, v3, vm0, $0xb8;
	[tilespmem:$0x18100] =	vst v63  }
0x245: {  	s26 =	simm.s32 $0x5100  }
0x246: {  	[tilespmem:s26], [sflag:$0x1] =	stream.indirect_vreg.gather [hbm4b:s4+s3], $0x80, v3, vm0, $0xb8;
	[tilespmem:$0x18100] =	vst v63  }
0x247: {  	s26 =	simm.s32 $0x5900  }
0x248: {  	[tilespmem:s26], [sflag:$0x1] =	stream.indirect_vreg.gather [hbm4b:s5+s3], $0x80, v3, vm0, $0xb8;
	[tilespmem:$0x18100] =	vst v63  }
0x249: {  	v3 =	vld [tilespmem:$0x20];
	_ =	sdelay $0x4  }
0x24a: {  	v58 =	vshrl.u32 v3, $0x3  }
0x24b: {  	v4 =	vmul.u32 $0x30, v58  }
0x24c: {  	v3 =	vand.u32 $0x7, v3  }
0x24d: {  	v3 =	vor.u32 v3, v4  }
0x24e: {  	v4 =	vperm.xlane v3, v0;
	_ =	sdelay $0x1  }
0x24f: {  	v4 =	vadd.s32 v1, v4;
	_ =	sdelay $0x3  }
0x250: {  	s14 =	simm.s32 $0x6100;
	v3 =	vperm.xlane v3, v2  }
0x251: {  	[tilespmem:s14], [sflag:$0x1] =	stream.indirect_vreg.gather [hbm4b:s1+s3], $0x80, v4, vm0, $0xb8;
	[tilespmem:$0x18100] =	vst v63  }
0x252: {  	s28 =	simm.s32 $0x6900;
	v3 =	vadd.s32 v1, v3  }
0x253: {  	[tilespmem:s28], [sflag:$0x1] =	stream.indirect_vreg.gather [hbm4b:s4+s3], $0x80, v4, vm0, $0xb8;
	[tilespmem:$0x18100] =	vst v63  }
0x254: {  	s29 =	simm.s32 $0x7100  }
0x255: {  	[tilespmem:s29], [sflag:$0x1] =	stream.indirect_vreg.gather [hbm4b:s5+s3], $0x80, v4, vm0, $0xb8;
	[tilespmem:$0x18100] =	vst v63  }
0x256: {  	s30 =	simm.s32 $0x7900  }
0x257: {  	[tilespmem:s30], [sflag:$0x1] =	stream.indirect_vreg.gather [hbm4b:s1+s3], $0x80, v3, vm0, $0xb8;
	[tilespmem:$0x18100] =	vst v63  }
0x258: {  	s15 =	simm.s32 $0x8100  }
0x259: {  	[tilespmem:s15], [sflag:$0x1] =	stream.indirect_vreg.gather [hbm4b:s4+s3], $0x80, v3, vm0, $0xb8;
	[tilespmem:$0x18100] =	vst v63  }
0x25a: {  	s19 =	simm.s32 $0x8900  }
0x25b: {  	[tilespmem:s19], [sflag:$0x1] =	stream.indirect_vreg.gather [hbm4b:s5+s3], $0x80, v3, vm0, $0xb8;
	[tilespmem:$0x18100] =	vst v63  }
0x25c: {  	v3 =	vld [tilespmem:$0x30];
	_ =	sdelay $0x4  }
0x25d: {  	v59 =	vshrl.u32 v3, $0x3  }
0x25e: {  	v4 =	vmul.u32 $0x30, v59  }
0x25f: {  	v3 =	vand.u32 $0x7, v3  }
0x260: {  	v3 =	vor.u32 v3, v4  }
0x261: {  	v4 =	vperm.xlane v3, v0;
	_ =	sdelay $0x1  }
0x262: {  	v4 =	vadd.s32 v1, v4;
	_ =	sdelay $0x3  }
0x263: {  	s20 =	simm.s32 $0x9100;
	v3 =	vperm.xlane v3, v2  }
0x264: {  	[tilespmem:s20], [sflag:$0x1] =	stream.indirect_vreg.gather [hbm4b:s1+s3], $0x80, v4, vm0, $0xb8;
	[tilespmem:$0x18100] =	vst v63  }
0x265: {  	s16 =	simm.s32 $0x9900;
	v3 =	vadd.s32 v1, v3  }
0x266: {  	[tilespmem:s16], [sflag:$0x1] =	stream.indirect_vreg.gather [hbm4b:s4+s3], $0x80, v4, vm0, $0xb8;
	[tilespmem:$0x18100] =	vst v63  }
0x267: {  	s17 =	simm.s32 $0xA100  }
0x268: {  	[tilespmem:s17], [sflag:$0x1] =	stream.indirect_vreg.gather [hbm4b:s5+s3], $0x80, v4, vm0, $0xb8;
	[tilespmem:$0x18100] =	vst v63  }
0x269: {  	s18 =	simm.s32 $0xA900  }
0x26a: {  	[tilespmem:s18], [sflag:$0x1] =	stream.indirect_vreg.gather [hbm4b:s1+s3], $0x80, v3, vm0, $0xb8;
	[tilespmem:$0x18100] =	vst v63  }
0x26b: {  	s21 =	simm.s32 $0xB100  }
0x26c: {  	[tilespmem:s21], [sflag:$0x1] =	stream.indirect_vreg.gather [hbm4b:s4+s3], $0x80, v3, vm0, $0xb8;
	[tilespmem:$0x18100] =	vst v63  }
0x26d: {  	s9 =	simm.s32 $0xB900  }
0x26e: {  	[tilespmem:s9], [sflag:$0x1] =	stream.indirect_vreg.gather [hbm4b:s5+s3], $0x80, v3, vm0, $0xb8;
	[tilespmem:$0x18100] =	vst v63  }
0x26f: {  	_ =	swait.ge [sflag:s12], $0xC000  }
0x270: {  	[sflag:s12] =	ssyncset.done $0x0  }
0x271: {  	s23 =	simm.s32 $0xC100;
	s22 =	rddreg [dreg:$0x10];
	[sflag:s12] =	ssyncadd.s32 $0xFFFF4000  }
0x272: {  	[hbm4b:s22+s3] =	stream.linear.scatter [tilespmem:s23], [sflag:$0x4], $0xC000, $0x38;
	[tilespmem:$0x18100] =	vst v63  }
0x273: {  	_ =	swait.ge [sflag:s13], $0xC000  }
0x274: {  	[sflag:s13] =	ssyncset.done $0x0  }
0x275: {  	s0 =	simm.s32 $0x80;
	s24 =	rddreg [dreg:$0x11];
	[sflag:s13] =	ssyncadd.s32 $0xFFFF4000  }
0x276: {  	[tilespmem:s0], [sflag:$0x5] =	stream.linear.gather [hbm4b:s24+s3], $0x40, $0x38;
	[tilespmem:$0x18100] =	vst v63  }
0x277: {  	_ =	swait.ge [sflag:s7], $0x40  }
0x278: {  	[sflag:s7] =	ssyncset.done $0x0  }
0x279: {  	[sflag:s7] =	ssyncadd.s32 $0xFFFFFFC0  }
0x27a: {  	v3 =	vld [tilespmem:$0x80];
	_ =	sdelay $0x4  }
0x27b: {  	v60 =	vshrl.u32 v3, $0x3  }
0x27c: {  	v4 =	vmul.u32 $0x30, v60  }
0x27d: {  	v3 =	vand.u32 $0x7, v3  }
0x27e: {  	v3 =	vor.u32 v3, v4  }
0x27f: {  	v4 =	vperm.xlane v3, v0;
	_ =	sdelay $0x1  }
0x280: {  	v4 =	vadd.s32 v1, v4;
	_ =	sdelay $0x3  }
0x281: {  	v3 =	vperm.xlane v3, v2  }
0x282: {  	[tilespmem:s23], [sflag:$0x2] =	stream.indirect_vreg.gather [hbm4b:s1+s3], $0x80, v4, vm0, $0xb8;
	[tilespmem:$0x18100] =	vst v63  }
0x283: {  	s25 =	simm.s32 $0xC900;
	v3 =	vadd.s32 v1, v3  }
0x284: {  	[tilespmem:s25], [sflag:$0x2] =	stream.indirect_vreg.gather [hbm4b:s4+s3], $0x80, v4, vm0, $0xb8;
	[tilespmem:$0x18100] =	vst v63  }
0x285: {  	s31 =	simm.s32 $0xD100  }
0x286: {  	[tilespmem:s31], [sflag:$0x2] =	stream.indirect_vreg.gather [hbm4b:s5+s3], $0x80, v4, vm0, $0xb8;
	[tilespmem:$0x18100] =	vst v63  }
0x287: {  	s26 =	simm.s32 $0xD900  }
0x288: {  	[tilespmem:s26], [sflag:$0x2] =	stream.indirect_vreg.gather [hbm4b:s1+s3], $0x80, v3, vm0, $0xb8;
	[tilespmem:$0x18100] =	vst v63  }
0x289: {  	s28 =	simm.s32 $0xE100  }
0x28a: {  	[tilespmem:s28], [sflag:$0x2] =	stream.indirect_vreg.gather [hbm4b:s4+s3], $0x80, v3, vm0, $0xb8;
	[tilespmem:$0x18100] =	vst v63  }
0x28b: {  	s29 =	simm.s32 $0xE900  }
0x28c: {  	[tilespmem:s29], [sflag:$0x2] =	stream.indirect_vreg.gather [hbm4b:s5+s3], $0x80, v3, vm0, $0xb8;
	[tilespmem:$0x18100] =	vst v63  }
0x28d: {  	v3 =	vld [tilespmem:$0x90];
	_ =	sdelay $0x4  }
0x28e: {  	v61 =	vshrl.u32 v3, $0x3  }
0x28f: {  	v4 =	vmul.u32 $0x30, v61  }
0x290: {  	v3 =	vand.u32 $0x7, v3  }
0x291: {  	v3 =	vor.u32 v3, v4  }
0x292: {  	v4 =	vperm.xlane v3, v0;
	_ =	sdelay $0x1  }
0x293: {  	v4 =	vadd.s32 v1, v4;
	_ =	sdelay $0x3  }
0x294: {  	s30 =	simm.s32 $0xF100;
	v3 =	vperm.xlane v3, v2  }
0x295: {  	[tilespmem:s30], [sflag:$0x2] =	stream.indirect_vreg.gather [hbm4b:s1+s3], $0x80, v4, vm0, $0xb8;
	[tilespmem:$0x18100] =	vst v63  }
0x296: {  	s31 =	simm.s32 $0xF900;
	v3 =	vadd.s32 v1, v3  }
0x297: {  	[tilespmem:s31], [sflag:$0x2] =	stream.indirect_vreg.gather [hbm4b:s4+s3], $0x80, v4, vm0, $0xb8;
	[tilespmem:$0x18100] =	vst v63  }
0x298: {  	s9 =	simm.s32 $0x10100  }
0x299: {  	[tilespmem:s9], [sflag:$0x2] =	stream.indirect_vreg.gather [hbm4b:s5+s3], $0x80, v4, vm0, $0xb8;
	[tilespmem:$0x18100] =	vst v63  }
0x29a: {  	s14 =	simm.s32 $0x10900  }
0x29b: {  	[tilespmem:s14], [sflag:$0x2] =	stream.indirect_vreg.gather [hbm4b:s1+s3], $0x80, v3, vm0, $0xb8;
	[tilespmem:$0x18100] =	vst v63  }
0x29c: {  	s15 =	simm.s32 $0x11100  }
0x29d: {  	[tilespmem:s15], [sflag:$0x2] =	stream.indirect_vreg.gather [hbm4b:s4+s3], $0x80, v3, vm0, $0xb8;
	[tilespmem:$0x18100] =	vst v63  }
0x29e: {  	s16 =	simm.s32 $0x11900  }
0x29f: {  	[tilespmem:s16], [sflag:$0x2] =	stream.indirect_vreg.gather [hbm4b:s5+s3], $0x80, v3, vm0, $0xb8;
	[tilespmem:$0x18100] =	vst v63  }
0x2a0: {  	v3 =	vld [tilespmem:$0xA0];
	_ =	sdelay $0x4  }
0x2a1: {  	v62 =	vshrl.u32 v3, $0x3  }
0x2a2: {  	v4 =	vmul.u32 $0x30, v62  }
0x2a3: {  	v3 =	vand.u32 $0x7, v3  }
0x2a4: {  	v3 =	vor.u32 v3, v4  }
0x2a5: {  	v4 =	vperm.xlane v3, v0;
	_ =	sdelay $0x1  }
0x2a6: {  	v4 =	vadd.s32 v1, v4;
	_ =	sdelay $0x3  }
0x2a7: {  	s17 =	simm.s32 $0x12100;
	v3 =	vperm.xlane v3, v2  }
0x2a8: {  	[tilespmem:s17], [sflag:$0x2] =	stream.indirect_vreg.gather [hbm4b:s1+s3], $0x80, v4, vm0, $0xb8;
	[tilespmem:$0x18100] =	vst v63  }
0x2a9: {  	s18 =	simm.s32 $0x12900;
	v3 =	vadd.s32 v1, v3  }
0x2aa: {  	[tilespmem:s18], [sflag:$0x2] =	stream.indirect_vreg.gather [hbm4b:s4+s3], $0x80, v4, vm0, $0xb8;
	[tilespmem:$0x18100] =	vst v63  }
0x2ab: {  	s19 =	simm.s32 $0x13100  }
0x2ac: {  	[tilespmem:s19], [sflag:$0x2] =	stream.indirect_vreg.gather [hbm4b:s5+s3], $0x80, v4, vm0, $0xb8;
	[tilespmem:$0x18100] =	vst v63  }
0x2ad: {  	s20 =	simm.s32 $0x13900  }
0x2ae: {  	[tilespmem:s20], [sflag:$0x2] =	stream.indirect_vreg.gather [hbm4b:s1+s3], $0x80, v3, vm0, $0xb8;
	[tilespmem:$0x18100] =	vst v63  }
0x2af: {  	s21 =	simm.s32 $0x14100  }
0x2b0: {  	[tilespmem:s21], [sflag:$0x2] =	stream.indirect_vreg.gather [hbm4b:s4+s3], $0x80, v3, vm0, $0xb8;
	[tilespmem:$0x18100] =	vst v63  }
0x2b1: {  	s22 =	simm.s32 $0x14900  }
0x2b2: {  	[tilespmem:s22], [sflag:$0x2] =	stream.indirect_vreg.gather [hbm4b:s5+s3], $0x80, v3, vm0, $0xb8;
	[tilespmem:$0x18100] =	vst v63  }
0x2b3: {  	v3 =	vld [tilespmem:$0xB0];
	_ =	sdelay $0x4  }
0x2b4: {  	v63 =	vshrl.u32 v3, $0x3  }
0x2b5: {  	v4 =	vmul.u32 $0x30, v63  }
0x2b6: {  	v3 =	vand.u32 $0x7, v3  }
0x2b7: {  	v3 =	vor.u32 v3, v4  }
0x2b8: {  	v4 =	vperm.xlane v3, v0;
	_ =	sdelay $0x1  }
0x2b9: {  	v4 =	vadd.s32 v1, v4;
	_ =	sdelay $0x3  }
0x2ba: {  	s23 =	simm.s32 $0x15100;
	v3 =	vperm.xlane v3, v2  }
0x2bb: {  	[tilespmem:s23], [sflag:$0x2] =	stream.indirect_vreg.gather [hbm4b:s1+s3], $0x80, v4, vm0, $0xb8;
	[tilespmem:$0x18100] =	vst v63  }
0x2bc: {  	s24 =	simm.s32 $0x15900;
	v3 =	vadd.s32 v1, v3  }
0x2bd: {  	[tilespmem:s24], [sflag:$0x2] =	stream.indirect_vreg.gather [hbm4b:s4+s3], $0x80, v4, vm0, $0xb8;
	[tilespmem:$0x18100] =	vst v63  }
0x2be: {  	s25 =	simm.s32 $0x16100  }
0x2bf: {  	[tilespmem:s25], [sflag:$0x2] =	stream.indirect_vreg.gather [hbm4b:s5+s3], $0x80, v4, vm0, $0xb8;
	[tilespmem:$0x18100] =	vst v63  }
0x2c0: {  	s26 =	simm.s32 $0x16900  }
0x2c1: {  	[tilespmem:s26], [sflag:$0x2] =	stream.indirect_vreg.gather [hbm4b:s1+s3], $0x80, v3, vm0, $0xb8;
	[tilespmem:$0x18100] =	vst v63  }
0x2c2: {  	s28 =	simm.s32 $0x17100  }
0x2c3: {  	[tilespmem:s28], [sflag:$0x2] =	stream.indirect_vreg.gather [hbm4b:s4+s3], $0x80, v3, vm0, $0xb8;
	[tilespmem:$0x18100] =	vst v63  }
0x2c4: {  	s29 =	simm.s32 $0x17900  }
0x2c5: {  	[tilespmem:s29], [sflag:$0x2] =	stream.indirect_vreg.gather [hbm4b:s5+s3], $0x80, v3, vm0, $0xb8;
	[tilespmem:$0x18100] =	vst v63  }
0x2c6: {  	_ =	swait.ge [sflag:s10], $0xC000  }
0x2c7: {  	[sflag:s10] =	ssyncset.done $0x0  }
0x2c8: {  	s8 =	simm.s32 $0x100;
	s30 =	rddreg [dreg:$0x12];
	[sflag:s10] =	ssyncadd.s32 $0xFFFF4000  }
0x2c9: {  	[hbm4b:s30+s3] =	stream.linear.scatter [tilespmem:s8], [sflag:$0x3], $0xC000, $0x38;
	[tilespmem:$0x18100] =	vst v63  }
0x2ca: {  	_ =	swait.ge [sflag:s12], $0xC000  }
0x2cb: {  	[sflag:s12] =	ssyncset.done $0x0  }
0x2cc: {  	s0 =	simm.s32 $0xC100;
	s31 =	rddreg [dreg:$0x13];
	[sflag:s12] =	ssyncadd.s32 $0xFFFF4000  }
0x2cd: {  	[hbm4b:s31+s3] =	stream.linear.scatter [tilespmem:s0], [sflag:$0x4], $0xC000, $0x38;
	[tilespmem:$0x18100] =	vst v63  }
0x2ce: {  	p0 =	sne.s32 s6, $0x1;
	_ =	swait.ge [sflag:s11], $0xC000  }
.Ltmp0:
0x2cf: {  	[sflag:s11] =	ssyncset.done $0x0;
	(pc) =	sbr.rel @p0 .LBB2_1-.Ltmp0, $4  }
0x2d0: {  	[sflag:s11] =	ssyncadd.s32 $0xFFFF4000  }
0x2d1: {  	_ =	swait.ge [sflag:s13], $0xC000  }
0x2d2: {  	[sflag:s13] =	ssyncset.done $0x0  }
0x2d3: {  	s6 =	sadd.s32 $0xFFFFFFFF, s6;
	[sflag:s13] =	ssyncadd.s32 $0xFFFF4000  }
0x2d4: {  	_ =	sfence.sel $0x180000  }
0x2d5: {  	[bflag:$0x0] =	sbarrier.arrive $0xFFFF  }
0x2d6: {  	_ =	strace $0x90000047  }
0x2d7: {  	s0 =	stileid.u32;
	[bflag:$0x2] =	sbarrier.arrive $0xFFFF  }
0x2d8: {  	p0 =	sne.s32 s0, $0x0;
	s0 =	rddreg [dreg:$0x3]  }
0x2d9: {  	s0 =	sadd.s32 @!p0 $0x100000, s0  }
0x2da: {  	[sflag:s0] =	ssyncadd.tile.s32 @!p0 $0x1;
	_ =	shalt  }
.Lfunc_end2:
_tile_overlayer_lowered:
.L_overlay_start_2:
0x2db: {  	(tag) =	ssettag $0x2  }
0x2dc: {  	s0 =	rddreg [dreg:$0x0];
	s2 =	stileid.u32  }
0x2dd: {  	s1 =	rddreg [dreg:$0x1];
	p0 =	sne.s32 s2, $0x0  }
0x2de: {  	s3 =	rddreg [dreg:$0x2];
	[bflag:$0x3] =	sbarrier.arrive $0xFFFF;
	s2 =	simm.s32 @!p0 $0x1C05  }
0x2df: {  	[timem:s3], [sflag:s2] =	dma.local @!p0 [hbm:s0], s1  }
0x2e0: {  	s0 =	simm.s32 @!p0 $0x5  }
0x2e1: {  	_ =	swait.ge @!p0 [sflag:s0], s1  }
0x2e2: {  	s1 =	ssub.s32 @!p0 $0x0, s1;
	[sflag:s0] =	ssyncset.done @!p0 $0x0  }
0x2e3: {  	[sflag:s0] =	ssyncadd.s32 @!p0 s1  }
0x2e4: {  	[bflag:$0x3] =	sbarrier.arrive $0xFFFF  }
0x2e5: {  	_ =	shalt  }

</sc_bundles>
